<compile_context>
chip_gen: v7x
topology: tpu7x:2x2x1
jax: 0.10.2.dev20260603
libtpu: 0.0.44.dev20260713+nightly
codegen_flags: <defaults>
</compile_context>

<pallas_src>
import jax
import jax.numpy as jnp
from jax import lax
from jax.experimental import pallas as pl
from jax.experimental.pallas import tpu as pltpu
from jax.experimental.pallas import tpu_sc as plsc

N = 320000
D = 128
S = 10000

NC = 2
NS = 16
NW = NC * NS


_BN = 2000


def _fg_body(x_ref, wft_ref, bf_ref, wgt_ref, bg_ref, e_ref, p_ref):
    x = x_ref[...]
    f = jnp.dot(x, wft_ref[...], preferred_element_type=jnp.float32) + bf_ref[...]
    g = jnp.dot(x, wgt_ref[...], preferred_element_type=jnp.float32) + bg_ref[...]
    e = jnp.exp(g)
    e_ref[...] = e
    p_ref[...] = f * e


_M = N // 2


def _fg(x2d, wft, bf2, wgt, bg2, half):
    grid = (_M // _BN,)
    base = half * (_M // _BN)
    return pl.pallas_call(
        _fg_body,
        grid=grid,
        in_specs=[
            pl.BlockSpec((_BN, D), lambda i: (base + i, 0)),
            pl.BlockSpec((D, D), lambda i: (0, 0)),
            pl.BlockSpec((1, D), lambda i: (0, 0)),
            pl.BlockSpec((D, D), lambda i: (0, 0)),
            pl.BlockSpec((1, D), lambda i: (0, 0)),
        ],
        out_specs=[
            pl.BlockSpec((_BN, D), lambda i: (i, 0)),
            pl.BlockSpec((_BN, D), lambda i: (i, 0)),
        ],
        out_shape=[
            jax.ShapeDtypeStruct((_M, D), jnp.float32),
            jax.ShapeDtypeStruct((_M, D), jnp.float32),
        ],
        compiler_params=pltpu.CompilerParams(
            dimension_semantics=("arbitrary",),
        ),
    )(x2d, wft, bf2, wgt, bg2)



_SSUB = 20
_SCS = 8
_SCHUNK = _SSUB * _SCS
_SNCHUNK = _M // _SCHUNK
_SPAIRS = _SNCHUNK // NS // 2
_SLEFT = _SNCHUNK - 2 * _SPAIRS * NS
_SSTRIDE = 624
_SROWS = 640


def _make_segsum_body(half):
    jxrow_base = half * (_M // _SSUB)

    def body(e_hbm, p_hbm, jxs_hbm, zeros_hbm, den_hbm, num_hbm,
             rows0, rows1, idx0, idx1, acc_sh,
             lsem0, lsem1, ssem0, ssem1):
        _segsum_impl(jxrow_base, e_hbm, p_hbm, jxs_hbm, zeros_hbm, den_hbm,
                     num_hbm, rows0, rows1, idx0, idx1, acc_sh,
                     lsem0, lsem1, ssem0, ssem1)

    return body


def _segsum_impl(jxrow_base, e_hbm, p_hbm, jxs_hbm, zeros_hbm, den_hbm,
                 num_hbm, rows0, rows1, idx0, idx1, acc_sh,
                 lsem0, lsem1, ssem0, ssem1):
    c = lax.axis_index("c")
    s = lax.axis_index("s")
    rows = (rows0, rows1)
    idx = (idx0, idx1)
    lsem = (lsem0, lsem1)
    ssem = (ssem0, ssem1)

    stripe0 = pl.multiple_of(s * _SSTRIDE, 8)

    pltpu.sync_copy(zeros_hbm, acc_sh.at[pl.ds(stripe0, _SROWS)])
    plsc.subcore_barrier()

    def drain_scatters(b):
        pltpu.make_async_copy(
            zeros_hbm.at[pl.ds(0, _SCHUNK)], rows[b], ssem[b]).wait()

    def accumulate(src_hbm):
        def load(k, b):
            cid = s + k * NS
            row0 = pl.multiple_of(cid * _SCHUNK, _SCHUNK)
            idxrow0 = pl.multiple_of(jxrow_base + cid * _SCS, _SCS)
            lr = pltpu.async_copy(
                src_hbm.at[pl.ds(row0, _SCHUNK)], rows[b], lsem[b])
            li = pltpu.async_copy(
                jxs_hbm.at[pl.ds(idxrow0, _SCS)], idx[b], lsem[b])
            return lr, li

        def scatter(b):
            for j in range(_SCS):
                pltpu.async_copy(
                    rows[b].at[pl.ds(j * _SSUB, _SSUB)],
                    acc_sh.at[idx[b].at[j]],
                    ssem[b],
                    add=True,
                )

        def pair(k2, carry):
            k0 = k2 * 2

            @pl.when(k2 > 0)
            def _():
                drain_scatters(0)

            l0 = load(k0, 0)

            @pl.when(k2 > 0)
            def _():
                drain_scatters(1)

            l1 = load(k0 + 1, 1)
            for cp in l0:
                cp.wait()
            scatter(0)
            for cp in l1:
                cp.wait()
            scatter(1)
            return carry

        lax.fori_loop(0, _SPAIRS, pair, 0)

        @pl.when(s < _SLEFT)
        def _():
            drain_scatters(0)
            lf = load(2 * _SPAIRS, 0)
            for cp in lf:
                cp.wait()
            scatter(0)

        drain_scatters(0)
        drain_scatters(1)

    @pl.when(c == 0)
    def _():
        accumulate(e_hbm)

    @pl.when(c == 1)
    def _():
        accumulate(p_hbm)

    plsc.subcore_barrier()

    @pl.when(c == 0)
    def _():
        pltpu.sync_copy(acc_sh.at[pl.ds(stripe0, _SROWS)],
                        den_hbm.at[pl.ds(stripe0, _SROWS)])

    @pl.when(c == 1)
    def _():
        pltpu.sync_copy(acc_sh.at[pl.ds(stripe0, _SROWS)],
                        num_hbm.at[pl.ds(stripe0, _SROWS)])


def _segsum(e, p, jxs, zeros_stripe, half):
    mesh = plsc.VectorSubcoreMesh(core_axis_name="c", subcore_axis_name="s")
    return pl.kernel(
        _make_segsum_body(half),
        out_type=[
            jax.ShapeDtypeStruct((S, D), jnp.float32),
            jax.ShapeDtypeStruct((S, D), jnp.float32),
        ],
        mesh=mesh,
        scratch_types=[
            pltpu.VMEM((_SCHUNK, D), jnp.float32),
            pltpu.VMEM((_SCHUNK, D), jnp.float32),
            pltpu.VMEM((_SCS, _SSUB), jnp.int32),
            pltpu.VMEM((_SCS, _SSUB), jnp.int32),
            pltpu.VMEM_SHARED((S, D), jnp.float32),
            pltpu.SemaphoreType.DMA,
            pltpu.SemaphoreType.DMA,
            pltpu.SemaphoreType.DMA,
            pltpu.SemaphoreType.DMA,
        ],
    )(e, p, jxs, zeros_stripe)




def _h_body(num0_ref, num1_ref, den0_ref, den1_ref, wht_ref, bh_ref, h_ref):
    num = num0_ref[...] + num1_ref[...]
    den = den0_ref[...] + den1_ref[...]
    y = num / jnp.maximum(den, 1e-30)
    h_ref[...] = (
        jnp.dot(y, wht_ref[...], preferred_element_type=jnp.float32) + bh_ref[...]
    )


def _h(num0, num1, den0, den1, wht, bh2):
    return pl.pallas_call(
        _h_body,
        out_shape=jax.ShapeDtypeStruct((S, D), jnp.float32),
    )(num0, num1, den0, den1, wht, bh2)



_GSUB = 20
_GCS = 8
_GCHUNK = _GSUB * _GCS
_GNC = N // _GCHUNK
_GPAIRS = _GNC // NW // 2


def _gather_body(h_hbm, jxg_hbm, out_hbm, rows0, rows1, idx0, idx1, h_sh,
                 gsem0, gsem1, osem0, osem1):
    c = lax.axis_index("c")
    s = lax.axis_index("s")
    w = s * NC + c
    rows = (rows0, rows1)
    idx = (idx0, idx1)
    gsem = (gsem0, gsem1)
    osem = (osem0, osem1)

    stripe0 = pl.multiple_of(s * _SSTRIDE, 8)
    pltpu.sync_copy(h_hbm.at[pl.ds(stripe0, _SROWS)],
                    h_sh.at[pl.ds(stripe0, _SROWS)])
    plsc.subcore_barrier()

    def drain_write(b):
        pltpu.make_async_copy(
            rows[b], out_hbm.at[pl.ds(0, _GCHUNK)], osem[b]).wait()

    def gather_chunk(k, b):
        cid = w + k * NW
        idxrow0 = pl.multiple_of(cid * _GCS, _GCS)
        pltpu.sync_copy(jxg_hbm.at[pl.ds(idxrow0, _GCS)], idx[b])
        copies = []
        for j in range(_GCS):
            copies.append(pltpu.async_copy(
                h_sh.at[idx[b].at[j]],
                rows[b].at[pl.ds(j * _GSUB, _GSUB)],
                gsem[b],
            ))
        return copies

    def write_back(k, b):
        cid = w + k * NW
        row0 = pl.multiple_of(cid * _GCHUNK, _GCHUNK)
        pltpu.async_copy(rows[b], out_hbm.at[pl.ds(row0, _GCHUNK)], osem[b])

    def pair(k2, carry):
        k0 = k2 * 2

        @pl.when(k2 > 0)
        def _():
            drain_write(0)

        g0 = gather_chunk(k0, 0)

        @pl.when(k2 > 0)
        def _():
            drain_write(1)

        g1 = gather_chunk(k0 + 1, 1)
        for cp in g0:
            cp.wait()
        write_back(k0, 0)
        for cp in g1:
            cp.wait()
        write_back(k0 + 1, 1)
        return carry

    lax.fori_loop(0, _GPAIRS, pair, 0)

    @pl.when(w < _GNC - 2 * _GPAIRS * NW)
    def _():
        drain_write(0)
        gf = gather_chunk(2 * _GPAIRS, 0)
        for cp in gf:
            cp.wait()
        write_back(2 * _GPAIRS, 0)

    drain_write(0)
    drain_write(1)


def _gather(h, jxg):
    mesh = plsc.VectorSubcoreMesh(core_axis_name="c", subcore_axis_name="s")
    return pl.kernel(
        _gather_body,
        out_type=jax.ShapeDtypeStruct((N, D), jnp.float32),
        mesh=mesh,
        scratch_types=[
            pltpu.VMEM((_GCHUNK, D), jnp.float32),
            pltpu.VMEM((_GCHUNK, D), jnp.float32),
            pltpu.VMEM((_GCS, _GSUB), jnp.int32),
            pltpu.VMEM((_GCS, _GSUB), jnp.int32),
            pltpu.VMEM_SHARED((S, D), jnp.float32),
            pltpu.SemaphoreType.DMA,
            pltpu.SemaphoreType.DMA,
            pltpu.SemaphoreType.DMA,
            pltpu.SemaphoreType.DMA,
        ],
    )(h, jxg)


def kernel(x, jx, Wf, bf, Wg, bg, Wh, bh):
    x2d = x.reshape(N, D)
    jx32 = jx.astype(jnp.int32)
    jxs = jx32.reshape(N // _SSUB, _SSUB)
    zeros_stripe = jnp.zeros((_SROWS, D), jnp.float32)

    wft, wgt = Wf.T, Wg.T
    bf2, bg2 = bf.reshape(1, D), bg.reshape(1, D)
    e0, p0 = _fg(x2d, wft, bf2, wgt, bg2, 0)
    den0, num0 = _segsum(e0, p0, jxs, zeros_stripe, 0)
    e1, p1 = _fg(x2d, wft, bf2, wgt, bg2, 1)
    den1, num1 = _segsum(e1, p1, jxs, zeros_stripe, 1)
    h = _h(num0, num1, den0, den1, Wh.T, bh.reshape(1, D))
    out = _gather(h, jxs)
    return out.reshape(1, N, D)

# --- scband reference (transcript-rebuilt; emitter-appended) ---
"""Pipeline reference for scband-soft-agg-29678224016007 (READ-ONLY COPY).

The authoritative reference and input builder live on the scoring server;
editing this copy changes nothing except your own understanding.
"""

import jax, jax.numpy as jnp
import numpy as np

B = 1
N = 320000
D = 128
S = 10000

def setup_inputs(seed: int = 0):
    key = jax.random.key(seed)
    ks = jax.random.split(key, 8)
    x = jax.random.normal(ks[0], (B, N, D), dtype=jnp.float32)
    jx = jnp.sort(jax.random.randint(ks[1], (N,), 0, S))
    Wf = jax.random.normal(ks[2], (D, D), dtype=jnp.float32) * 0.05
    bf = jax.random.normal(ks[3], (D,), dtype=jnp.float32) * 0.05
    Wg = jax.random.normal(ks[4], (D, D), dtype=jnp.float32) * 0.05
    bg = jax.random.normal(ks[5], (D,), dtype=jnp.float32) * 0.05
    Wh = jax.random.normal(ks[6], (D, D), dtype=jnp.float32) * 0.05
    bh = jax.random.normal(ks[7], (D,), dtype=jnp.float32) * 0.05
    return {"x": x, "jx": jx, "Wf": Wf, "bf": bf, "Wg": Wg, "bg": bg, "Wh": Wh, "bh": bh}

def reference(x, jx, Wf, bf, Wg, bg, Wh, bh):
    # f, g, h are torch nn.Linear: y = x @ W.T + b
    f = x @ Wf.T + bf  # [B, N, D]
    g = x @ Wg.T + bg  # [B, N, D]
    # scatter_softmax over dim=1 with index jx
    gt = jnp.transpose(g, (1, 0, 2))  # [N, B, D]
    seg_max = jax.ops.segment_max(gt, jx, num_segments=S)  # [S, B, D]
    e = jnp.exp(gt - seg_max[jx])  # [N, B, D]
    seg_sum = jax.ops.segment_sum(e, jx, num_segments=S)  # [S, B, D]
    w = e / seg_sum[jx]  # [N, B, D], softmax weights per segment
    # scatter_sum(f(x) * w, jx, dim=1)
    ft = jnp.transpose(f, (1, 0, 2))  # [N, B, D]
    y = jax.ops.segment_sum(ft * w, jx, num_segments=S)  # [S, B, D]
    y = jnp.transpose(y, (1, 0, 2))  # [B, S, D]
    h = y @ Wh.T + bh  # [B, S, D]
    # expand=True: h(y)[:, jx]
    return h[:, jx]  # [B, N, D]

if __name__ == "__main__":
    import jax
    _d = setup_inputs()
    print(jax.jit(kernel)(*tuple(_d.values())))

</pallas_src>

<mosaic_0001>
#map = affine_map<(d0, d1) -> (0, 0)>
module attributes {stable_mosaic.version = 14 : i64} {
  func.func @_gather_body(%arg0: i32, %arg1: i32, %arg2: memref<10000x128xf32, #tpu.memory_space<hbm>>, %arg3: memref<16000x20xi32, #tpu.memory_space<hbm>>, %arg4: memref<320000x128xf32, #tpu.memory_space<hbm>>, %arg5: memref<160x128xf32, #tpu.memory_space<vmem>>, %arg6: memref<160x128xf32, #tpu.memory_space<vmem>>, %arg7: memref<8x20xi32, #tpu.memory_space<vmem>>, %arg8: memref<8x20xi32, #tpu.memory_space<vmem>>, %arg9: memref<10000x128xf32, #tpu.memory_space<vmem_shared>>, %arg10: memref<!tpu.dma_semaphore, #tpu.memory_space<semaphore_mem>>, %arg11: memref<!tpu.dma_semaphore, #tpu.memory_space<semaphore_mem>>, %arg12: memref<!tpu.dma_semaphore, #tpu.memory_space<semaphore_mem>>, %arg13: memref<!tpu.dma_semaphore, #tpu.memory_space<semaphore_mem>>) attributes {dimension_semantics = [#tpu.dimension_semantics<core_parallel>, #tpu.dimension_semantics<subcore_parallel>], iteration_bounds = array<i64: 2, 16>, scalar_prefetch = 0 : i64, scratch_operands = 9 : i64, tpu.core_type = #tpu.core_type<sc_vector_subcore>, window_params = [{transform_indices = #map}, {transform_indices = #map}, {transform_indices = #map}]} {
    %mul3A = arith.constant 2 : i32
    %mul3A_0 = arith.muli %arg1, %mul3A : i32
    %add3A = arith.addi %mul3A_0, %arg0 : i32
    %mul3A_1 = arith.constant 624 : i32
    %mul3A_2 = arith.muli %arg1, %mul3A_1 : i32
    %multiple_of3A = tpu.assume_multiple %mul3A_2, 8 : i32
    "tpu.region"() ({
      %run_scoped3A = tpu.sem_alloc : memref<!tpu.dma_semaphore, #tpu.memory_space<semaphore_mem>>
      %dma_start3A = arith.constant 0 : i32
      %dma_start3A_21 = tpu.memref_slice %arg9[%multiple_of3A, %dma_start3A] : memref<10000x128xf32, #tpu.memory_space<vmem_shared>> -> memref<640x128xf32, #tpu.memory_space<vmem_shared>>
      %dma_start3A_22 = arith.constant 0 : i32
      %dma_start3A_23 = tpu.memref_slice %arg2[%multiple_of3A, %dma_start3A_22] : memref<10000x128xf32, #tpu.memory_space<hbm>> -> memref<640x128xf32, #tpu.memory_space<hbm>>
      tpu.enqueue_dma source(%dma_start3A_23 : memref<640x128xf32, #tpu.memory_space<hbm>>) target(%dma_start3A_21 : memref<640x128xf32, #tpu.memory_space<vmem_shared>>) target_semaphore(%run_scoped3A : memref<!tpu.dma_semaphore, #tpu.memory_space<semaphore_mem>>)
      %dma_wait3A_24 = arith.constant 0 : i32
      %dma_wait3A_25 = tpu.memref_slice %arg9[%multiple_of3A, %dma_wait3A_24] : memref<10000x128xf32, #tpu.memory_space<vmem_shared>> -> memref<640x128xf32, #tpu.memory_space<vmem_shared>>
      %dma_wait3A_26 = arith.constant 0 : i32
      %dma_wait3A_27 = tpu.memref_slice %arg2[%multiple_of3A, %dma_wait3A_26] : memref<10000x128xf32, #tpu.memory_space<hbm>> -> memref<640x128xf32, #tpu.memory_space<hbm>>
      tpu.wait_dma2 semaphore(%run_scoped3A : memref<!tpu.dma_semaphore, #tpu.memory_space<semaphore_mem>>) src(%dma_wait3A_27 : memref<640x128xf32, #tpu.memory_space<hbm>>) dst(%dma_wait3A_25 : memref<640x128xf32, #tpu.memory_space<vmem_shared>>)
      tpu.yield
    }) : () -> ()
    %barrier3A = arith.constant 0 : index
    tpu.barrier barrier_id(%barrier3A)
    %scan3A = arith.constant 0 : i32
    %scan3A_3 = arith.constant 0 : i32
    %scan3A_4 = arith.constant 31 : i32
    %scan3A_5 = arith.addi %scan3A_3, %scan3A_4 : i32
    %scan3A_6 = arith.constant 1 : i32
    scf.for %scan3A_21 = %scan3A_3 to %scan3A_5 step %scan3A_6  : i32 {
      %mul3A_22 = arith.constant 2 : i32
      %mul3A_23 = arith.muli %scan3A_21, %mul3A_22 : i32
      %gt3A = arith.constant 0 : i32
      %gt3A_24 = arith.cmpi sgt, %scan3A_21, %gt3A : i32
      %convert_element_type3A_25 = arith.extui %gt3A_24 : i1 to i32
      %cond3A_26 = arith.constant 0 : i32
      %cond3A_27 = arith.cmpi ne, %convert_element_type3A_25, %cond3A_26 : i32
      scf.if %cond3A_27 {
        %dma_wait3A_388 = arith.constant 0 : i32
        %dma_wait3A_389 = arith.constant 0 : i32
        %dma_wait3A_390 = tpu.memref_slice %arg4[%dma_wait3A_388, %dma_wait3A_389] : memref<320000x128xf32, #tpu.memory_space<hbm>> -> memref<160x128xf32, #tpu.memory_space<hbm>>
        %dma_wait3A_391 = arith.constant 0 : i32
        %dma_wait3A_392 = arith.constant 0 : i32
        %dma_wait3A_393 = tpu.memref_slice %arg4[%dma_wait3A_391, %dma_wait3A_392] : memref<320000x128xf32, #tpu.memory_space<hbm>> -> memref<160x128xf32, #tpu.memory_space<hbm>>
        tpu.wait_dma2 semaphore(%arg12 : memref<!tpu.dma_semaphore, #tpu.memory_space<semaphore_mem>>) src(%arg5 : memref<160x128xf32, #tpu.memory_space<vmem>>) dst(%dma_wait3A_393 : memref<160x128xf32, #tpu.memory_space<hbm>>)
      } else {
      }
      %mul3A_28 = arith.constant 32 : i32
      %mul3A_29 = arith.muli %mul3A_23, %mul3A_28 : i32
      %add3A_30 = arith.addi %add3A, %mul3A_29 : i32
      %mul3A_31 = arith.constant 8 : i32
      %mul3A_32 = arith.muli %add3A_30, %mul3A_31 : i32
      %multiple_of3A_33 = tpu.assume_multiple %mul3A_32, 8 : i32
      "tpu.region"() ({
        %run_scoped3A = tpu.sem_alloc : memref<!tpu.dma_semaphore, #tpu.memory_space<semaphore_mem>>
        %dma_start3A_388 = arith.constant 0 : i32
        %dma_start3A_389 = tpu.memref_slice %arg3[%multiple_of3A_33, %dma_start3A_388] : memref<16000x20xi32, #tpu.memory_space<hbm>> -> memref<8x20xi32, #tpu.memory_space<hbm>>
        %dma_start3A_390 = arith.constant 0 : i32
        %dma_start3A_391 = tpu.memref_slice %arg3[%multiple_of3A_33, %dma_start3A_390] : memref<16000x20xi32, #tpu.memory_space<hbm>> -> memref<8x20xi32, #tpu.memory_space<hbm>>
        tpu.enqueue_dma source(%dma_start3A_391 : memref<8x20xi32, #tpu.memory_space<hbm>>) target(%arg7 : memref<8x20xi32, #tpu.memory_space<vmem>>) target_semaphore(%run_scoped3A : memref<!tpu.dma_semaphore, #tpu.memory_space<semaphore_mem>>)
        %dma_wait3A_392 = arith.constant 0 : i32
        %dma_wait3A_393 = tpu.memref_slice %arg3[%multiple_of3A_33, %dma_wait3A_392] : memref<16000x20xi32, #tpu.memory_space<hbm>> -> memref<8x20xi32, #tpu.memory_space<hbm>>
        %dma_wait3A_394 = arith.constant 0 : i32
        %dma_wait3A_395 = tpu.memref_slice %arg3[%multiple_of3A_33, %dma_wait3A_394] : memref<16000x20xi32, #tpu.memory_space<hbm>> -> memref<8x20xi32, #tpu.memory_space<hbm>>
        tpu.wait_dma2 semaphore(%run_scoped3A : memref<!tpu.dma_semaphore, #tpu.memory_space<semaphore_mem>>) src(%dma_wait3A_395 : memref<8x20xi32, #tpu.memory_space<hbm>>) dst(%arg7 : memref<8x20xi32, #tpu.memory_space<vmem>>)
        tpu.yield
      }) : () -> ()
      %dma_start3A = arith.constant 0 : i32
      %dma_start3A_34 = arith.constant 0 : i32
      %dma_start3A_35 = arith.constant 0 : i32
      %dma_start3A_36 = tpu.memref_slice %arg5[%dma_start3A_34, %dma_start3A_35] : memref<160x128xf32, #tpu.memory_space<vmem>> -> memref<20x128xf32, #tpu.memory_space<vmem>>
      %dma_start3A_37 = arith.constant 0 : i32
      %dma_start3A_38 = tpu.memref_slice %arg7[%dma_start3A, %dma_start3A_37] : memref<8x20xi32, #tpu.memory_space<vmem>> -> memref<1x20xi32, #tpu.memory_space<vmem>>
      %dma_start3A_39 = tpu.memref_squeeze %dma_start3A_38 : memref<1x20xi32, #tpu.memory_space<vmem>> -> memref<20xi32, #tpu.memory_space<vmem>>
      %dma_start3A_40 = arith.constant 0 : i32
      %dma_start3A_41 = arith.constant 0 : i32
      %dma_start3A_42 = tpu.memref_slice %arg9[%dma_start3A_40, %dma_start3A_41] : memref<10000x128xf32, #tpu.memory_space<vmem_shared>> -> memref<10000x128xf32, #tpu.memory_space<vmem_shared>>
      tpu.enqueue_indirect_dma source(%dma_start3A_42 : memref<10000x128xf32, #tpu.memory_space<vmem_shared>>) target(%dma_start3A_36 : memref<20x128xf32, #tpu.memory_space<vmem>>) offsets(%dma_start3A_39 : memref<20xi32, #tpu.memory_space<vmem>>) semaphore(%arg10 : memref<!tpu.dma_semaphore, #tpu.memory_space<semaphore_mem>>)
      %dma_start3A_43 = arith.constant 1 : i32
      %dma_start3A_44 = arith.constant 20 : i32
      %dma_start3A_45 = arith.constant 0 : i32
      %dma_start3A_46 = tpu.memref_slice %arg5[%dma_start3A_44, %dma_start3A_45] : memref<160x128xf32, #tpu.memory_space<vmem>> -> memref<20x128xf32, #tpu.memory_space<vmem>>
      %dma_start3A_47 = arith.constant 0 : i32
      %dma_start3A_48 = tpu.memref_slice %arg7[%dma_start3A_43, %dma_start3A_47] : memref<8x20xi32, #tpu.memory_space<vmem>> -> memref<1x20xi32, #tpu.memory_space<vmem>>
      %dma_start3A_49 = tpu.memref_squeeze %dma_start3A_48 : memref<1x20xi32, #tpu.memory_space<vmem>> -> memref<20xi32, #tpu.memory_space<vmem>>
      %dma_start3A_50 = arith.constant 0 : i32
      %dma_start3A_51 = arith.constant 0 : i32
      %dma_start3A_52 = tpu.memref_slice %arg9[%dma_start3A_50, %dma_start3A_51] : memref<10000x128xf32, #tpu.memory_space<vmem_shared>> -> memref<10000x128xf32, #tpu.memory_space<vmem_shared>>
      tpu.enqueue_indirect_dma source(%dma_start3A_52 : memref<10000x128xf32, #tpu.memory_space<vmem_shared>>) target(%dma_start3A_46 : memref<20x128xf32, #tpu.memory_space<vmem>>) offsets(%dma_start3A_49 : memref<20xi32, #tpu.memory_space<vmem>>) semaphore(%arg10 : memref<!tpu.dma_semaphore, #tpu.memory_space<semaphore_mem>>)
      %dma_start3A_53 = arith.constant 2 : i32
      %dma_start3A_54 = arith.constant 40 : i32
      %dma_start3A_55 = arith.constant 0 : i32
      %dma_start3A_56 = tpu.memref_slice %arg5[%dma_start3A_54, %dma_start3A_55] : memref<160x128xf32, #tpu.memory_space<vmem>> -> memref<20x128xf32, #tpu.memory_space<vmem>>
      %dma_start3A_57 = arith.constant 0 : i32
      %dma_start3A_58 = tpu.memref_slice %arg7[%dma_start3A_53, %dma_start3A_57] : memref<8x20xi32, #tpu.memory_space<vmem>> -> memref<1x20xi32, #tpu.memory_space<vmem>>
      %dma_start3A_59 = tpu.memref_squeeze %dma_start3A_58 : memref<1x20xi32, #tpu.memory_space<vmem>> -> memref<20xi32, #tpu.memory_space<vmem>>
      %dma_start3A_60 = arith.constant 0 : i32
      %dma_start3A_61 = arith.constant 0 : i32
      %dma_start3A_62 = tpu.memref_slice %arg9[%dma_start3A_60, %dma_start3A_61] : memref<10000x128xf32, #tpu.memory_space<vmem_shared>> -> memref<10000x128xf32, #tpu.memory_space<vmem_shared>>
      tpu.enqueue_indirect_dma source(%dma_start3A_62 : memref<10000x128xf32, #tpu.memory_space<vmem_shared>>) target(%dma_start3A_56 : memref<20x128xf32, #tpu.memory_space<vmem>>) offsets(%dma_start3A_59 : memref<20xi32, #tpu.memory_space<vmem>>) semaphore(%arg10 : memref<!tpu.dma_semaphore, #tpu.memory_space<semaphore_mem>>)
      %dma_start3A_63 = arith.constant 3 : i32
      %dma_start3A_64 = arith.constant 60 : i32
      %dma_start3A_65 = arith.constant 0 : i32
      %dma_start3A_66 = tpu.memref_slice %arg5[%dma_start3A_64, %dma_start3A_65] : memref<160x128xf32, #tpu.memory_space<vmem>> -> memref<20x128xf32, #tpu.memory_space<vmem>>
      %dma_start3A_67 = arith.constant 0 : i32
      %dma_start3A_68 = tpu.memref_slice %arg7[%dma_start3A_63, %dma_start3A_67] : memref<8x20xi32, #tpu.memory_space<vmem>> -> memref<1x20xi32, #tpu.memory_space<vmem>>
      %dma_start3A_69 = tpu.memref_squeeze %dma_start3A_68 : memref<1x20xi32, #tpu.memory_space<vmem>> -> memref<20xi32, #tpu.memory_space<vmem>>
      %dma_start3A_70 = arith.constant 0 : i32
      %dma_start3A_71 = arith.constant 0 : i32
      %dma_start3A_72 = tpu.memref_slice %arg9[%dma_start3A_70, %dma_start3A_71] : memref<10000x128xf32, #tpu.memory_space<vmem_shared>> -> memref<10000x128xf32, #tpu.memory_space<vmem_shared>>
      tpu.enqueue_indirect_dma source(%dma_start3A_72 : memref<10000x128xf32, #tpu.memory_space<vmem_shared>>) target(%dma_start3A_66 : memref<20x128xf32, #tpu.memory_space<vmem>>) offsets(%dma_start3A_69 : memref<20xi32, #tpu.memory_space<vmem>>) semaphore(%arg10 : memref<!tpu.dma_semaphore, #tpu.memory_space<semaphore_mem>>)
      %dma_start3A_73 = arith.constant 4 : i32
      %dma_start3A_74 = arith.constant 80 : i32
      %dma_start3A_75 = arith.constant 0 : i32
      %dma_start3A_76 = tpu.memref_slice %arg5[%dma_start3A_74, %dma_start3A_75] : memref<160x128xf32, #tpu.memory_space<vmem>> -> memref<20x128xf32, #tpu.memory_space<vmem>>
      %dma_start3A_77 = arith.constant 0 : i32
      %dma_start3A_78 = tpu.memref_slice %arg7[%dma_start3A_73, %dma_start3A_77] : memref<8x20xi32, #tpu.memory_space<vmem>> -> memref<1x20xi32, #tpu.memory_space<vmem>>
      %dma_start3A_79 = tpu.memref_squeeze %dma_start3A_78 : memref<1x20xi32, #tpu.memory_space<vmem>> -> memref<20xi32, #tpu.memory_space<vmem>>
      %dma_start3A_80 = arith.constant 0 : i32
      %dma_start3A_81 = arith.constant 0 : i32
      %dma_start3A_82 = tpu.memref_slice %arg9[%dma_start3A_80, %dma_start3A_81] : memref<10000x128xf32, #tpu.memory_space<vmem_shared>> -> memref<10000x128xf32, #tpu.memory_space<vmem_shared>>
      tpu.enqueue_indirect_dma source(%dma_start3A_82 : memref<10000x128xf32, #tpu.memory_space<vmem_shared>>) target(%dma_start3A_76 : memref<20x128xf32, #tpu.memory_space<vmem>>) offsets(%dma_start3A_79 : memref<20xi32, #tpu.memory_space<vmem>>) semaphore(%arg10 : memref<!tpu.dma_semaphore, #tpu.memory_space<semaphore_mem>>)
      %dma_start3A_83 = arith.constant 5 : i32
      %dma_start3A_84 = arith.constant 100 : i32
      %dma_start3A_85 = arith.constant 0 : i32
      %dma_start3A_86 = tpu.memref_slice %arg5[%dma_start3A_84, %dma_start3A_85] : memref<160x128xf32, #tpu.memory_space<vmem>> -> memref<20x128xf32, #tpu.memory_space<vmem>>
      %dma_start3A_87 = arith.constant 0 : i32
      %dma_start3A_88 = tpu.memref_slice %arg7[%dma_start3A_83, %dma_start3A_87] : memref<8x20xi32, #tpu.memory_space<vmem>> -> memref<1x20xi32, #tpu.memory_space<vmem>>
      %dma_start3A_89 = tpu.memref_squeeze %dma_start3A_88 : memref<1x20xi32, #tpu.memory_space<vmem>> -> memref<20xi32, #tpu.memory_space<vmem>>
      %dma_start3A_90 = arith.constant 0 : i32
      %dma_start3A_91 = arith.constant 0 : i32
      %dma_start3A_92 = tpu.memref_slice %arg9[%dma_start3A_90, %dma_start3A_91] : memref<10000x128xf32, #tpu.memory_space<vmem_shared>> -> memref<10000x128xf32, #tpu.memory_space<vmem_shared>>
      tpu.enqueue_indirect_dma source(%dma_start3A_92 : memref<10000x128xf32, #tpu.memory_space<vmem_shared>>) target(%dma_start3A_86 : memref<20x128xf32, #tpu.memory_space<vmem>>) offsets(%dma_start3A_89 : memref<20xi32, #tpu.memory_space<vmem>>) semaphore(%arg10 : memref<!tpu.dma_semaphore, #tpu.memory_space<semaphore_mem>>)
      %dma_start3A_93 = arith.constant 6 : i32
      %dma_start3A_94 = arith.constant 120 : i32
      %dma_start3A_95 = arith.constant 0 : i32
      %dma_start3A_96 = tpu.memref_slice %arg5[%dma_start3A_94, %dma_start3A_95] : memref<160x128xf32, #tpu.memory_space<vmem>> -> memref<20x128xf32, #tpu.memory_space<vmem>>
      %dma_start3A_97 = arith.constant 0 : i32
      %dma_start3A_98 = tpu.memref_slice %arg7[%dma_start3A_93, %dma_start3A_97] : memref<8x20xi32, #tpu.memory_space<vmem>> -> memref<1x20xi32, #tpu.memory_space<vmem>>
      %dma_start3A_99 = tpu.memref_squeeze %dma_start3A_98 : memref<1x20xi32, #tpu.memory_space<vmem>> -> memref<20xi32, #tpu.memory_space<vmem>>
      %dma_start3A_100 = arith.constant 0 : i32
      %dma_start3A_101 = arith.constant 0 : i32
      %dma_start3A_102 = tpu.memref_slice %arg9[%dma_start3A_100, %dma_start3A_101] : memref<10000x128xf32, #tpu.memory_space<vmem_shared>> -> memref<10000x128xf32, #tpu.memory_space<vmem_shared>>
      tpu.enqueue_indirect_dma source(%dma_start3A_102 : memref<10000x128xf32, #tpu.memory_space<vmem_shared>>) target(%dma_start3A_96 : memref<20x128xf32, #tpu.memory_space<vmem>>) offsets(%dma_start3A_99 : memref<20xi32, #tpu.memory_space<vmem>>) semaphore(%arg10 : memref<!tpu.dma_semaphore, #tpu.memory_space<semaphore_mem>>)
      %dma_start3A_103 = arith.constant 7 : i32
      %dma_start3A_104 = arith.constant 140 : i32
      %dma_start3A_105 = arith.constant 0 : i32
      %dma_start3A_106 = tpu.memref_slice %arg5[%dma_start3A_104, %dma_start3A_105] : memref<160x128xf32, #tpu.memory_space<vmem>> -> memref<20x128xf32, #tpu.memory_space<vmem>>
      %dma_start3A_107 = arith.constant 0 : i32
      %dma_start3A_108 = tpu.memref_slice %arg7[%dma_start3A_103, %dma_start3A_107] : memref<8x20xi32, #tpu.memory_space<vmem>> -> memref<1x20xi32, #tpu.memory_space<vmem>>
      %dma_start3A_109 = tpu.memref_squeeze %dma_start3A_108 : memref<1x20xi32, #tpu.memory_space<vmem>> -> memref<20xi32, #tpu.memory_space<vmem>>
      %dma_start3A_110 = arith.constant 0 : i32
      %dma_start3A_111 = arith.constant 0 : i32
      %dma_start3A_112 = tpu.memref_slice %arg9[%dma_start3A_110, %dma_start3A_111] : memref<10000x128xf32, #tpu.memory_space<vmem_shared>> -> memref<10000x128xf32, #tpu.memory_space<vmem_shared>>
      tpu.enqueue_indirect_dma source(%dma_start3A_112 : memref<10000x128xf32, #tpu.memory_space<vmem_shared>>) target(%dma_start3A_106 : memref<20x128xf32, #tpu.memory_space<vmem>>) offsets(%dma_start3A_109 : memref<20xi32, #tpu.memory_space<vmem>>) semaphore(%arg10 : memref<!tpu.dma_semaphore, #tpu.memory_space<semaphore_mem>>)
      %gt3A_113 = arith.constant 0 : i32
      %gt3A_114 = arith.cmpi sgt, %scan3A_21, %gt3A_113 : i32
      %convert_element_type3A_115 = arith.extui %gt3A_114 : i1 to i32
      %cond3A_116 = arith.constant 0 : i32
      %cond3A_117 = arith.cmpi ne, %convert_element_type3A_115, %cond3A_116 : i32
      scf.if %cond3A_117 {
        %dma_wait3A_388 = arith.constant 0 : i32
        %dma_wait3A_389 = arith.constant 0 : i32
        %dma_wait3A_390 = tpu.memref_slice %arg4[%dma_wait3A_388, %dma_wait3A_389] : memref<320000x128xf32, #tpu.memory_space<hbm>> -> memref<160x128xf32, #tpu.memory_space<hbm>>
        %dma_wait3A_391 = arith.constant 0 : i32
        %dma_wait3A_392 = arith.constant 0 : i32
        %dma_wait3A_393 = tpu.memref_slice %arg4[%dma_wait3A_391, %dma_wait3A_392] : memref<320000x128xf32, #tpu.memory_space<hbm>> -> memref<160x128xf32, #tpu.memory_space<hbm>>
        tpu.wait_dma2 semaphore(%arg13 : memref<!tpu.dma_semaphore, #tpu.memory_space<semaphore_mem>>) src(%arg6 : memref<160x128xf32, #tpu.memory_space<vmem>>) dst(%dma_wait3A_393 : memref<160x128xf32, #tpu.memory_space<hbm>>)
      } else {
      }
      %add3A_118 = arith.constant 1 : i32
      %add3A_119 = arith.addi %mul3A_23, %add3A_118 : i32
      %mul3A_120 = arith.constant 32 : i32
      %mul3A_121 = arith.muli %add3A_119, %mul3A_120 : i32
      %add3A_122 = arith.addi %add3A, %mul3A_121 : i32
      %mul3A_123 = arith.constant 8 : i32
      %mul3A_124 = arith.muli %add3A_122, %mul3A_123 : i32
      %multiple_of3A_125 = tpu.assume_multiple %mul3A_124, 8 : i32
      "tpu.region"() ({
        %run_scoped3A = tpu.sem_alloc : memref<!tpu.dma_semaphore, #tpu.memory_space<semaphore_mem>>
        %dma_start3A_388 = arith.constant 0 : i32
        %dma_start3A_389 = tpu.memref_slice %arg3[%multiple_of3A_125, %dma_start3A_388] : memref<16000x20xi32, #tpu.memory_space<hbm>> -> memref<8x20xi32, #tpu.memory_space<hbm>>
        %dma_start3A_390 = arith.constant 0 : i32
        %dma_start3A_391 = tpu.memref_slice %arg3[%multiple_of3A_125, %dma_start3A_390] : memref<16000x20xi32, #tpu.memory_space<hbm>> -> memref<8x20xi32, #tpu.memory_space<hbm>>
        tpu.enqueue_dma source(%dma_start3A_391 : memref<8x20xi32, #tpu.memory_space<hbm>>) target(%arg8 : memref<8x20xi32, #tpu.memory_space<vmem>>) target_semaphore(%run_scoped3A : memref<!tpu.dma_semaphore, #tpu.memory_space<semaphore_mem>>)
        %dma_wait3A_392 = arith.constant 0 : i32
        %dma_wait3A_393 = tpu.memref_slice %arg3[%multiple_of3A_125, %dma_wait3A_392] : memref<16000x20xi32, #tpu.memory_space<hbm>> -> memref<8x20xi32, #tpu.memory_space<hbm>>
        %dma_wait3A_394 = arith.constant 0 : i32
        %dma_wait3A_395 = tpu.memref_slice %arg3[%multiple_of3A_125, %dma_wait3A_394] : memref<16000x20xi32, #tpu.memory_space<hbm>> -> memref<8x20xi32, #tpu.memory_space<hbm>>
        tpu.wait_dma2 semaphore(%run_scoped3A : memref<!tpu.dma_semaphore, #tpu.memory_space<semaphore_mem>>) src(%dma_wait3A_395 : memref<8x20xi32, #tpu.memory_space<hbm>>) dst(%arg8 : memref<8x20xi32, #tpu.memory_space<vmem>>)
        tpu.yield
      }) : () -> ()
      %dma_start3A_126 = arith.constant 0 : i32
      %dma_start3A_127 = arith.constant 0 : i32
      %dma_start3A_128 = arith.constant 0 : i32
      %dma_start3A_129 = tpu.memref_slice %arg6[%dma_start3A_127, %dma_start3A_128] : memref<160x128xf32, #tpu.memory_space<vmem>> -> memref<20x128xf32, #tpu.memory_space<vmem>>
      %dma_start3A_130 = arith.constant 0 : i32
      %dma_start3A_131 = tpu.memref_slice %arg8[%dma_start3A_126, %dma_start3A_130] : memref<8x20xi32, #tpu.memory_space<vmem>> -> memref<1x20xi32, #tpu.memory_space<vmem>>
      %dma_start3A_132 = tpu.memref_squeeze %dma_start3A_131 : memref<1x20xi32, #tpu.memory_space<vmem>> -> memref<20xi32, #tpu.memory_space<vmem>>
      %dma_start3A_133 = arith.constant 0 : i32
      %dma_start3A_134 = arith.constant 0 : i32
      %dma_start3A_135 = tpu.memref_slice %arg9[%dma_start3A_133, %dma_start3A_134] : memref<10000x128xf32, #tpu.memory_space<vmem_shared>> -> memref<10000x128xf32, #tpu.memory_space<vmem_shared>>
      tpu.enqueue_indirect_dma source(%dma_start3A_135 : memref<10000x128xf32, #tpu.memory_space<vmem_shared>>) target(%dma_start3A_129 : memref<20x128xf32, #tpu.memory_space<vmem>>) offsets(%dma_start3A_132 : memref<20xi32, #tpu.memory_space<vmem>>) semaphore(%arg11 : memref<!tpu.dma_semaphore, #tpu.memory_space<semaphore_mem>>)
      %dma_start3A_136 = arith.constant 1 : i32
      %dma_start3A_137 = arith.constant 20 : i32
      %dma_start3A_138 = arith.constant 0 : i32
      %dma_start3A_139 = tpu.memref_slice %arg6[%dma_start3A_137, %dma_start3A_138] : memref<160x128xf32, #tpu.memory_space<vmem>> -> memref<20x128xf32, #tpu.memory_space<vmem>>
      %dma_start3A_140 = arith.constant 0 : i32
      %dma_start3A_141 = tpu.memref_slice %arg8[%dma_start3A_136, %dma_start3A_140] : memref<8x20xi32, #tpu.memory_space<vmem>> -> memref<1x20xi32, #tpu.memory_space<vmem>>
      %dma_start3A_142 = tpu.memref_squeeze %dma_start3A_141 : memref<1x20xi32, #tpu.memory_space<vmem>> -> memref<20xi32, #tpu.memory_space<vmem>>
      %dma_start3A_143 = arith.constant 0 : i32
      %dma_start3A_144 = arith.constant 0 : i32
      %dma_start3A_145 = tpu.memref_slice %arg9[%dma_start3A_143, %dma_start3A_144] : memref<10000x128xf32, #tpu.memory_space<vmem_shared>> -> memref<10000x128xf32, #tpu.memory_space<vmem_shared>>
      tpu.enqueue_indirect_dma source(%dma_start3A_145 : memref<10000x128xf32, #tpu.memory_space<vmem_shared>>) target(%dma_start3A_139 : memref<20x128xf32, #tpu.memory_space<vmem>>) offsets(%dma_start3A_142 : memref<20xi32, #tpu.memory_space<vmem>>) semaphore(%arg11 : memref<!tpu.dma_semaphore, #tpu.memory_space<semaphore_mem>>)
      %dma_start3A_146 = arith.constant 2 : i32
      %dma_start3A_147 = arith.constant 40 : i32
      %dma_start3A_148 = arith.constant 0 : i32
      %dma_start3A_149 = tpu.memref_slice %arg6[%dma_start3A_147, %dma_start3A_148] : memref<160x128xf32, #tpu.memory_space<vmem>> -> memref<20x128xf32, #tpu.memory_space<vmem>>
      %dma_start3A_150 = arith.constant 0 : i32
      %dma_start3A_151 = tpu.memref_slice %arg8[%dma_start3A_146, %dma_start3A_150] : memref<8x20xi32, #tpu.memory_space<vmem>> -> memref<1x20xi32, #tpu.memory_space<vmem>>
      %dma_start3A_152 = tpu.memref_squeeze %dma_start3A_151 : memref<1x20xi32, #tpu.memory_space<vmem>> -> memref<20xi32, #tpu.memory_space<vmem>>
      %dma_start3A_153 = arith.constant 0 : i32
      %dma_start3A_154 = arith.constant 0 : i32
      %dma_start3A_155 = tpu.memref_slice %arg9[%dma_start3A_153, %dma_start3A_154] : memref<10000x128xf32, #tpu.memory_space<vmem_shared>> -> memref<10000x128xf32, #tpu.memory_space<vmem_shared>>
      tpu.enqueue_indirect_dma source(%dma_start3A_155 : memref<10000x128xf32, #tpu.memory_space<vmem_shared>>) target(%dma_start3A_149 : memref<20x128xf32, #tpu.memory_space<vmem>>) offsets(%dma_start3A_152 : memref<20xi32, #tpu.memory_space<vmem>>) semaphore(%arg11 : memref<!tpu.dma_semaphore, #tpu.memory_space<semaphore_mem>>)
      %dma_start3A_156 = arith.constant 3 : i32
      %dma_start3A_157 = arith.constant 60 : i32
      %dma_start3A_158 = arith.constant 0 : i32
      %dma_start3A_159 = tpu.memref_slice %arg6[%dma_start3A_157, %dma_start3A_158] : memref<160x128xf32, #tpu.memory_space<vmem>> -> memref<20x128xf32, #tpu.memory_space<vmem>>
      %dma_start3A_160 = arith.constant 0 : i32
      %dma_start3A_161 = tpu.memref_slice %arg8[%dma_start3A_156, %dma_start3A_160] : memref<8x20xi32, #tpu.memory_space<vmem>> -> memref<1x20xi32, #tpu.memory_space<vmem>>
      %dma_start3A_162 = tpu.memref_squeeze %dma_start3A_161 : memref<1x20xi32, #tpu.memory_space<vmem>> -> memref<20xi32, #tpu.memory_space<vmem>>
      %dma_start3A_163 = arith.constant 0 : i32
      %dma_start3A_164 = arith.constant 0 : i32
      %dma_start3A_165 = tpu.memref_slice %arg9[%dma_start3A_163, %dma_start3A_164] : memref<10000x128xf32, #tpu.memory_space<vmem_shared>> -> memref<10000x128xf32, #tpu.memory_space<vmem_shared>>
      tpu.enqueue_indirect_dma source(%dma_start3A_165 : memref<10000x128xf32, #tpu.memory_space<vmem_shared>>) target(%dma_start3A_159 : memref<20x128xf32, #tpu.memory_space<vmem>>) offsets(%dma_start3A_162 : memref<20xi32, #tpu.memory_space<vmem>>) semaphore(%arg11 : memref<!tpu.dma_semaphore, #tpu.memory_space<semaphore_mem>>)
      %dma_start3A_166 = arith.constant 4 : i32
      %dma_start3A_167 = arith.constant 80 : i32
      %dma_start3A_168 = arith.constant 0 : i32
      %dma_start3A_169 = tpu.memref_slice %arg6[%dma_start3A_167, %dma_start3A_168] : memref<160x128xf32, #tpu.memory_space<vmem>> -> memref<20x128xf32, #tpu.memory_space<vmem>>
      %dma_start3A_170 = arith.constant 0 : i32
      %dma_start3A_171 = tpu.memref_slice %arg8[%dma_start3A_166, %dma_start3A_170] : memref<8x20xi32, #tpu.memory_space<vmem>> -> memref<1x20xi32, #tpu.memory_space<vmem>>
      %dma_start3A_172 = tpu.memref_squeeze %dma_start3A_171 : memref<1x20xi32, #tpu.memory_space<vmem>> -> memref<20xi32, #tpu.memory_space<vmem>>
      %dma_start3A_173 = arith.constant 0 : i32
      %dma_start3A_174 = arith.constant 0 : i32
      %dma_start3A_175 = tpu.memref_slice %arg9[%dma_start3A_173, %dma_start3A_174] : memref<10000x128xf32, #tpu.memory_space<vmem_shared>> -> memref<10000x128xf32, #tpu.memory_space<vmem_shared>>
      tpu.enqueue_indirect_dma source(%dma_start3A_175 : memref<10000x128xf32, #tpu.memory_space<vmem_shared>>) target(%dma_start3A_169 : memref<20x128xf32, #tpu.memory_space<vmem>>) offsets(%dma_start3A_172 : memref<20xi32, #tpu.memory_space<vmem>>) semaphore(%arg11 : memref<!tpu.dma_semaphore, #tpu.memory_space<semaphore_mem>>)
      %dma_start3A_176 = arith.constant 5 : i32
      %dma_start3A_177 = arith.constant 100 : i32
      %dma_start3A_178 = arith.constant 0 : i32
      %dma_start3A_179 = tpu.memref_slice %arg6[%dma_start3A_177, %dma_start3A_178] : memref<160x128xf32, #tpu.memory_space<vmem>> -> memref<20x128xf32, #tpu.memory_space<vmem>>
      %dma_start3A_180 = arith.constant 0 : i32
      %dma_start3A_181 = tpu.memref_slice %arg8[%dma_start3A_176, %dma_start3A_180] : memref<8x20xi32, #tpu.memory_space<vmem>> -> memref<1x20xi32, #tpu.memory_space<vmem>>
      %dma_start3A_182 = tpu.memref_squeeze %dma_start3A_181 : memref<1x20xi32, #tpu.memory_space<vmem>> -> memref<20xi32, #tpu.memory_space<vmem>>
      %dma_start3A_183 = arith.constant 0 : i32
      %dma_start3A_184 = arith.constant 0 : i32
      %dma_start3A_185 = tpu.memref_slice %arg9[%dma_start3A_183, %dma_start3A_184] : memref<10000x128xf32, #tpu.memory_space<vmem_shared>> -> memref<10000x128xf32, #tpu.memory_space<vmem_shared>>
      tpu.enqueue_indirect_dma source(%dma_start3A_185 : memref<10000x128xf32, #tpu.memory_space<vmem_shared>>) target(%dma_start3A_179 : memref<20x128xf32, #tpu.memory_space<vmem>>) offsets(%dma_start3A_182 : memref<20xi32, #tpu.memory_space<vmem>>) semaphore(%arg11 : memref<!tpu.dma_semaphore, #tpu.memory_space<semaphore_mem>>)
      %dma_start3A_186 = arith.constant 6 : i32
      %dma_start3A_187 = arith.constant 120 : i32
      %dma_start3A_188 = arith.constant 0 : i32
      %dma_start3A_189 = tpu.memref_slice %arg6[%dma_start3A_187, %dma_start3A_188] : memref<160x128xf32, #tpu.memory_space<vmem>> -> memref<20x128xf32, #tpu.memory_space<vmem>>
      %dma_start3A_190 = arith.constant 0 : i32
      %dma_start3A_191 = tpu.memref_slice %arg8[%dma_start3A_186, %dma_start3A_190] : memref<8x20xi32, #tpu.memory_space<vmem>> -> memref<1x20xi32, #tpu.memory_space<vmem>>
      %dma_start3A_192 = tpu.memref_squeeze %dma_start3A_191 : memref<1x20xi32, #tpu.memory_space<vmem>> -> memref<20xi32, #tpu.memory_space<vmem>>
      %dma_start3A_193 = arith.constant 0 : i32
      %dma_start3A_194 = arith.constant 0 : i32
      %dma_start3A_195 = tpu.memref_slice %arg9[%dma_start3A_193, %dma_start3A_194] : memref<10000x128xf32, #tpu.memory_space<vmem_shared>> -> memref<10000x128xf32, #tpu.memory_space<vmem_shared>>
      tpu.enqueue_indirect_dma source(%dma_start3A_195 : memref<10000x128xf32, #tpu.memory_space<vmem_shared>>) target(%dma_start3A_189 : memref<20x128xf32, #tpu.memory_space<vmem>>) offsets(%dma_start3A_192 : memref<20xi32, #tpu.memory_space<vmem>>) semaphore(%arg11 : memref<!tpu.dma_semaphore, #tpu.memory_space<semaphore_mem>>)
      %dma_start3A_196 = arith.constant 7 : i32
      %dma_start3A_197 = arith.constant 140 : i32
      %dma_start3A_198 = arith.constant 0 : i32
      %dma_start3A_199 = tpu.memref_slice %arg6[%dma_start3A_197, %dma_start3A_198] : memref<160x128xf32, #tpu.memory_space<vmem>> -> memref<20x128xf32, #tpu.memory_space<vmem>>
      %dma_start3A_200 = arith.constant 0 : i32
      %dma_start3A_201 = tpu.memref_slice %arg8[%dma_start3A_196, %dma_start3A_200] : memref<8x20xi32, #tpu.memory_space<vmem>> -> memref<1x20xi32, #tpu.memory_space<vmem>>
      %dma_start3A_202 = tpu.memref_squeeze %dma_start3A_201 : memref<1x20xi32, #tpu.memory_space<vmem>> -> memref<20xi32, #tpu.memory_space<vmem>>
      %dma_start3A_203 = arith.constant 0 : i32
      %dma_start3A_204 = arith.constant 0 : i32
      %dma_start3A_205 = tpu.memref_slice %arg9[%dma_start3A_203, %dma_start3A_204] : memref<10000x128xf32, #tpu.memory_space<vmem_shared>> -> memref<10000x128xf32, #tpu.memory_space<vmem_shared>>
      tpu.enqueue_indirect_dma source(%dma_start3A_205 : memref<10000x128xf32, #tpu.memory_space<vmem_shared>>) target(%dma_start3A_199 : memref<20x128xf32, #tpu.memory_space<vmem>>) offsets(%dma_start3A_202 : memref<20xi32, #tpu.memory_space<vmem>>) semaphore(%arg11 : memref<!tpu.dma_semaphore, #tpu.memory_space<semaphore_mem>>)
      %dma_wait3A_206 = arith.constant 0 : i32
      %dma_wait3A_207 = arith.constant 0 : i32
      %dma_wait3A_208 = arith.constant 0 : i32
      %dma_wait3A_209 = tpu.memref_slice %arg5[%dma_wait3A_207, %dma_wait3A_208] : memref<160x128xf32, #tpu.memory_space<vmem>> -> memref<20x128xf32, #tpu.memory_space<vmem>>
      %dma_wait3A_210 = arith.constant 0 : i32
      %dma_wait3A_211 = tpu.memref_slice %arg7[%dma_wait3A_206, %dma_wait3A_210] : memref<8x20xi32, #tpu.memory_space<vmem>> -> memref<1x20xi32, #tpu.memory_space<vmem>>
      %dma_wait3A_212 = tpu.memref_squeeze %dma_wait3A_211 : memref<1x20xi32, #tpu.memory_space<vmem>> -> memref<20xi32, #tpu.memory_space<vmem>>
      %dma_wait3A_213 = arith.constant 0 : i32
      %dma_wait3A_214 = arith.constant 0 : i32
      %dma_wait3A_215 = tpu.memref_slice %arg9[%dma_wait3A_213, %dma_wait3A_214] : memref<10000x128xf32, #tpu.memory_space<vmem_shared>> -> memref<10000x128xf32, #tpu.memory_space<vmem_shared>>
      tpu.wait_indirect_dma semaphore(%arg10 : memref<!tpu.dma_semaphore, #tpu.memory_space<semaphore_mem>>) src(%dma_wait3A_215 : memref<10000x128xf32, #tpu.memory_space<vmem_shared>>) dst(%dma_wait3A_209 : memref<20x128xf32, #tpu.memory_space<vmem>>)
      %dma_wait3A_216 = arith.constant 1 : i32
      %dma_wait3A_217 = arith.constant 20 : i32
      %dma_wait3A_218 = arith.constant 0 : i32
      %dma_wait3A_219 = tpu.memref_slice %arg5[%dma_wait3A_217, %dma_wait3A_218] : memref<160x128xf32, #tpu.memory_space<vmem>> -> memref<20x128xf32, #tpu.memory_space<vmem>>
      %dma_wait3A_220 = arith.constant 0 : i32
      %dma_wait3A_221 = tpu.memref_slice %arg7[%dma_wait3A_216, %dma_wait3A_220] : memref<8x20xi32, #tpu.memory_space<vmem>> -> memref<1x20xi32, #tpu.memory_space<vmem>>
      %dma_wait3A_222 = tpu.memref_squeeze %dma_wait3A_221 : memref<1x20xi32, #tpu.memory_space<vmem>> -> memref<20xi32, #tpu.memory_space<vmem>>
      %dma_wait3A_223 = arith.constant 0 : i32
      %dma_wait3A_224 = arith.constant 0 : i32
      %dma_wait3A_225 = tpu.memref_slice %arg9[%dma_wait3A_223, %dma_wait3A_224] : memref<10000x128xf32, #tpu.memory_space<vmem_shared>> -> memref<10000x128xf32, #tpu.memory_space<vmem_shared>>
      tpu.wait_indirect_dma semaphore(%arg10 : memref<!tpu.dma_semaphore, #tpu.memory_space<semaphore_mem>>) src(%dma_wait3A_225 : memref<10000x128xf32, #tpu.memory_space<vmem_shared>>) dst(%dma_wait3A_219 : memref<20x128xf32, #tpu.memory_space<vmem>>)
      %dma_wait3A_226 = arith.constant 2 : i32
      %dma_wait3A_227 = arith.constant 40 : i32
      %dma_wait3A_228 = arith.constant 0 : i32
      %dma_wait3A_229 = tpu.memref_slice %arg5[%dma_wait3A_227, %dma_wait3A_228] : memref<160x128xf32, #tpu.memory_space<vmem>> -> memref<20x128xf32, #tpu.memory_space<vmem>>
      %dma_wait3A_230 = arith.constant 0 : i32
      %dma_wait3A_231 = tpu.memref_slice %arg7[%dma_wait3A_226, %dma_wait3A_230] : memref<8x20xi32, #tpu.memory_space<vmem>> -> memref<1x20xi32, #tpu.memory_space<vmem>>
      %dma_wait3A_232 = tpu.memref_squeeze %dma_wait3A_231 : memref<1x20xi32, #tpu.memory_space<vmem>> -> memref<20xi32, #tpu.memory_space<vmem>>
      %dma_wait3A_233 = arith.constant 0 : i32
      %dma_wait3A_234 = arith.constant 0 : i32
      %dma_wait3A_235 = tpu.memref_slice %arg9[%dma_wait3A_233, %dma_wait3A_234] : memref<10000x128xf32, #tpu.memory_space<vmem_shared>> -> memref<10000x128xf32, #tpu.memory_space<vmem_shared>>
      tpu.wait_indirect_dma semaphore(%arg10 : memref<!tpu.dma_semaphore, #tpu.memory_space<semaphore_mem>>) src(%dma_wait3A_235 : memref<10000x128xf32, #tpu.memory_space<vmem_shared>>) dst(%dma_wait3A_229 : memref<20x128xf32, #tpu.memory_space<vmem>>)
      %dma_wait3A_236 = arith.constant 3 : i32
      %dma_wait3A_237 = arith.constant 60 : i32
      %dma_wait3A_238 = arith.constant 0 : i32
      %dma_wait3A_239 = tpu.memref_slice %arg5[%dma_wait3A_237, %dma_wait3A_238] : memref<160x128xf32, #tpu.memory_space<vmem>> -> memref<20x128xf32, #tpu.memory_space<vmem>>
      %dma_wait3A_240 = arith.constant 0 : i32
      %dma_wait3A_241 = tpu.memref_slice %arg7[%dma_wait3A_236, %dma_wait3A_240] : memref<8x20xi32, #tpu.memory_space<vmem>> -> memref<1x20xi32, #tpu.memory_space<vmem>>
      %dma_wait3A_242 = tpu.memref_squeeze %dma_wait3A_241 : memref<1x20xi32, #tpu.memory_space<vmem>> -> memref<20xi32, #tpu.memory_space<vmem>>
      %dma_wait3A_243 = arith.constant 0 : i32
      %dma_wait3A_244 = arith.constant 0 : i32
      %dma_wait3A_245 = tpu.memref_slice %arg9[%dma_wait3A_243, %dma_wait3A_244] : memref<10000x128xf32, #tpu.memory_space<vmem_shared>> -> memref<10000x128xf32, #tpu.memory_space<vmem_shared>>
      tpu.wait_indirect_dma semaphore(%arg10 : memref<!tpu.dma_semaphore, #tpu.memory_space<semaphore_mem>>) src(%dma_wait3A_245 : memref<10000x128xf32, #tpu.memory_space<vmem_shared>>) dst(%dma_wait3A_239 : memref<20x128xf32, #tpu.memory_space<vmem>>)
      %dma_wait3A_246 = arith.constant 4 : i32
      %dma_wait3A_247 = arith.constant 80 : i32
      %dma_wait3A_248 = arith.constant 0 : i32
      %dma_wait3A_249 = tpu.memref_slice %arg5[%dma_wait3A_247, %dma_wait3A_248] : memref<160x128xf32, #tpu.memory_space<vmem>> -> memref<20x128xf32, #tpu.memory_space<vmem>>
      %dma_wait3A_250 = arith.constant 0 : i32
      %dma_wait3A_251 = tpu.memref_slice %arg7[%dma_wait3A_246, %dma_wait3A_250] : memref<8x20xi32, #tpu.memory_space<vmem>> -> memref<1x20xi32, #tpu.memory_space<vmem>>
      %dma_wait3A_252 = tpu.memref_squeeze %dma_wait3A_251 : memref<1x20xi32, #tpu.memory_space<vmem>> -> memref<20xi32, #tpu.memory_space<vmem>>
      %dma_wait3A_253 = arith.constant 0 : i32
      %dma_wait3A_254 = arith.constant 0 : i32
      %dma_wait3A_255 = tpu.memref_slice %arg9[%dma_wait3A_253, %dma_wait3A_254] : memref<10000x128xf32, #tpu.memory_space<vmem_shared>> -> memref<10000x128xf32, #tpu.memory_space<vmem_shared>>
      tpu.wait_indirect_dma semaphore(%arg10 : memref<!tpu.dma_semaphore, #tpu.memory_space<semaphore_mem>>) src(%dma_wait3A_255 : memref<10000x128xf32, #tpu.memory_space<vmem_shared>>) dst(%dma_wait3A_249 : memref<20x128xf32, #tpu.memory_space<vmem>>)
      %dma_wait3A_256 = arith.constant 5 : i32
      %dma_wait3A_257 = arith.constant 100 : i32
      %dma_wait3A_258 = arith.constant 0 : i32
      %dma_wait3A_259 = tpu.memref_slice %arg5[%dma_wait3A_257, %dma_wait3A_258] : memref<160x128xf32, #tpu.memory_space<vmem>> -> memref<20x128xf32, #tpu.memory_space<vmem>>
      %dma_wait3A_260 = arith.constant 0 : i32
      %dma_wait3A_261 = tpu.memref_slice %arg7[%dma_wait3A_256, %dma_wait3A_260] : memref<8x20xi32, #tpu.memory_space<vmem>> -> memref<1x20xi32, #tpu.memory_space<vmem>>
      %dma_wait3A_262 = tpu.memref_squeeze %dma_wait3A_261 : memref<1x20xi32, #tpu.memory_space<vmem>> -> memref<20xi32, #tpu.memory_space<vmem>>
      %dma_wait3A_263 = arith.constant 0 : i32
      %dma_wait3A_264 = arith.constant 0 : i32
      %dma_wait3A_265 = tpu.memref_slice %arg9[%dma_wait3A_263, %dma_wait3A_264] : memref<10000x128xf32, #tpu.memory_space<vmem_shared>> -> memref<10000x128xf32, #tpu.memory_space<vmem_shared>>
      tpu.wait_indirect_dma semaphore(%arg10 : memref<!tpu.dma_semaphore, #tpu.memory_space<semaphore_mem>>) src(%dma_wait3A_265 : memref<10000x128xf32, #tpu.memory_space<vmem_shared>>) dst(%dma_wait3A_259 : memref<20x128xf32, #tpu.memory_space<vmem>>)
      %dma_wait3A_266 = arith.constant 6 : i32
      %dma_wait3A_267 = arith.constant 120 : i32
      %dma_wait3A_268 = arith.constant 0 : i32
      %dma_wait3A_269 = tpu.memref_slice %arg5[%dma_wait3A_267, %dma_wait3A_268] : memref<160x128xf32, #tpu.memory_space<vmem>> -> memref<20x128xf32, #tpu.memory_space<vmem>>
      %dma_wait3A_270 = arith.constant 0 : i32
      %dma_wait3A_271 = tpu.memref_slice %arg7[%dma_wait3A_266, %dma_wait3A_270] : memref<8x20xi32, #tpu.memory_space<vmem>> -> memref<1x20xi32, #tpu.memory_space<vmem>>
      %dma_wait3A_272 = tpu.memref_squeeze %dma_wait3A_271 : memref<1x20xi32, #tpu.memory_space<vmem>> -> memref<20xi32, #tpu.memory_space<vmem>>
      %dma_wait3A_273 = arith.constant 0 : i32
      %dma_wait3A_274 = arith.constant 0 : i32
      %dma_wait3A_275 = tpu.memref_slice %arg9[%dma_wait3A_273, %dma_wait3A_274] : memref<10000x128xf32, #tpu.memory_space<vmem_shared>> -> memref<10000x128xf32, #tpu.memory_space<vmem_shared>>
      tpu.wait_indirect_dma semaphore(%arg10 : memref<!tpu.dma_semaphore, #tpu.memory_space<semaphore_mem>>) src(%dma_wait3A_275 : memref<10000x128xf32, #tpu.memory_space<vmem_shared>>) dst(%dma_wait3A_269 : memref<20x128xf32, #tpu.memory_space<vmem>>)
      %dma_wait3A_276 = arith.constant 7 : i32
      %dma_wait3A_277 = arith.constant 140 : i32
      %dma_wait3A_278 = arith.constant 0 : i32
      %dma_wait3A_279 = tpu.memref_slice %arg5[%dma_wait3A_277, %dma_wait3A_278] : memref<160x128xf32, #tpu.memory_space<vmem>> -> memref<20x128xf32, #tpu.memory_space<vmem>>
      %dma_wait3A_280 = arith.constant 0 : i32
      %dma_wait3A_281 = tpu.memref_slice %arg7[%dma_wait3A_276, %dma_wait3A_280] : memref<8x20xi32, #tpu.memory_space<vmem>> -> memref<1x20xi32, #tpu.memory_space<vmem>>
      %dma_wait3A_282 = tpu.memref_squeeze %dma_wait3A_281 : memref<1x20xi32, #tpu.memory_space<vmem>> -> memref<20xi32, #tpu.memory_space<vmem>>
      %dma_wait3A_283 = arith.constant 0 : i32
      %dma_wait3A_284 = arith.constant 0 : i32
      %dma_wait3A_285 = tpu.memref_slice %arg9[%dma_wait3A_283, %dma_wait3A_284] : memref<10000x128xf32, #tpu.memory_space<vmem_shared>> -> memref<10000x128xf32, #tpu.memory_space<vmem_shared>>
      tpu.wait_indirect_dma semaphore(%arg10 : memref<!tpu.dma_semaphore, #tpu.memory_space<semaphore_mem>>) src(%dma_wait3A_285 : memref<10000x128xf32, #tpu.memory_space<vmem_shared>>) dst(%dma_wait3A_279 : memref<20x128xf32, #tpu.memory_space<vmem>>)
      %mul3A_286 = arith.constant 32 : i32
      %mul3A_287 = arith.muli %mul3A_23, %mul3A_286 : i32
      %add3A_288 = arith.addi %add3A, %mul3A_287 : i32
      %mul3A_289 = arith.constant 160 : i32
      %mul3A_290 = arith.muli %add3A_288, %mul3A_289 : i32
      %multiple_of3A_291 = tpu.assume_multiple %mul3A_290, 160 : i32
      %dma_start3A_292 = arith.constant 0 : i32
      %dma_start3A_293 = tpu.memref_slice %arg4[%multiple_of3A_291, %dma_start3A_292] : memref<320000x128xf32, #tpu.memory_space<hbm>> -> memref<160x128xf32, #tpu.memory_space<hbm>>
      %dma_start3A_294 = arith.constant 0 : i32
      %dma_start3A_295 = tpu.memref_slice %arg4[%multiple_of3A_291, %dma_start3A_294] : memref<320000x128xf32, #tpu.memory_space<hbm>> -> memref<160x128xf32, #tpu.memory_space<hbm>>
      tpu.enqueue_dma source(%arg5 : memref<160x128xf32, #tpu.memory_space<vmem>>) target(%dma_start3A_295 : memref<160x128xf32, #tpu.memory_space<hbm>>) target_semaphore(%arg12 : memref<!tpu.dma_semaphore, #tpu.memory_space<semaphore_mem>>)
      %dma_wait3A_296 = arith.constant 0 : i32
      %dma_wait3A_297 = arith.constant 0 : i32
      %dma_wait3A_298 = arith.constant 0 : i32
      %dma_wait3A_299 = tpu.memref_slice %arg6[%dma_wait3A_297, %dma_wait3A_298] : memref<160x128xf32, #tpu.memory_space<vmem>> -> memref<20x128xf32, #tpu.memory_space<vmem>>
      %dma_wait3A_300 = arith.constant 0 : i32
      %dma_wait3A_301 = tpu.memref_slice %arg8[%dma_wait3A_296, %dma_wait3A_300] : memref<8x20xi32, #tpu.memory_space<vmem>> -> memref<1x20xi32, #tpu.memory_space<vmem>>
      %dma_wait3A_302 = tpu.memref_squeeze %dma_wait3A_301 : memref<1x20xi32, #tpu.memory_space<vmem>> -> memref<20xi32, #tpu.memory_space<vmem>>
      %dma_wait3A_303 = arith.constant 0 : i32
      %dma_wait3A_304 = arith.constant 0 : i32
      %dma_wait3A_305 = tpu.memref_slice %arg9[%dma_wait3A_303, %dma_wait3A_304] : memref<10000x128xf32, #tpu.memory_space<vmem_shared>> -> memref<10000x128xf32, #tpu.memory_space<vmem_shared>>
      tpu.wait_indirect_dma semaphore(%arg11 : memref<!tpu.dma_semaphore, #tpu.memory_space<semaphore_mem>>) src(%dma_wait3A_305 : memref<10000x128xf32, #tpu.memory_space<vmem_shared>>) dst(%dma_wait3A_299 : memref<20x128xf32, #tpu.memory_space<vmem>>)
      %dma_wait3A_306 = arith.constant 1 : i32
      %dma_wait3A_307 = arith.constant 20 : i32
      %dma_wait3A_308 = arith.constant 0 : i32
      %dma_wait3A_309 = tpu.memref_slice %arg6[%dma_wait3A_307, %dma_wait3A_308] : memref<160x128xf32, #tpu.memory_space<vmem>> -> memref<20x128xf32, #tpu.memory_space<vmem>>
      %dma_wait3A_310 = arith.constant 0 : i32
      %dma_wait3A_311 = tpu.memref_slice %arg8[%dma_wait3A_306, %dma_wait3A_310] : memref<8x20xi32, #tpu.memory_space<vmem>> -> memref<1x20xi32, #tpu.memory_space<vmem>>
      %dma_wait3A_312 = tpu.memref_squeeze %dma_wait3A_311 : memref<1x20xi32, #tpu.memory_space<vmem>> -> memref<20xi32, #tpu.memory_space<vmem>>
      %dma_wait3A_313 = arith.constant 0 : i32
      %dma_wait3A_314 = arith.constant 0 : i32
      %dma_wait3A_315 = tpu.memref_slice %arg9[%dma_wait3A_313, %dma_wait3A_314] : memref<10000x128xf32, #tpu.memory_space<vmem_shared>> -> memref<10000x128xf32, #tpu.memory_space<vmem_shared>>
      tpu.wait_indirect_dma semaphore(%arg11 : memref<!tpu.dma_semaphore, #tpu.memory_space<semaphore_mem>>) src(%dma_wait3A_315 : memref<10000x128xf32, #tpu.memory_space<vmem_shared>>) dst(%dma_wait3A_309 : memref<20x128xf32, #tpu.memory_space<vmem>>)
      %dma_wait3A_316 = arith.constant 2 : i32
      %dma_wait3A_317 = arith.constant 40 : i32
      %dma_wait3A_318 = arith.constant 0 : i32
      %dma_wait3A_319 = tpu.memref_slice %arg6[%dma_wait3A_317, %dma_wait3A_318] : memref<160x128xf32, #tpu.memory_space<vmem>> -> memref<20x128xf32, #tpu.memory_space<vmem>>
      %dma_wait3A_320 = arith.constant 0 : i32
      %dma_wait3A_321 = tpu.memref_slice %arg8[%dma_wait3A_316, %dma_wait3A_320] : memref<8x20xi32, #tpu.memory_space<vmem>> -> memref<1x20xi32, #tpu.memory_space<vmem>>
      %dma_wait3A_322 = tpu.memref_squeeze %dma_wait3A_321 : memref<1x20xi32, #tpu.memory_space<vmem>> -> memref<20xi32, #tpu.memory_space<vmem>>
      %dma_wait3A_323 = arith.constant 0 : i32
      %dma_wait3A_324 = arith.constant 0 : i32
      %dma_wait3A_325 = tpu.memref_slice %arg9[%dma_wait3A_323, %dma_wait3A_324] : memref<10000x128xf32, #tpu.memory_space<vmem_shared>> -> memref<10000x128xf32, #tpu.memory_space<vmem_shared>>
      tpu.wait_indirect_dma semaphore(%arg11 : memref<!tpu.dma_semaphore, #tpu.memory_space<semaphore_mem>>) src(%dma_wait3A_325 : memref<10000x128xf32, #tpu.memory_space<vmem_shared>>) dst(%dma_wait3A_319 : memref<20x128xf32, #tpu.memory_space<vmem>>)
      %dma_wait3A_326 = arith.constant 3 : i32
      %dma_wait3A_327 = arith.constant 60 : i32
      %dma_wait3A_328 = arith.constant 0 : i32
      %dma_wait3A_329 = tpu.memref_slice %arg6[%dma_wait3A_327, %dma_wait3A_328] : memref<160x128xf32, #tpu.memory_space<vmem>> -> memref<20x128xf32, #tpu.memory_space<vmem>>
      %dma_wait3A_330 = arith.constant 0 : i32
      %dma_wait3A_331 = tpu.memref_slice %arg8[%dma_wait3A_326, %dma_wait3A_330] : memref<8x20xi32, #tpu.memory_space<vmem>> -> memref<1x20xi32, #tpu.memory_space<vmem>>
      %dma_wait3A_332 = tpu.memref_squeeze %dma_wait3A_331 : memref<1x20xi32, #tpu.memory_space<vmem>> -> memref<20xi32, #tpu.memory_space<vmem>>
      %dma_wait3A_333 = arith.constant 0 : i32
      %dma_wait3A_334 = arith.constant 0 : i32
      %dma_wait3A_335 = tpu.memref_slice %arg9[%dma_wait3A_333, %dma_wait3A_334] : memref<10000x128xf32, #tpu.memory_space<vmem_shared>> -> memref<10000x128xf32, #tpu.memory_space<vmem_shared>>
      tpu.wait_indirect_dma semaphore(%arg11 : memref<!tpu.dma_semaphore, #tpu.memory_space<semaphore_mem>>) src(%dma_wait3A_335 : memref<10000x128xf32, #tpu.memory_space<vmem_shared>>) dst(%dma_wait3A_329 : memref<20x128xf32, #tpu.memory_space<vmem>>)
      %dma_wait3A_336 = arith.constant 4 : i32
      %dma_wait3A_337 = arith.constant 80 : i32
      %dma_wait3A_338 = arith.constant 0 : i32
      %dma_wait3A_339 = tpu.memref_slice %arg6[%dma_wait3A_337, %dma_wait3A_338] : memref<160x128xf32, #tpu.memory_space<vmem>> -> memref<20x128xf32, #tpu.memory_space<vmem>>
      %dma_wait3A_340 = arith.constant 0 : i32
      %dma_wait3A_341 = tpu.memref_slice %arg8[%dma_wait3A_336, %dma_wait3A_340] : memref<8x20xi32, #tpu.memory_space<vmem>> -> memref<1x20xi32, #tpu.memory_space<vmem>>
      %dma_wait3A_342 = tpu.memref_squeeze %dma_wait3A_341 : memref<1x20xi32, #tpu.memory_space<vmem>> -> memref<20xi32, #tpu.memory_space<vmem>>
      %dma_wait3A_343 = arith.constant 0 : i32
      %dma_wait3A_344 = arith.constant 0 : i32
      %dma_wait3A_345 = tpu.memref_slice %arg9[%dma_wait3A_343, %dma_wait3A_344] : memref<10000x128xf32, #tpu.memory_space<vmem_shared>> -> memref<10000x128xf32, #tpu.memory_space<vmem_shared>>
      tpu.wait_indirect_dma semaphore(%arg11 : memref<!tpu.dma_semaphore, #tpu.memory_space<semaphore_mem>>) src(%dma_wait3A_345 : memref<10000x128xf32, #tpu.memory_space<vmem_shared>>) dst(%dma_wait3A_339 : memref<20x128xf32, #tpu.memory_space<vmem>>)
      %dma_wait3A_346 = arith.constant 5 : i32
      %dma_wait3A_347 = arith.constant 100 : i32
      %dma_wait3A_348 = arith.constant 0 : i32
      %dma_wait3A_349 = tpu.memref_slice %arg6[%dma_wait3A_347, %dma_wait3A_348] : memref<160x128xf32, #tpu.memory_space<vmem>> -> memref<20x128xf32, #tpu.memory_space<vmem>>
      %dma_wait3A_350 = arith.constant 0 : i32
      %dma_wait3A_351 = tpu.memref_slice %arg8[%dma_wait3A_346, %dma_wait3A_350] : memref<8x20xi32, #tpu.memory_space<vmem>> -> memref<1x20xi32, #tpu.memory_space<vmem>>
      %dma_wait3A_352 = tpu.memref_squeeze %dma_wait3A_351 : memref<1x20xi32, #tpu.memory_space<vmem>> -> memref<20xi32, #tpu.memory_space<vmem>>
      %dma_wait3A_353 = arith.constant 0 : i32
      %dma_wait3A_354 = arith.constant 0 : i32
      %dma_wait3A_355 = tpu.memref_slice %arg9[%dma_wait3A_353, %dma_wait3A_354] : memref<10000x128xf32, #tpu.memory_space<vmem_shared>> -> memref<10000x128xf32, #tpu.memory_space<vmem_shared>>
      tpu.wait_indirect_dma semaphore(%arg11 : memref<!tpu.dma_semaphore, #tpu.memory_space<semaphore_mem>>) src(%dma_wait3A_355 : memref<10000x128xf32, #tpu.memory_space<vmem_shared>>) dst(%dma_wait3A_349 : memref<20x128xf32, #tpu.memory_space<vmem>>)
      %dma_wait3A_356 = arith.constant 6 : i32
      %dma_wait3A_357 = arith.constant 120 : i32
      %dma_wait3A_358 = arith.constant 0 : i32
      %dma_wait3A_359 = tpu.memref_slice %arg6[%dma_wait3A_357, %dma_wait3A_358] : memref<160x128xf32, #tpu.memory_space<vmem>> -> memref<20x128xf32, #tpu.memory_space<vmem>>
      %dma_wait3A_360 = arith.constant 0 : i32
      %dma_wait3A_361 = tpu.memref_slice %arg8[%dma_wait3A_356, %dma_wait3A_360] : memref<8x20xi32, #tpu.memory_space<vmem>> -> memref<1x20xi32, #tpu.memory_space<vmem>>
      %dma_wait3A_362 = tpu.memref_squeeze %dma_wait3A_361 : memref<1x20xi32, #tpu.memory_space<vmem>> -> memref<20xi32, #tpu.memory_space<vmem>>
      %dma_wait3A_363 = arith.constant 0 : i32
      %dma_wait3A_364 = arith.constant 0 : i32
      %dma_wait3A_365 = tpu.memref_slice %arg9[%dma_wait3A_363, %dma_wait3A_364] : memref<10000x128xf32, #tpu.memory_space<vmem_shared>> -> memref<10000x128xf32, #tpu.memory_space<vmem_shared>>
      tpu.wait_indirect_dma semaphore(%arg11 : memref<!tpu.dma_semaphore, #tpu.memory_space<semaphore_mem>>) src(%dma_wait3A_365 : memref<10000x128xf32, #tpu.memory_space<vmem_shared>>) dst(%dma_wait3A_359 : memref<20x128xf32, #tpu.memory_space<vmem>>)
      %dma_wait3A_366 = arith.constant 7 : i32
      %dma_wait3A_367 = arith.constant 140 : i32
      %dma_wait3A_368 = arith.constant 0 : i32
      %dma_wait3A_369 = tpu.memref_slice %arg6[%dma_wait3A_367, %dma_wait3A_368] : memref<160x128xf32, #tpu.memory_space<vmem>> -> memref<20x128xf32, #tpu.memory_space<vmem>>
      %dma_wait3A_370 = arith.constant 0 : i32
      %dma_wait3A_371 = tpu.memref_slice %arg8[%dma_wait3A_366, %dma_wait3A_370] : memref<8x20xi32, #tpu.memory_space<vmem>> -> memref<1x20xi32, #tpu.memory_space<vmem>>
      %dma_wait3A_372 = tpu.memref_squeeze %dma_wait3A_371 : memref<1x20xi32, #tpu.memory_space<vmem>> -> memref<20xi32, #tpu.memory_space<vmem>>
      %dma_wait3A_373 = arith.constant 0 : i32
      %dma_wait3A_374 = arith.constant 0 : i32
      %dma_wait3A_375 = tpu.memref_slice %arg9[%dma_wait3A_373, %dma_wait3A_374] : memref<10000x128xf32, #tpu.memory_space<vmem_shared>> -> memref<10000x128xf32, #tpu.memory_space<vmem_shared>>
      tpu.wait_indirect_dma semaphore(%arg11 : memref<!tpu.dma_semaphore, #tpu.memory_space<semaphore_mem>>) src(%dma_wait3A_375 : memref<10000x128xf32, #tpu.memory_space<vmem_shared>>) dst(%dma_wait3A_369 : memref<20x128xf32, #tpu.memory_space<vmem>>)
      %add3A_376 = arith.constant 1 : i32
      %add3A_377 = arith.addi %mul3A_23, %add3A_376 : i32
      %mul3A_378 = arith.constant 32 : i32
      %mul3A_379 = arith.muli %add3A_377, %mul3A_378 : i32
      %add3A_380 = arith.addi %add3A, %mul3A_379 : i32
      %mul3A_381 = arith.constant 160 : i32
      %mul3A_382 = arith.muli %add3A_380, %mul3A_381 : i32
      %multiple_of3A_383 = tpu.assume_multiple %mul3A_382, 160 : i32
      %dma_start3A_384 = arith.constant 0 : i32
      %dma_start3A_385 = tpu.memref_slice %arg4[%multiple_of3A_383, %dma_start3A_384] : memref<320000x128xf32, #tpu.memory_space<hbm>> -> memref<160x128xf32, #tpu.memory_space<hbm>>
      %dma_start3A_386 = arith.constant 0 : i32
      %dma_start3A_387 = tpu.memref_slice %arg4[%multiple_of3A_383, %dma_start3A_386] : memref<320000x128xf32, #tpu.memory_space<hbm>> -> memref<160x128xf32, #tpu.memory_space<hbm>>
      tpu.enqueue_dma source(%arg6 : memref<160x128xf32, #tpu.memory_space<vmem>>) target(%dma_start3A_387 : memref<160x128xf32, #tpu.memory_space<hbm>>) target_semaphore(%arg13 : memref<!tpu.dma_semaphore, #tpu.memory_space<semaphore_mem>>)
    }
    %scan3A_7 = arith.constant 31 : i32
    %lt3A = arith.constant 16 : i32
    %lt3A_8 = arith.cmpi slt, %add3A, %lt3A : i32
    %convert_element_type3A = arith.extui %lt3A_8 : i1 to i32
    %cond3A = arith.constant 0 : i32
    %cond3A_9 = arith.cmpi ne, %convert_element_type3A, %cond3A : i32
    scf.if %cond3A_9 {
      %dma_wait3A_21 = arith.constant 0 : i32
      %dma_wait3A_22 = arith.constant 0 : i32
      %dma_wait3A_23 = tpu.memref_slice %arg4[%dma_wait3A_21, %dma_wait3A_22] : memref<320000x128xf32, #tpu.memory_space<hbm>> -> memref<160x128xf32, #tpu.memory_space<hbm>>
      %dma_wait3A_24 = arith.constant 0 : i32
      %dma_wait3A_25 = arith.constant 0 : i32
      %dma_wait3A_26 = tpu.memref_slice %arg4[%dma_wait3A_24, %dma_wait3A_25] : memref<320000x128xf32, #tpu.memory_space<hbm>> -> memref<160x128xf32, #tpu.memory_space<hbm>>
      tpu.wait_dma2 semaphore(%arg12 : memref<!tpu.dma_semaphore, #tpu.memory_space<semaphore_mem>>) src(%arg5 : memref<160x128xf32, #tpu.memory_space<vmem>>) dst(%dma_wait3A_26 : memref<160x128xf32, #tpu.memory_space<hbm>>)
      %add3A_27 = arith.constant 1984 : i32
      %add3A_28 = arith.addi %add3A, %add3A_27 : i32
      %mul3A_29 = arith.constant 8 : i32
      %mul3A_30 = arith.muli %add3A_28, %mul3A_29 : i32
      %multiple_of3A_31 = tpu.assume_multiple %mul3A_30, 8 : i32
      "tpu.region"() ({
        %run_scoped3A = tpu.sem_alloc : memref<!tpu.dma_semaphore, #tpu.memory_space<semaphore_mem>>
        %dma_start3A_200 = arith.constant 0 : i32
        %dma_start3A_201 = tpu.memref_slice %arg3[%multiple_of3A_31, %dma_start3A_200] : memref<16000x20xi32, #tpu.memory_space<hbm>> -> memref<8x20xi32, #tpu.memory_space<hbm>>
        %dma_start3A_202 = arith.constant 0 : i32
        %dma_start3A_203 = tpu.memref_slice %arg3[%multiple_of3A_31, %dma_start3A_202] : memref<16000x20xi32, #tpu.memory_space<hbm>> -> memref<8x20xi32, #tpu.memory_space<hbm>>
        tpu.enqueue_dma source(%dma_start3A_203 : memref<8x20xi32, #tpu.memory_space<hbm>>) target(%arg7 : memref<8x20xi32, #tpu.memory_space<vmem>>) target_semaphore(%run_scoped3A : memref<!tpu.dma_semaphore, #tpu.memory_space<semaphore_mem>>)
        %dma_wait3A_204 = arith.constant 0 : i32
        %dma_wait3A_205 = tpu.memref_slice %arg3[%multiple_of3A_31, %dma_wait3A_204] : memref<16000x20xi32, #tpu.memory_space<hbm>> -> memref<8x20xi32, #tpu.memory_space<hbm>>
        %dma_wait3A_206 = arith.constant 0 : i32
        %dma_wait3A_207 = tpu.memref_slice %arg3[%multiple_of3A_31, %dma_wait3A_206] : memref<16000x20xi32, #tpu.memory_space<hbm>> -> memref<8x20xi32, #tpu.memory_space<hbm>>
        tpu.wait_dma2 semaphore(%run_scoped3A : memref<!tpu.dma_semaphore, #tpu.memory_space<semaphore_mem>>) src(%dma_wait3A_207 : memref<8x20xi32, #tpu.memory_space<hbm>>) dst(%arg7 : memref<8x20xi32, #tpu.memory_space<vmem>>)
        tpu.yield
      }) : () -> ()
      %dma_start3A = arith.constant 0 : i32
      %dma_start3A_32 = arith.constant 0 : i32
      %dma_start3A_33 = arith.constant 0 : i32
      %dma_start3A_34 = tpu.memref_slice %arg5[%dma_start3A_32, %dma_start3A_33] : memref<160x128xf32, #tpu.memory_space<vmem>> -> memref<20x128xf32, #tpu.memory_space<vmem>>
      %dma_start3A_35 = arith.constant 0 : i32
      %dma_start3A_36 = tpu.memref_slice %arg7[%dma_start3A, %dma_start3A_35] : memref<8x20xi32, #tpu.memory_space<vmem>> -> memref<1x20xi32, #tpu.memory_space<vmem>>
      %dma_start3A_37 = tpu.memref_squeeze %dma_start3A_36 : memref<1x20xi32, #tpu.memory_space<vmem>> -> memref<20xi32, #tpu.memory_space<vmem>>
      %dma_start3A_38 = arith.constant 0 : i32
      %dma_start3A_39 = arith.constant 0 : i32
      %dma_start3A_40 = tpu.memref_slice %arg9[%dma_start3A_38, %dma_start3A_39] : memref<10000x128xf32, #tpu.memory_space<vmem_shared>> -> memref<10000x128xf32, #tpu.memory_space<vmem_shared>>
      tpu.enqueue_indirect_dma source(%dma_start3A_40 : memref<10000x128xf32, #tpu.memory_space<vmem_shared>>) target(%dma_start3A_34 : memref<20x128xf32, #tpu.memory_space<vmem>>) offsets(%dma_start3A_37 : memref<20xi32, #tpu.memory_space<vmem>>) semaphore(%arg10 : memref<!tpu.dma_semaphore, #tpu.memory_space<semaphore_mem>>)
      %dma_start3A_41 = arith.constant 1 : i32
      %dma_start3A_42 = arith.constant 20 : i32
      %dma_start3A_43 = arith.constant 0 : i32
      %dma_start3A_44 = tpu.memref_slice %arg5[%dma_start3A_42, %dma_start3A_43] : memref<160x128xf32, #tpu.memory_space<vmem>> -> memref<20x128xf32, #tpu.memory_space<vmem>>
      %dma_start3A_45 = arith.constant 0 : i32
      %dma_start3A_46 = tpu.memref_slice %arg7[%dma_start3A_41, %dma_start3A_45] : memref<8x20xi32, #tpu.memory_space<vmem>> -> memref<1x20xi32, #tpu.memory_space<vmem>>
      %dma_start3A_47 = tpu.memref_squeeze %dma_start3A_46 : memref<1x20xi32, #tpu.memory_space<vmem>> -> memref<20xi32, #tpu.memory_space<vmem>>
      %dma_start3A_48 = arith.constant 0 : i32
      %dma_start3A_49 = arith.constant 0 : i32
      %dma_start3A_50 = tpu.memref_slice %arg9[%dma_start3A_48, %dma_start3A_49] : memref<10000x128xf32, #tpu.memory_space<vmem_shared>> -> memref<10000x128xf32, #tpu.memory_space<vmem_shared>>
      tpu.enqueue_indirect_dma source(%dma_start3A_50 : memref<10000x128xf32, #tpu.memory_space<vmem_shared>>) target(%dma_start3A_44 : memref<20x128xf32, #tpu.memory_space<vmem>>) offsets(%dma_start3A_47 : memref<20xi32, #tpu.memory_space<vmem>>) semaphore(%arg10 : memref<!tpu.dma_semaphore, #tpu.memory_space<semaphore_mem>>)
      %dma_start3A_51 = arith.constant 2 : i32
      %dma_start3A_52 = arith.constant 40 : i32
      %dma_start3A_53 = arith.constant 0 : i32
      %dma_start3A_54 = tpu.memref_slice %arg5[%dma_start3A_52, %dma_start3A_53] : memref<160x128xf32, #tpu.memory_space<vmem>> -> memref<20x128xf32, #tpu.memory_space<vmem>>
      %dma_start3A_55 = arith.constant 0 : i32
      %dma_start3A_56 = tpu.memref_slice %arg7[%dma_start3A_51, %dma_start3A_55] : memref<8x20xi32, #tpu.memory_space<vmem>> -> memref<1x20xi32, #tpu.memory_space<vmem>>
      %dma_start3A_57 = tpu.memref_squeeze %dma_start3A_56 : memref<1x20xi32, #tpu.memory_space<vmem>> -> memref<20xi32, #tpu.memory_space<vmem>>
      %dma_start3A_58 = arith.constant 0 : i32
      %dma_start3A_59 = arith.constant 0 : i32
      %dma_start3A_60 = tpu.memref_slice %arg9[%dma_start3A_58, %dma_start3A_59] : memref<10000x128xf32, #tpu.memory_space<vmem_shared>> -> memref<10000x128xf32, #tpu.memory_space<vmem_shared>>
      tpu.enqueue_indirect_dma source(%dma_start3A_60 : memref<10000x128xf32, #tpu.memory_space<vmem_shared>>) target(%dma_start3A_54 : memref<20x128xf32, #tpu.memory_space<vmem>>) offsets(%dma_start3A_57 : memref<20xi32, #tpu.memory_space<vmem>>) semaphore(%arg10 : memref<!tpu.dma_semaphore, #tpu.memory_space<semaphore_mem>>)
      %dma_start3A_61 = arith.constant 3 : i32
      %dma_start3A_62 = arith.constant 60 : i32
      %dma_start3A_63 = arith.constant 0 : i32
      %dma_start3A_64 = tpu.memref_slice %arg5[%dma_start3A_62, %dma_start3A_63] : memref<160x128xf32, #tpu.memory_space<vmem>> -> memref<20x128xf32, #tpu.memory_space<vmem>>
      %dma_start3A_65 = arith.constant 0 : i32
      %dma_start3A_66 = tpu.memref_slice %arg7[%dma_start3A_61, %dma_start3A_65] : memref<8x20xi32, #tpu.memory_space<vmem>> -> memref<1x20xi32, #tpu.memory_space<vmem>>
      %dma_start3A_67 = tpu.memref_squeeze %dma_start3A_66 : memref<1x20xi32, #tpu.memory_space<vmem>> -> memref<20xi32, #tpu.memory_space<vmem>>
      %dma_start3A_68 = arith.constant 0 : i32
      %dma_start3A_69 = arith.constant 0 : i32
      %dma_start3A_70 = tpu.memref_slice %arg9[%dma_start3A_68, %dma_start3A_69] : memref<10000x128xf32, #tpu.memory_space<vmem_shared>> -> memref<10000x128xf32, #tpu.memory_space<vmem_shared>>
      tpu.enqueue_indirect_dma source(%dma_start3A_70 : memref<10000x128xf32, #tpu.memory_space<vmem_shared>>) target(%dma_start3A_64 : memref<20x128xf32, #tpu.memory_space<vmem>>) offsets(%dma_start3A_67 : memref<20xi32, #tpu.memory_space<vmem>>) semaphore(%arg10 : memref<!tpu.dma_semaphore, #tpu.memory_space<semaphore_mem>>)
      %dma_start3A_71 = arith.constant 4 : i32
      %dma_start3A_72 = arith.constant 80 : i32
      %dma_start3A_73 = arith.constant 0 : i32
      %dma_start3A_74 = tpu.memref_slice %arg5[%dma_start3A_72, %dma_start3A_73] : memref<160x128xf32, #tpu.memory_space<vmem>> -> memref<20x128xf32, #tpu.memory_space<vmem>>
      %dma_start3A_75 = arith.constant 0 : i32
      %dma_start3A_76 = tpu.memref_slice %arg7[%dma_start3A_71, %dma_start3A_75] : memref<8x20xi32, #tpu.memory_space<vmem>> -> memref<1x20xi32, #tpu.memory_space<vmem>>
      %dma_start3A_77 = tpu.memref_squeeze %dma_start3A_76 : memref<1x20xi32, #tpu.memory_space<vmem>> -> memref<20xi32, #tpu.memory_space<vmem>>
      %dma_start3A_78 = arith.constant 0 : i32
      %dma_start3A_79 = arith.constant 0 : i32
      %dma_start3A_80 = tpu.memref_slice %arg9[%dma_start3A_78, %dma_start3A_79] : memref<10000x128xf32, #tpu.memory_space<vmem_shared>> -> memref<10000x128xf32, #tpu.memory_space<vmem_shared>>
      tpu.enqueue_indirect_dma source(%dma_start3A_80 : memref<10000x128xf32, #tpu.memory_space<vmem_shared>>) target(%dma_start3A_74 : memref<20x128xf32, #tpu.memory_space<vmem>>) offsets(%dma_start3A_77 : memref<20xi32, #tpu.memory_space<vmem>>) semaphore(%arg10 : memref<!tpu.dma_semaphore, #tpu.memory_space<semaphore_mem>>)
      %dma_start3A_81 = arith.constant 5 : i32
      %dma_start3A_82 = arith.constant 100 : i32
      %dma_start3A_83 = arith.constant 0 : i32
      %dma_start3A_84 = tpu.memref_slice %arg5[%dma_start3A_82, %dma_start3A_83] : memref<160x128xf32, #tpu.memory_space<vmem>> -> memref<20x128xf32, #tpu.memory_space<vmem>>
      %dma_start3A_85 = arith.constant 0 : i32
      %dma_start3A_86 = tpu.memref_slice %arg7[%dma_start3A_81, %dma_start3A_85] : memref<8x20xi32, #tpu.memory_space<vmem>> -> memref<1x20xi32, #tpu.memory_space<vmem>>
      %dma_start3A_87 = tpu.memref_squeeze %dma_start3A_86 : memref<1x20xi32, #tpu.memory_space<vmem>> -> memref<20xi32, #tpu.memory_space<vmem>>
      %dma_start3A_88 = arith.constant 0 : i32
      %dma_start3A_89 = arith.constant 0 : i32
      %dma_start3A_90 = tpu.memref_slice %arg9[%dma_start3A_88, %dma_start3A_89] : memref<10000x128xf32, #tpu.memory_space<vmem_shared>> -> memref<10000x128xf32, #tpu.memory_space<vmem_shared>>
      tpu.enqueue_indirect_dma source(%dma_start3A_90 : memref<10000x128xf32, #tpu.memory_space<vmem_shared>>) target(%dma_start3A_84 : memref<20x128xf32, #tpu.memory_space<vmem>>) offsets(%dma_start3A_87 : memref<20xi32, #tpu.memory_space<vmem>>) semaphore(%arg10 : memref<!tpu.dma_semaphore, #tpu.memory_space<semaphore_mem>>)
      %dma_start3A_91 = arith.constant 6 : i32
      %dma_start3A_92 = arith.constant 120 : i32
      %dma_start3A_93 = arith.constant 0 : i32
      %dma_start3A_94 = tpu.memref_slice %arg5[%dma_start3A_92, %dma_start3A_93] : memref<160x128xf32, #tpu.memory_space<vmem>> -> memref<20x128xf32, #tpu.memory_space<vmem>>
      %dma_start3A_95 = arith.constant 0 : i32
      %dma_start3A_96 = tpu.memref_slice %arg7[%dma_start3A_91, %dma_start3A_95] : memref<8x20xi32, #tpu.memory_space<vmem>> -> memref<1x20xi32, #tpu.memory_space<vmem>>
      %dma_start3A_97 = tpu.memref_squeeze %dma_start3A_96 : memref<1x20xi32, #tpu.memory_space<vmem>> -> memref<20xi32, #tpu.memory_space<vmem>>
      %dma_start3A_98 = arith.constant 0 : i32
      %dma_start3A_99 = arith.constant 0 : i32
      %dma_start3A_100 = tpu.memref_slice %arg9[%dma_start3A_98, %dma_start3A_99] : memref<10000x128xf32, #tpu.memory_space<vmem_shared>> -> memref<10000x128xf32, #tpu.memory_space<vmem_shared>>
      tpu.enqueue_indirect_dma source(%dma_start3A_100 : memref<10000x128xf32, #tpu.memory_space<vmem_shared>>) target(%dma_start3A_94 : memref<20x128xf32, #tpu.memory_space<vmem>>) offsets(%dma_start3A_97 : memref<20xi32, #tpu.memory_space<vmem>>) semaphore(%arg10 : memref<!tpu.dma_semaphore, #tpu.memory_space<semaphore_mem>>)
      %dma_start3A_101 = arith.constant 7 : i32
      %dma_start3A_102 = arith.constant 140 : i32
      %dma_start3A_103 = arith.constant 0 : i32
      %dma_start3A_104 = tpu.memref_slice %arg5[%dma_start3A_102, %dma_start3A_103] : memref<160x128xf32, #tpu.memory_space<vmem>> -> memref<20x128xf32, #tpu.memory_space<vmem>>
      %dma_start3A_105 = arith.constant 0 : i32
      %dma_start3A_106 = tpu.memref_slice %arg7[%dma_start3A_101, %dma_start3A_105] : memref<8x20xi32, #tpu.memory_space<vmem>> -> memref<1x20xi32, #tpu.memory_space<vmem>>
      %dma_start3A_107 = tpu.memref_squeeze %dma_start3A_106 : memref<1x20xi32, #tpu.memory_space<vmem>> -> memref<20xi32, #tpu.memory_space<vmem>>
      %dma_start3A_108 = arith.constant 0 : i32
      %dma_start3A_109 = arith.constant 0 : i32
      %dma_start3A_110 = tpu.memref_slice %arg9[%dma_start3A_108, %dma_start3A_109] : memref<10000x128xf32, #tpu.memory_space<vmem_shared>> -> memref<10000x128xf32, #tpu.memory_space<vmem_shared>>
      tpu.enqueue_indirect_dma source(%dma_start3A_110 : memref<10000x128xf32, #tpu.memory_space<vmem_shared>>) target(%dma_start3A_104 : memref<20x128xf32, #tpu.memory_space<vmem>>) offsets(%dma_start3A_107 : memref<20xi32, #tpu.memory_space<vmem>>) semaphore(%arg10 : memref<!tpu.dma_semaphore, #tpu.memory_space<semaphore_mem>>)
      %dma_wait3A_111 = arith.constant 0 : i32
      %dma_wait3A_112 = arith.constant 0 : i32
      %dma_wait3A_113 = arith.constant 0 : i32
      %dma_wait3A_114 = tpu.memref_slice %arg5[%dma_wait3A_112, %dma_wait3A_113] : memref<160x128xf32, #tpu.memory_space<vmem>> -> memref<20x128xf32, #tpu.memory_space<vmem>>
      %dma_wait3A_115 = arith.constant 0 : i32
      %dma_wait3A_116 = tpu.memref_slice %arg7[%dma_wait3A_111, %dma_wait3A_115] : memref<8x20xi32, #tpu.memory_space<vmem>> -> memref<1x20xi32, #tpu.memory_space<vmem>>
      %dma_wait3A_117 = tpu.memref_squeeze %dma_wait3A_116 : memref<1x20xi32, #tpu.memory_space<vmem>> -> memref<20xi32, #tpu.memory_space<vmem>>
      %dma_wait3A_118 = arith.constant 0 : i32
      %dma_wait3A_119 = arith.constant 0 : i32
      %dma_wait3A_120 = tpu.memref_slice %arg9[%dma_wait3A_118, %dma_wait3A_119] : memref<10000x128xf32, #tpu.memory_space<vmem_shared>> -> memref<10000x128xf32, #tpu.memory_space<vmem_shared>>
      tpu.wait_indirect_dma semaphore(%arg10 : memref<!tpu.dma_semaphore, #tpu.memory_space<semaphore_mem>>) src(%dma_wait3A_120 : memref<10000x128xf32, #tpu.memory_space<vmem_shared>>) dst(%dma_wait3A_114 : memref<20x128xf32, #tpu.memory_space<vmem>>)
      %dma_wait3A_121 = arith.constant 1 : i32
      %dma_wait3A_122 = arith.constant 20 : i32
      %dma_wait3A_123 = arith.constant 0 : i32
      %dma_wait3A_124 = tpu.memref_slice %arg5[%dma_wait3A_122, %dma_wait3A_123] : memref<160x128xf32, #tpu.memory_space<vmem>> -> memref<20x128xf32, #tpu.memory_space<vmem>>
      %dma_wait3A_125 = arith.constant 0 : i32
      %dma_wait3A_126 = tpu.memref_slice %arg7[%dma_wait3A_121, %dma_wait3A_125] : memref<8x20xi32, #tpu.memory_space<vmem>> -> memref<1x20xi32, #tpu.memory_space<vmem>>
      %dma_wait3A_127 = tpu.memref_squeeze %dma_wait3A_126 : memref<1x20xi32, #tpu.memory_space<vmem>> -> memref<20xi32, #tpu.memory_space<vmem>>
      %dma_wait3A_128 = arith.constant 0 : i32
      %dma_wait3A_129 = arith.constant 0 : i32
      %dma_wait3A_130 = tpu.memref_slice %arg9[%dma_wait3A_128, %dma_wait3A_129] : memref<10000x128xf32, #tpu.memory_space<vmem_shared>> -> memref<10000x128xf32, #tpu.memory_space<vmem_shared>>
      tpu.wait_indirect_dma semaphore(%arg10 : memref<!tpu.dma_semaphore, #tpu.memory_space<semaphore_mem>>) src(%dma_wait3A_130 : memref<10000x128xf32, #tpu.memory_space<vmem_shared>>) dst(%dma_wait3A_124 : memref<20x128xf32, #tpu.memory_space<vmem>>)
      %dma_wait3A_131 = arith.constant 2 : i32
      %dma_wait3A_132 = arith.constant 40 : i32
      %dma_wait3A_133 = arith.constant 0 : i32
      %dma_wait3A_134 = tpu.memref_slice %arg5[%dma_wait3A_132, %dma_wait3A_133] : memref<160x128xf32, #tpu.memory_space<vmem>> -> memref<20x128xf32, #tpu.memory_space<vmem>>
      %dma_wait3A_135 = arith.constant 0 : i32
      %dma_wait3A_136 = tpu.memref_slice %arg7[%dma_wait3A_131, %dma_wait3A_135] : memref<8x20xi32, #tpu.memory_space<vmem>> -> memref<1x20xi32, #tpu.memory_space<vmem>>
      %dma_wait3A_137 = tpu.memref_squeeze %dma_wait3A_136 : memref<1x20xi32, #tpu.memory_space<vmem>> -> memref<20xi32, #tpu.memory_space<vmem>>
      %dma_wait3A_138 = arith.constant 0 : i32
      %dma_wait3A_139 = arith.constant 0 : i32
      %dma_wait3A_140 = tpu.memref_slice %arg9[%dma_wait3A_138, %dma_wait3A_139] : memref<10000x128xf32, #tpu.memory_space<vmem_shared>> -> memref<10000x128xf32, #tpu.memory_space<vmem_shared>>
      tpu.wait_indirect_dma semaphore(%arg10 : memref<!tpu.dma_semaphore, #tpu.memory_space<semaphore_mem>>) src(%dma_wait3A_140 : memref<10000x128xf32, #tpu.memory_space<vmem_shared>>) dst(%dma_wait3A_134 : memref<20x128xf32, #tpu.memory_space<vmem>>)
      %dma_wait3A_141 = arith.constant 3 : i32
      %dma_wait3A_142 = arith.constant 60 : i32
      %dma_wait3A_143 = arith.constant 0 : i32
      %dma_wait3A_144 = tpu.memref_slice %arg5[%dma_wait3A_142, %dma_wait3A_143] : memref<160x128xf32, #tpu.memory_space<vmem>> -> memref<20x128xf32, #tpu.memory_space<vmem>>
      %dma_wait3A_145 = arith.constant 0 : i32
      %dma_wait3A_146 = tpu.memref_slice %arg7[%dma_wait3A_141, %dma_wait3A_145] : memref<8x20xi32, #tpu.memory_space<vmem>> -> memref<1x20xi32, #tpu.memory_space<vmem>>
      %dma_wait3A_147 = tpu.memref_squeeze %dma_wait3A_146 : memref<1x20xi32, #tpu.memory_space<vmem>> -> memref<20xi32, #tpu.memory_space<vmem>>
      %dma_wait3A_148 = arith.constant 0 : i32
      %dma_wait3A_149 = arith.constant 0 : i32
      %dma_wait3A_150 = tpu.memref_slice %arg9[%dma_wait3A_148, %dma_wait3A_149] : memref<10000x128xf32, #tpu.memory_space<vmem_shared>> -> memref<10000x128xf32, #tpu.memory_space<vmem_shared>>
      tpu.wait_indirect_dma semaphore(%arg10 : memref<!tpu.dma_semaphore, #tpu.memory_space<semaphore_mem>>) src(%dma_wait3A_150 : memref<10000x128xf32, #tpu.memory_space<vmem_shared>>) dst(%dma_wait3A_144 : memref<20x128xf32, #tpu.memory_space<vmem>>)
      %dma_wait3A_151 = arith.constant 4 : i32
      %dma_wait3A_152 = arith.constant 80 : i32
      %dma_wait3A_153 = arith.constant 0 : i32
      %dma_wait3A_154 = tpu.memref_slice %arg5[%dma_wait3A_152, %dma_wait3A_153] : memref<160x128xf32, #tpu.memory_space<vmem>> -> memref<20x128xf32, #tpu.memory_space<vmem>>
      %dma_wait3A_155 = arith.constant 0 : i32
      %dma_wait3A_156 = tpu.memref_slice %arg7[%dma_wait3A_151, %dma_wait3A_155] : memref<8x20xi32, #tpu.memory_space<vmem>> -> memref<1x20xi32, #tpu.memory_space<vmem>>
      %dma_wait3A_157 = tpu.memref_squeeze %dma_wait3A_156 : memref<1x20xi32, #tpu.memory_space<vmem>> -> memref<20xi32, #tpu.memory_space<vmem>>
      %dma_wait3A_158 = arith.constant 0 : i32
      %dma_wait3A_159 = arith.constant 0 : i32
      %dma_wait3A_160 = tpu.memref_slice %arg9[%dma_wait3A_158, %dma_wait3A_159] : memref<10000x128xf32, #tpu.memory_space<vmem_shared>> -> memref<10000x128xf32, #tpu.memory_space<vmem_shared>>
      tpu.wait_indirect_dma semaphore(%arg10 : memref<!tpu.dma_semaphore, #tpu.memory_space<semaphore_mem>>) src(%dma_wait3A_160 : memref<10000x128xf32, #tpu.memory_space<vmem_shared>>) dst(%dma_wait3A_154 : memref<20x128xf32, #tpu.memory_space<vmem>>)
      %dma_wait3A_161 = arith.constant 5 : i32
      %dma_wait3A_162 = arith.constant 100 : i32
      %dma_wait3A_163 = arith.constant 0 : i32
      %dma_wait3A_164 = tpu.memref_slice %arg5[%dma_wait3A_162, %dma_wait3A_163] : memref<160x128xf32, #tpu.memory_space<vmem>> -> memref<20x128xf32, #tpu.memory_space<vmem>>
      %dma_wait3A_165 = arith.constant 0 : i32
      %dma_wait3A_166 = tpu.memref_slice %arg7[%dma_wait3A_161, %dma_wait3A_165] : memref<8x20xi32, #tpu.memory_space<vmem>> -> memref<1x20xi32, #tpu.memory_space<vmem>>
      %dma_wait3A_167 = tpu.memref_squeeze %dma_wait3A_166 : memref<1x20xi32, #tpu.memory_space<vmem>> -> memref<20xi32, #tpu.memory_space<vmem>>
      %dma_wait3A_168 = arith.constant 0 : i32
      %dma_wait3A_169 = arith.constant 0 : i32
      %dma_wait3A_170 = tpu.memref_slice %arg9[%dma_wait3A_168, %dma_wait3A_169] : memref<10000x128xf32, #tpu.memory_space<vmem_shared>> -> memref<10000x128xf32, #tpu.memory_space<vmem_shared>>
      tpu.wait_indirect_dma semaphore(%arg10 : memref<!tpu.dma_semaphore, #tpu.memory_space<semaphore_mem>>) src(%dma_wait3A_170 : memref<10000x128xf32, #tpu.memory_space<vmem_shared>>) dst(%dma_wait3A_164 : memref<20x128xf32, #tpu.memory_space<vmem>>)
      %dma_wait3A_171 = arith.constant 6 : i32
      %dma_wait3A_172 = arith.constant 120 : i32
      %dma_wait3A_173 = arith.constant 0 : i32
      %dma_wait3A_174 = tpu.memref_slice %arg5[%dma_wait3A_172, %dma_wait3A_173] : memref<160x128xf32, #tpu.memory_space<vmem>> -> memref<20x128xf32, #tpu.memory_space<vmem>>
      %dma_wait3A_175 = arith.constant 0 : i32
      %dma_wait3A_176 = tpu.memref_slice %arg7[%dma_wait3A_171, %dma_wait3A_175] : memref<8x20xi32, #tpu.memory_space<vmem>> -> memref<1x20xi32, #tpu.memory_space<vmem>>
      %dma_wait3A_177 = tpu.memref_squeeze %dma_wait3A_176 : memref<1x20xi32, #tpu.memory_space<vmem>> -> memref<20xi32, #tpu.memory_space<vmem>>
      %dma_wait3A_178 = arith.constant 0 : i32
      %dma_wait3A_179 = arith.constant 0 : i32
      %dma_wait3A_180 = tpu.memref_slice %arg9[%dma_wait3A_178, %dma_wait3A_179] : memref<10000x128xf32, #tpu.memory_space<vmem_shared>> -> memref<10000x128xf32, #tpu.memory_space<vmem_shared>>
      tpu.wait_indirect_dma semaphore(%arg10 : memref<!tpu.dma_semaphore, #tpu.memory_space<semaphore_mem>>) src(%dma_wait3A_180 : memref<10000x128xf32, #tpu.memory_space<vmem_shared>>) dst(%dma_wait3A_174 : memref<20x128xf32, #tpu.memory_space<vmem>>)
      %dma_wait3A_181 = arith.constant 7 : i32
      %dma_wait3A_182 = arith.constant 140 : i32
      %dma_wait3A_183 = arith.constant 0 : i32
      %dma_wait3A_184 = tpu.memref_slice %arg5[%dma_wait3A_182, %dma_wait3A_183] : memref<160x128xf32, #tpu.memory_space<vmem>> -> memref<20x128xf32, #tpu.memory_space<vmem>>
      %dma_wait3A_185 = arith.constant 0 : i32
      %dma_wait3A_186 = tpu.memref_slice %arg7[%dma_wait3A_181, %dma_wait3A_185] : memref<8x20xi32, #tpu.memory_space<vmem>> -> memref<1x20xi32, #tpu.memory_space<vmem>>
      %dma_wait3A_187 = tpu.memref_squeeze %dma_wait3A_186 : memref<1x20xi32, #tpu.memory_space<vmem>> -> memref<20xi32, #tpu.memory_space<vmem>>
      %dma_wait3A_188 = arith.constant 0 : i32
      %dma_wait3A_189 = arith.constant 0 : i32
      %dma_wait3A_190 = tpu.memref_slice %arg9[%dma_wait3A_188, %dma_wait3A_189] : memref<10000x128xf32, #tpu.memory_space<vmem_shared>> -> memref<10000x128xf32, #tpu.memory_space<vmem_shared>>
      tpu.wait_indirect_dma semaphore(%arg10 : memref<!tpu.dma_semaphore, #tpu.memory_space<semaphore_mem>>) src(%dma_wait3A_190 : memref<10000x128xf32, #tpu.memory_space<vmem_shared>>) dst(%dma_wait3A_184 : memref<20x128xf32, #tpu.memory_space<vmem>>)
      %add3A_191 = arith.constant 1984 : i32
      %add3A_192 = arith.addi %add3A, %add3A_191 : i32
      %mul3A_193 = arith.constant 160 : i32
      %mul3A_194 = arith.muli %add3A_192, %mul3A_193 : i32
      %multiple_of3A_195 = tpu.assume_multiple %mul3A_194, 160 : i32
      %dma_start3A_196 = arith.constant 0 : i32
      %dma_start3A_197 = tpu.memref_slice %arg4[%multiple_of3A_195, %dma_start3A_196] : memref<320000x128xf32, #tpu.memory_space<hbm>> -> memref<160x128xf32, #tpu.memory_space<hbm>>
      %dma_start3A_198 = arith.constant 0 : i32
      %dma_start3A_199 = tpu.memref_slice %arg4[%multiple_of3A_195, %dma_start3A_198] : memref<320000x128xf32, #tpu.memory_space<hbm>> -> memref<160x128xf32, #tpu.memory_space<hbm>>
      tpu.enqueue_dma source(%arg5 : memref<160x128xf32, #tpu.memory_space<vmem>>) target(%dma_start3A_199 : memref<160x128xf32, #tpu.memory_space<hbm>>) target_semaphore(%arg12 : memref<!tpu.dma_semaphore, #tpu.memory_space<semaphore_mem>>)
    } else {
    }
    %dma_wait3A = arith.constant 0 : i32
    %dma_wait3A_10 = arith.constant 0 : i32
    %dma_wait3A_11 = tpu.memref_slice %arg4[%dma_wait3A, %dma_wait3A_10] : memref<320000x128xf32, #tpu.memory_space<hbm>> -> memref<160x128xf32, #tpu.memory_space<hbm>>
    %dma_wait3A_12 = arith.constant 0 : i32
    %dma_wait3A_13 = arith.constant 0 : i32
    %dma_wait3A_14 = tpu.memref_slice %arg4[%dma_wait3A_12, %dma_wait3A_13] : memref<320000x128xf32, #tpu.memory_space<hbm>> -> memref<160x128xf32, #tpu.memory_space<hbm>>
    tpu.wait_dma2 semaphore(%arg12 : memref<!tpu.dma_semaphore, #tpu.memory_space<semaphore_mem>>) src(%arg5 : memref<160x128xf32, #tpu.memory_space<vmem>>) dst(%dma_wait3A_14 : memref<160x128xf32, #tpu.memory_space<hbm>>)
    %dma_wait3A_15 = arith.constant 0 : i32
    %dma_wait3A_16 = arith.constant 0 : i32
    %dma_wait3A_17 = tpu.memref_slice %arg4[%dma_wait3A_15, %dma_wait3A_16] : memref<320000x128xf32, #tpu.memory_space<hbm>> -> memref<160x128xf32, #tpu.memory_space<hbm>>
    %dma_wait3A_18 = arith.constant 0 : i32
    %dma_wait3A_19 = arith.constant 0 : i32
    %dma_wait3A_20 = tpu.memref_slice %arg4[%dma_wait3A_18, %dma_wait3A_19] : memref<320000x128xf32, #tpu.memory_space<hbm>> -> memref<160x128xf32, #tpu.memory_space<hbm>>
    tpu.wait_dma2 semaphore(%arg13 : memref<!tpu.dma_semaphore, #tpu.memory_space<semaphore_mem>>) src(%arg6 : memref<160x128xf32, #tpu.memory_space<vmem>>) dst(%dma_wait3A_20 : memref<160x128xf32, #tpu.memory_space<hbm>>)
    return
  }
}

#map = affine_map<(d0, d1) -> (0, 0)>
module attributes {stable_mosaic.version = 14 : i64} {
  func.func @body(%arg0: i32, %arg1: i32, %arg2: memref<160000x128xf32, #tpu.memory_space<hbm>>, %arg3: memref<160000x128xf32, #tpu.memory_space<hbm>>, %arg4: memref<16000x20xi32, #tpu.memory_space<hbm>>, %arg5: memref<640x128xf32, #tpu.memory_space<hbm>>, %arg6: memref<10000x128xf32, #tpu.memory_space<hbm>>, %arg7: memref<10000x128xf32, #tpu.memory_space<hbm>>, %arg8: memref<160x128xf32, #tpu.memory_space<vmem>>, %arg9: memref<160x128xf32, #tpu.memory_space<vmem>>, %arg10: memref<8x20xi32, #tpu.memory_space<vmem>>, %arg11: memref<8x20xi32, #tpu.memory_space<vmem>>, %arg12: memref<10000x128xf32, #tpu.memory_space<vmem_shared>>, %arg13: memref<!tpu.dma_semaphore, #tpu.memory_space<semaphore_mem>>, %arg14: memref<!tpu.dma_semaphore, #tpu.memory_space<semaphore_mem>>, %arg15: memref<!tpu.dma_semaphore, #tpu.memory_space<semaphore_mem>>, %arg16: memref<!tpu.dma_semaphore, #tpu.memory_space<semaphore_mem>>) attributes {dimension_semantics = [#tpu.dimension_semantics<core_parallel>, #tpu.dimension_semantics<subcore_parallel>], iteration_bounds = array<i64: 2, 16>, scalar_prefetch = 0 : i64, scratch_operands = 9 : i64, tpu.core_type = #tpu.core_type<sc_vector_subcore>, window_params = [{transform_indices = #map}, {transform_indices = #map}, {transform_indices = #map}, {transform_indices = #map}, {transform_indices = #map}, {transform_indices = #map}]} {
    %mul3A = arith.constant 624 : i32
    %mul3A_0 = arith.muli %arg1, %mul3A : i32
    %multiple_of3A = tpu.assume_multiple %mul3A_0, 8 : i32
    "tpu.region"() ({
      %run_scoped3A = tpu.sem_alloc : memref<!tpu.dma_semaphore, #tpu.memory_space<semaphore_mem>>
      %dma_start3A = arith.constant 0 : i32
      %dma_start3A_19 = tpu.memref_slice %arg12[%multiple_of3A, %dma_start3A] : memref<10000x128xf32, #tpu.memory_space<vmem_shared>> -> memref<640x128xf32, #tpu.memory_space<vmem_shared>>
      tpu.enqueue_dma source(%arg5 : memref<640x128xf32, #tpu.memory_space<hbm>>) target(%dma_start3A_19 : memref<640x128xf32, #tpu.memory_space<vmem_shared>>) target_semaphore(%run_scoped3A : memref<!tpu.dma_semaphore, #tpu.memory_space<semaphore_mem>>)
      %dma_wait3A = arith.constant 0 : i32
      %dma_wait3A_20 = tpu.memref_slice %arg12[%multiple_of3A, %dma_wait3A] : memref<10000x128xf32, #tpu.memory_space<vmem_shared>> -> memref<640x128xf32, #tpu.memory_space<vmem_shared>>
      tpu.wait_dma2 semaphore(%run_scoped3A : memref<!tpu.dma_semaphore, #tpu.memory_space<semaphore_mem>>) src(%arg5 : memref<640x128xf32, #tpu.memory_space<hbm>>) dst(%dma_wait3A_20 : memref<640x128xf32, #tpu.memory_space<vmem_shared>>)
      tpu.yield
    }) : () -> ()
    %barrier3A = arith.constant 0 : index
    tpu.barrier barrier_id(%barrier3A)
    %eq3A = arith.constant 0 : i32
    %eq3A_1 = arith.cmpi eq, %arg0, %eq3A : i32
    %convert_element_type3A = arith.extui %eq3A_1 : i1 to i32
    %cond3A = arith.constant 0 : i32
    %cond3A_2 = arith.cmpi ne, %convert_element_type3A, %cond3A : i32
    scf.if %cond3A_2 {
      %scan3A = arith.constant 0 : i32
      %scan3A_19 = arith.constant 0 : i32
      %scan3A_20 = arith.constant 31 : i32
      %scan3A_21 = arith.addi %scan3A_19, %scan3A_20 : i32
      %scan3A_22 = arith.constant 1 : i32
      scf.for %scan3A_39 = %scan3A_19 to %scan3A_21 step %scan3A_22  : i32 {
        %mul3A_40 = arith.constant 2 : i32
        %mul3A_41 = arith.muli %scan3A_39, %mul3A_40 : i32
        %gt3A = arith.constant 0 : i32
        %gt3A_42 = arith.cmpi sgt, %scan3A_39, %gt3A : i32
        %convert_element_type3A_43 = arith.extui %gt3A_42 : i1 to i32
        %cond3A_44 = arith.constant 0 : i32
        %cond3A_45 = arith.cmpi ne, %convert_element_type3A_43, %cond3A_44 : i32
        scf.if %cond3A_45 {
          %dma_wait3A_265 = arith.constant 0 : i32
          %dma_wait3A_266 = arith.constant 0 : i32
          %dma_wait3A_267 = tpu.memref_slice %arg5[%dma_wait3A_265, %dma_wait3A_266] : memref<640x128xf32, #tpu.memory_space<hbm>> -> memref<160x128xf32, #tpu.memory_space<hbm>>
          %dma_wait3A_268 = arith.constant 0 : i32
          %dma_wait3A_269 = arith.constant 0 : i32
          %dma_wait3A_270 = tpu.memref_slice %arg5[%dma_wait3A_268, %dma_wait3A_269] : memref<640x128xf32, #tpu.memory_space<hbm>> -> memref<160x128xf32, #tpu.memory_space<hbm>>
          tpu.wait_dma2 semaphore(%arg15 : memref<!tpu.dma_semaphore, #tpu.memory_space<semaphore_mem>>) src(%dma_wait3A_270 : memref<160x128xf32, #tpu.memory_space<hbm>>) dst(%arg8 : memref<160x128xf32, #tpu.memory_space<vmem>>)
        } else {
        }
        %mul3A_46 = arith.constant 16 : i32
        %mul3A_47 = arith.muli %mul3A_41, %mul3A_46 : i32
        %add3A = arith.addi %arg1, %mul3A_47 : i32
        %mul3A_48 = arith.constant 160 : i32
        %mul3A_49 = arith.muli %add3A, %mul3A_48 : i32
        %multiple_of3A_50 = tpu.assume_multiple %mul3A_49, 160 : i32
        %mul3A_51 = arith.constant 8 : i32
        %mul3A_52 = arith.muli %add3A, %mul3A_51 : i32
        %add3A_53 = arith.constant 8000 : i32
        %add3A_54 = arith.addi %add3A_53, %mul3A_52 : i32
        %multiple_of3A_55 = tpu.assume_multiple %add3A_54, 8 : i32
        %dma_start3A = arith.constant 0 : i32
        %dma_start3A_56 = tpu.memref_slice %arg2[%multiple_of3A_50, %dma_start3A] : memref<160000x128xf32, #tpu.memory_space<hbm>> -> memref<160x128xf32, #tpu.memory_space<hbm>>
        %dma_start3A_57 = arith.constant 0 : i32
        %dma_start3A_58 = tpu.memref_slice %arg2[%multiple_of3A_50, %dma_start3A_57] : memref<160000x128xf32, #tpu.memory_space<hbm>> -> memref<160x128xf32, #tpu.memory_space<hbm>>
        tpu.enqueue_dma source(%dma_start3A_58 : memref<160x128xf32, #tpu.memory_space<hbm>>) target(%arg8 : memref<160x128xf32, #tpu.memory_space<vmem>>) target_semaphore(%arg13 : memref<!tpu.dma_semaphore, #tpu.memory_space<semaphore_mem>>)
        %dma_start3A_59 = arith.constant 0 : i32
        %dma_start3A_60 = tpu.memref_slice %arg4[%multiple_of3A_55, %dma_start3A_59] : memref<16000x20xi32, #tpu.memory_space<hbm>> -> memref<8x20xi32, #tpu.memory_space<hbm>>
        %dma_start3A_61 = arith.constant 0 : i32
        %dma_start3A_62 = tpu.memref_slice %arg4[%multiple_of3A_55, %dma_start3A_61] : memref<16000x20xi32, #tpu.memory_space<hbm>> -> memref<8x20xi32, #tpu.memory_space<hbm>>
        tpu.enqueue_dma source(%dma_start3A_62 : memref<8x20xi32, #tpu.memory_space<hbm>>) target(%arg10 : memref<8x20xi32, #tpu.memory_space<vmem>>) target_semaphore(%arg13 : memref<!tpu.dma_semaphore, #tpu.memory_space<semaphore_mem>>)
        %gt3A_63 = arith.constant 0 : i32
        %gt3A_64 = arith.cmpi sgt, %scan3A_39, %gt3A_63 : i32
        %convert_element_type3A_65 = arith.extui %gt3A_64 : i1 to i32
        %cond3A_66 = arith.constant 0 : i32
        %cond3A_67 = arith.cmpi ne, %convert_element_type3A_65, %cond3A_66 : i32
        scf.if %cond3A_67 {
          %dma_wait3A_265 = arith.constant 0 : i32
          %dma_wait3A_266 = arith.constant 0 : i32
          %dma_wait3A_267 = tpu.memref_slice %arg5[%dma_wait3A_265, %dma_wait3A_266] : memref<640x128xf32, #tpu.memory_space<hbm>> -> memref<160x128xf32, #tpu.memory_space<hbm>>
          %dma_wait3A_268 = arith.constant 0 : i32
          %dma_wait3A_269 = arith.constant 0 : i32
          %dma_wait3A_270 = tpu.memref_slice %arg5[%dma_wait3A_268, %dma_wait3A_269] : memref<640x128xf32, #tpu.memory_space<hbm>> -> memref<160x128xf32, #tpu.memory_space<hbm>>
          tpu.wait_dma2 semaphore(%arg16 : memref<!tpu.dma_semaphore, #tpu.memory_space<semaphore_mem>>) src(%dma_wait3A_270 : memref<160x128xf32, #tpu.memory_space<hbm>>) dst(%arg9 : memref<160x128xf32, #tpu.memory_space<vmem>>)
        } else {
        }
        %add3A_68 = arith.constant 1 : i32
        %add3A_69 = arith.addi %mul3A_41, %add3A_68 : i32
        %mul3A_70 = arith.constant 16 : i32
        %mul3A_71 = arith.muli %add3A_69, %mul3A_70 : i32
        %add3A_72 = arith.addi %arg1, %mul3A_71 : i32
        %mul3A_73 = arith.constant 160 : i32
        %mul3A_74 = arith.muli %add3A_72, %mul3A_73 : i32
        %multiple_of3A_75 = tpu.assume_multiple %mul3A_74, 160 : i32
        %mul3A_76 = arith.constant 8 : i32
        %mul3A_77 = arith.muli %add3A_72, %mul3A_76 : i32
        %add3A_78 = arith.constant 8000 : i32
        %add3A_79 = arith.addi %add3A_78, %mul3A_77 : i32
        %multiple_of3A_80 = tpu.assume_multiple %add3A_79, 8 : i32
        %dma_start3A_81 = arith.constant 0 : i32
        %dma_start3A_82 = tpu.memref_slice %arg2[%multiple_of3A_75, %dma_start3A_81] : memref<160000x128xf32, #tpu.memory_space<hbm>> -> memref<160x128xf32, #tpu.memory_space<hbm>>
        %dma_start3A_83 = arith.constant 0 : i32
        %dma_start3A_84 = tpu.memref_slice %arg2[%multiple_of3A_75, %dma_start3A_83] : memref<160000x128xf32, #tpu.memory_space<hbm>> -> memref<160x128xf32, #tpu.memory_space<hbm>>
        tpu.enqueue_dma source(%dma_start3A_84 : memref<160x128xf32, #tpu.memory_space<hbm>>) target(%arg9 : memref<160x128xf32, #tpu.memory_space<vmem>>) target_semaphore(%arg14 : memref<!tpu.dma_semaphore, #tpu.memory_space<semaphore_mem>>)
        %dma_start3A_85 = arith.constant 0 : i32
        %dma_start3A_86 = tpu.memref_slice %arg4[%multiple_of3A_80, %dma_start3A_85] : memref<16000x20xi32, #tpu.memory_space<hbm>> -> memref<8x20xi32, #tpu.memory_space<hbm>>
        %dma_start3A_87 = arith.constant 0 : i32
        %dma_start3A_88 = tpu.memref_slice %arg4[%multiple_of3A_80, %dma_start3A_87] : memref<16000x20xi32, #tpu.memory_space<hbm>> -> memref<8x20xi32, #tpu.memory_space<hbm>>
        tpu.enqueue_dma source(%dma_start3A_88 : memref<8x20xi32, #tpu.memory_space<hbm>>) target(%arg11 : memref<8x20xi32, #tpu.memory_space<vmem>>) target_semaphore(%arg14 : memref<!tpu.dma_semaphore, #tpu.memory_space<semaphore_mem>>)
        %dma_wait3A_89 = arith.constant 0 : i32
        %dma_wait3A_90 = tpu.memref_slice %arg2[%multiple_of3A_50, %dma_wait3A_89] : memref<160000x128xf32, #tpu.memory_space<hbm>> -> memref<160x128xf32, #tpu.memory_space<hbm>>
        %dma_wait3A_91 = arith.constant 0 : i32
        %dma_wait3A_92 = tpu.memref_slice %arg2[%multiple_of3A_50, %dma_wait3A_91] : memref<160000x128xf32, #tpu.memory_space<hbm>> -> memref<160x128xf32, #tpu.memory_space<hbm>>
        tpu.wait_dma2 semaphore(%arg13 : memref<!tpu.dma_semaphore, #tpu.memory_space<semaphore_mem>>) src(%dma_wait3A_92 : memref<160x128xf32, #tpu.memory_space<hbm>>) dst(%arg8 : memref<160x128xf32, #tpu.memory_space<vmem>>)
        %dma_wait3A_93 = arith.constant 0 : i32
        %dma_wait3A_94 = tpu.memref_slice %arg4[%multiple_of3A_55, %dma_wait3A_93] : memref<16000x20xi32, #tpu.memory_space<hbm>> -> memref<8x20xi32, #tpu.memory_space<hbm>>
        %dma_wait3A_95 = arith.constant 0 : i32
        %dma_wait3A_96 = tpu.memref_slice %arg4[%multiple_of3A_55, %dma_wait3A_95] : memref<16000x20xi32, #tpu.memory_space<hbm>> -> memref<8x20xi32, #tpu.memory_space<hbm>>
        tpu.wait_dma2 semaphore(%arg13 : memref<!tpu.dma_semaphore, #tpu.memory_space<semaphore_mem>>) src(%dma_wait3A_96 : memref<8x20xi32, #tpu.memory_space<hbm>>) dst(%arg10 : memref<8x20xi32, #tpu.memory_space<vmem>>)
        %dma_start3A_97 = arith.constant 0 : i32
        %dma_start3A_98 = arith.constant 0 : i32
        %dma_start3A_99 = arith.constant 0 : i32
        %dma_start3A_100 = tpu.memref_slice %arg8[%dma_start3A_98, %dma_start3A_99] : memref<160x128xf32, #tpu.memory_space<vmem>> -> memref<20x128xf32, #tpu.memory_space<vmem>>
        %dma_start3A_101 = arith.constant 0 : i32
        %dma_start3A_102 = tpu.memref_slice %arg10[%dma_start3A_97, %dma_start3A_101] : memref<8x20xi32, #tpu.memory_space<vmem>> -> memref<1x20xi32, #tpu.memory_space<vmem>>
        %dma_start3A_103 = tpu.memref_squeeze %dma_start3A_102 : memref<1x20xi32, #tpu.memory_space<vmem>> -> memref<20xi32, #tpu.memory_space<vmem>>
        %dma_start3A_104 = arith.constant 0 : i32
        %dma_start3A_105 = arith.constant 0 : i32
        %dma_start3A_106 = tpu.memref_slice %arg12[%dma_start3A_104, %dma_start3A_105] : memref<10000x128xf32, #tpu.memory_space<vmem_shared>> -> memref<10000x128xf32, #tpu.memory_space<vmem_shared>>
        tpu.enqueue_indirect_dma source(%dma_start3A_100 : memref<20x128xf32, #tpu.memory_space<vmem>>) target(%dma_start3A_106 : memref<10000x128xf32, #tpu.memory_space<vmem_shared>>) offsets(%dma_start3A_103 : memref<20xi32, #tpu.memory_space<vmem>>) semaphore(%arg15 : memref<!tpu.dma_semaphore, #tpu.memory_space<semaphore_mem>>) {add = true}
        %dma_start3A_107 = arith.constant 1 : i32
        %dma_start3A_108 = arith.constant 20 : i32
        %dma_start3A_109 = arith.constant 0 : i32
        %dma_start3A_110 = tpu.memref_slice %arg8[%dma_start3A_108, %dma_start3A_109] : memref<160x128xf32, #tpu.memory_space<vmem>> -> memref<20x128xf32, #tpu.memory_space<vmem>>
        %dma_start3A_111 = arith.constant 0 : i32
        %dma_start3A_112 = tpu.memref_slice %arg10[%dma_start3A_107, %dma_start3A_111] : memref<8x20xi32, #tpu.memory_space<vmem>> -> memref<1x20xi32, #tpu.memory_space<vmem>>
        %dma_start3A_113 = tpu.memref_squeeze %dma_start3A_112 : memref<1x20xi32, #tpu.memory_space<vmem>> -> memref<20xi32, #tpu.memory_space<vmem>>
        %dma_start3A_114 = arith.constant 0 : i32
        %dma_start3A_115 = arith.constant 0 : i32
        %dma_start3A_116 = tpu.memref_slice %arg12[%dma_start3A_114, %dma_start3A_115] : memref<10000x128xf32, #tpu.memory_space<vmem_shared>> -> memref<10000x128xf32, #tpu.memory_space<vmem_shared>>
        tpu.enqueue_indirect_dma source(%dma_start3A_110 : memref<20x128xf32, #tpu.memory_space<vmem>>) target(%dma_start3A_116 : memref<10000x128xf32, #tpu.memory_space<vmem_shared>>) offsets(%dma_start3A_113 : memref<20xi32, #tpu.memory_space<vmem>>) semaphore(%arg15 : memref<!tpu.dma_semaphore, #tpu.memory_space<semaphore_mem>>) {add = true}
        %dma_start3A_117 = arith.constant 2 : i32
        %dma_start3A_118 = arith.constant 40 : i32
        %dma_start3A_119 = arith.constant 0 : i32
        %dma_start3A_120 = tpu.memref_slice %arg8[%dma_start3A_118, %dma_start3A_119] : memref<160x128xf32, #tpu.memory_space<vmem>> -> memref<20x128xf32, #tpu.memory_space<vmem>>
        %dma_start3A_121 = arith.constant 0 : i32
        %dma_start3A_122 = tpu.memref_slice %arg10[%dma_start3A_117, %dma_start3A_121] : memref<8x20xi32, #tpu.memory_space<vmem>> -> memref<1x20xi32, #tpu.memory_space<vmem>>
        %dma_start3A_123 = tpu.memref_squeeze %dma_start3A_122 : memref<1x20xi32, #tpu.memory_space<vmem>> -> memref<20xi32, #tpu.memory_space<vmem>>
        %dma_start3A_124 = arith.constant 0 : i32
        %dma_start3A_125 = arith.constant 0 : i32
        %dma_start3A_126 = tpu.memref_slice %arg12[%dma_start3A_124, %dma_start3A_125] : memref<10000x128xf32, #tpu.memory_space<vmem_shared>> -> memref<10000x128xf32, #tpu.memory_space<vmem_shared>>
        tpu.enqueue_indirect_dma source(%dma_start3A_120 : memref<20x128xf32, #tpu.memory_space<vmem>>) target(%dma_start3A_126 : memref<10000x128xf32, #tpu.memory_space<vmem_shared>>) offsets(%dma_start3A_123 : memref<20xi32, #tpu.memory_space<vmem>>) semaphore(%arg15 : memref<!tpu.dma_semaphore, #tpu.memory_space<semaphore_mem>>) {add = true}
        %dma_start3A_127 = arith.constant 3 : i32
        %dma_start3A_128 = arith.constant 60 : i32
        %dma_start3A_129 = arith.constant 0 : i32
        %dma_start3A_130 = tpu.memref_slice %arg8[%dma_start3A_128, %dma_start3A_129] : memref<160x128xf32, #tpu.memory_space<vmem>> -> memref<20x128xf32, #tpu.memory_space<vmem>>
        %dma_start3A_131 = arith.constant 0 : i32
        %dma_start3A_132 = tpu.memref_slice %arg10[%dma_start3A_127, %dma_start3A_131] : memref<8x20xi32, #tpu.memory_space<vmem>> -> memref<1x20xi32, #tpu.memory_space<vmem>>
        %dma_start3A_133 = tpu.memref_squeeze %dma_start3A_132 : memref<1x20xi32, #tpu.memory_space<vmem>> -> memref<20xi32, #tpu.memory_space<vmem>>
        %dma_start3A_134 = arith.constant 0 : i32
        %dma_start3A_135 = arith.constant 0 : i32
        %dma_start3A_136 = tpu.memref_slice %arg12[%dma_start3A_134, %dma_start3A_135] : memref<10000x128xf32, #tpu.memory_space<vmem_shared>> -> memref<10000x128xf32, #tpu.memory_space<vmem_shared>>
        tpu.enqueue_indirect_dma source(%dma_start3A_130 : memref<20x128xf32, #tpu.memory_space<vmem>>) target(%dma_start3A_136 : memref<10000x128xf32, #tpu.memory_space<vmem_shared>>) offsets(%dma_start3A_133 : memref<20xi32, #tpu.memory_space<vmem>>) semaphore(%arg15 : memref<!tpu.dma_semaphore, #tpu.memory_space<semaphore_mem>>) {add = true}
        %dma_start3A_137 = arith.constant 4 : i32
        %dma_start3A_138 = arith.constant 80 : i32
        %dma_start3A_139 = arith.constant 0 : i32
        %dma_start3A_140 = tpu.memref_slice %arg8[%dma_start3A_138, %dma_start3A_139] : memref<160x128xf32, #tpu.memory_space<vmem>> -> memref<20x128xf32, #tpu.memory_space<vmem>>
        %dma_start3A_141 = arith.constant 0 : i32
        %dma_start3A_142 = tpu.memref_slice %arg10[%dma_start3A_137, %dma_start3A_141] : memref<8x20xi32, #tpu.memory_space<vmem>> -> memref<1x20xi32, #tpu.memory_space<vmem>>
        %dma_start3A_143 = tpu.memref_squeeze %dma_start3A_142 : memref<1x20xi32, #tpu.memory_space<vmem>> -> memref<20xi32, #tpu.memory_space<vmem>>
        %dma_start3A_144 = arith.constant 0 : i32
        %dma_start3A_145 = arith.constant 0 : i32
        %dma_start3A_146 = tpu.memref_slice %arg12[%dma_start3A_144, %dma_start3A_145] : memref<10000x128xf32, #tpu.memory_space<vmem_shared>> -> memref<10000x128xf32, #tpu.memory_space<vmem_shared>>
        tpu.enqueue_indirect_dma source(%dma_start3A_140 : memref<20x128xf32, #tpu.memory_space<vmem>>) target(%dma_start3A_146 : memref<10000x128xf32, #tpu.memory_space<vmem_shared>>) offsets(%dma_start3A_143 : memref<20xi32, #tpu.memory_space<vmem>>) semaphore(%arg15 : memref<!tpu.dma_semaphore, #tpu.memory_space<semaphore_mem>>) {add = true}
        %dma_start3A_147 = arith.constant 5 : i32
        %dma_start3A_148 = arith.constant 100 : i32
        %dma_start3A_149 = arith.constant 0 : i32
        %dma_start3A_150 = tpu.memref_slice %arg8[%dma_start3A_148, %dma_start3A_149] : memref<160x128xf32, #tpu.memory_space<vmem>> -> memref<20x128xf32, #tpu.memory_space<vmem>>
        %dma_start3A_151 = arith.constant 0 : i32
        %dma_start3A_152 = tpu.memref_slice %arg10[%dma_start3A_147, %dma_start3A_151] : memref<8x20xi32, #tpu.memory_space<vmem>> -> memref<1x20xi32, #tpu.memory_space<vmem>>
        %dma_start3A_153 = tpu.memref_squeeze %dma_start3A_152 : memref<1x20xi32, #tpu.memory_space<vmem>> -> memref<20xi32, #tpu.memory_space<vmem>>
        %dma_start3A_154 = arith.constant 0 : i32
        %dma_start3A_155 = arith.constant 0 : i32
        %dma_start3A_156 = tpu.memref_slice %arg12[%dma_start3A_154, %dma_start3A_155] : memref<10000x128xf32, #tpu.memory_space<vmem_shared>> -> memref<10000x128xf32, #tpu.memory_space<vmem_shared>>
        tpu.enqueue_indirect_dma source(%dma_start3A_150 : memref<20x128xf32, #tpu.memory_space<vmem>>) target(%dma_start3A_156 : memref<10000x128xf32, #tpu.memory_space<vmem_shared>>) offsets(%dma_start3A_153 : memref<20xi32, #tpu.memory_space<vmem>>) semaphore(%arg15 : memref<!tpu.dma_semaphore, #tpu.memory_space<semaphore_mem>>) {add = true}
        %dma_start3A_157 = arith.constant 6 : i32
        %dma_start3A_158 = arith.constant 120 : i32
        %dma_start3A_159 = arith.constant 0 : i32
        %dma_start3A_160 = tpu.memref_slice %arg8[%dma_start3A_158, %dma_start3A_159] : memref<160x128xf32, #tpu.memory_space<vmem>> -> memref<20x128xf32, #tpu.memory_space<vmem>>
        %dma_start3A_161 = arith.constant 0 : i32
        %dma_start3A_162 = tpu.memref_slice %arg10[%dma_start3A_157, %dma_start3A_161] : memref<8x20xi32, #tpu.memory_space<vmem>> -> memref<1x20xi32, #tpu.memory_space<vmem>>
        %dma_start3A_163 = tpu.memref_squeeze %dma_start3A_162 : memref<1x20xi32, #tpu.memory_space<vmem>> -> memref<20xi32, #tpu.memory_space<vmem>>
        %dma_start3A_164 = arith.constant 0 : i32
        %dma_start3A_165 = arith.constant 0 : i32
        %dma_start3A_166 = tpu.memref_slice %arg12[%dma_start3A_164, %dma_start3A_165] : memref<10000x128xf32, #tpu.memory_space<vmem_shared>> -> memref<10000x128xf32, #tpu.memory_space<vmem_shared>>
        tpu.enqueue_indirect_dma source(%dma_start3A_160 : memref<20x128xf32, #tpu.memory_space<vmem>>) target(%dma_start3A_166 : memref<10000x128xf32, #tpu.memory_space<vmem_shared>>) offsets(%dma_start3A_163 : memref<20xi32, #tpu.memory_space<vmem>>) semaphore(%arg15 : memref<!tpu.dma_semaphore, #tpu.memory_space<semaphore_mem>>) {add = true}
        %dma_start3A_167 = arith.constant 7 : i32
        %dma_start3A_168 = arith.constant 140 : i32
        %dma_start3A_169 = arith.constant 0 : i32
        %dma_start3A_170 = tpu.memref_slice %arg8[%dma_start3A_168, %dma_start3A_169] : memref<160x128xf32, #tpu.memory_space<vmem>> -> memref<20x128xf32, #tpu.memory_space<vmem>>
        %dma_start3A_171 = arith.constant 0 : i32
        %dma_start3A_172 = tpu.memref_slice %arg10[%dma_start3A_167, %dma_start3A_171] : memref<8x20xi32, #tpu.memory_space<vmem>> -> memref<1x20xi32, #tpu.memory_space<vmem>>
        %dma_start3A_173 = tpu.memref_squeeze %dma_start3A_172 : memref<1x20xi32, #tpu.memory_space<vmem>> -> memref<20xi32, #tpu.memory_space<vmem>>
        %dma_start3A_174 = arith.constant 0 : i32
        %dma_start3A_175 = arith.constant 0 : i32
        %dma_start3A_176 = tpu.memref_slice %arg12[%dma_start3A_174, %dma_start3A_175] : memref<10000x128xf32, #tpu.memory_space<vmem_shared>> -> memref<10000x128xf32, #tpu.memory_space<vmem_shared>>
        tpu.enqueue_indirect_dma source(%dma_start3A_170 : memref<20x128xf32, #tpu.memory_space<vmem>>) target(%dma_start3A_176 : memref<10000x128xf32, #tpu.memory_space<vmem_shared>>) offsets(%dma_start3A_173 : memref<20xi32, #tpu.memory_space<vmem>>) semaphore(%arg15 : memref<!tpu.dma_semaphore, #tpu.memory_space<semaphore_mem>>) {add = true}
        %dma_wait3A_177 = arith.constant 0 : i32
        %dma_wait3A_178 = tpu.memref_slice %arg2[%multiple_of3A_75, %dma_wait3A_177] : memref<160000x128xf32, #tpu.memory_space<hbm>> -> memref<160x128xf32, #tpu.memory_space<hbm>>
        %dma_wait3A_179 = arith.constant 0 : i32
        %dma_wait3A_180 = tpu.memref_slice %arg2[%multiple_of3A_75, %dma_wait3A_179] : memref<160000x128xf32, #tpu.memory_space<hbm>> -> memref<160x128xf32, #tpu.memory_space<hbm>>
        tpu.wait_dma2 semaphore(%arg14 : memref<!tpu.dma_semaphore, #tpu.memory_space<semaphore_mem>>) src(%dma_wait3A_180 : memref<160x128xf32, #tpu.memory_space<hbm>>) dst(%arg9 : memref<160x128xf32, #tpu.memory_space<vmem>>)
        %dma_wait3A_181 = arith.constant 0 : i32
        %dma_wait3A_182 = tpu.memref_slice %arg4[%multiple_of3A_80, %dma_wait3A_181] : memref<16000x20xi32, #tpu.memory_space<hbm>> -> memref<8x20xi32, #tpu.memory_space<hbm>>
        %dma_wait3A_183 = arith.constant 0 : i32
        %dma_wait3A_184 = tpu.memref_slice %arg4[%multiple_of3A_80, %dma_wait3A_183] : memref<16000x20xi32, #tpu.memory_space<hbm>> -> memref<8x20xi32, #tpu.memory_space<hbm>>
        tpu.wait_dma2 semaphore(%arg14 : memref<!tpu.dma_semaphore, #tpu.memory_space<semaphore_mem>>) src(%dma_wait3A_184 : memref<8x20xi32, #tpu.memory_space<hbm>>) dst(%arg11 : memref<8x20xi32, #tpu.memory_space<vmem>>)
        %dma_start3A_185 = arith.constant 0 : i32
        %dma_start3A_186 = arith.constant 0 : i32
        %dma_start3A_187 = arith.constant 0 : i32
        %dma_start3A_188 = tpu.memref_slice %arg9[%dma_start3A_186, %dma_start3A_187] : memref<160x128xf32, #tpu.memory_space<vmem>> -> memref<20x128xf32, #tpu.memory_space<vmem>>
        %dma_start3A_189 = arith.constant 0 : i32
        %dma_start3A_190 = tpu.memref_slice %arg11[%dma_start3A_185, %dma_start3A_189] : memref<8x20xi32, #tpu.memory_space<vmem>> -> memref<1x20xi32, #tpu.memory_space<vmem>>
        %dma_start3A_191 = tpu.memref_squeeze %dma_start3A_190 : memref<1x20xi32, #tpu.memory_space<vmem>> -> memref<20xi32, #tpu.memory_space<vmem>>
        %dma_start3A_192 = arith.constant 0 : i32
        %dma_start3A_193 = arith.constant 0 : i32
        %dma_start3A_194 = tpu.memref_slice %arg12[%dma_start3A_192, %dma_start3A_193] : memref<10000x128xf32, #tpu.memory_space<vmem_shared>> -> memref<10000x128xf32, #tpu.memory_space<vmem_shared>>
        tpu.enqueue_indirect_dma source(%dma_start3A_188 : memref<20x128xf32, #tpu.memory_space<vmem>>) target(%dma_start3A_194 : memref<10000x128xf32, #tpu.memory_space<vmem_shared>>) offsets(%dma_start3A_191 : memref<20xi32, #tpu.memory_space<vmem>>) semaphore(%arg16 : memref<!tpu.dma_semaphore, #tpu.memory_space<semaphore_mem>>) {add = true}
        %dma_start3A_195 = arith.constant 1 : i32
        %dma_start3A_196 = arith.constant 20 : i32
        %dma_start3A_197 = arith.constant 0 : i32
        %dma_start3A_198 = tpu.memref_slice %arg9[%dma_start3A_196, %dma_start3A_197] : memref<160x128xf32, #tpu.memory_space<vmem>> -> memref<20x128xf32, #tpu.memory_space<vmem>>
        %dma_start3A_199 = arith.constant 0 : i32
        %dma_start3A_200 = tpu.memref_slice %arg11[%dma_start3A_195, %dma_start3A_199] : memref<8x20xi32, #tpu.memory_space<vmem>> -> memref<1x20xi32, #tpu.memory_space<vmem>>
        %dma_start3A_201 = tpu.memref_squeeze %dma_start3A_200 : memref<1x20xi32, #tpu.memory_space<vmem>> -> memref<20xi32, #tpu.memory_space<vmem>>
        %dma_start3A_202 = arith.constant 0 : i32
        %dma_start3A_203 = arith.constant 0 : i32
        %dma_start3A_204 = tpu.memref_slice %arg12[%dma_start3A_202, %dma_start3A_203] : memref<10000x128xf32, #tpu.memory_space<vmem_shared>> -> memref<10000x128xf32, #tpu.memory_space<vmem_shared>>
        tpu.enqueue_indirect_dma source(%dma_start3A_198 : memref<20x128xf32, #tpu.memory_space<vmem>>) target(%dma_start3A_204 : memref<10000x128xf32, #tpu.memory_space<vmem_shared>>) offsets(%dma_start3A_201 : memref<20xi32, #tpu.memory_space<vmem>>) semaphore(%arg16 : memref<!tpu.dma_semaphore, #tpu.memory_space<semaphore_mem>>) {add = true}
        %dma_start3A_205 = arith.constant 2 : i32
        %dma_start3A_206 = arith.constant 40 : i32
        %dma_start3A_207 = arith.constant 0 : i32
        %dma_start3A_208 = tpu.memref_slice %arg9[%dma_start3A_206, %dma_start3A_207] : memref<160x128xf32, #tpu.memory_space<vmem>> -> memref<20x128xf32, #tpu.memory_space<vmem>>
        %dma_start3A_209 = arith.constant 0 : i32
        %dma_start3A_210 = tpu.memref_slice %arg11[%dma_start3A_205, %dma_start3A_209] : memref<8x20xi32, #tpu.memory_space<vmem>> -> memref<1x20xi32, #tpu.memory_space<vmem>>
        %dma_start3A_211 = tpu.memref_squeeze %dma_start3A_210 : memref<1x20xi32, #tpu.memory_space<vmem>> -> memref<20xi32, #tpu.memory_space<vmem>>
        %dma_start3A_212 = arith.constant 0 : i32
        %dma_start3A_213 = arith.constant 0 : i32
        %dma_start3A_214 = tpu.memref_slice %arg12[%dma_start3A_212, %dma_start3A_213] : memref<10000x128xf32, #tpu.memory_space<vmem_shared>> -> memref<10000x128xf32, #tpu.memory_space<vmem_shared>>
        tpu.enqueue_indirect_dma source(%dma_start3A_208 : memref<20x128xf32, #tpu.memory_space<vmem>>) target(%dma_start3A_214 : memref<10000x128xf32, #tpu.memory_space<vmem_shared>>) offsets(%dma_start3A_211 : memref<20xi32, #tpu.memory_space<vmem>>) semaphore(%arg16 : memref<!tpu.dma_semaphore, #tpu.memory_space<semaphore_mem>>) {add = true}
        %dma_start3A_215 = arith.constant 3 : i32
        %dma_start3A_216 = arith.constant 60 : i32
        %dma_start3A_217 = arith.constant 0 : i32
        %dma_start3A_218 = tpu.memref_slice %arg9[%dma_start3A_216, %dma_start3A_217] : memref<160x128xf32, #tpu.memory_space<vmem>> -> memref<20x128xf32, #tpu.memory_space<vmem>>
        %dma_start3A_219 = arith.constant 0 : i32
        %dma_start3A_220 = tpu.memref_slice %arg11[%dma_start3A_215, %dma_start3A_219] : memref<8x20xi32, #tpu.memory_space<vmem>> -> memref<1x20xi32, #tpu.memory_space<vmem>>
        %dma_start3A_221 = tpu.memref_squeeze %dma_start3A_220 : memref<1x20xi32, #tpu.memory_space<vmem>> -> memref<20xi32, #tpu.memory_space<vmem>>
        %dma_start3A_222 = arith.constant 0 : i32
        %dma_start3A_223 = arith.constant 0 : i32
        %dma_start3A_224 = tpu.memref_slice %arg12[%dma_start3A_222, %dma_start3A_223] : memref<10000x128xf32, #tpu.memory_space<vmem_shared>> -> memref<10000x128xf32, #tpu.memory_space<vmem_shared>>
        tpu.enqueue_indirect_dma source(%dma_start3A_218 : memref<20x128xf32, #tpu.memory_space<vmem>>) target(%dma_start3A_224 : memref<10000x128xf32, #tpu.memory_space<vmem_shared>>) offsets(%dma_start3A_221 : memref<20xi32, #tpu.memory_space<vmem>>) semaphore(%arg16 : memref<!tpu.dma_semaphore, #tpu.memory_space<semaphore_mem>>) {add = true}
        %dma_start3A_225 = arith.constant 4 : i32
        %dma_start3A_226 = arith.constant 80 : i32
        %dma_start3A_227 = arith.constant 0 : i32
        %dma_start3A_228 = tpu.memref_slice %arg9[%dma_start3A_226, %dma_start3A_227] : memref<160x128xf32, #tpu.memory_space<vmem>> -> memref<20x128xf32, #tpu.memory_space<vmem>>
        %dma_start3A_229 = arith.constant 0 : i32
        %dma_start3A_230 = tpu.memref_slice %arg11[%dma_start3A_225, %dma_start3A_229] : memref<8x20xi32, #tpu.memory_space<vmem>> -> memref<1x20xi32, #tpu.memory_space<vmem>>
        %dma_start3A_231 = tpu.memref_squeeze %dma_start3A_230 : memref<1x20xi32, #tpu.memory_space<vmem>> -> memref<20xi32, #tpu.memory_space<vmem>>
        %dma_start3A_232 = arith.constant 0 : i32
        %dma_start3A_233 = arith.constant 0 : i32
        %dma_start3A_234 = tpu.memref_slice %arg12[%dma_start3A_232, %dma_start3A_233] : memref<10000x128xf32, #tpu.memory_space<vmem_shared>> -> memref<10000x128xf32, #tpu.memory_space<vmem_shared>>
        tpu.enqueue_indirect_dma source(%dma_start3A_228 : memref<20x128xf32, #tpu.memory_space<vmem>>) target(%dma_start3A_234 : memref<10000x128xf32, #tpu.memory_space<vmem_shared>>) offsets(%dma_start3A_231 : memref<20xi32, #tpu.memory_space<vmem>>) semaphore(%arg16 : memref<!tpu.dma_semaphore, #tpu.memory_space<semaphore_mem>>) {add = true}
        %dma_start3A_235 = arith.constant 5 : i32
        %dma_start3A_236 = arith.constant 100 : i32
        %dma_start3A_237 = arith.constant 0 : i32
        %dma_start3A_238 = tpu.memref_slice %arg9[%dma_start3A_236, %dma_start3A_237] : memref<160x128xf32, #tpu.memory_space<vmem>> -> memref<20x128xf32, #tpu.memory_space<vmem>>
        %dma_start3A_239 = arith.constant 0 : i32
        %dma_start3A_240 = tpu.memref_slice %arg11[%dma_start3A_235, %dma_start3A_239] : memref<8x20xi32, #tpu.memory_space<vmem>> -> memref<1x20xi32, #tpu.memory_space<vmem>>
        %dma_start3A_241 = tpu.memref_squeeze %dma_start3A_240 : memref<1x20xi32, #tpu.memory_space<vmem>> -> memref<20xi32, #tpu.memory_space<vmem>>
        %dma_start3A_242 = arith.constant 0 : i32
        %dma_start3A_243 = arith.constant 0 : i32
        %dma_start3A_244 = tpu.memref_slice %arg12[%dma_start3A_242, %dma_start3A_243] : memref<10000x128xf32, #tpu.memory_space<vmem_shared>> -> memref<10000x128xf32, #tpu.memory_space<vmem_shared>>
        tpu.enqueue_indirect_dma source(%dma_start3A_238 : memref<20x128xf32, #tpu.memory_space<vmem>>) target(%dma_start3A_244 : memref<10000x128xf32, #tpu.memory_space<vmem_shared>>) offsets(%dma_start3A_241 : memref<20xi32, #tpu.memory_space<vmem>>) semaphore(%arg16 : memref<!tpu.dma_semaphore, #tpu.memory_space<semaphore_mem>>) {add = true}
        %dma_start3A_245 = arith.constant 6 : i32
        %dma_start3A_246 = arith.constant 120 : i32
        %dma_start3A_247 = arith.constant 0 : i32
        %dma_start3A_248 = tpu.memref_slice %arg9[%dma_start3A_246, %dma_start3A_247] : memref<160x128xf32, #tpu.memory_space<vmem>> -> memref<20x128xf32, #tpu.memory_space<vmem>>
        %dma_start3A_249 = arith.constant 0 : i32
        %dma_start3A_250 = tpu.memref_slice %arg11[%dma_start3A_245, %dma_start3A_249] : memref<8x20xi32, #tpu.memory_space<vmem>> -> memref<1x20xi32, #tpu.memory_space<vmem>>
        %dma_start3A_251 = tpu.memref_squeeze %dma_start3A_250 : memref<1x20xi32, #tpu.memory_space<vmem>> -> memref<20xi32, #tpu.memory_space<vmem>>
        %dma_start3A_252 = arith.constant 0 : i32
        %dma_start3A_253 = arith.constant 0 : i32
        %dma_start3A_254 = tpu.memref_slice %arg12[%dma_start3A_252, %dma_start3A_253] : memref<10000x128xf32, #tpu.memory_space<vmem_shared>> -> memref<10000x128xf32, #tpu.memory_space<vmem_shared>>
        tpu.enqueue_indirect_dma source(%dma_start3A_248 : memref<20x128xf32, #tpu.memory_space<vmem>>) target(%dma_start3A_254 : memref<10000x128xf32, #tpu.memory_space<vmem_shared>>) offsets(%dma_start3A_251 : memref<20xi32, #tpu.memory_space<vmem>>) semaphore(%arg16 : memref<!tpu.dma_semaphore, #tpu.memory_space<semaphore_mem>>) {add = true}
        %dma_start3A_255 = arith.constant 7 : i32
        %dma_start3A_256 = arith.constant 140 : i32
        %dma_start3A_257 = arith.constant 0 : i32
        %dma_start3A_258 = tpu.memref_slice %arg9[%dma_start3A_256, %dma_start3A_257] : memref<160x128xf32, #tpu.memory_space<vmem>> -> memref<20x128xf32, #tpu.memory_space<vmem>>
        %dma_start3A_259 = arith.constant 0 : i32
        %dma_start3A_260 = tpu.memref_slice %arg11[%dma_start3A_255, %dma_start3A_259] : memref<8x20xi32, #tpu.memory_space<vmem>> -> memref<1x20xi32, #tpu.memory_space<vmem>>
        %dma_start3A_261 = tpu.memref_squeeze %dma_start3A_260 : memref<1x20xi32, #tpu.memory_space<vmem>> -> memref<20xi32, #tpu.memory_space<vmem>>
        %dma_start3A_262 = arith.constant 0 : i32
        %dma_start3A_263 = arith.constant 0 : i32
        %dma_start3A_264 = tpu.memref_slice %arg12[%dma_start3A_262, %dma_start3A_263] : memref<10000x128xf32, #tpu.memory_space<vmem_shared>> -> memref<10000x128xf32, #tpu.memory_space<vmem_shared>>
        tpu.enqueue_indirect_dma source(%dma_start3A_258 : memref<20x128xf32, #tpu.memory_space<vmem>>) target(%dma_start3A_264 : memref<10000x128xf32, #tpu.memory_space<vmem_shared>>) offsets(%dma_start3A_261 : memref<20xi32, #tpu.memory_space<vmem>>) semaphore(%arg16 : memref<!tpu.dma_semaphore, #tpu.memory_space<semaphore_mem>>) {add = true}
      }
      %scan3A_23 = arith.constant 31 : i32
      %lt3A = arith.constant 8 : i32
      %lt3A_24 = arith.cmpi slt, %arg1, %lt3A : i32
      %convert_element_type3A_25 = arith.extui %lt3A_24 : i1 to i32
      %cond3A_26 = arith.constant 0 : i32
      %cond3A_27 = arith.cmpi ne, %convert_element_type3A_25, %cond3A_26 : i32
      scf.if %cond3A_27 {
        %dma_wait3A_39 = arith.constant 0 : i32
        %dma_wait3A_40 = arith.constant 0 : i32
        %dma_wait3A_41 = tpu.memref_slice %arg5[%dma_wait3A_39, %dma_wait3A_40] : memref<640x128xf32, #tpu.memory_space<hbm>> -> memref<160x128xf32, #tpu.memory_space<hbm>>
        %dma_wait3A_42 = arith.constant 0 : i32
        %dma_wait3A_43 = arith.constant 0 : i32
        %dma_wait3A_44 = tpu.memref_slice %arg5[%dma_wait3A_42, %dma_wait3A_43] : memref<640x128xf32, #tpu.memory_space<hbm>> -> memref<160x128xf32, #tpu.memory_space<hbm>>
        tpu.wait_dma2 semaphore(%arg15 : memref<!tpu.dma_semaphore, #tpu.memory_space<semaphore_mem>>) src(%dma_wait3A_44 : memref<160x128xf32, #tpu.memory_space<hbm>>) dst(%arg8 : memref<160x128xf32, #tpu.memory_space<vmem>>)
        %add3A = arith.constant 992 : i32
        %add3A_45 = arith.addi %arg1, %add3A : i32
        %mul3A_46 = arith.constant 160 : i32
        %mul3A_47 = arith.muli %add3A_45, %mul3A_46 : i32
        %multiple_of3A_48 = tpu.assume_multiple %mul3A_47, 160 : i32
        %mul3A_49 = arith.constant 8 : i32
        %mul3A_50 = arith.muli %add3A_45, %mul3A_49 : i32
        %add3A_51 = arith.constant 8000 : i32
        %add3A_52 = arith.addi %add3A_51, %mul3A_50 : i32
        %multiple_of3A_53 = tpu.assume_multiple %add3A_52, 8 : i32
        %dma_start3A = arith.constant 0 : i32
        %dma_start3A_54 = tpu.memref_slice %arg2[%multiple_of3A_48, %dma_start3A] : memref<160000x128xf32, #tpu.memory_space<hbm>> -> memref<160x128xf32, #tpu.memory_space<hbm>>
        %dma_start3A_55 = arith.constant 0 : i32
        %dma_start3A_56 = tpu.memref_slice %arg2[%multiple_of3A_48, %dma_start3A_55] : memref<160000x128xf32, #tpu.memory_space<hbm>> -> memref<160x128xf32, #tpu.memory_space<hbm>>
        tpu.enqueue_dma source(%dma_start3A_56 : memref<160x128xf32, #tpu.memory_space<hbm>>) target(%arg8 : memref<160x128xf32, #tpu.memory_space<vmem>>) target_semaphore(%arg13 : memref<!tpu.dma_semaphore, #tpu.memory_space<semaphore_mem>>)
        %dma_start3A_57 = arith.constant 0 : i32
        %dma_start3A_58 = tpu.memref_slice %arg4[%multiple_of3A_53, %dma_start3A_57] : memref<16000x20xi32, #tpu.memory_space<hbm>> -> memref<8x20xi32, #tpu.memory_space<hbm>>
        %dma_start3A_59 = arith.constant 0 : i32
        %dma_start3A_60 = tpu.memref_slice %arg4[%multiple_of3A_53, %dma_start3A_59] : memref<16000x20xi32, #tpu.memory_space<hbm>> -> memref<8x20xi32, #tpu.memory_space<hbm>>
        tpu.enqueue_dma source(%dma_start3A_60 : memref<8x20xi32, #tpu.memory_space<hbm>>) target(%arg10 : memref<8x20xi32, #tpu.memory_space<vmem>>) target_semaphore(%arg13 : memref<!tpu.dma_semaphore, #tpu.memory_space<semaphore_mem>>)
        %dma_wait3A_61 = arith.constant 0 : i32
        %dma_wait3A_62 = tpu.memref_slice %arg2[%multiple_of3A_48, %dma_wait3A_61] : memref<160000x128xf32, #tpu.memory_space<hbm>> -> memref<160x128xf32, #tpu.memory_space<hbm>>
        %dma_wait3A_63 = arith.constant 0 : i32
        %dma_wait3A_64 = tpu.memref_slice %arg2[%multiple_of3A_48, %dma_wait3A_63] : memref<160000x128xf32, #tpu.memory_space<hbm>> -> memref<160x128xf32, #tpu.memory_space<hbm>>
        tpu.wait_dma2 semaphore(%arg13 : memref<!tpu.dma_semaphore, #tpu.memory_space<semaphore_mem>>) src(%dma_wait3A_64 : memref<160x128xf32, #tpu.memory_space<hbm>>) dst(%arg8 : memref<160x128xf32, #tpu.memory_space<vmem>>)
        %dma_wait3A_65 = arith.constant 0 : i32
        %dma_wait3A_66 = tpu.memref_slice %arg4[%multiple_of3A_53, %dma_wait3A_65] : memref<16000x20xi32, #tpu.memory_space<hbm>> -> memref<8x20xi32, #tpu.memory_space<hbm>>
        %dma_wait3A_67 = arith.constant 0 : i32
        %dma_wait3A_68 = tpu.memref_slice %arg4[%multiple_of3A_53, %dma_wait3A_67] : memref<16000x20xi32, #tpu.memory_space<hbm>> -> memref<8x20xi32, #tpu.memory_space<hbm>>
        tpu.wait_dma2 semaphore(%arg13 : memref<!tpu.dma_semaphore, #tpu.memory_space<semaphore_mem>>) src(%dma_wait3A_68 : memref<8x20xi32, #tpu.memory_space<hbm>>) dst(%arg10 : memref<8x20xi32, #tpu.memory_space<vmem>>)
        %dma_start3A_69 = arith.constant 0 : i32
        %dma_start3A_70 = arith.constant 0 : i32
        %dma_start3A_71 = arith.constant 0 : i32
        %dma_start3A_72 = tpu.memref_slice %arg8[%dma_start3A_70, %dma_start3A_71] : memref<160x128xf32, #tpu.memory_space<vmem>> -> memref<20x128xf32, #tpu.memory_space<vmem>>
        %dma_start3A_73 = arith.constant 0 : i32
        %dma_start3A_74 = tpu.memref_slice %arg10[%dma_start3A_69, %dma_start3A_73] : memref<8x20xi32, #tpu.memory_space<vmem>> -> memref<1x20xi32, #tpu.memory_space<vmem>>
        %dma_start3A_75 = tpu.memref_squeeze %dma_start3A_74 : memref<1x20xi32, #tpu.memory_space<vmem>> -> memref<20xi32, #tpu.memory_space<vmem>>
        %dma_start3A_76 = arith.constant 0 : i32
        %dma_start3A_77 = arith.constant 0 : i32
        %dma_start3A_78 = tpu.memref_slice %arg12[%dma_start3A_76, %dma_start3A_77] : memref<10000x128xf32, #tpu.memory_space<vmem_shared>> -> memref<10000x128xf32, #tpu.memory_space<vmem_shared>>
        tpu.enqueue_indirect_dma source(%dma_start3A_72 : memref<20x128xf32, #tpu.memory_space<vmem>>) target(%dma_start3A_78 : memref<10000x128xf32, #tpu.memory_space<vmem_shared>>) offsets(%dma_start3A_75 : memref<20xi32, #tpu.memory_space<vmem>>) semaphore(%arg15 : memref<!tpu.dma_semaphore, #tpu.memory_space<semaphore_mem>>) {add = true}
        %dma_start3A_79 = arith.constant 1 : i32
        %dma_start3A_80 = arith.constant 20 : i32
        %dma_start3A_81 = arith.constant 0 : i32
        %dma_start3A_82 = tpu.memref_slice %arg8[%dma_start3A_80, %dma_start3A_81] : memref<160x128xf32, #tpu.memory_space<vmem>> -> memref<20x128xf32, #tpu.memory_space<vmem>>
        %dma_start3A_83 = arith.constant 0 : i32
        %dma_start3A_84 = tpu.memref_slice %arg10[%dma_start3A_79, %dma_start3A_83] : memref<8x20xi32, #tpu.memory_space<vmem>> -> memref<1x20xi32, #tpu.memory_space<vmem>>
        %dma_start3A_85 = tpu.memref_squeeze %dma_start3A_84 : memref<1x20xi32, #tpu.memory_space<vmem>> -> memref<20xi32, #tpu.memory_space<vmem>>
        %dma_start3A_86 = arith.constant 0 : i32
        %dma_start3A_87 = arith.constant 0 : i32
        %dma_start3A_88 = tpu.memref_slice %arg12[%dma_start3A_86, %dma_start3A_87] : memref<10000x128xf32, #tpu.memory_space<vmem_shared>> -> memref<10000x128xf32, #tpu.memory_space<vmem_shared>>
        tpu.enqueue_indirect_dma source(%dma_start3A_82 : memref<20x128xf32, #tpu.memory_space<vmem>>) target(%dma_start3A_88 : memref<10000x128xf32, #tpu.memory_space<vmem_shared>>) offsets(%dma_start3A_85 : memref<20xi32, #tpu.memory_space<vmem>>) semaphore(%arg15 : memref<!tpu.dma_semaphore, #tpu.memory_space<semaphore_mem>>) {add = true}
        %dma_start3A_89 = arith.constant 2 : i32
        %dma_start3A_90 = arith.constant 40 : i32
        %dma_start3A_91 = arith.constant 0 : i32
        %dma_start3A_92 = tpu.memref_slice %arg8[%dma_start3A_90, %dma_start3A_91] : memref<160x128xf32, #tpu.memory_space<vmem>> -> memref<20x128xf32, #tpu.memory_space<vmem>>
        %dma_start3A_93 = arith.constant 0 : i32
        %dma_start3A_94 = tpu.memref_slice %arg10[%dma_start3A_89, %dma_start3A_93] : memref<8x20xi32, #tpu.memory_space<vmem>> -> memref<1x20xi32, #tpu.memory_space<vmem>>
        %dma_start3A_95 = tpu.memref_squeeze %dma_start3A_94 : memref<1x20xi32, #tpu.memory_space<vmem>> -> memref<20xi32, #tpu.memory_space<vmem>>
        %dma_start3A_96 = arith.constant 0 : i32
        %dma_start3A_97 = arith.constant 0 : i32
        %dma_start3A_98 = tpu.memref_slice %arg12[%dma_start3A_96, %dma_start3A_97] : memref<10000x128xf32, #tpu.memory_space<vmem_shared>> -> memref<10000x128xf32, #tpu.memory_space<vmem_shared>>
        tpu.enqueue_indirect_dma source(%dma_start3A_92 : memref<20x128xf32, #tpu.memory_space<vmem>>) target(%dma_start3A_98 : memref<10000x128xf32, #tpu.memory_space<vmem_shared>>) offsets(%dma_start3A_95 : memref<20xi32, #tpu.memory_space<vmem>>) semaphore(%arg15 : memref<!tpu.dma_semaphore, #tpu.memory_space<semaphore_mem>>) {add = true}
        %dma_start3A_99 = arith.constant 3 : i32
        %dma_start3A_100 = arith.constant 60 : i32
        %dma_start3A_101 = arith.constant 0 : i32
        %dma_start3A_102 = tpu.memref_slice %arg8[%dma_start3A_100, %dma_start3A_101] : memref<160x128xf32, #tpu.memory_space<vmem>> -> memref<20x128xf32, #tpu.memory_space<vmem>>
        %dma_start3A_103 = arith.constant 0 : i32
        %dma_start3A_104 = tpu.memref_slice %arg10[%dma_start3A_99, %dma_start3A_103] : memref<8x20xi32, #tpu.memory_space<vmem>> -> memref<1x20xi32, #tpu.memory_space<vmem>>
        %dma_start3A_105 = tpu.memref_squeeze %dma_start3A_104 : memref<1x20xi32, #tpu.memory_space<vmem>> -> memref<20xi32, #tpu.memory_space<vmem>>
        %dma_start3A_106 = arith.constant 0 : i32
        %dma_start3A_107 = arith.constant 0 : i32
        %dma_start3A_108 = tpu.memref_slice %arg12[%dma_start3A_106, %dma_start3A_107] : memref<10000x128xf32, #tpu.memory_space<vmem_shared>> -> memref<10000x128xf32, #tpu.memory_space<vmem_shared>>
        tpu.enqueue_indirect_dma source(%dma_start3A_102 : memref<20x128xf32, #tpu.memory_space<vmem>>) target(%dma_start3A_108 : memref<10000x128xf32, #tpu.memory_space<vmem_shared>>) offsets(%dma_start3A_105 : memref<20xi32, #tpu.memory_space<vmem>>) semaphore(%arg15 : memref<!tpu.dma_semaphore, #tpu.memory_space<semaphore_mem>>) {add = true}
        %dma_start3A_109 = arith.constant 4 : i32
        %dma_start3A_110 = arith.constant 80 : i32
        %dma_start3A_111 = arith.constant 0 : i32
        %dma_start3A_112 = tpu.memref_slice %arg8[%dma_start3A_110, %dma_start3A_111] : memref<160x128xf32, #tpu.memory_space<vmem>> -> memref<20x128xf32, #tpu.memory_space<vmem>>
        %dma_start3A_113 = arith.constant 0 : i32
        %dma_start3A_114 = tpu.memref_slice %arg10[%dma_start3A_109, %dma_start3A_113] : memref<8x20xi32, #tpu.memory_space<vmem>> -> memref<1x20xi32, #tpu.memory_space<vmem>>
        %dma_start3A_115 = tpu.memref_squeeze %dma_start3A_114 : memref<1x20xi32, #tpu.memory_space<vmem>> -> memref<20xi32, #tpu.memory_space<vmem>>
        %dma_start3A_116 = arith.constant 0 : i32
        %dma_start3A_117 = arith.constant 0 : i32
        %dma_start3A_118 = tpu.memref_slice %arg12[%dma_start3A_116, %dma_start3A_117] : memref<10000x128xf32, #tpu.memory_space<vmem_shared>> -> memref<10000x128xf32, #tpu.memory_space<vmem_shared>>
        tpu.enqueue_indirect_dma source(%dma_start3A_112 : memref<20x128xf32, #tpu.memory_space<vmem>>) target(%dma_start3A_118 : memref<10000x128xf32, #tpu.memory_space<vmem_shared>>) offsets(%dma_start3A_115 : memref<20xi32, #tpu.memory_space<vmem>>) semaphore(%arg15 : memref<!tpu.dma_semaphore, #tpu.memory_space<semaphore_mem>>) {add = true}
        %dma_start3A_119 = arith.constant 5 : i32
        %dma_start3A_120 = arith.constant 100 : i32
        %dma_start3A_121 = arith.constant 0 : i32
        %dma_start3A_122 = tpu.memref_slice %arg8[%dma_start3A_120, %dma_start3A_121] : memref<160x128xf32, #tpu.memory_space<vmem>> -> memref<20x128xf32, #tpu.memory_space<vmem>>
        %dma_start3A_123 = arith.constant 0 : i32
        %dma_start3A_124 = tpu.memref_slice %arg10[%dma_start3A_119, %dma_start3A_123] : memref<8x20xi32, #tpu.memory_space<vmem>> -> memref<1x20xi32, #tpu.memory_space<vmem>>
        %dma_start3A_125 = tpu.memref_squeeze %dma_start3A_124 : memref<1x20xi32, #tpu.memory_space<vmem>> -> memref<20xi32, #tpu.memory_space<vmem>>
        %dma_start3A_126 = arith.constant 0 : i32
        %dma_start3A_127 = arith.constant 0 : i32
        %dma_start3A_128 = tpu.memref_slice %arg12[%dma_start3A_126, %dma_start3A_127] : memref<10000x128xf32, #tpu.memory_space<vmem_shared>> -> memref<10000x128xf32, #tpu.memory_space<vmem_shared>>
        tpu.enqueue_indirect_dma source(%dma_start3A_122 : memref<20x128xf32, #tpu.memory_space<vmem>>) target(%dma_start3A_128 : memref<10000x128xf32, #tpu.memory_space<vmem_shared>>) offsets(%dma_start3A_125 : memref<20xi32, #tpu.memory_space<vmem>>) semaphore(%arg15 : memref<!tpu.dma_semaphore, #tpu.memory_space<semaphore_mem>>) {add = true}
        %dma_start3A_129 = arith.constant 6 : i32
        %dma_start3A_130 = arith.constant 120 : i32
        %dma_start3A_131 = arith.constant 0 : i32
        %dma_start3A_132 = tpu.memref_slice %arg8[%dma_start3A_130, %dma_start3A_131] : memref<160x128xf32, #tpu.memory_space<vmem>> -> memref<20x128xf32, #tpu.memory_space<vmem>>
        %dma_start3A_133 = arith.constant 0 : i32
        %dma_start3A_134 = tpu.memref_slice %arg10[%dma_start3A_129, %dma_start3A_133] : memref<8x20xi32, #tpu.memory_space<vmem>> -> memref<1x20xi32, #tpu.memory_space<vmem>>
        %dma_start3A_135 = tpu.memref_squeeze %dma_start3A_134 : memref<1x20xi32, #tpu.memory_space<vmem>> -> memref<20xi32, #tpu.memory_space<vmem>>
        %dma_start3A_136 = arith.constant 0 : i32
        %dma_start3A_137 = arith.constant 0 : i32
        %dma_start3A_138 = tpu.memref_slice %arg12[%dma_start3A_136, %dma_start3A_137] : memref<10000x128xf32, #tpu.memory_space<vmem_shared>> -> memref<10000x128xf32, #tpu.memory_space<vmem_shared>>
        tpu.enqueue_indirect_dma source(%dma_start3A_132 : memref<20x128xf32, #tpu.memory_space<vmem>>) target(%dma_start3A_138 : memref<10000x128xf32, #tpu.memory_space<vmem_shared>>) offsets(%dma_start3A_135 : memref<20xi32, #tpu.memory_space<vmem>>) semaphore(%arg15 : memref<!tpu.dma_semaphore, #tpu.memory_space<semaphore_mem>>) {add = true}
        %dma_start3A_139 = arith.constant 7 : i32
        %dma_start3A_140 = arith.constant 140 : i32
        %dma_start3A_141 = arith.constant 0 : i32
        %dma_start3A_142 = tpu.memref_slice %arg8[%dma_start3A_140, %dma_start3A_141] : memref<160x128xf32, #tpu.memory_space<vmem>> -> memref<20x128xf32, #tpu.memory_space<vmem>>
        %dma_start3A_143 = arith.constant 0 : i32
        %dma_start3A_144 = tpu.memref_slice %arg10[%dma_start3A_139, %dma_start3A_143] : memref<8x20xi32, #tpu.memory_space<vmem>> -> memref<1x20xi32, #tpu.memory_space<vmem>>
        %dma_start3A_145 = tpu.memref_squeeze %dma_start3A_144 : memref<1x20xi32, #tpu.memory_space<vmem>> -> memref<20xi32, #tpu.memory_space<vmem>>
        %dma_start3A_146 = arith.constant 0 : i32
        %dma_start3A_147 = arith.constant 0 : i32
        %dma_start3A_148 = tpu.memref_slice %arg12[%dma_start3A_146, %dma_start3A_147] : memref<10000x128xf32, #tpu.memory_space<vmem_shared>> -> memref<10000x128xf32, #tpu.memory_space<vmem_shared>>
        tpu.enqueue_indirect_dma source(%dma_start3A_142 : memref<20x128xf32, #tpu.memory_space<vmem>>) target(%dma_start3A_148 : memref<10000x128xf32, #tpu.memory_space<vmem_shared>>) offsets(%dma_start3A_145 : memref<20xi32, #tpu.memory_space<vmem>>) semaphore(%arg15 : memref<!tpu.dma_semaphore, #tpu.memory_space<semaphore_mem>>) {add = true}
      } else {
      }
      %dma_wait3A = arith.constant 0 : i32
      %dma_wait3A_28 = arith.constant 0 : i32
      %dma_wait3A_29 = tpu.memref_slice %arg5[%dma_wait3A, %dma_wait3A_28] : memref<640x128xf32, #tpu.memory_space<hbm>> -> memref<160x128xf32, #tpu.memory_space<hbm>>
      %dma_wait3A_30 = arith.constant 0 : i32
      %dma_wait3A_31 = arith.constant 0 : i32
      %dma_wait3A_32 = tpu.memref_slice %arg5[%dma_wait3A_30, %dma_wait3A_31] : memref<640x128xf32, #tpu.memory_space<hbm>> -> memref<160x128xf32, #tpu.memory_space<hbm>>
      tpu.wait_dma2 semaphore(%arg15 : memref<!tpu.dma_semaphore, #tpu.memory_space<semaphore_mem>>) src(%dma_wait3A_32 : memref<160x128xf32, #tpu.memory_space<hbm>>) dst(%arg8 : memref<160x128xf32, #tpu.memory_space<vmem>>)
      %dma_wait3A_33 = arith.constant 0 : i32
      %dma_wait3A_34 = arith.constant 0 : i32
      %dma_wait3A_35 = tpu.memref_slice %arg5[%dma_wait3A_33, %dma_wait3A_34] : memref<640x128xf32, #tpu.memory_space<hbm>> -> memref<160x128xf32, #tpu.memory_space<hbm>>
      %dma_wait3A_36 = arith.constant 0 : i32
      %dma_wait3A_37 = arith.constant 0 : i32
      %dma_wait3A_38 = tpu.memref_slice %arg5[%dma_wait3A_36, %dma_wait3A_37] : memref<640x128xf32, #tpu.memory_space<hbm>> -> memref<160x128xf32, #tpu.memory_space<hbm>>
      tpu.wait_dma2 semaphore(%arg16 : memref<!tpu.dma_semaphore, #tpu.memory_space<semaphore_mem>>) src(%dma_wait3A_38 : memref<160x128xf32, #tpu.memory_space<hbm>>) dst(%arg9 : memref<160x128xf32, #tpu.memory_space<vmem>>)
    } else {
    }
    %eq3A_3 = arith.constant 1 : i32
    %eq3A_4 = arith.cmpi eq, %arg0, %eq3A_3 : i32
    %convert_element_type3A_5 = arith.extui %eq3A_4 : i1 to i32
    %cond3A_6 = arith.constant 0 : i32
    %cond3A_7 = arith.cmpi ne, %convert_element_type3A_5, %cond3A_6 : i32
    scf.if %cond3A_7 {
      %scan3A = arith.constant 0 : i32
      %scan3A_19 = arith.constant 0 : i32
      %scan3A_20 = arith.constant 31 : i32
      %scan3A_21 = arith.addi %scan3A_19, %scan3A_20 : i32
      %scan3A_22 = arith.constant 1 : i32
      scf.for %scan3A_39 = %scan3A_19 to %scan3A_21 step %scan3A_22  : i32 {
        %mul3A_40 = arith.constant 2 : i32
        %mul3A_41 = arith.muli %scan3A_39, %mul3A_40 : i32
        %gt3A = arith.constant 0 : i32
        %gt3A_42 = arith.cmpi sgt, %scan3A_39, %gt3A : i32
        %convert_element_type3A_43 = arith.extui %gt3A_42 : i1 to i32
        %cond3A_44 = arith.constant 0 : i32
        %cond3A_45 = arith.cmpi ne, %convert_element_type3A_43, %cond3A_44 : i32
        scf.if %cond3A_45 {
          %dma_wait3A_265 = arith.constant 0 : i32
          %dma_wait3A_266 = arith.constant 0 : i32
          %dma_wait3A_267 = tpu.memref_slice %arg5[%dma_wait3A_265, %dma_wait3A_266] : memref<640x128xf32, #tpu.memory_space<hbm>> -> memref<160x128xf32, #tpu.memory_space<hbm>>
          %dma_wait3A_268 = arith.constant 0 : i32
          %dma_wait3A_269 = arith.constant 0 : i32
          %dma_wait3A_270 = tpu.memref_slice %arg5[%dma_wait3A_268, %dma_wait3A_269] : memref<640x128xf32, #tpu.memory_space<hbm>> -> memref<160x128xf32, #tpu.memory_space<hbm>>
          tpu.wait_dma2 semaphore(%arg15 : memref<!tpu.dma_semaphore, #tpu.memory_space<semaphore_mem>>) src(%dma_wait3A_270 : memref<160x128xf32, #tpu.memory_space<hbm>>) dst(%arg8 : memref<160x128xf32, #tpu.memory_space<vmem>>)
        } else {
        }
        %mul3A_46 = arith.constant 16 : i32
        %mul3A_47 = arith.muli %mul3A_41, %mul3A_46 : i32
        %add3A = arith.addi %arg1, %mul3A_47 : i32
        %mul3A_48 = arith.constant 160 : i32
        %mul3A_49 = arith.muli %add3A, %mul3A_48 : i32
        %multiple_of3A_50 = tpu.assume_multiple %mul3A_49, 160 : i32
        %mul3A_51 = arith.constant 8 : i32
        %mul3A_52 = arith.muli %add3A, %mul3A_51 : i32
        %add3A_53 = arith.constant 8000 : i32
        %add3A_54 = arith.addi %add3A_53, %mul3A_52 : i32
        %multiple_of3A_55 = tpu.assume_multiple %add3A_54, 8 : i32
        %dma_start3A = arith.constant 0 : i32
        %dma_start3A_56 = tpu.memref_slice %arg3[%multiple_of3A_50, %dma_start3A] : memref<160000x128xf32, #tpu.memory_space<hbm>> -> memref<160x128xf32, #tpu.memory_space<hbm>>
        %dma_start3A_57 = arith.constant 0 : i32
        %dma_start3A_58 = tpu.memref_slice %arg3[%multiple_of3A_50, %dma_start3A_57] : memref<160000x128xf32, #tpu.memory_space<hbm>> -> memref<160x128xf32, #tpu.memory_space<hbm>>
        tpu.enqueue_dma source(%dma_start3A_58 : memref<160x128xf32, #tpu.memory_space<hbm>>) target(%arg8 : memref<160x128xf32, #tpu.memory_space<vmem>>) target_semaphore(%arg13 : memref<!tpu.dma_semaphore, #tpu.memory_space<semaphore_mem>>)
        %dma_start3A_59 = arith.constant 0 : i32
        %dma_start3A_60 = tpu.memref_slice %arg4[%multiple_of3A_55, %dma_start3A_59] : memref<16000x20xi32, #tpu.memory_space<hbm>> -> memref<8x20xi32, #tpu.memory_space<hbm>>
        %dma_start3A_61 = arith.constant 0 : i32
        %dma_start3A_62 = tpu.memref_slice %arg4[%multiple_of3A_55, %dma_start3A_61] : memref<16000x20xi32, #tpu.memory_space<hbm>> -> memref<8x20xi32, #tpu.memory_space<hbm>>
        tpu.enqueue_dma source(%dma_start3A_62 : memref<8x20xi32, #tpu.memory_space<hbm>>) target(%arg10 : memref<8x20xi32, #tpu.memory_space<vmem>>) target_semaphore(%arg13 : memref<!tpu.dma_semaphore, #tpu.memory_space<semaphore_mem>>)
        %gt3A_63 = arith.constant 0 : i32
        %gt3A_64 = arith.cmpi sgt, %scan3A_39, %gt3A_63 : i32
        %convert_element_type3A_65 = arith.extui %gt3A_64 : i1 to i32
        %cond3A_66 = arith.constant 0 : i32
        %cond3A_67 = arith.cmpi ne, %convert_element_type3A_65, %cond3A_66 : i32
        scf.if %cond3A_67 {
          %dma_wait3A_265 = arith.constant 0 : i32
          %dma_wait3A_266 = arith.constant 0 : i32
          %dma_wait3A_267 = tpu.memref_slice %arg5[%dma_wait3A_265, %dma_wait3A_266] : memref<640x128xf32, #tpu.memory_space<hbm>> -> memref<160x128xf32, #tpu.memory_space<hbm>>
          %dma_wait3A_268 = arith.constant 0 : i32
          %dma_wait3A_269 = arith.constant 0 : i32
          %dma_wait3A_270 = tpu.memref_slice %arg5[%dma_wait3A_268, %dma_wait3A_269] : memref<640x128xf32, #tpu.memory_space<hbm>> -> memref<160x128xf32, #tpu.memory_space<hbm>>
          tpu.wait_dma2 semaphore(%arg16 : memref<!tpu.dma_semaphore, #tpu.memory_space<semaphore_mem>>) src(%dma_wait3A_270 : memref<160x128xf32, #tpu.memory_space<hbm>>) dst(%arg9 : memref<160x128xf32, #tpu.memory_space<vmem>>)
        } else {
        }
        %add3A_68 = arith.constant 1 : i32
        %add3A_69 = arith.addi %mul3A_41, %add3A_68 : i32
        %mul3A_70 = arith.constant 16 : i32
        %mul3A_71 = arith.muli %add3A_69, %mul3A_70 : i32
        %add3A_72 = arith.addi %arg1, %mul3A_71 : i32
        %mul3A_73 = arith.constant 160 : i32
        %mul3A_74 = arith.muli %add3A_72, %mul3A_73 : i32
        %multiple_of3A_75 = tpu.assume_multiple %mul3A_74, 160 : i32
        %mul3A_76 = arith.constant 8 : i32
        %mul3A_77 = arith.muli %add3A_72, %mul3A_76 : i32
        %add3A_78 = arith.constant 8000 : i32
        %add3A_79 = arith.addi %add3A_78, %mul3A_77 : i32
        %multiple_of3A_80 = tpu.assume_multiple %add3A_79, 8 : i32
        %dma_start3A_81 = arith.constant 0 : i32
        %dma_start3A_82 = tpu.memref_slice %arg3[%multiple_of3A_75, %dma_start3A_81] : memref<160000x128xf32, #tpu.memory_space<hbm>> -> memref<160x128xf32, #tpu.memory_space<hbm>>
        %dma_start3A_83 = arith.constant 0 : i32
        %dma_start3A_84 = tpu.memref_slice %arg3[%multiple_of3A_75, %dma_start3A_83] : memref<160000x128xf32, #tpu.memory_space<hbm>> -> memref<160x128xf32, #tpu.memory_space<hbm>>
        tpu.enqueue_dma source(%dma_start3A_84 : memref<160x128xf32, #tpu.memory_space<hbm>>) target(%arg9 : memref<160x128xf32, #tpu.memory_space<vmem>>) target_semaphore(%arg14 : memref<!tpu.dma_semaphore, #tpu.memory_space<semaphore_mem>>)
        %dma_start3A_85 = arith.constant 0 : i32
        %dma_start3A_86 = tpu.memref_slice %arg4[%multiple_of3A_80, %dma_start3A_85] : memref<16000x20xi32, #tpu.memory_space<hbm>> -> memref<8x20xi32, #tpu.memory_space<hbm>>
        %dma_start3A_87 = arith.constant 0 : i32
        %dma_start3A_88 = tpu.memref_slice %arg4[%multiple_of3A_80, %dma_start3A_87] : memref<16000x20xi32, #tpu.memory_space<hbm>> -> memref<8x20xi32, #tpu.memory_space<hbm>>
        tpu.enqueue_dma source(%dma_start3A_88 : memref<8x20xi32, #tpu.memory_space<hbm>>) target(%arg11 : memref<8x20xi32, #tpu.memory_space<vmem>>) target_semaphore(%arg14 : memref<!tpu.dma_semaphore, #tpu.memory_space<semaphore_mem>>)
        %dma_wait3A_89 = arith.constant 0 : i32
        %dma_wait3A_90 = tpu.memref_slice %arg3[%multiple_of3A_50, %dma_wait3A_89] : memref<160000x128xf32, #tpu.memory_space<hbm>> -> memref<160x128xf32, #tpu.memory_space<hbm>>
        %dma_wait3A_91 = arith.constant 0 : i32
        %dma_wait3A_92 = tpu.memref_slice %arg3[%multiple_of3A_50, %dma_wait3A_91] : memref<160000x128xf32, #tpu.memory_space<hbm>> -> memref<160x128xf32, #tpu.memory_space<hbm>>
        tpu.wait_dma2 semaphore(%arg13 : memref<!tpu.dma_semaphore, #tpu.memory_space<semaphore_mem>>) src(%dma_wait3A_92 : memref<160x128xf32, #tpu.memory_space<hbm>>) dst(%arg8 : memref<160x128xf32, #tpu.memory_space<vmem>>)
        %dma_wait3A_93 = arith.constant 0 : i32
        %dma_wait3A_94 = tpu.memref_slice %arg4[%multiple_of3A_55, %dma_wait3A_93] : memref<16000x20xi32, #tpu.memory_space<hbm>> -> memref<8x20xi32, #tpu.memory_space<hbm>>
        %dma_wait3A_95 = arith.constant 0 : i32
        %dma_wait3A_96 = tpu.memref_slice %arg4[%multiple_of3A_55, %dma_wait3A_95] : memref<16000x20xi32, #tpu.memory_space<hbm>> -> memref<8x20xi32, #tpu.memory_space<hbm>>
        tpu.wait_dma2 semaphore(%arg13 : memref<!tpu.dma_semaphore, #tpu.memory_space<semaphore_mem>>) src(%dma_wait3A_96 : memref<8x20xi32, #tpu.memory_space<hbm>>) dst(%arg10 : memref<8x20xi32, #tpu.memory_space<vmem>>)
        %dma_start3A_97 = arith.constant 0 : i32
        %dma_start3A_98 = arith.constant 0 : i32
        %dma_start3A_99 = arith.constant 0 : i32
        %dma_start3A_100 = tpu.memref_slice %arg8[%dma_start3A_98, %dma_start3A_99] : memref<160x128xf32, #tpu.memory_space<vmem>> -> memref<20x128xf32, #tpu.memory_space<vmem>>
        %dma_start3A_101 = arith.constant 0 : i32
        %dma_start3A_102 = tpu.memref_slice %arg10[%dma_start3A_97, %dma_start3A_101] : memref<8x20xi32, #tpu.memory_space<vmem>> -> memref<1x20xi32, #tpu.memory_space<vmem>>
        %dma_start3A_103 = tpu.memref_squeeze %dma_start3A_102 : memref<1x20xi32, #tpu.memory_space<vmem>> -> memref<20xi32, #tpu.memory_space<vmem>>
        %dma_start3A_104 = arith.constant 0 : i32
        %dma_start3A_105 = arith.constant 0 : i32
        %dma_start3A_106 = tpu.memref_slice %arg12[%dma_start3A_104, %dma_start3A_105] : memref<10000x128xf32, #tpu.memory_space<vmem_shared>> -> memref<10000x128xf32, #tpu.memory_space<vmem_shared>>
        tpu.enqueue_indirect_dma source(%dma_start3A_100 : memref<20x128xf32, #tpu.memory_space<vmem>>) target(%dma_start3A_106 : memref<10000x128xf32, #tpu.memory_space<vmem_shared>>) offsets(%dma_start3A_103 : memref<20xi32, #tpu.memory_space<vmem>>) semaphore(%arg15 : memref<!tpu.dma_semaphore, #tpu.memory_space<semaphore_mem>>) {add = true}
        %dma_start3A_107 = arith.constant 1 : i32
        %dma_start3A_108 = arith.constant 20 : i32
        %dma_start3A_109 = arith.constant 0 : i32
        %dma_start3A_110 = tpu.memref_slice %arg8[%dma_start3A_108, %dma_start3A_109] : memref<160x128xf32, #tpu.memory_space<vmem>> -> memref<20x128xf32, #tpu.memory_space<vmem>>
        %dma_start3A_111 = arith.constant 0 : i32
        %dma_start3A_112 = tpu.memref_slice %arg10[%dma_start3A_107, %dma_start3A_111] : memref<8x20xi32, #tpu.memory_space<vmem>> -> memref<1x20xi32, #tpu.memory_space<vmem>>
        %dma_start3A_113 = tpu.memref_squeeze %dma_start3A_112 : memref<1x20xi32, #tpu.memory_space<vmem>> -> memref<20xi32, #tpu.memory_space<vmem>>
        %dma_start3A_114 = arith.constant 0 : i32
        %dma_start3A_115 = arith.constant 0 : i32
        %dma_start3A_116 = tpu.memref_slice %arg12[%dma_start3A_114, %dma_start3A_115] : memref<10000x128xf32, #tpu.memory_space<vmem_shared>> -> memref<10000x128xf32, #tpu.memory_space<vmem_shared>>
        tpu.enqueue_indirect_dma source(%dma_start3A_110 : memref<20x128xf32, #tpu.memory_space<vmem>>) target(%dma_start3A_116 : memref<10000x128xf32, #tpu.memory_space<vmem_shared>>) offsets(%dma_start3A_113 : memref<20xi32, #tpu.memory_space<vmem>>) semaphore(%arg15 : memref<!tpu.dma_semaphore, #tpu.memory_space<semaphore_mem>>) {add = true}
        %dma_start3A_117 = arith.constant 2 : i32
        %dma_start3A_118 = arith.constant 40 : i32
        %dma_start3A_119 = arith.constant 0 : i32
        %dma_start3A_120 = tpu.memref_slice %arg8[%dma_start3A_118, %dma_start3A_119] : memref<160x128xf32, #tpu.memory_space<vmem>> -> memref<20x128xf32, #tpu.memory_space<vmem>>
        %dma_start3A_121 = arith.constant 0 : i32
        %dma_start3A_122 = tpu.memref_slice %arg10[%dma_start3A_117, %dma_start3A_121] : memref<8x20xi32, #tpu.memory_space<vmem>> -> memref<1x20xi32, #tpu.memory_space<vmem>>
        %dma_start3A_123 = tpu.memref_squeeze %dma_start3A_122 : memref<1x20xi32, #tpu.memory_space<vmem>> -> memref<20xi32, #tpu.memory_space<vmem>>
        %dma_start3A_124 = arith.constant 0 : i32
        %dma_start3A_125 = arith.constant 0 : i32
        %dma_start3A_126 = tpu.memref_slice %arg12[%dma_start3A_124, %dma_start3A_125] : memref<10000x128xf32, #tpu.memory_space<vmem_shared>> -> memref<10000x128xf32, #tpu.memory_space<vmem_shared>>
        tpu.enqueue_indirect_dma source(%dma_start3A_120 : memref<20x128xf32, #tpu.memory_space<vmem>>) target(%dma_start3A_126 : memref<10000x128xf32, #tpu.memory_space<vmem_shared>>) offsets(%dma_start3A_123 : memref<20xi32, #tpu.memory_space<vmem>>) semaphore(%arg15 : memref<!tpu.dma_semaphore, #tpu.memory_space<semaphore_mem>>) {add = true}
        %dma_start3A_127 = arith.constant 3 : i32
        %dma_start3A_128 = arith.constant 60 : i32
        %dma_start3A_129 = arith.constant 0 : i32
        %dma_start3A_130 = tpu.memref_slice %arg8[%dma_start3A_128, %dma_start3A_129] : memref<160x128xf32, #tpu.memory_space<vmem>> -> memref<20x128xf32, #tpu.memory_space<vmem>>
        %dma_start3A_131 = arith.constant 0 : i32
        %dma_start3A_132 = tpu.memref_slice %arg10[%dma_start3A_127, %dma_start3A_131] : memref<8x20xi32, #tpu.memory_space<vmem>> -> memref<1x20xi32, #tpu.memory_space<vmem>>
        %dma_start3A_133 = tpu.memref_squeeze %dma_start3A_132 : memref<1x20xi32, #tpu.memory_space<vmem>> -> memref<20xi32, #tpu.memory_space<vmem>>
        %dma_start3A_134 = arith.constant 0 : i32
        %dma_start3A_135 = arith.constant 0 : i32
        %dma_start3A_136 = tpu.memref_slice %arg12[%dma_start3A_134, %dma_start3A_135] : memref<10000x128xf32, #tpu.memory_space<vmem_shared>> -> memref<10000x128xf32, #tpu.memory_space<vmem_shared>>
        tpu.enqueue_indirect_dma source(%dma_start3A_130 : memref<20x128xf32, #tpu.memory_space<vmem>>) target(%dma_start3A_136 : memref<10000x128xf32, #tpu.memory_space<vmem_shared>>) offsets(%dma_start3A_133 : memref<20xi32, #tpu.memory_space<vmem>>) semaphore(%arg15 : memref<!tpu.dma_semaphore, #tpu.memory_space<semaphore_mem>>) {add = true}
        %dma_start3A_137 = arith.constant 4 : i32
        %dma_start3A_138 = arith.constant 80 : i32
        %dma_start3A_139 = arith.constant 0 : i32
        %dma_start3A_140 = tpu.memref_slice %arg8[%dma_start3A_138, %dma_start3A_139] : memref<160x128xf32, #tpu.memory_space<vmem>> -> memref<20x128xf32, #tpu.memory_space<vmem>>
        %dma_start3A_141 = arith.constant 0 : i32
        %dma_start3A_142 = tpu.memref_slice %arg10[%dma_start3A_137, %dma_start3A_141] : memref<8x20xi32, #tpu.memory_space<vmem>> -> memref<1x20xi32, #tpu.memory_space<vmem>>
        %dma_start3A_143 = tpu.memref_squeeze %dma_start3A_142 : memref<1x20xi32, #tpu.memory_space<vmem>> -> memref<20xi32, #tpu.memory_space<vmem>>
        %dma_start3A_144 = arith.constant 0 : i32
        %dma_start3A_145 = arith.constant 0 : i32
        %dma_start3A_146 = tpu.memref_slice %arg12[%dma_start3A_144, %dma_start3A_145] : memref<10000x128xf32, #tpu.memory_space<vmem_shared>> -> memref<10000x128xf32, #tpu.memory_space<vmem_shared>>
        tpu.enqueue_indirect_dma source(%dma_start3A_140 : memref<20x128xf32, #tpu.memory_space<vmem>>) target(%dma_start3A_146 : memref<10000x128xf32, #tpu.memory_space<vmem_shared>>) offsets(%dma_start3A_143 : memref<20xi32, #tpu.memory_space<vmem>>) semaphore(%arg15 : memref<!tpu.dma_semaphore, #tpu.memory_space<semaphore_mem>>) {add = true}
        %dma_start3A_147 = arith.constant 5 : i32
        %dma_start3A_148 = arith.constant 100 : i32
        %dma_start3A_149 = arith.constant 0 : i32
        %dma_start3A_150 = tpu.memref_slice %arg8[%dma_start3A_148, %dma_start3A_149] : memref<160x128xf32, #tpu.memory_space<vmem>> -> memref<20x128xf32, #tpu.memory_space<vmem>>
        %dma_start3A_151 = arith.constant 0 : i32
        %dma_start3A_152 = tpu.memref_slice %arg10[%dma_start3A_147, %dma_start3A_151] : memref<8x20xi32, #tpu.memory_space<vmem>> -> memref<1x20xi32, #tpu.memory_space<vmem>>
        %dma_start3A_153 = tpu.memref_squeeze %dma_start3A_152 : memref<1x20xi32, #tpu.memory_space<vmem>> -> memref<20xi32, #tpu.memory_space<vmem>>
        %dma_start3A_154 = arith.constant 0 : i32
        %dma_start3A_155 = arith.constant 0 : i32
        %dma_start3A_156 = tpu.memref_slice %arg12[%dma_start3A_154, %dma_start3A_155] : memref<10000x128xf32, #tpu.memory_space<vmem_shared>> -> memref<10000x128xf32, #tpu.memory_space<vmem_shared>>
        tpu.enqueue_indirect_dma source(%dma_start3A_150 : memref<20x128xf32, #tpu.memory_space<vmem>>) target(%dma_start3A_156 : memref<10000x128xf32, #tpu.memory_space<vmem_shared>>) offsets(%dma_start3A_153 : memref<20xi32, #tpu.memory_space<vmem>>) semaphore(%arg15 : memref<!tpu.dma_semaphore, #tpu.memory_space<semaphore_mem>>) {add = true}
        %dma_start3A_157 = arith.constant 6 : i32
        %dma_start3A_158 = arith.constant 120 : i32
        %dma_start3A_159 = arith.constant 0 : i32
        %dma_start3A_160 = tpu.memref_slice %arg8[%dma_start3A_158, %dma_start3A_159] : memref<160x128xf32, #tpu.memory_space<vmem>> -> memref<20x128xf32, #tpu.memory_space<vmem>>
        %dma_start3A_161 = arith.constant 0 : i32
        %dma_start3A_162 = tpu.memref_slice %arg10[%dma_start3A_157, %dma_start3A_161] : memref<8x20xi32, #tpu.memory_space<vmem>> -> memref<1x20xi32, #tpu.memory_space<vmem>>
        %dma_start3A_163 = tpu.memref_squeeze %dma_start3A_162 : memref<1x20xi32, #tpu.memory_space<vmem>> -> memref<20xi32, #tpu.memory_space<vmem>>
        %dma_start3A_164 = arith.constant 0 : i32
        %dma_start3A_165 = arith.constant 0 : i32
        %dma_start3A_166 = tpu.memref_slice %arg12[%dma_start3A_164, %dma_start3A_165] : memref<10000x128xf32, #tpu.memory_space<vmem_shared>> -> memref<10000x128xf32, #tpu.memory_space<vmem_shared>>
        tpu.enqueue_indirect_dma source(%dma_start3A_160 : memref<20x128xf32, #tpu.memory_space<vmem>>) target(%dma_start3A_166 : memref<10000x128xf32, #tpu.memory_space<vmem_shared>>) offsets(%dma_start3A_163 : memref<20xi32, #tpu.memory_space<vmem>>) semaphore(%arg15 : memref<!tpu.dma_semaphore, #tpu.memory_space<semaphore_mem>>) {add = true}
        %dma_start3A_167 = arith.constant 7 : i32
        %dma_start3A_168 = arith.constant 140 : i32
        %dma_start3A_169 = arith.constant 0 : i32
        %dma_start3A_170 = tpu.memref_slice %arg8[%dma_start3A_168, %dma_start3A_169] : memref<160x128xf32, #tpu.memory_space<vmem>> -> memref<20x128xf32, #tpu.memory_space<vmem>>
        %dma_start3A_171 = arith.constant 0 : i32
        %dma_start3A_172 = tpu.memref_slice %arg10[%dma_start3A_167, %dma_start3A_171] : memref<8x20xi32, #tpu.memory_space<vmem>> -> memref<1x20xi32, #tpu.memory_space<vmem>>
        %dma_start3A_173 = tpu.memref_squeeze %dma_start3A_172 : memref<1x20xi32, #tpu.memory_space<vmem>> -> memref<20xi32, #tpu.memory_space<vmem>>
        %dma_start3A_174 = arith.constant 0 : i32
        %dma_start3A_175 = arith.constant 0 : i32
        %dma_start3A_176 = tpu.memref_slice %arg12[%dma_start3A_174, %dma_start3A_175] : memref<10000x128xf32, #tpu.memory_space<vmem_shared>> -> memref<10000x128xf32, #tpu.memory_space<vmem_shared>>
        tpu.enqueue_indirect_dma source(%dma_start3A_170 : memref<20x128xf32, #tpu.memory_space<vmem>>) target(%dma_start3A_176 : memref<10000x128xf32, #tpu.memory_space<vmem_shared>>) offsets(%dma_start3A_173 : memref<20xi32, #tpu.memory_space<vmem>>) semaphore(%arg15 : memref<!tpu.dma_semaphore, #tpu.memory_space<semaphore_mem>>) {add = true}
        %dma_wait3A_177 = arith.constant 0 : i32
        %dma_wait3A_178 = tpu.memref_slice %arg3[%multiple_of3A_75, %dma_wait3A_177] : memref<160000x128xf32, #tpu.memory_space<hbm>> -> memref<160x128xf32, #tpu.memory_space<hbm>>
        %dma_wait3A_179 = arith.constant 0 : i32
        %dma_wait3A_180 = tpu.memref_slice %arg3[%multiple_of3A_75, %dma_wait3A_179] : memref<160000x128xf32, #tpu.memory_space<hbm>> -> memref<160x128xf32, #tpu.memory_space<hbm>>
        tpu.wait_dma2 semaphore(%arg14 : memref<!tpu.dma_semaphore, #tpu.memory_space<semaphore_mem>>) src(%dma_wait3A_180 : memref<160x128xf32, #tpu.memory_space<hbm>>) dst(%arg9 : memref<160x128xf32, #tpu.memory_space<vmem>>)
        %dma_wait3A_181 = arith.constant 0 : i32
        %dma_wait3A_182 = tpu.memref_slice %arg4[%multiple_of3A_80, %dma_wait3A_181] : memref<16000x20xi32, #tpu.memory_space<hbm>> -> memref<8x20xi32, #tpu.memory_space<hbm>>
        %dma_wait3A_183 = arith.constant 0 : i32
        %dma_wait3A_184 = tpu.memref_slice %arg4[%multiple_of3A_80, %dma_wait3A_183] : memref<16000x20xi32, #tpu.memory_space<hbm>> -> memref<8x20xi32, #tpu.memory_space<hbm>>
        tpu.wait_dma2 semaphore(%arg14 : memref<!tpu.dma_semaphore, #tpu.memory_space<semaphore_mem>>) src(%dma_wait3A_184 : memref<8x20xi32, #tpu.memory_space<hbm>>) dst(%arg11 : memref<8x20xi32, #tpu.memory_space<vmem>>)
        %dma_start3A_185 = arith.constant 0 : i32
        %dma_start3A_186 = arith.constant 0 : i32
        %dma_start3A_187 = arith.constant 0 : i32
        %dma_start3A_188 = tpu.memref_slice %arg9[%dma_start3A_186, %dma_start3A_187] : memref<160x128xf32, #tpu.memory_space<vmem>> -> memref<20x128xf32, #tpu.memory_space<vmem>>
        %dma_start3A_189 = arith.constant 0 : i32
        %dma_start3A_190 = tpu.memref_slice %arg11[%dma_start3A_185, %dma_start3A_189] : memref<8x20xi32, #tpu.memory_space<vmem>> -> memref<1x20xi32, #tpu.memory_space<vmem>>
        %dma_start3A_191 = tpu.memref_squeeze %dma_start3A_190 : memref<1x20xi32, #tpu.memory_space<vmem>> -> memref<20xi32, #tpu.memory_space<vmem>>
        %dma_start3A_192 = arith.constant 0 : i32
        %dma_start3A_193 = arith.constant 0 : i32
        %dma_start3A_194 = tpu.memref_slice %arg12[%dma_start3A_192, %dma_start3A_193] : memref<10000x128xf32, #tpu.memory_space<vmem_shared>> -> memref<10000x128xf32, #tpu.memory_space<vmem_shared>>
        tpu.enqueue_indirect_dma source(%dma_start3A_188 : memref<20x128xf32, #tpu.memory_space<vmem>>) target(%dma_start3A_194 : memref<10000x128xf32, #tpu.memory_space<vmem_shared>>) offsets(%dma_start3A_191 : memref<20xi32, #tpu.memory_space<vmem>>) semaphore(%arg16 : memref<!tpu.dma_semaphore, #tpu.memory_space<semaphore_mem>>) {add = true}
        %dma_start3A_195 = arith.constant 1 : i32
        %dma_start3A_196 = arith.constant 20 : i32
        %dma_start3A_197 = arith.constant 0 : i32
        %dma_start3A_198 = tpu.memref_slice %arg9[%dma_start3A_196, %dma_start3A_197] : memref<160x128xf32, #tpu.memory_space<vmem>> -> memref<20x128xf32, #tpu.memory_space<vmem>>
        %dma_start3A_199 = arith.constant 0 : i32
        %dma_start3A_200 = tpu.memref_slice %arg11[%dma_start3A_195, %dma_start3A_199] : memref<8x20xi32, #tpu.memory_space<vmem>> -> memref<1x20xi32, #tpu.memory_space<vmem>>
        %dma_start3A_201 = tpu.memref_squeeze %dma_start3A_200 : memref<1x20xi32, #tpu.memory_space<vmem>> -> memref<20xi32, #tpu.memory_space<vmem>>
        %dma_start3A_202 = arith.constant 0 : i32
        %dma_start3A_203 = arith.constant 0 : i32
        %dma_start3A_204 = tpu.memref_slice %arg12[%dma_start3A_202, %dma_start3A_203] : memref<10000x128xf32, #tpu.memory_space<vmem_shared>> -> memref<10000x128xf32, #tpu.memory_space<vmem_shared>>
        tpu.enqueue_indirect_dma source(%dma_start3A_198 : memref<20x128xf32, #tpu.memory_space<vmem>>) target(%dma_start3A_204 : memref<10000x128xf32, #tpu.memory_space<vmem_shared>>) offsets(%dma_start3A_201 : memref<20xi32, #tpu.memory_space<vmem>>) semaphore(%arg16 : memref<!tpu.dma_semaphore, #tpu.memory_space<semaphore_mem>>) {add = true}
        %dma_start3A_205 = arith.constant 2 : i32
        %dma_start3A_206 = arith.constant 40 : i32
        %dma_start3A_207 = arith.constant 0 : i32
        %dma_start3A_208 = tpu.memref_slice %arg9[%dma_start3A_206, %dma_start3A_207] : memref<160x128xf32, #tpu.memory_space<vmem>> -> memref<20x128xf32, #tpu.memory_space<vmem>>
        %dma_start3A_209 = arith.constant 0 : i32
        %dma_start3A_210 = tpu.memref_slice %arg11[%dma_start3A_205, %dma_start3A_209] : memref<8x20xi32, #tpu.memory_space<vmem>> -> memref<1x20xi32, #tpu.memory_space<vmem>>
        %dma_start3A_211 = tpu.memref_squeeze %dma_start3A_210 : memref<1x20xi32, #tpu.memory_space<vmem>> -> memref<20xi32, #tpu.memory_space<vmem>>
        %dma_start3A_212 = arith.constant 0 : i32
        %dma_start3A_213 = arith.constant 0 : i32
        %dma_start3A_214 = tpu.memref_slice %arg12[%dma_start3A_212, %dma_start3A_213] : memref<10000x128xf32, #tpu.memory_space<vmem_shared>> -> memref<10000x128xf32, #tpu.memory_space<vmem_shared>>
        tpu.enqueue_indirect_dma source(%dma_start3A_208 : memref<20x128xf32, #tpu.memory_space<vmem>>) target(%dma_start3A_214 : memref<10000x128xf32, #tpu.memory_space<vmem_shared>>) offsets(%dma_start3A_211 : memref<20xi32, #tpu.memory_space<vmem>>) semaphore(%arg16 : memref<!tpu.dma_semaphore, #tpu.memory_space<semaphore_mem>>) {add = true}
        %dma_start3A_215 = arith.constant 3 : i32
        %dma_start3A_216 = arith.constant 60 : i32
        %dma_start3A_217 = arith.constant 0 : i32
        %dma_start3A_218 = tpu.memref_slice %arg9[%dma_start3A_216, %dma_start3A_217] : memref<160x128xf32, #tpu.memory_space<vmem>> -> memref<20x128xf32, #tpu.memory_space<vmem>>
        %dma_start3A_219 = arith.constant 0 : i32
        %dma_start3A_220 = tpu.memref_slice %arg11[%dma_start3A_215, %dma_start3A_219] : memref<8x20xi32, #tpu.memory_space<vmem>> -> memref<1x20xi32, #tpu.memory_space<vmem>>
        %dma_start3A_221 = tpu.memref_squeeze %dma_start3A_220 : memref<1x20xi32, #tpu.memory_space<vmem>> -> memref<20xi32, #tpu.memory_space<vmem>>
        %dma_start3A_222 = arith.constant 0 : i32
        %dma_start3A_223 = arith.constant 0 : i32
        %dma_start3A_224 = tpu.memref_slice %arg12[%dma_start3A_222, %dma_start3A_223] : memref<10000x128xf32, #tpu.memory_space<vmem_shared>> -> memref<10000x128xf32, #tpu.memory_space<vmem_shared>>
        tpu.enqueue_indirect_dma source(%dma_start3A_218 : memref<20x128xf32, #tpu.memory_space<vmem>>) target(%dma_start3A_224 : memref<10000x128xf32, #tpu.memory_space<vmem_shared>>) offsets(%dma_start3A_221 : memref<20xi32, #tpu.memory_space<vmem>>) semaphore(%arg16 : memref<!tpu.dma_semaphore, #tpu.memory_space<semaphore_mem>>) {add = true}
        %dma_start3A_225 = arith.constant 4 : i32
        %dma_start3A_226 = arith.constant 80 : i32
        %dma_start3A_227 = arith.constant 0 : i32
        %dma_start3A_228 = tpu.memref_slice %arg9[%dma_start3A_226, %dma_start3A_227] : memref<160x128xf32, #tpu.memory_space<vmem>> -> memref<20x128xf32, #tpu.memory_space<vmem>>
        %dma_start3A_229 = arith.constant 0 : i32
        %dma_start3A_230 = tpu.memref_slice %arg11[%dma_start3A_225, %dma_start3A_229] : memref<8x20xi32, #tpu.memory_space<vmem>> -> memref<1x20xi32, #tpu.memory_space<vmem>>
        %dma_start3A_231 = tpu.memref_squeeze %dma_start3A_230 : memref<1x20xi32, #tpu.memory_space<vmem>> -> memref<20xi32, #tpu.memory_space<vmem>>
        %dma_start3A_232 = arith.constant 0 : i32
        %dma_start3A_233 = arith.constant 0 : i32
        %dma_start3A_234 = tpu.memref_slice %arg12[%dma_start3A_232, %dma_start3A_233] : memref<10000x128xf32, #tpu.memory_space<vmem_shared>> -> memref<10000x128xf32, #tpu.memory_space<vmem_shared>>
        tpu.enqueue_indirect_dma source(%dma_start3A_228 : memref<20x128xf32, #tpu.memory_space<vmem>>) target(%dma_start3A_234 : memref<10000x128xf32, #tpu.memory_space<vmem_shared>>) offsets(%dma_start3A_231 : memref<20xi32, #tpu.memory_space<vmem>>) semaphore(%arg16 : memref<!tpu.dma_semaphore, #tpu.memory_space<semaphore_mem>>) {add = true}
        %dma_start3A_235 = arith.constant 5 : i32
        %dma_start3A_236 = arith.constant 100 : i32
        %dma_start3A_237 = arith.constant 0 : i32
        %dma_start3A_238 = tpu.memref_slice %arg9[%dma_start3A_236, %dma_start3A_237] : memref<160x128xf32, #tpu.memory_space<vmem>> -> memref<20x128xf32, #tpu.memory_space<vmem>>
        %dma_start3A_239 = arith.constant 0 : i32
        %dma_start3A_240 = tpu.memref_slice %arg11[%dma_start3A_235, %dma_start3A_239] : memref<8x20xi32, #tpu.memory_space<vmem>> -> memref<1x20xi32, #tpu.memory_space<vmem>>
        %dma_start3A_241 = tpu.memref_squeeze %dma_start3A_240 : memref<1x20xi32, #tpu.memory_space<vmem>> -> memref<20xi32, #tpu.memory_space<vmem>>
        %dma_start3A_242 = arith.constant 0 : i32
        %dma_start3A_243 = arith.constant 0 : i32
        %dma_start3A_244 = tpu.memref_slice %arg12[%dma_start3A_242, %dma_start3A_243] : memref<10000x128xf32, #tpu.memory_space<vmem_shared>> -> memref<10000x128xf32, #tpu.memory_space<vmem_shared>>
        tpu.enqueue_indirect_dma source(%dma_start3A_238 : memref<20x128xf32, #tpu.memory_space<vmem>>) target(%dma_start3A_244 : memref<10000x128xf32, #tpu.memory_space<vmem_shared>>) offsets(%dma_start3A_241 : memref<20xi32, #tpu.memory_space<vmem>>) semaphore(%arg16 : memref<!tpu.dma_semaphore, #tpu.memory_space<semaphore_mem>>) {add = true}
        %dma_start3A_245 = arith.constant 6 : i32
        %dma_start3A_246 = arith.constant 120 : i32
        %dma_start3A_247 = arith.constant 0 : i32
        %dma_start3A_248 = tpu.memref_slice %arg9[%dma_start3A_246, %dma_start3A_247] : memref<160x128xf32, #tpu.memory_space<vmem>> -> memref<20x128xf32, #tpu.memory_space<vmem>>
        %dma_start3A_249 = arith.constant 0 : i32
        %dma_start3A_250 = tpu.memref_slice %arg11[%dma_start3A_245, %dma_start3A_249] : memref<8x20xi32, #tpu.memory_space<vmem>> -> memref<1x20xi32, #tpu.memory_space<vmem>>
        %dma_start3A_251 = tpu.memref_squeeze %dma_start3A_250 : memref<1x20xi32, #tpu.memory_space<vmem>> -> memref<20xi32, #tpu.memory_space<vmem>>
        %dma_start3A_252 = arith.constant 0 : i32
        %dma_start3A_253 = arith.constant 0 : i32
        %dma_start3A_254 = tpu.memref_slice %arg12[%dma_start3A_252, %dma_start3A_253] : memref<10000x128xf32, #tpu.memory_space<vmem_shared>> -> memref<10000x128xf32, #tpu.memory_space<vmem_shared>>
        tpu.enqueue_indirect_dma source(%dma_start3A_248 : memref<20x128xf32, #tpu.memory_space<vmem>>) target(%dma_start3A_254 : memref<10000x128xf32, #tpu.memory_space<vmem_shared>>) offsets(%dma_start3A_251 : memref<20xi32, #tpu.memory_space<vmem>>) semaphore(%arg16 : memref<!tpu.dma_semaphore, #tpu.memory_space<semaphore_mem>>) {add = true}
        %dma_start3A_255 = arith.constant 7 : i32
        %dma_start3A_256 = arith.constant 140 : i32
        %dma_start3A_257 = arith.constant 0 : i32
        %dma_start3A_258 = tpu.memref_slice %arg9[%dma_start3A_256, %dma_start3A_257] : memref<160x128xf32, #tpu.memory_space<vmem>> -> memref<20x128xf32, #tpu.memory_space<vmem>>
        %dma_start3A_259 = arith.constant 0 : i32
        %dma_start3A_260 = tpu.memref_slice %arg11[%dma_start3A_255, %dma_start3A_259] : memref<8x20xi32, #tpu.memory_space<vmem>> -> memref<1x20xi32, #tpu.memory_space<vmem>>
        %dma_start3A_261 = tpu.memref_squeeze %dma_start3A_260 : memref<1x20xi32, #tpu.memory_space<vmem>> -> memref<20xi32, #tpu.memory_space<vmem>>
        %dma_start3A_262 = arith.constant 0 : i32
        %dma_start3A_263 = arith.constant 0 : i32
        %dma_start3A_264 = tpu.memref_slice %arg12[%dma_start3A_262, %dma_start3A_263] : memref<10000x128xf32, #tpu.memory_space<vmem_shared>> -> memref<10000x128xf32, #tpu.memory_space<vmem_shared>>
        tpu.enqueue_indirect_dma source(%dma_start3A_258 : memref<20x128xf32, #tpu.memory_space<vmem>>) target(%dma_start3A_264 : memref<10000x128xf32, #tpu.memory_space<vmem_shared>>) offsets(%dma_start3A_261 : memref<20xi32, #tpu.memory_space<vmem>>) semaphore(%arg16 : memref<!tpu.dma_semaphore, #tpu.memory_space<semaphore_mem>>) {add = true}
      }
      %scan3A_23 = arith.constant 31 : i32
      %lt3A = arith.constant 8 : i32
      %lt3A_24 = arith.cmpi slt, %arg1, %lt3A : i32
      %convert_element_type3A_25 = arith.extui %lt3A_24 : i1 to i32
      %cond3A_26 = arith.constant 0 : i32
      %cond3A_27 = arith.cmpi ne, %convert_element_type3A_25, %cond3A_26 : i32
      scf.if %cond3A_27 {
        %dma_wait3A_39 = arith.constant 0 : i32
        %dma_wait3A_40 = arith.constant 0 : i32
        %dma_wait3A_41 = tpu.memref_slice %arg5[%dma_wait3A_39, %dma_wait3A_40] : memref<640x128xf32, #tpu.memory_space<hbm>> -> memref<160x128xf32, #tpu.memory_space<hbm>>
        %dma_wait3A_42 = arith.constant 0 : i32
        %dma_wait3A_43 = arith.constant 0 : i32
        %dma_wait3A_44 = tpu.memref_slice %arg5[%dma_wait3A_42, %dma_wait3A_43] : memref<640x128xf32, #tpu.memory_space<hbm>> -> memref<160x128xf32, #tpu.memory_space<hbm>>
        tpu.wait_dma2 semaphore(%arg15 : memref<!tpu.dma_semaphore, #tpu.memory_space<semaphore_mem>>) src(%dma_wait3A_44 : memref<160x128xf32, #tpu.memory_space<hbm>>) dst(%arg8 : memref<160x128xf32, #tpu.memory_space<vmem>>)
        %add3A = arith.constant 992 : i32
        %add3A_45 = arith.addi %arg1, %add3A : i32
        %mul3A_46 = arith.constant 160 : i32
        %mul3A_47 = arith.muli %add3A_45, %mul3A_46 : i32
        %multiple_of3A_48 = tpu.assume_multiple %mul3A_47, 160 : i32
        %mul3A_49 = arith.constant 8 : i32
        %mul3A_50 = arith.muli %add3A_45, %mul3A_49 : i32
        %add3A_51 = arith.constant 8000 : i32
        %add3A_52 = arith.addi %add3A_51, %mul3A_50 : i32
        %multiple_of3A_53 = tpu.assume_multiple %add3A_52, 8 : i32
        %dma_start3A = arith.constant 0 : i32
        %dma_start3A_54 = tpu.memref_slice %arg3[%multiple_of3A_48, %dma_start3A] : memref<160000x128xf32, #tpu.memory_space<hbm>> -> memref<160x128xf32, #tpu.memory_space<hbm>>
        %dma_start3A_55 = arith.constant 0 : i32
        %dma_start3A_56 = tpu.memref_slice %arg3[%multiple_of3A_48, %dma_start3A_55] : memref<160000x128xf32, #tpu.memory_space<hbm>> -> memref<160x128xf32, #tpu.memory_space<hbm>>
        tpu.enqueue_dma source(%dma_start3A_56 : memref<160x128xf32, #tpu.memory_space<hbm>>) target(%arg8 : memref<160x128xf32, #tpu.memory_space<vmem>>) target_semaphore(%arg13 : memref<!tpu.dma_semaphore, #tpu.memory_space<semaphore_mem>>)
        %dma_start3A_57 = arith.constant 0 : i32
        %dma_start3A_58 = tpu.memref_slice %arg4[%multiple_of3A_53, %dma_start3A_57] : memref<16000x20xi32, #tpu.memory_space<hbm>> -> memref<8x20xi32, #tpu.memory_space<hbm>>
        %dma_start3A_59 = arith.constant 0 : i32
        %dma_start3A_60 = tpu.memref_slice %arg4[%multiple_of3A_53, %dma_start3A_59] : memref<16000x20xi32, #tpu.memory_space<hbm>> -> memref<8x20xi32, #tpu.memory_space<hbm>>
        tpu.enqueue_dma source(%dma_start3A_60 : memref<8x20xi32, #tpu.memory_space<hbm>>) target(%arg10 : memref<8x20xi32, #tpu.memory_space<vmem>>) target_semaphore(%arg13 : memref<!tpu.dma_semaphore, #tpu.memory_space<semaphore_mem>>)
        %dma_wait3A_61 = arith.constant 0 : i32
        %dma_wait3A_62 = tpu.memref_slice %arg3[%multiple_of3A_48, %dma_wait3A_61] : memref<160000x128xf32, #tpu.memory_space<hbm>> -> memref<160x128xf32, #tpu.memory_space<hbm>>
        %dma_wait3A_63 = arith.constant 0 : i32
        %dma_wait3A_64 = tpu.memref_slice %arg3[%multiple_of3A_48, %dma_wait3A_63] : memref<160000x128xf32, #tpu.memory_space<hbm>> -> memref<160x128xf32, #tpu.memory_space<hbm>>
        tpu.wait_dma2 semaphore(%arg13 : memref<!tpu.dma_semaphore, #tpu.memory_space<semaphore_mem>>) src(%dma_wait3A_64 : memref<160x128xf32, #tpu.memory_space<hbm>>) dst(%arg8 : memref<160x128xf32, #tpu.memory_space<vmem>>)
        %dma_wait3A_65 = arith.constant 0 : i32
        %dma_wait3A_66 = tpu.memref_slice %arg4[%multiple_of3A_53, %dma_wait3A_65] : memref<16000x20xi32, #tpu.memory_space<hbm>> -> memref<8x20xi32, #tpu.memory_space<hbm>>
        %dma_wait3A_67 = arith.constant 0 : i32
        %dma_wait3A_68 = tpu.memref_slice %arg4[%multiple_of3A_53, %dma_wait3A_67] : memref<16000x20xi32, #tpu.memory_space<hbm>> -> memref<8x20xi32, #tpu.memory_space<hbm>>
        tpu.wait_dma2 semaphore(%arg13 : memref<!tpu.dma_semaphore, #tpu.memory_space<semaphore_mem>>) src(%dma_wait3A_68 : memref<8x20xi32, #tpu.memory_space<hbm>>) dst(%arg10 : memref<8x20xi32, #tpu.memory_space<vmem>>)
        %dma_start3A_69 = arith.constant 0 : i32
        %dma_start3A_70 = arith.constant 0 : i32
        %dma_start3A_71 = arith.constant 0 : i32
        %dma_start3A_72 = tpu.memref_slice %arg8[%dma_start3A_70, %dma_start3A_71] : memref<160x128xf32, #tpu.memory_space<vmem>> -> memref<20x128xf32, #tpu.memory_space<vmem>>
        %dma_start3A_73 = arith.constant 0 : i32
        %dma_start3A_74 = tpu.memref_slice %arg10[%dma_start3A_69, %dma_start3A_73] : memref<8x20xi32, #tpu.memory_space<vmem>> -> memref<1x20xi32, #tpu.memory_space<vmem>>
        %dma_start3A_75 = tpu.memref_squeeze %dma_start3A_74 : memref<1x20xi32, #tpu.memory_space<vmem>> -> memref<20xi32, #tpu.memory_space<vmem>>
        %dma_start3A_76 = arith.constant 0 : i32
        %dma_start3A_77 = arith.constant 0 : i32
        %dma_start3A_78 = tpu.memref_slice %arg12[%dma_start3A_76, %dma_start3A_77] : memref<10000x128xf32, #tpu.memory_space<vmem_shared>> -> memref<10000x128xf32, #tpu.memory_space<vmem_shared>>
        tpu.enqueue_indirect_dma source(%dma_start3A_72 : memref<20x128xf32, #tpu.memory_space<vmem>>) target(%dma_start3A_78 : memref<10000x128xf32, #tpu.memory_space<vmem_shared>>) offsets(%dma_start3A_75 : memref<20xi32, #tpu.memory_space<vmem>>) semaphore(%arg15 : memref<!tpu.dma_semaphore, #tpu.memory_space<semaphore_mem>>) {add = true}
        %dma_start3A_79 = arith.constant 1 : i32
        %dma_start3A_80 = arith.constant 20 : i32
        %dma_start3A_81 = arith.constant 0 : i32
        %dma_start3A_82 = tpu.memref_slice %arg8[%dma_start3A_80, %dma_start3A_81] : memref<160x128xf32, #tpu.memory_space<vmem>> -> memref<20x128xf32, #tpu.memory_space<vmem>>
        %dma_start3A_83 = arith.constant 0 : i32
        %dma_start3A_84 = tpu.memref_slice %arg10[%dma_start3A_79, %dma_start3A_83] : memref<8x20xi32, #tpu.memory_space<vmem>> -> memref<1x20xi32, #tpu.memory_space<vmem>>
        %dma_start3A_85 = tpu.memref_squeeze %dma_start3A_84 : memref<1x20xi32, #tpu.memory_space<vmem>> -> memref<20xi32, #tpu.memory_space<vmem>>
        %dma_start3A_86 = arith.constant 0 : i32
        %dma_start3A_87 = arith.constant 0 : i32
        %dma_start3A_88 = tpu.memref_slice %arg12[%dma_start3A_86, %dma_start3A_87] : memref<10000x128xf32, #tpu.memory_space<vmem_shared>> -> memref<10000x128xf32, #tpu.memory_space<vmem_shared>>
        tpu.enqueue_indirect_dma source(%dma_start3A_82 : memref<20x128xf32, #tpu.memory_space<vmem>>) target(%dma_start3A_88 : memref<10000x128xf32, #tpu.memory_space<vmem_shared>>) offsets(%dma_start3A_85 : memref<20xi32, #tpu.memory_space<vmem>>) semaphore(%arg15 : memref<!tpu.dma_semaphore, #tpu.memory_space<semaphore_mem>>) {add = true}
        %dma_start3A_89 = arith.constant 2 : i32
        %dma_start3A_90 = arith.constant 40 : i32
        %dma_start3A_91 = arith.constant 0 : i32
        %dma_start3A_92 = tpu.memref_slice %arg8[%dma_start3A_90, %dma_start3A_91] : memref<160x128xf32, #tpu.memory_space<vmem>> -> memref<20x128xf32, #tpu.memory_space<vmem>>
        %dma_start3A_93 = arith.constant 0 : i32
        %dma_start3A_94 = tpu.memref_slice %arg10[%dma_start3A_89, %dma_start3A_93] : memref<8x20xi32, #tpu.memory_space<vmem>> -> memref<1x20xi32, #tpu.memory_space<vmem>>
        %dma_start3A_95 = tpu.memref_squeeze %dma_start3A_94 : memref<1x20xi32, #tpu.memory_space<vmem>> -> memref<20xi32, #tpu.memory_space<vmem>>
        %dma_start3A_96 = arith.constant 0 : i32
        %dma_start3A_97 = arith.constant 0 : i32
        %dma_start3A_98 = tpu.memref_slice %arg12[%dma_start3A_96, %dma_start3A_97] : memref<10000x128xf32, #tpu.memory_space<vmem_shared>> -> memref<10000x128xf32, #tpu.memory_space<vmem_shared>>
        tpu.enqueue_indirect_dma source(%dma_start3A_92 : memref<20x128xf32, #tpu.memory_space<vmem>>) target(%dma_start3A_98 : memref<10000x128xf32, #tpu.memory_space<vmem_shared>>) offsets(%dma_start3A_95 : memref<20xi32, #tpu.memory_space<vmem>>) semaphore(%arg15 : memref<!tpu.dma_semaphore, #tpu.memory_space<semaphore_mem>>) {add = true}
        %dma_start3A_99 = arith.constant 3 : i32
        %dma_start3A_100 = arith.constant 60 : i32
        %dma_start3A_101 = arith.constant 0 : i32
        %dma_start3A_102 = tpu.memref_slice %arg8[%dma_start3A_100, %dma_start3A_101] : memref<160x128xf32, #tpu.memory_space<vmem>> -> memref<20x128xf32, #tpu.memory_space<vmem>>
        %dma_start3A_103 = arith.constant 0 : i32
        %dma_start3A_104 = tpu.memref_slice %arg10[%dma_start3A_99, %dma_start3A_103] : memref<8x20xi32, #tpu.memory_space<vmem>> -> memref<1x20xi32, #tpu.memory_space<vmem>>
        %dma_start3A_105 = tpu.memref_squeeze %dma_start3A_104 : memref<1x20xi32, #tpu.memory_space<vmem>> -> memref<20xi32, #tpu.memory_space<vmem>>
        %dma_start3A_106 = arith.constant 0 : i32
        %dma_start3A_107 = arith.constant 0 : i32
        %dma_start3A_108 = tpu.memref_slice %arg12[%dma_start3A_106, %dma_start3A_107] : memref<10000x128xf32, #tpu.memory_space<vmem_shared>> -> memref<10000x128xf32, #tpu.memory_space<vmem_shared>>
        tpu.enqueue_indirect_dma source(%dma_start3A_102 : memref<20x128xf32, #tpu.memory_space<vmem>>) target(%dma_start3A_108 : memref<10000x128xf32, #tpu.memory_space<vmem_shared>>) offsets(%dma_start3A_105 : memref<20xi32, #tpu.memory_space<vmem>>) semaphore(%arg15 : memref<!tpu.dma_semaphore, #tpu.memory_space<semaphore_mem>>) {add = true}
        %dma_start3A_109 = arith.constant 4 : i32
        %dma_start3A_110 = arith.constant 80 : i32
        %dma_start3A_111 = arith.constant 0 : i32
        %dma_start3A_112 = tpu.memref_slice %arg8[%dma_start3A_110, %dma_start3A_111] : memref<160x128xf32, #tpu.memory_space<vmem>> -> memref<20x128xf32, #tpu.memory_space<vmem>>
        %dma_start3A_113 = arith.constant 0 : i32
        %dma_start3A_114 = tpu.memref_slice %arg10[%dma_start3A_109, %dma_start3A_113] : memref<8x20xi32, #tpu.memory_space<vmem>> -> memref<1x20xi32, #tpu.memory_space<vmem>>
        %dma_start3A_115 = tpu.memref_squeeze %dma_start3A_114 : memref<1x20xi32, #tpu.memory_space<vmem>> -> memref<20xi32, #tpu.memory_space<vmem>>
        %dma_start3A_116 = arith.constant 0 : i32
        %dma_start3A_117 = arith.constant 0 : i32
        %dma_start3A_118 = tpu.memref_slice %arg12[%dma_start3A_116, %dma_start3A_117] : memref<10000x128xf32, #tpu.memory_space<vmem_shared>> -> memref<10000x128xf32, #tpu.memory_space<vmem_shared>>
        tpu.enqueue_indirect_dma source(%dma_start3A_112 : memref<20x128xf32, #tpu.memory_space<vmem>>) target(%dma_start3A_118 : memref<10000x128xf32, #tpu.memory_space<vmem_shared>>) offsets(%dma_start3A_115 : memref<20xi32, #tpu.memory_space<vmem>>) semaphore(%arg15 : memref<!tpu.dma_semaphore, #tpu.memory_space<semaphore_mem>>) {add = true}
        %dma_start3A_119 = arith.constant 5 : i32
        %dma_start3A_120 = arith.constant 100 : i32
        %dma_start3A_121 = arith.constant 0 : i32
        %dma_start3A_122 = tpu.memref_slice %arg8[%dma_start3A_120, %dma_start3A_121] : memref<160x128xf32, #tpu.memory_space<vmem>> -> memref<20x128xf32, #tpu.memory_space<vmem>>
        %dma_start3A_123 = arith.constant 0 : i32
        %dma_start3A_124 = tpu.memref_slice %arg10[%dma_start3A_119, %dma_start3A_123] : memref<8x20xi32, #tpu.memory_space<vmem>> -> memref<1x20xi32, #tpu.memory_space<vmem>>
        %dma_start3A_125 = tpu.memref_squeeze %dma_start3A_124 : memref<1x20xi32, #tpu.memory_space<vmem>> -> memref<20xi32, #tpu.memory_space<vmem>>
        %dma_start3A_126 = arith.constant 0 : i32
        %dma_start3A_127 = arith.constant 0 : i32
        %dma_start3A_128 = tpu.memref_slice %arg12[%dma_start3A_126, %dma_start3A_127] : memref<10000x128xf32, #tpu.memory_space<vmem_shared>> -> memref<10000x128xf32, #tpu.memory_space<vmem_shared>>
        tpu.enqueue_indirect_dma source(%dma_start3A_122 : memref<20x128xf32, #tpu.memory_space<vmem>>) target(%dma_start3A_128 : memref<10000x128xf32, #tpu.memory_space<vmem_shared>>) offsets(%dma_start3A_125 : memref<20xi32, #tpu.memory_space<vmem>>) semaphore(%arg15 : memref<!tpu.dma_semaphore, #tpu.memory_space<semaphore_mem>>) {add = true}
        %dma_start3A_129 = arith.constant 6 : i32
        %dma_start3A_130 = arith.constant 120 : i32
        %dma_start3A_131 = arith.constant 0 : i32
        %dma_start3A_132 = tpu.memref_slice %arg8[%dma_start3A_130, %dma_start3A_131] : memref<160x128xf32, #tpu.memory_space<vmem>> -> memref<20x128xf32, #tpu.memory_space<vmem>>
        %dma_start3A_133 = arith.constant 0 : i32
        %dma_start3A_134 = tpu.memref_slice %arg10[%dma_start3A_129, %dma_start3A_133] : memref<8x20xi32, #tpu.memory_space<vmem>> -> memref<1x20xi32, #tpu.memory_space<vmem>>
        %dma_start3A_135 = tpu.memref_squeeze %dma_start3A_134 : memref<1x20xi32, #tpu.memory_space<vmem>> -> memref<20xi32, #tpu.memory_space<vmem>>
        %dma_start3A_136 = arith.constant 0 : i32
        %dma_start3A_137 = arith.constant 0 : i32
        %dma_start3A_138 = tpu.memref_slice %arg12[%dma_start3A_136, %dma_start3A_137] : memref<10000x128xf32, #tpu.memory_space<vmem_shared>> -> memref<10000x128xf32, #tpu.memory_space<vmem_shared>>
        tpu.enqueue_indirect_dma source(%dma_start3A_132 : memref<20x128xf32, #tpu.memory_space<vmem>>) target(%dma_start3A_138 : memref<10000x128xf32, #tpu.memory_space<vmem_shared>>) offsets(%dma_start3A_135 : memref<20xi32, #tpu.memory_space<vmem>>) semaphore(%arg15 : memref<!tpu.dma_semaphore, #tpu.memory_space<semaphore_mem>>) {add = true}
        %dma_start3A_139 = arith.constant 7 : i32
        %dma_start3A_140 = arith.constant 140 : i32
        %dma_start3A_141 = arith.constant 0 : i32
        %dma_start3A_142 = tpu.memref_slice %arg8[%dma_start3A_140, %dma_start3A_141] : memref<160x128xf32, #tpu.memory_space<vmem>> -> memref<20x128xf32, #tpu.memory_space<vmem>>
        %dma_start3A_143 = arith.constant 0 : i32
        %dma_start3A_144 = tpu.memref_slice %arg10[%dma_start3A_139, %dma_start3A_143] : memref<8x20xi32, #tpu.memory_space<vmem>> -> memref<1x20xi32, #tpu.memory_space<vmem>>
        %dma_start3A_145 = tpu.memref_squeeze %dma_start3A_144 : memref<1x20xi32, #tpu.memory_space<vmem>> -> memref<20xi32, #tpu.memory_space<vmem>>
        %dma_start3A_146 = arith.constant 0 : i32
        %dma_start3A_147 = arith.constant 0 : i32
        %dma_start3A_148 = tpu.memref_slice %arg12[%dma_start3A_146, %dma_start3A_147] : memref<10000x128xf32, #tpu.memory_space<vmem_shared>> -> memref<10000x128xf32, #tpu.memory_space<vmem_shared>>
        tpu.enqueue_indirect_dma source(%dma_start3A_142 : memref<20x128xf32, #tpu.memory_space<vmem>>) target(%dma_start3A_148 : memref<10000x128xf32, #tpu.memory_space<vmem_shared>>) offsets(%dma_start3A_145 : memref<20xi32, #tpu.memory_space<vmem>>) semaphore(%arg15 : memref<!tpu.dma_semaphore, #tpu.memory_space<semaphore_mem>>) {add = true}
      } else {
      }
      %dma_wait3A = arith.constant 0 : i32
      %dma_wait3A_28 = arith.constant 0 : i32
      %dma_wait3A_29 = tpu.memref_slice %arg5[%dma_wait3A, %dma_wait3A_28] : memref<640x128xf32, #tpu.memory_space<hbm>> -> memref<160x128xf32, #tpu.memory_space<hbm>>
      %dma_wait3A_30 = arith.constant 0 : i32
      %dma_wait3A_31 = arith.constant 0 : i32
      %dma_wait3A_32 = tpu.memref_slice %arg5[%dma_wait3A_30, %dma_wait3A_31] : memref<640x128xf32, #tpu.memory_space<hbm>> -> memref<160x128xf32, #tpu.memory_space<hbm>>
      tpu.wait_dma2 semaphore(%arg15 : memref<!tpu.dma_semaphore, #tpu.memory_space<semaphore_mem>>) src(%dma_wait3A_32 : memref<160x128xf32, #tpu.memory_space<hbm>>) dst(%arg8 : memref<160x128xf32, #tpu.memory_space<vmem>>)
      %dma_wait3A_33 = arith.constant 0 : i32
      %dma_wait3A_34 = arith.constant 0 : i32
      %dma_wait3A_35 = tpu.memref_slice %arg5[%dma_wait3A_33, %dma_wait3A_34] : memref<640x128xf32, #tpu.memory_space<hbm>> -> memref<160x128xf32, #tpu.memory_space<hbm>>
      %dma_wait3A_36 = arith.constant 0 : i32
      %dma_wait3A_37 = arith.constant 0 : i32
      %dma_wait3A_38 = tpu.memref_slice %arg5[%dma_wait3A_36, %dma_wait3A_37] : memref<640x128xf32, #tpu.memory_space<hbm>> -> memref<160x128xf32, #tpu.memory_space<hbm>>
      tpu.wait_dma2 semaphore(%arg16 : memref<!tpu.dma_semaphore, #tpu.memory_space<semaphore_mem>>) src(%dma_wait3A_38 : memref<160x128xf32, #tpu.memory_space<hbm>>) dst(%arg9 : memref<160x128xf32, #tpu.memory_space<vmem>>)
    } else {
    }
    %barrier3A_8 = arith.constant 0 : index
    tpu.barrier barrier_id(%barrier3A_8)
    %eq3A_9 = arith.constant 0 : i32
    %eq3A_10 = arith.cmpi eq, %arg0, %eq3A_9 : i32
    %convert_element_type3A_11 = arith.extui %eq3A_10 : i1 to i32
    %cond3A_12 = arith.constant 0 : i32
    %cond3A_13 = arith.cmpi ne, %convert_element_type3A_11, %cond3A_12 : i32
    scf.if %cond3A_13 {
      "tpu.region"() ({
        %run_scoped3A = tpu.sem_alloc : memref<!tpu.dma_semaphore, #tpu.memory_space<semaphore_mem>>
        %dma_start3A = arith.constant 0 : i32
        %dma_start3A_19 = tpu.memref_slice %arg6[%multiple_of3A, %dma_start3A] : memref<10000x128xf32, #tpu.memory_space<hbm>> -> memref<640x128xf32, #tpu.memory_space<hbm>>
        %dma_start3A_20 = arith.constant 0 : i32
        %dma_start3A_21 = tpu.memref_slice %arg12[%multiple_of3A, %dma_start3A_20] : memref<10000x128xf32, #tpu.memory_space<vmem_shared>> -> memref<640x128xf32, #tpu.memory_space<vmem_shared>>
        tpu.enqueue_dma source(%dma_start3A_21 : memref<640x128xf32, #tpu.memory_space<vmem_shared>>) target(%dma_start3A_19 : memref<640x128xf32, #tpu.memory_space<hbm>>) target_semaphore(%run_scoped3A : memref<!tpu.dma_semaphore, #tpu.memory_space<semaphore_mem>>)
        %dma_wait3A = arith.constant 0 : i32
        %dma_wait3A_22 = tpu.memref_slice %arg6[%multiple_of3A, %dma_wait3A] : memref<10000x128xf32, #tpu.memory_space<hbm>> -> memref<640x128xf32, #tpu.memory_space<hbm>>
        %dma_wait3A_23 = arith.constant 0 : i32
        %dma_wait3A_24 = tpu.memref_slice %arg12[%multiple_of3A, %dma_wait3A_23] : memref<10000x128xf32, #tpu.memory_space<vmem_shared>> -> memref<640x128xf32, #tpu.memory_space<vmem_shared>>
        tpu.wait_dma2 semaphore(%run_scoped3A : memref<!tpu.dma_semaphore, #tpu.memory_space<semaphore_mem>>) src(%dma_wait3A_24 : memref<640x128xf32, #tpu.memory_space<vmem_shared>>) dst(%dma_wait3A_22 : memref<640x128xf32, #tpu.memory_space<hbm>>)
        tpu.yield
      }) : () -> ()
    } else {
    }
    %eq3A_14 = arith.constant 1 : i32
    %eq3A_15 = arith.cmpi eq, %arg0, %eq3A_14 : i32
    %convert_element_type3A_16 = arith.extui %eq3A_15 : i1 to i32
    %cond3A_17 = arith.constant 0 : i32
    %cond3A_18 = arith.cmpi ne, %convert_element_type3A_16, %cond3A_17 : i32
    scf.if %cond3A_18 {
      "tpu.region"() ({
        %run_scoped3A = tpu.sem_alloc : memref<!tpu.dma_semaphore, #tpu.memory_space<semaphore_mem>>
        %dma_start3A = arith.constant 0 : i32
        %dma_start3A_19 = tpu.memref_slice %arg7[%multiple_of3A, %dma_start3A] : memref<10000x128xf32, #tpu.memory_space<hbm>> -> memref<640x128xf32, #tpu.memory_space<hbm>>
        %dma_start3A_20 = arith.constant 0 : i32
        %dma_start3A_21 = tpu.memref_slice %arg12[%multiple_of3A, %dma_start3A_20] : memref<10000x128xf32, #tpu.memory_space<vmem_shared>> -> memref<640x128xf32, #tpu.memory_space<vmem_shared>>
        tpu.enqueue_dma source(%dma_start3A_21 : memref<640x128xf32, #tpu.memory_space<vmem_shared>>) target(%dma_start3A_19 : memref<640x128xf32, #tpu.memory_space<hbm>>) target_semaphore(%run_scoped3A : memref<!tpu.dma_semaphore, #tpu.memory_space<semaphore_mem>>)
        %dma_wait3A = arith.constant 0 : i32
        %dma_wait3A_22 = tpu.memref_slice %arg7[%multiple_of3A, %dma_wait3A] : memref<10000x128xf32, #tpu.memory_space<hbm>> -> memref<640x128xf32, #tpu.memory_space<hbm>>
        %dma_wait3A_23 = arith.constant 0 : i32
        %dma_wait3A_24 = tpu.memref_slice %arg12[%multiple_of3A, %dma_wait3A_23] : memref<10000x128xf32, #tpu.memory_space<vmem_shared>> -> memref<640x128xf32, #tpu.memory_space<vmem_shared>>
        tpu.wait_dma2 semaphore(%run_scoped3A : memref<!tpu.dma_semaphore, #tpu.memory_space<semaphore_mem>>) src(%dma_wait3A_24 : memref<640x128xf32, #tpu.memory_space<vmem_shared>>) dst(%dma_wait3A_22 : memref<640x128xf32, #tpu.memory_space<hbm>>)
        tpu.yield
      }) : () -> ()
    } else {
    }
    return
  }
}

#map = affine_map<(d0, d1) -> (0, 0)>
module attributes {stable_mosaic.version = 14 : i64} {
  func.func @body(%arg0: i32, %arg1: i32, %arg2: memref<160000x128xf32, #tpu.memory_space<hbm>>, %arg3: memref<160000x128xf32, #tpu.memory_space<hbm>>, %arg4: memref<16000x20xi32, #tpu.memory_space<hbm>>, %arg5: memref<640x128xf32, #tpu.memory_space<hbm>>, %arg6: memref<10000x128xf32, #tpu.memory_space<hbm>>, %arg7: memref<10000x128xf32, #tpu.memory_space<hbm>>, %arg8: memref<160x128xf32, #tpu.memory_space<vmem>>, %arg9: memref<160x128xf32, #tpu.memory_space<vmem>>, %arg10: memref<8x20xi32, #tpu.memory_space<vmem>>, %arg11: memref<8x20xi32, #tpu.memory_space<vmem>>, %arg12: memref<10000x128xf32, #tpu.memory_space<vmem_shared>>, %arg13: memref<!tpu.dma_semaphore, #tpu.memory_space<semaphore_mem>>, %arg14: memref<!tpu.dma_semaphore, #tpu.memory_space<semaphore_mem>>, %arg15: memref<!tpu.dma_semaphore, #tpu.memory_space<semaphore_mem>>, %arg16: memref<!tpu.dma_semaphore, #tpu.memory_space<semaphore_mem>>) attributes {dimension_semantics = [#tpu.dimension_semantics<core_parallel>, #tpu.dimension_semantics<subcore_parallel>], iteration_bounds = array<i64: 2, 16>, scalar_prefetch = 0 : i64, scratch_operands = 9 : i64, tpu.core_type = #tpu.core_type<sc_vector_subcore>, window_params = [{transform_indices = #map}, {transform_indices = #map}, {transform_indices = #map}, {transform_indices = #map}, {transform_indices = #map}, {transform_indices = #map}]} {
    %mul3A = arith.constant 624 : i32
    %mul3A_0 = arith.muli %arg1, %mul3A : i32
    %multiple_of3A = tpu.assume_multiple %mul3A_0, 8 : i32
    "tpu.region"() ({
      %run_scoped3A = tpu.sem_alloc : memref<!tpu.dma_semaphore, #tpu.memory_space<semaphore_mem>>
      %dma_start3A = arith.constant 0 : i32
      %dma_start3A_19 = tpu.memref_slice %arg12[%multiple_of3A, %dma_start3A] : memref<10000x128xf32, #tpu.memory_space<vmem_shared>> -> memref<640x128xf32, #tpu.memory_space<vmem_shared>>
      tpu.enqueue_dma source(%arg5 : memref<640x128xf32, #tpu.memory_space<hbm>>) target(%dma_start3A_19 : memref<640x128xf32, #tpu.memory_space<vmem_shared>>) target_semaphore(%run_scoped3A : memref<!tpu.dma_semaphore, #tpu.memory_space<semaphore_mem>>)
      %dma_wait3A = arith.constant 0 : i32
      %dma_wait3A_20 = tpu.memref_slice %arg12[%multiple_of3A, %dma_wait3A] : memref<10000x128xf32, #tpu.memory_space<vmem_shared>> -> memref<640x128xf32, #tpu.memory_space<vmem_shared>>
      tpu.wait_dma2 semaphore(%run_scoped3A : memref<!tpu.dma_semaphore, #tpu.memory_space<semaphore_mem>>) src(%arg5 : memref<640x128xf32, #tpu.memory_space<hbm>>) dst(%dma_wait3A_20 : memref<640x128xf32, #tpu.memory_space<vmem_shared>>)
      tpu.yield
    }) : () -> ()
    %barrier3A = arith.constant 0 : index
    tpu.barrier barrier_id(%barrier3A)
    %eq3A = arith.constant 0 : i32
    %eq3A_1 = arith.cmpi eq, %arg0, %eq3A : i32
    %convert_element_type3A = arith.extui %eq3A_1 : i1 to i32
    %cond3A = arith.constant 0 : i32
    %cond3A_2 = arith.cmpi ne, %convert_element_type3A, %cond3A : i32
    scf.if %cond3A_2 {
      %scan3A = arith.constant 0 : i32
      %scan3A_19 = arith.constant 0 : i32
      %scan3A_20 = arith.constant 31 : i32
      %scan3A_21 = arith.addi %scan3A_19, %scan3A_20 : i32
      %scan3A_22 = arith.constant 1 : i32
      scf.for %scan3A_39 = %scan3A_19 to %scan3A_21 step %scan3A_22  : i32 {
        %mul3A_40 = arith.constant 2 : i32
        %mul3A_41 = arith.muli %scan3A_39, %mul3A_40 : i32
        %gt3A = arith.constant 0 : i32
        %gt3A_42 = arith.cmpi sgt, %scan3A_39, %gt3A : i32
        %convert_element_type3A_43 = arith.extui %gt3A_42 : i1 to i32
        %cond3A_44 = arith.constant 0 : i32
        %cond3A_45 = arith.cmpi ne, %convert_element_type3A_43, %cond3A_44 : i32
        scf.if %cond3A_45 {
          %dma_wait3A_265 = arith.constant 0 : i32
          %dma_wait3A_266 = arith.constant 0 : i32
          %dma_wait3A_267 = tpu.memref_slice %arg5[%dma_wait3A_265, %dma_wait3A_266] : memref<640x128xf32, #tpu.memory_space<hbm>> -> memref<160x128xf32, #tpu.memory_space<hbm>>
          %dma_wait3A_268 = arith.constant 0 : i32
          %dma_wait3A_269 = arith.constant 0 : i32
          %dma_wait3A_270 = tpu.memref_slice %arg5[%dma_wait3A_268, %dma_wait3A_269] : memref<640x128xf32, #tpu.memory_space<hbm>> -> memref<160x128xf32, #tpu.memory_space<hbm>>
          tpu.wait_dma2 semaphore(%arg15 : memref<!tpu.dma_semaphore, #tpu.memory_space<semaphore_mem>>) src(%dma_wait3A_270 : memref<160x128xf32, #tpu.memory_space<hbm>>) dst(%arg8 : memref<160x128xf32, #tpu.memory_space<vmem>>)
        } else {
        }
        %mul3A_46 = arith.constant 16 : i32
        %mul3A_47 = arith.muli %mul3A_41, %mul3A_46 : i32
        %add3A = arith.addi %arg1, %mul3A_47 : i32
        %mul3A_48 = arith.constant 160 : i32
        %mul3A_49 = arith.muli %add3A, %mul3A_48 : i32
        %multiple_of3A_50 = tpu.assume_multiple %mul3A_49, 160 : i32
        %mul3A_51 = arith.constant 8 : i32
        %mul3A_52 = arith.muli %add3A, %mul3A_51 : i32
        %add3A_53 = arith.constant 0 : i32
        %add3A_54 = arith.addi %add3A_53, %mul3A_52 : i32
        %multiple_of3A_55 = tpu.assume_multiple %add3A_54, 8 : i32
        %dma_start3A = arith.constant 0 : i32
        %dma_start3A_56 = tpu.memref_slice %arg2[%multiple_of3A_50, %dma_start3A] : memref<160000x128xf32, #tpu.memory_space<hbm>> -> memref<160x128xf32, #tpu.memory_space<hbm>>
        %dma_start3A_57 = arith.constant 0 : i32
        %dma_start3A_58 = tpu.memref_slice %arg2[%multiple_of3A_50, %dma_start3A_57] : memref<160000x128xf32, #tpu.memory_space<hbm>> -> memref<160x128xf32, #tpu.memory_space<hbm>>
        tpu.enqueue_dma source(%dma_start3A_58 : memref<160x128xf32, #tpu.memory_space<hbm>>) target(%arg8 : memref<160x128xf32, #tpu.memory_space<vmem>>) target_semaphore(%arg13 : memref<!tpu.dma_semaphore, #tpu.memory_space<semaphore_mem>>)
        %dma_start3A_59 = arith.constant 0 : i32
        %dma_start3A_60 = tpu.memref_slice %arg4[%multiple_of3A_55, %dma_start3A_59] : memref<16000x20xi32, #tpu.memory_space<hbm>> -> memref<8x20xi32, #tpu.memory_space<hbm>>
        %dma_start3A_61 = arith.constant 0 : i32
        %dma_start3A_62 = tpu.memref_slice %arg4[%multiple_of3A_55, %dma_start3A_61] : memref<16000x20xi32, #tpu.memory_space<hbm>> -> memref<8x20xi32, #tpu.memory_space<hbm>>
        tpu.enqueue_dma source(%dma_start3A_62 : memref<8x20xi32, #tpu.memory_space<hbm>>) target(%arg10 : memref<8x20xi32, #tpu.memory_space<vmem>>) target_semaphore(%arg13 : memref<!tpu.dma_semaphore, #tpu.memory_space<semaphore_mem>>)
        %gt3A_63 = arith.constant 0 : i32
        %gt3A_64 = arith.cmpi sgt, %scan3A_39, %gt3A_63 : i32
        %convert_element_type3A_65 = arith.extui %gt3A_64 : i1 to i32
        %cond3A_66 = arith.constant 0 : i32
        %cond3A_67 = arith.cmpi ne, %convert_element_type3A_65, %cond3A_66 : i32
        scf.if %cond3A_67 {
          %dma_wait3A_265 = arith.constant 0 : i32
          %dma_wait3A_266 = arith.constant 0 : i32
          %dma_wait3A_267 = tpu.memref_slice %arg5[%dma_wait3A_265, %dma_wait3A_266] : memref<640x128xf32, #tpu.memory_space<hbm>> -> memref<160x128xf32, #tpu.memory_space<hbm>>
          %dma_wait3A_268 = arith.constant 0 : i32
          %dma_wait3A_269 = arith.constant 0 : i32
          %dma_wait3A_270 = tpu.memref_slice %arg5[%dma_wait3A_268, %dma_wait3A_269] : memref<640x128xf32, #tpu.memory_space<hbm>> -> memref<160x128xf32, #tpu.memory_space<hbm>>
          tpu.wait_dma2 semaphore(%arg16 : memref<!tpu.dma_semaphore, #tpu.memory_space<semaphore_mem>>) src(%dma_wait3A_270 : memref<160x128xf32, #tpu.memory_space<hbm>>) dst(%arg9 : memref<160x128xf32, #tpu.memory_space<vmem>>)
        } else {
        }
        %add3A_68 = arith.constant 1 : i32
        %add3A_69 = arith.addi %mul3A_41, %add3A_68 : i32
        %mul3A_70 = arith.constant 16 : i32
        %mul3A_71 = arith.muli %add3A_69, %mul3A_70 : i32
        %add3A_72 = arith.addi %arg1, %mul3A_71 : i32
        %mul3A_73 = arith.constant 160 : i32
        %mul3A_74 = arith.muli %add3A_72, %mul3A_73 : i32
        %multiple_of3A_75 = tpu.assume_multiple %mul3A_74, 160 : i32
        %mul3A_76 = arith.constant 8 : i32
        %mul3A_77 = arith.muli %add3A_72, %mul3A_76 : i32
        %add3A_78 = arith.constant 0 : i32
        %add3A_79 = arith.addi %add3A_78, %mul3A_77 : i32
        %multiple_of3A_80 = tpu.assume_multiple %add3A_79, 8 : i32
        %dma_start3A_81 = arith.constant 0 : i32
        %dma_start3A_82 = tpu.memref_slice %arg2[%multiple_of3A_75, %dma_start3A_81] : memref<160000x128xf32, #tpu.memory_space<hbm>> -> memref<160x128xf32, #tpu.memory_space<hbm>>
        %dma_start3A_83 = arith.constant 0 : i32
        %dma_start3A_84 = tpu.memref_slice %arg2[%multiple_of3A_75, %dma_start3A_83] : memref<160000x128xf32, #tpu.memory_space<hbm>> -> memref<160x128xf32, #tpu.memory_space<hbm>>
        tpu.enqueue_dma source(%dma_start3A_84 : memref<160x128xf32, #tpu.memory_space<hbm>>) target(%arg9 : memref<160x128xf32, #tpu.memory_space<vmem>>) target_semaphore(%arg14 : memref<!tpu.dma_semaphore, #tpu.memory_space<semaphore_mem>>)
        %dma_start3A_85 = arith.constant 0 : i32
        %dma_start3A_86 = tpu.memref_slice %arg4[%multiple_of3A_80, %dma_start3A_85] : memref<16000x20xi32, #tpu.memory_space<hbm>> -> memref<8x20xi32, #tpu.memory_space<hbm>>
        %dma_start3A_87 = arith.constant 0 : i32
        %dma_start3A_88 = tpu.memref_slice %arg4[%multiple_of3A_80, %dma_start3A_87] : memref<16000x20xi32, #tpu.memory_space<hbm>> -> memref<8x20xi32, #tpu.memory_space<hbm>>
        tpu.enqueue_dma source(%dma_start3A_88 : memref<8x20xi32, #tpu.memory_space<hbm>>) target(%arg11 : memref<8x20xi32, #tpu.memory_space<vmem>>) target_semaphore(%arg14 : memref<!tpu.dma_semaphore, #tpu.memory_space<semaphore_mem>>)
        %dma_wait3A_89 = arith.constant 0 : i32
        %dma_wait3A_90 = tpu.memref_slice %arg2[%multiple_of3A_50, %dma_wait3A_89] : memref<160000x128xf32, #tpu.memory_space<hbm>> -> memref<160x128xf32, #tpu.memory_space<hbm>>
        %dma_wait3A_91 = arith.constant 0 : i32
        %dma_wait3A_92 = tpu.memref_slice %arg2[%multiple_of3A_50, %dma_wait3A_91] : memref<160000x128xf32, #tpu.memory_space<hbm>> -> memref<160x128xf32, #tpu.memory_space<hbm>>
        tpu.wait_dma2 semaphore(%arg13 : memref<!tpu.dma_semaphore, #tpu.memory_space<semaphore_mem>>) src(%dma_wait3A_92 : memref<160x128xf32, #tpu.memory_space<hbm>>) dst(%arg8 : memref<160x128xf32, #tpu.memory_space<vmem>>)
        %dma_wait3A_93 = arith.constant 0 : i32
        %dma_wait3A_94 = tpu.memref_slice %arg4[%multiple_of3A_55, %dma_wait3A_93] : memref<16000x20xi32, #tpu.memory_space<hbm>> -> memref<8x20xi32, #tpu.memory_space<hbm>>
        %dma_wait3A_95 = arith.constant 0 : i32
        %dma_wait3A_96 = tpu.memref_slice %arg4[%multiple_of3A_55, %dma_wait3A_95] : memref<16000x20xi32, #tpu.memory_space<hbm>> -> memref<8x20xi32, #tpu.memory_space<hbm>>
        tpu.wait_dma2 semaphore(%arg13 : memref<!tpu.dma_semaphore, #tpu.memory_space<semaphore_mem>>) src(%dma_wait3A_96 : memref<8x20xi32, #tpu.memory_space<hbm>>) dst(%arg10 : memref<8x20xi32, #tpu.memory_space<vmem>>)
        %dma_start3A_97 = arith.constant 0 : i32
        %dma_start3A_98 = arith.constant 0 : i32
        %dma_start3A_99 = arith.constant 0 : i32
        %dma_start3A_100 = tpu.memref_slice %arg8[%dma_start3A_98, %dma_start3A_99] : memref<160x128xf32, #tpu.memory_space<vmem>> -> memref<20x128xf32, #tpu.memory_space<vmem>>
        %dma_start3A_101 = arith.constant 0 : i32
        %dma_start3A_102 = tpu.memref_slice %arg10[%dma_start3A_97, %dma_start3A_101] : memref<8x20xi32, #tpu.memory_space<vmem>> -> memref<1x20xi32, #tpu.memory_space<vmem>>
        %dma_start3A_103 = tpu.memref_squeeze %dma_start3A_102 : memref<1x20xi32, #tpu.memory_space<vmem>> -> memref<20xi32, #tpu.memory_space<vmem>>
        %dma_start3A_104 = arith.constant 0 : i32
        %dma_start3A_105 = arith.constant 0 : i32
        %dma_start3A_106 = tpu.memref_slice %arg12[%dma_start3A_104, %dma_start3A_105] : memref<10000x128xf32, #tpu.memory_space<vmem_shared>> -> memref<10000x128xf32, #tpu.memory_space<vmem_shared>>
        tpu.enqueue_indirect_dma source(%dma_start3A_100 : memref<20x128xf32, #tpu.memory_space<vmem>>) target(%dma_start3A_106 : memref<10000x128xf32, #tpu.memory_space<vmem_shared>>) offsets(%dma_start3A_103 : memref<20xi32, #tpu.memory_space<vmem>>) semaphore(%arg15 : memref<!tpu.dma_semaphore, #tpu.memory_space<semaphore_mem>>) {add = true}
        %dma_start3A_107 = arith.constant 1 : i32
        %dma_start3A_108 = arith.constant 20 : i32
        %dma_start3A_109 = arith.constant 0 : i32
        %dma_start3A_110 = tpu.memref_slice %arg8[%dma_start3A_108, %dma_start3A_109] : memref<160x128xf32, #tpu.memory_space<vmem>> -> memref<20x128xf32, #tpu.memory_space<vmem>>
        %dma_start3A_111 = arith.constant 0 : i32
        %dma_start3A_112 = tpu.memref_slice %arg10[%dma_start3A_107, %dma_start3A_111] : memref<8x20xi32, #tpu.memory_space<vmem>> -> memref<1x20xi32, #tpu.memory_space<vmem>>
        %dma_start3A_113 = tpu.memref_squeeze %dma_start3A_112 : memref<1x20xi32, #tpu.memory_space<vmem>> -> memref<20xi32, #tpu.memory_space<vmem>>
        %dma_start3A_114 = arith.constant 0 : i32
        %dma_start3A_115 = arith.constant 0 : i32
        %dma_start3A_116 = tpu.memref_slice %arg12[%dma_start3A_114, %dma_start3A_115] : memref<10000x128xf32, #tpu.memory_space<vmem_shared>> -> memref<10000x128xf32, #tpu.memory_space<vmem_shared>>
        tpu.enqueue_indirect_dma source(%dma_start3A_110 : memref<20x128xf32, #tpu.memory_space<vmem>>) target(%dma_start3A_116 : memref<10000x128xf32, #tpu.memory_space<vmem_shared>>) offsets(%dma_start3A_113 : memref<20xi32, #tpu.memory_space<vmem>>) semaphore(%arg15 : memref<!tpu.dma_semaphore, #tpu.memory_space<semaphore_mem>>) {add = true}
        %dma_start3A_117 = arith.constant 2 : i32
        %dma_start3A_118 = arith.constant 40 : i32
        %dma_start3A_119 = arith.constant 0 : i32
        %dma_start3A_120 = tpu.memref_slice %arg8[%dma_start3A_118, %dma_start3A_119] : memref<160x128xf32, #tpu.memory_space<vmem>> -> memref<20x128xf32, #tpu.memory_space<vmem>>
        %dma_start3A_121 = arith.constant 0 : i32
        %dma_start3A_122 = tpu.memref_slice %arg10[%dma_start3A_117, %dma_start3A_121] : memref<8x20xi32, #tpu.memory_space<vmem>> -> memref<1x20xi32, #tpu.memory_space<vmem>>
        %dma_start3A_123 = tpu.memref_squeeze %dma_start3A_122 : memref<1x20xi32, #tpu.memory_space<vmem>> -> memref<20xi32, #tpu.memory_space<vmem>>
        %dma_start3A_124 = arith.constant 0 : i32
        %dma_start3A_125 = arith.constant 0 : i32
        %dma_start3A_126 = tpu.memref_slice %arg12[%dma_start3A_124, %dma_start3A_125] : memref<10000x128xf32, #tpu.memory_space<vmem_shared>> -> memref<10000x128xf32, #tpu.memory_space<vmem_shared>>
        tpu.enqueue_indirect_dma source(%dma_start3A_120 : memref<20x128xf32, #tpu.memory_space<vmem>>) target(%dma_start3A_126 : memref<10000x128xf32, #tpu.memory_space<vmem_shared>>) offsets(%dma_start3A_123 : memref<20xi32, #tpu.memory_space<vmem>>) semaphore(%arg15 : memref<!tpu.dma_semaphore, #tpu.memory_space<semaphore_mem>>) {add = true}
        %dma_start3A_127 = arith.constant 3 : i32
        %dma_start3A_128 = arith.constant 60 : i32
        %dma_start3A_129 = arith.constant 0 : i32
        %dma_start3A_130 = tpu.memref_slice %arg8[%dma_start3A_128, %dma_start3A_129] : memref<160x128xf32, #tpu.memory_space<vmem>> -> memref<20x128xf32, #tpu.memory_space<vmem>>
        %dma_start3A_131 = arith.constant 0 : i32
        %dma_start3A_132 = tpu.memref_slice %arg10[%dma_start3A_127, %dma_start3A_131] : memref<8x20xi32, #tpu.memory_space<vmem>> -> memref<1x20xi32, #tpu.memory_space<vmem>>
        %dma_start3A_133 = tpu.memref_squeeze %dma_start3A_132 : memref<1x20xi32, #tpu.memory_space<vmem>> -> memref<20xi32, #tpu.memory_space<vmem>>
        %dma_start3A_134 = arith.constant 0 : i32
        %dma_start3A_135 = arith.constant 0 : i32
        %dma_start3A_136 = tpu.memref_slice %arg12[%dma_start3A_134, %dma_start3A_135] : memref<10000x128xf32, #tpu.memory_space<vmem_shared>> -> memref<10000x128xf32, #tpu.memory_space<vmem_shared>>
        tpu.enqueue_indirect_dma source(%dma_start3A_130 : memref<20x128xf32, #tpu.memory_space<vmem>>) target(%dma_start3A_136 : memref<10000x128xf32, #tpu.memory_space<vmem_shared>>) offsets(%dma_start3A_133 : memref<20xi32, #tpu.memory_space<vmem>>) semaphore(%arg15 : memref<!tpu.dma_semaphore, #tpu.memory_space<semaphore_mem>>) {add = true}
        %dma_start3A_137 = arith.constant 4 : i32
        %dma_start3A_138 = arith.constant 80 : i32
        %dma_start3A_139 = arith.constant 0 : i32
        %dma_start3A_140 = tpu.memref_slice %arg8[%dma_start3A_138, %dma_start3A_139] : memref<160x128xf32, #tpu.memory_space<vmem>> -> memref<20x128xf32, #tpu.memory_space<vmem>>
        %dma_start3A_141 = arith.constant 0 : i32
        %dma_start3A_142 = tpu.memref_slice %arg10[%dma_start3A_137, %dma_start3A_141] : memref<8x20xi32, #tpu.memory_space<vmem>> -> memref<1x20xi32, #tpu.memory_space<vmem>>
        %dma_start3A_143 = tpu.memref_squeeze %dma_start3A_142 : memref<1x20xi32, #tpu.memory_space<vmem>> -> memref<20xi32, #tpu.memory_space<vmem>>
        %dma_start3A_144 = arith.constant 0 : i32
        %dma_start3A_145 = arith.constant 0 : i32
        %dma_start3A_146 = tpu.memref_slice %arg12[%dma_start3A_144, %dma_start3A_145] : memref<10000x128xf32, #tpu.memory_space<vmem_shared>> -> memref<10000x128xf32, #tpu.memory_space<vmem_shared>>
        tpu.enqueue_indirect_dma source(%dma_start3A_140 : memref<20x128xf32, #tpu.memory_space<vmem>>) target(%dma_start3A_146 : memref<10000x128xf32, #tpu.memory_space<vmem_shared>>) offsets(%dma_start3A_143 : memref<20xi32, #tpu.memory_space<vmem>>) semaphore(%arg15 : memref<!tpu.dma_semaphore, #tpu.memory_space<semaphore_mem>>) {add = true}
        %dma_start3A_147 = arith.constant 5 : i32
        %dma_start3A_148 = arith.constant 100 : i32
        %dma_start3A_149 = arith.constant 0 : i32
        %dma_start3A_150 = tpu.memref_slice %arg8[%dma_start3A_148, %dma_start3A_149] : memref<160x128xf32, #tpu.memory_space<vmem>> -> memref<20x128xf32, #tpu.memory_space<vmem>>
        %dma_start3A_151 = arith.constant 0 : i32
        %dma_start3A_152 = tpu.memref_slice %arg10[%dma_start3A_147, %dma_start3A_151] : memref<8x20xi32, #tpu.memory_space<vmem>> -> memref<1x20xi32, #tpu.memory_space<vmem>>
        %dma_start3A_153 = tpu.memref_squeeze %dma_start3A_152 : memref<1x20xi32, #tpu.memory_space<vmem>> -> memref<20xi32, #tpu.memory_space<vmem>>
        %dma_start3A_154 = arith.constant 0 : i32
        %dma_start3A_155 = arith.constant 0 : i32
        %dma_start3A_156 = tpu.memref_slice %arg12[%dma_start3A_154, %dma_start3A_155] : memref<10000x128xf32, #tpu.memory_space<vmem_shared>> -> memref<10000x128xf32, #tpu.memory_space<vmem_shared>>
        tpu.enqueue_indirect_dma source(%dma_start3A_150 : memref<20x128xf32, #tpu.memory_space<vmem>>) target(%dma_start3A_156 : memref<10000x128xf32, #tpu.memory_space<vmem_shared>>) offsets(%dma_start3A_153 : memref<20xi32, #tpu.memory_space<vmem>>) semaphore(%arg15 : memref<!tpu.dma_semaphore, #tpu.memory_space<semaphore_mem>>) {add = true}
        %dma_start3A_157 = arith.constant 6 : i32
        %dma_start3A_158 = arith.constant 120 : i32
        %dma_start3A_159 = arith.constant 0 : i32
        %dma_start3A_160 = tpu.memref_slice %arg8[%dma_start3A_158, %dma_start3A_159] : memref<160x128xf32, #tpu.memory_space<vmem>> -> memref<20x128xf32, #tpu.memory_space<vmem>>
        %dma_start3A_161 = arith.constant 0 : i32
        %dma_start3A_162 = tpu.memref_slice %arg10[%dma_start3A_157, %dma_start3A_161] : memref<8x20xi32, #tpu.memory_space<vmem>> -> memref<1x20xi32, #tpu.memory_space<vmem>>
        %dma_start3A_163 = tpu.memref_squeeze %dma_start3A_162 : memref<1x20xi32, #tpu.memory_space<vmem>> -> memref<20xi32, #tpu.memory_space<vmem>>
        %dma_start3A_164 = arith.constant 0 : i32
        %dma_start3A_165 = arith.constant 0 : i32
        %dma_start3A_166 = tpu.memref_slice %arg12[%dma_start3A_164, %dma_start3A_165] : memref<10000x128xf32, #tpu.memory_space<vmem_shared>> -> memref<10000x128xf32, #tpu.memory_space<vmem_shared>>
        tpu.enqueue_indirect_dma source(%dma_start3A_160 : memref<20x128xf32, #tpu.memory_space<vmem>>) target(%dma_start3A_166 : memref<10000x128xf32, #tpu.memory_space<vmem_shared>>) offsets(%dma_start3A_163 : memref<20xi32, #tpu.memory_space<vmem>>) semaphore(%arg15 : memref<!tpu.dma_semaphore, #tpu.memory_space<semaphore_mem>>) {add = true}
        %dma_start3A_167 = arith.constant 7 : i32
        %dma_start3A_168 = arith.constant 140 : i32
        %dma_start3A_169 = arith.constant 0 : i32
        %dma_start3A_170 = tpu.memref_slice %arg8[%dma_start3A_168, %dma_start3A_169] : memref<160x128xf32, #tpu.memory_space<vmem>> -> memref<20x128xf32, #tpu.memory_space<vmem>>
        %dma_start3A_171 = arith.constant 0 : i32
        %dma_start3A_172 = tpu.memref_slice %arg10[%dma_start3A_167, %dma_start3A_171] : memref<8x20xi32, #tpu.memory_space<vmem>> -> memref<1x20xi32, #tpu.memory_space<vmem>>
        %dma_start3A_173 = tpu.memref_squeeze %dma_start3A_172 : memref<1x20xi32, #tpu.memory_space<vmem>> -> memref<20xi32, #tpu.memory_space<vmem>>
        %dma_start3A_174 = arith.constant 0 : i32
        %dma_start3A_175 = arith.constant 0 : i32
        %dma_start3A_176 = tpu.memref_slice %arg12[%dma_start3A_174, %dma_start3A_175] : memref<10000x128xf32, #tpu.memory_space<vmem_shared>> -> memref<10000x128xf32, #tpu.memory_space<vmem_shared>>
        tpu.enqueue_indirect_dma source(%dma_start3A_170 : memref<20x128xf32, #tpu.memory_space<vmem>>) target(%dma_start3A_176 : memref<10000x128xf32, #tpu.memory_space<vmem_shared>>) offsets(%dma_start3A_173 : memref<20xi32, #tpu.memory_space<vmem>>) semaphore(%arg15 : memref<!tpu.dma_semaphore, #tpu.memory_space<semaphore_mem>>) {add = true}
        %dma_wait3A_177 = arith.constant 0 : i32
        %dma_wait3A_178 = tpu.memref_slice %arg2[%multiple_of3A_75, %dma_wait3A_177] : memref<160000x128xf32, #tpu.memory_space<hbm>> -> memref<160x128xf32, #tpu.memory_space<hbm>>
        %dma_wait3A_179 = arith.constant 0 : i32
        %dma_wait3A_180 = tpu.memref_slice %arg2[%multiple_of3A_75, %dma_wait3A_179] : memref<160000x128xf32, #tpu.memory_space<hbm>> -> memref<160x128xf32, #tpu.memory_space<hbm>>
        tpu.wait_dma2 semaphore(%arg14 : memref<!tpu.dma_semaphore, #tpu.memory_space<semaphore_mem>>) src(%dma_wait3A_180 : memref<160x128xf32, #tpu.memory_space<hbm>>) dst(%arg9 : memref<160x128xf32, #tpu.memory_space<vmem>>)
        %dma_wait3A_181 = arith.constant 0 : i32
        %dma_wait3A_182 = tpu.memref_slice %arg4[%multiple_of3A_80, %dma_wait3A_181] : memref<16000x20xi32, #tpu.memory_space<hbm>> -> memref<8x20xi32, #tpu.memory_space<hbm>>
        %dma_wait3A_183 = arith.constant 0 : i32
        %dma_wait3A_184 = tpu.memref_slice %arg4[%multiple_of3A_80, %dma_wait3A_183] : memref<16000x20xi32, #tpu.memory_space<hbm>> -> memref<8x20xi32, #tpu.memory_space<hbm>>
        tpu.wait_dma2 semaphore(%arg14 : memref<!tpu.dma_semaphore, #tpu.memory_space<semaphore_mem>>) src(%dma_wait3A_184 : memref<8x20xi32, #tpu.memory_space<hbm>>) dst(%arg11 : memref<8x20xi32, #tpu.memory_space<vmem>>)
        %dma_start3A_185 = arith.constant 0 : i32
        %dma_start3A_186 = arith.constant 0 : i32
        %dma_start3A_187 = arith.constant 0 : i32
        %dma_start3A_188 = tpu.memref_slice %arg9[%dma_start3A_186, %dma_start3A_187] : memref<160x128xf32, #tpu.memory_space<vmem>> -> memref<20x128xf32, #tpu.memory_space<vmem>>
        %dma_start3A_189 = arith.constant 0 : i32
        %dma_start3A_190 = tpu.memref_slice %arg11[%dma_start3A_185, %dma_start3A_189] : memref<8x20xi32, #tpu.memory_space<vmem>> -> memref<1x20xi32, #tpu.memory_space<vmem>>
        %dma_start3A_191 = tpu.memref_squeeze %dma_start3A_190 : memref<1x20xi32, #tpu.memory_space<vmem>> -> memref<20xi32, #tpu.memory_space<vmem>>
        %dma_start3A_192 = arith.constant 0 : i32
        %dma_start3A_193 = arith.constant 0 : i32
        %dma_start3A_194 = tpu.memref_slice %arg12[%dma_start3A_192, %dma_start3A_193] : memref<10000x128xf32, #tpu.memory_space<vmem_shared>> -> memref<10000x128xf32, #tpu.memory_space<vmem_shared>>
        tpu.enqueue_indirect_dma source(%dma_start3A_188 : memref<20x128xf32, #tpu.memory_space<vmem>>) target(%dma_start3A_194 : memref<10000x128xf32, #tpu.memory_space<vmem_shared>>) offsets(%dma_start3A_191 : memref<20xi32, #tpu.memory_space<vmem>>) semaphore(%arg16 : memref<!tpu.dma_semaphore, #tpu.memory_space<semaphore_mem>>) {add = true}
        %dma_start3A_195 = arith.constant 1 : i32
        %dma_start3A_196 = arith.constant 20 : i32
        %dma_start3A_197 = arith.constant 0 : i32
        %dma_start3A_198 = tpu.memref_slice %arg9[%dma_start3A_196, %dma_start3A_197] : memref<160x128xf32, #tpu.memory_space<vmem>> -> memref<20x128xf32, #tpu.memory_space<vmem>>
        %dma_start3A_199 = arith.constant 0 : i32
        %dma_start3A_200 = tpu.memref_slice %arg11[%dma_start3A_195, %dma_start3A_199] : memref<8x20xi32, #tpu.memory_space<vmem>> -> memref<1x20xi32, #tpu.memory_space<vmem>>
        %dma_start3A_201 = tpu.memref_squeeze %dma_start3A_200 : memref<1x20xi32, #tpu.memory_space<vmem>> -> memref<20xi32, #tpu.memory_space<vmem>>
        %dma_start3A_202 = arith.constant 0 : i32
        %dma_start3A_203 = arith.constant 0 : i32
        %dma_start3A_204 = tpu.memref_slice %arg12[%dma_start3A_202, %dma_start3A_203] : memref<10000x128xf32, #tpu.memory_space<vmem_shared>> -> memref<10000x128xf32, #tpu.memory_space<vmem_shared>>
        tpu.enqueue_indirect_dma source(%dma_start3A_198 : memref<20x128xf32, #tpu.memory_space<vmem>>) target(%dma_start3A_204 : memref<10000x128xf32, #tpu.memory_space<vmem_shared>>) offsets(%dma_start3A_201 : memref<20xi32, #tpu.memory_space<vmem>>) semaphore(%arg16 : memref<!tpu.dma_semaphore, #tpu.memory_space<semaphore_mem>>) {add = true}
        %dma_start3A_205 = arith.constant 2 : i32
        %dma_start3A_206 = arith.constant 40 : i32
        %dma_start3A_207 = arith.constant 0 : i32
        %dma_start3A_208 = tpu.memref_slice %arg9[%dma_start3A_206, %dma_start3A_207] : memref<160x128xf32, #tpu.memory_space<vmem>> -> memref<20x128xf32, #tpu.memory_space<vmem>>
        %dma_start3A_209 = arith.constant 0 : i32
        %dma_start3A_210 = tpu.memref_slice %arg11[%dma_start3A_205, %dma_start3A_209] : memref<8x20xi32, #tpu.memory_space<vmem>> -> memref<1x20xi32, #tpu.memory_space<vmem>>
        %dma_start3A_211 = tpu.memref_squeeze %dma_start3A_210 : memref<1x20xi32, #tpu.memory_space<vmem>> -> memref<20xi32, #tpu.memory_space<vmem>>
        %dma_start3A_212 = arith.constant 0 : i32
        %dma_start3A_213 = arith.constant 0 : i32
        %dma_start3A_214 = tpu.memref_slice %arg12[%dma_start3A_212, %dma_start3A_213] : memref<10000x128xf32, #tpu.memory_space<vmem_shared>> -> memref<10000x128xf32, #tpu.memory_space<vmem_shared>>
        tpu.enqueue_indirect_dma source(%dma_start3A_208 : memref<20x128xf32, #tpu.memory_space<vmem>>) target(%dma_start3A_214 : memref<10000x128xf32, #tpu.memory_space<vmem_shared>>) offsets(%dma_start3A_211 : memref<20xi32, #tpu.memory_space<vmem>>) semaphore(%arg16 : memref<!tpu.dma_semaphore, #tpu.memory_space<semaphore_mem>>) {add = true}
        %dma_start3A_215 = arith.constant 3 : i32
        %dma_start3A_216 = arith.constant 60 : i32
        %dma_start3A_217 = arith.constant 0 : i32
        %dma_start3A_218 = tpu.memref_slice %arg9[%dma_start3A_216, %dma_start3A_217] : memref<160x128xf32, #tpu.memory_space<vmem>> -> memref<20x128xf32, #tpu.memory_space<vmem>>
        %dma_start3A_219 = arith.constant 0 : i32
        %dma_start3A_220 = tpu.memref_slice %arg11[%dma_start3A_215, %dma_start3A_219] : memref<8x20xi32, #tpu.memory_space<vmem>> -> memref<1x20xi32, #tpu.memory_space<vmem>>
        %dma_start3A_221 = tpu.memref_squeeze %dma_start3A_220 : memref<1x20xi32, #tpu.memory_space<vmem>> -> memref<20xi32, #tpu.memory_space<vmem>>
        %dma_start3A_222 = arith.constant 0 : i32
        %dma_start3A_223 = arith.constant 0 : i32
        %dma_start3A_224 = tpu.memref_slice %arg12[%dma_start3A_222, %dma_start3A_223] : memref<10000x128xf32, #tpu.memory_space<vmem_shared>> -> memref<10000x128xf32, #tpu.memory_space<vmem_shared>>
        tpu.enqueue_indirect_dma source(%dma_start3A_218 : memref<20x128xf32, #tpu.memory_space<vmem>>) target(%dma_start3A_224 : memref<10000x128xf32, #tpu.memory_space<vmem_shared>>) offsets(%dma_start3A_221 : memref<20xi32, #tpu.memory_space<vmem>>) semaphore(%arg16 : memref<!tpu.dma_semaphore, #tpu.memory_space<semaphore_mem>>) {add = true}
        %dma_start3A_225 = arith.constant 4 : i32
        %dma_start3A_226 = arith.constant 80 : i32
        %dma_start3A_227 = arith.constant 0 : i32
        %dma_start3A_228 = tpu.memref_slice %arg9[%dma_start3A_226, %dma_start3A_227] : memref<160x128xf32, #tpu.memory_space<vmem>> -> memref<20x128xf32, #tpu.memory_space<vmem>>
        %dma_start3A_229 = arith.constant 0 : i32
        %dma_start3A_230 = tpu.memref_slice %arg11[%dma_start3A_225, %dma_start3A_229] : memref<8x20xi32, #tpu.memory_space<vmem>> -> memref<1x20xi32, #tpu.memory_space<vmem>>
        %dma_start3A_231 = tpu.memref_squeeze %dma_start3A_230 : memref<1x20xi32, #tpu.memory_space<vmem>> -> memref<20xi32, #tpu.memory_space<vmem>>
        %dma_start3A_232 = arith.constant 0 : i32
        %dma_start3A_233 = arith.constant 0 : i32
        %dma_start3A_234 = tpu.memref_slice %arg12[%dma_start3A_232, %dma_start3A_233] : memref<10000x128xf32, #tpu.memory_space<vmem_shared>> -> memref<10000x128xf32, #tpu.memory_space<vmem_shared>>
        tpu.enqueue_indirect_dma source(%dma_start3A_228 : memref<20x128xf32, #tpu.memory_space<vmem>>) target(%dma_start3A_234 : memref<10000x128xf32, #tpu.memory_space<vmem_shared>>) offsets(%dma_start3A_231 : memref<20xi32, #tpu.memory_space<vmem>>) semaphore(%arg16 : memref<!tpu.dma_semaphore, #tpu.memory_space<semaphore_mem>>) {add = true}
        %dma_start3A_235 = arith.constant 5 : i32
        %dma_start3A_236 = arith.constant 100 : i32
        %dma_start3A_237 = arith.constant 0 : i32
        %dma_start3A_238 = tpu.memref_slice %arg9[%dma_start3A_236, %dma_start3A_237] : memref<160x128xf32, #tpu.memory_space<vmem>> -> memref<20x128xf32, #tpu.memory_space<vmem>>
        %dma_start3A_239 = arith.constant 0 : i32
        %dma_start3A_240 = tpu.memref_slice %arg11[%dma_start3A_235, %dma_start3A_239] : memref<8x20xi32, #tpu.memory_space<vmem>> -> memref<1x20xi32, #tpu.memory_space<vmem>>
        %dma_start3A_241 = tpu.memref_squeeze %dma_start3A_240 : memref<1x20xi32, #tpu.memory_space<vmem>> -> memref<20xi32, #tpu.memory_space<vmem>>
        %dma_start3A_242 = arith.constant 0 : i32
        %dma_start3A_243 = arith.constant 0 : i32
        %dma_start3A_244 = tpu.memref_slice %arg12[%dma_start3A_242, %dma_start3A_243] : memref<10000x128xf32, #tpu.memory_space<vmem_shared>> -> memref<10000x128xf32, #tpu.memory_space<vmem_shared>>
        tpu.enqueue_indirect_dma source(%dma_start3A_238 : memref<20x128xf32, #tpu.memory_space<vmem>>) target(%dma_start3A_244 : memref<10000x128xf32, #tpu.memory_space<vmem_shared>>) offsets(%dma_start3A_241 : memref<20xi32, #tpu.memory_space<vmem>>) semaphore(%arg16 : memref<!tpu.dma_semaphore, #tpu.memory_space<semaphore_mem>>) {add = true}
        %dma_start3A_245 = arith.constant 6 : i32
        %dma_start3A_246 = arith.constant 120 : i32
        %dma_start3A_247 = arith.constant 0 : i32
        %dma_start3A_248 = tpu.memref_slice %arg9[%dma_start3A_246, %dma_start3A_247] : memref<160x128xf32, #tpu.memory_space<vmem>> -> memref<20x128xf32, #tpu.memory_space<vmem>>
        %dma_start3A_249 = arith.constant 0 : i32
        %dma_start3A_250 = tpu.memref_slice %arg11[%dma_start3A_245, %dma_start3A_249] : memref<8x20xi32, #tpu.memory_space<vmem>> -> memref<1x20xi32, #tpu.memory_space<vmem>>
        %dma_start3A_251 = tpu.memref_squeeze %dma_start3A_250 : memref<1x20xi32, #tpu.memory_space<vmem>> -> memref<20xi32, #tpu.memory_space<vmem>>
        %dma_start3A_252 = arith.constant 0 : i32
        %dma_start3A_253 = arith.constant 0 : i32
        %dma_start3A_254 = tpu.memref_slice %arg12[%dma_start3A_252, %dma_start3A_253] : memref<10000x128xf32, #tpu.memory_space<vmem_shared>> -> memref<10000x128xf32, #tpu.memory_space<vmem_shared>>
        tpu.enqueue_indirect_dma source(%dma_start3A_248 : memref<20x128xf32, #tpu.memory_space<vmem>>) target(%dma_start3A_254 : memref<10000x128xf32, #tpu.memory_space<vmem_shared>>) offsets(%dma_start3A_251 : memref<20xi32, #tpu.memory_space<vmem>>) semaphore(%arg16 : memref<!tpu.dma_semaphore, #tpu.memory_space<semaphore_mem>>) {add = true}
        %dma_start3A_255 = arith.constant 7 : i32
        %dma_start3A_256 = arith.constant 140 : i32
        %dma_start3A_257 = arith.constant 0 : i32
        %dma_start3A_258 = tpu.memref_slice %arg9[%dma_start3A_256, %dma_start3A_257] : memref<160x128xf32, #tpu.memory_space<vmem>> -> memref<20x128xf32, #tpu.memory_space<vmem>>
        %dma_start3A_259 = arith.constant 0 : i32
        %dma_start3A_260 = tpu.memref_slice %arg11[%dma_start3A_255, %dma_start3A_259] : memref<8x20xi32, #tpu.memory_space<vmem>> -> memref<1x20xi32, #tpu.memory_space<vmem>>
        %dma_start3A_261 = tpu.memref_squeeze %dma_start3A_260 : memref<1x20xi32, #tpu.memory_space<vmem>> -> memref<20xi32, #tpu.memory_space<vmem>>
        %dma_start3A_262 = arith.constant 0 : i32
        %dma_start3A_263 = arith.constant 0 : i32
        %dma_start3A_264 = tpu.memref_slice %arg12[%dma_start3A_262, %dma_start3A_263] : memref<10000x128xf32, #tpu.memory_space<vmem_shared>> -> memref<10000x128xf32, #tpu.memory_space<vmem_shared>>
        tpu.enqueue_indirect_dma source(%dma_start3A_258 : memref<20x128xf32, #tpu.memory_space<vmem>>) target(%dma_start3A_264 : memref<10000x128xf32, #tpu.memory_space<vmem_shared>>) offsets(%dma_start3A_261 : memref<20xi32, #tpu.memory_space<vmem>>) semaphore(%arg16 : memref<!tpu.dma_semaphore, #tpu.memory_space<semaphore_mem>>) {add = true}
      }
      %scan3A_23 = arith.constant 31 : i32
      %lt3A = arith.constant 8 : i32
      %lt3A_24 = arith.cmpi slt, %arg1, %lt3A : i32
      %convert_element_type3A_25 = arith.extui %lt3A_24 : i1 to i32
      %cond3A_26 = arith.constant 0 : i32
      %cond3A_27 = arith.cmpi ne, %convert_element_type3A_25, %cond3A_26 : i32
      scf.if %cond3A_27 {
        %dma_wait3A_39 = arith.constant 0 : i32
        %dma_wait3A_40 = arith.constant 0 : i32
        %dma_wait3A_41 = tpu.memref_slice %arg5[%dma_wait3A_39, %dma_wait3A_40] : memref<640x128xf32, #tpu.memory_space<hbm>> -> memref<160x128xf32, #tpu.memory_space<hbm>>
        %dma_wait3A_42 = arith.constant 0 : i32
        %dma_wait3A_43 = arith.constant 0 : i32
        %dma_wait3A_44 = tpu.memref_slice %arg5[%dma_wait3A_42, %dma_wait3A_43] : memref<640x128xf32, #tpu.memory_space<hbm>> -> memref<160x128xf32, #tpu.memory_space<hbm>>
        tpu.wait_dma2 semaphore(%arg15 : memref<!tpu.dma_semaphore, #tpu.memory_space<semaphore_mem>>) src(%dma_wait3A_44 : memref<160x128xf32, #tpu.memory_space<hbm>>) dst(%arg8 : memref<160x128xf32, #tpu.memory_space<vmem>>)
        %add3A = arith.constant 992 : i32
        %add3A_45 = arith.addi %arg1, %add3A : i32
        %mul3A_46 = arith.constant 160 : i32
        %mul3A_47 = arith.muli %add3A_45, %mul3A_46 : i32
        %multiple_of3A_48 = tpu.assume_multiple %mul3A_47, 160 : i32
        %mul3A_49 = arith.constant 8 : i32
        %mul3A_50 = arith.muli %add3A_45, %mul3A_49 : i32
        %add3A_51 = arith.constant 0 : i32
        %add3A_52 = arith.addi %add3A_51, %mul3A_50 : i32
        %multiple_of3A_53 = tpu.assume_multiple %add3A_52, 8 : i32
        %dma_start3A = arith.constant 0 : i32
        %dma_start3A_54 = tpu.memref_slice %arg2[%multiple_of3A_48, %dma_start3A] : memref<160000x128xf32, #tpu.memory_space<hbm>> -> memref<160x128xf32, #tpu.memory_space<hbm>>
        %dma_start3A_55 = arith.constant 0 : i32
        %dma_start3A_56 = tpu.memref_slice %arg2[%multiple_of3A_48, %dma_start3A_55] : memref<160000x128xf32, #tpu.memory_space<hbm>> -> memref<160x128xf32, #tpu.memory_space<hbm>>
        tpu.enqueue_dma source(%dma_start3A_56 : memref<160x128xf32, #tpu.memory_space<hbm>>) target(%arg8 : memref<160x128xf32, #tpu.memory_space<vmem>>) target_semaphore(%arg13 : memref<!tpu.dma_semaphore, #tpu.memory_space<semaphore_mem>>)
        %dma_start3A_57 = arith.constant 0 : i32
        %dma_start3A_58 = tpu.memref_slice %arg4[%multiple_of3A_53, %dma_start3A_57] : memref<16000x20xi32, #tpu.memory_space<hbm>> -> memref<8x20xi32, #tpu.memory_space<hbm>>
        %dma_start3A_59 = arith.constant 0 : i32
        %dma_start3A_60 = tpu.memref_slice %arg4[%multiple_of3A_53, %dma_start3A_59] : memref<16000x20xi32, #tpu.memory_space<hbm>> -> memref<8x20xi32, #tpu.memory_space<hbm>>
        tpu.enqueue_dma source(%dma_start3A_60 : memref<8x20xi32, #tpu.memory_space<hbm>>) target(%arg10 : memref<8x20xi32, #tpu.memory_space<vmem>>) target_semaphore(%arg13 : memref<!tpu.dma_semaphore, #tpu.memory_space<semaphore_mem>>)
        %dma_wait3A_61 = arith.constant 0 : i32
        %dma_wait3A_62 = tpu.memref_slice %arg2[%multiple_of3A_48, %dma_wait3A_61] : memref<160000x128xf32, #tpu.memory_space<hbm>> -> memref<160x128xf32, #tpu.memory_space<hbm>>
        %dma_wait3A_63 = arith.constant 0 : i32
        %dma_wait3A_64 = tpu.memref_slice %arg2[%multiple_of3A_48, %dma_wait3A_63] : memref<160000x128xf32, #tpu.memory_space<hbm>> -> memref<160x128xf32, #tpu.memory_space<hbm>>
        tpu.wait_dma2 semaphore(%arg13 : memref<!tpu.dma_semaphore, #tpu.memory_space<semaphore_mem>>) src(%dma_wait3A_64 : memref<160x128xf32, #tpu.memory_space<hbm>>) dst(%arg8 : memref<160x128xf32, #tpu.memory_space<vmem>>)
        %dma_wait3A_65 = arith.constant 0 : i32
        %dma_wait3A_66 = tpu.memref_slice %arg4[%multiple_of3A_53, %dma_wait3A_65] : memref<16000x20xi32, #tpu.memory_space<hbm>> -> memref<8x20xi32, #tpu.memory_space<hbm>>
        %dma_wait3A_67 = arith.constant 0 : i32
        %dma_wait3A_68 = tpu.memref_slice %arg4[%multiple_of3A_53, %dma_wait3A_67] : memref<16000x20xi32, #tpu.memory_space<hbm>> -> memref<8x20xi32, #tpu.memory_space<hbm>>
        tpu.wait_dma2 semaphore(%arg13 : memref<!tpu.dma_semaphore, #tpu.memory_space<semaphore_mem>>) src(%dma_wait3A_68 : memref<8x20xi32, #tpu.memory_space<hbm>>) dst(%arg10 : memref<8x20xi32, #tpu.memory_space<vmem>>)
        %dma_start3A_69 = arith.constant 0 : i32
        %dma_start3A_70 = arith.constant 0 : i32
        %dma_start3A_71 = arith.constant 0 : i32
        %dma_start3A_72 = tpu.memref_slice %arg8[%dma_start3A_70, %dma_start3A_71] : memref<160x128xf32, #tpu.memory_space<vmem>> -> memref<20x128xf32, #tpu.memory_space<vmem>>
        %dma_start3A_73 = arith.constant 0 : i32
        %dma_start3A_74 = tpu.memref_slice %arg10[%dma_start3A_69, %dma_start3A_73] : memref<8x20xi32, #tpu.memory_space<vmem>> -> memref<1x20xi32, #tpu.memory_space<vmem>>
        %dma_start3A_75 = tpu.memref_squeeze %dma_start3A_74 : memref<1x20xi32, #tpu.memory_space<vmem>> -> memref<20xi32, #tpu.memory_space<vmem>>
        %dma_start3A_76 = arith.constant 0 : i32
        %dma_start3A_77 = arith.constant 0 : i32
        %dma_start3A_78 = tpu.memref_slice %arg12[%dma_start3A_76, %dma_start3A_77] : memref<10000x128xf32, #tpu.memory_space<vmem_shared>> -> memref<10000x128xf32, #tpu.memory_space<vmem_shared>>
        tpu.enqueue_indirect_dma source(%dma_start3A_72 : memref<20x128xf32, #tpu.memory_space<vmem>>) target(%dma_start3A_78 : memref<10000x128xf32, #tpu.memory_space<vmem_shared>>) offsets(%dma_start3A_75 : memref<20xi32, #tpu.memory_space<vmem>>) semaphore(%arg15 : memref<!tpu.dma_semaphore, #tpu.memory_space<semaphore_mem>>) {add = true}
        %dma_start3A_79 = arith.constant 1 : i32
        %dma_start3A_80 = arith.constant 20 : i32
        %dma_start3A_81 = arith.constant 0 : i32
        %dma_start3A_82 = tpu.memref_slice %arg8[%dma_start3A_80, %dma_start3A_81] : memref<160x128xf32, #tpu.memory_space<vmem>> -> memref<20x128xf32, #tpu.memory_space<vmem>>
        %dma_start3A_83 = arith.constant 0 : i32
        %dma_start3A_84 = tpu.memref_slice %arg10[%dma_start3A_79, %dma_start3A_83] : memref<8x20xi32, #tpu.memory_space<vmem>> -> memref<1x20xi32, #tpu.memory_space<vmem>>
        %dma_start3A_85 = tpu.memref_squeeze %dma_start3A_84 : memref<1x20xi32, #tpu.memory_space<vmem>> -> memref<20xi32, #tpu.memory_space<vmem>>
        %dma_start3A_86 = arith.constant 0 : i32
        %dma_start3A_87 = arith.constant 0 : i32
        %dma_start3A_88 = tpu.memref_slice %arg12[%dma_start3A_86, %dma_start3A_87] : memref<10000x128xf32, #tpu.memory_space<vmem_shared>> -> memref<10000x128xf32, #tpu.memory_space<vmem_shared>>
        tpu.enqueue_indirect_dma source(%dma_start3A_82 : memref<20x128xf32, #tpu.memory_space<vmem>>) target(%dma_start3A_88 : memref<10000x128xf32, #tpu.memory_space<vmem_shared>>) offsets(%dma_start3A_85 : memref<20xi32, #tpu.memory_space<vmem>>) semaphore(%arg15 : memref<!tpu.dma_semaphore, #tpu.memory_space<semaphore_mem>>) {add = true}
        %dma_start3A_89 = arith.constant 2 : i32
        %dma_start3A_90 = arith.constant 40 : i32
        %dma_start3A_91 = arith.constant 0 : i32
        %dma_start3A_92 = tpu.memref_slice %arg8[%dma_start3A_90, %dma_start3A_91] : memref<160x128xf32, #tpu.memory_space<vmem>> -> memref<20x128xf32, #tpu.memory_space<vmem>>
        %dma_start3A_93 = arith.constant 0 : i32
        %dma_start3A_94 = tpu.memref_slice %arg10[%dma_start3A_89, %dma_start3A_93] : memref<8x20xi32, #tpu.memory_space<vmem>> -> memref<1x20xi32, #tpu.memory_space<vmem>>
        %dma_start3A_95 = tpu.memref_squeeze %dma_start3A_94 : memref<1x20xi32, #tpu.memory_space<vmem>> -> memref<20xi32, #tpu.memory_space<vmem>>
        %dma_start3A_96 = arith.constant 0 : i32
        %dma_start3A_97 = arith.constant 0 : i32
        %dma_start3A_98 = tpu.memref_slice %arg12[%dma_start3A_96, %dma_start3A_97] : memref<10000x128xf32, #tpu.memory_space<vmem_shared>> -> memref<10000x128xf32, #tpu.memory_space<vmem_shared>>
        tpu.enqueue_indirect_dma source(%dma_start3A_92 : memref<20x128xf32, #tpu.memory_space<vmem>>) target(%dma_start3A_98 : memref<10000x128xf32, #tpu.memory_space<vmem_shared>>) offsets(%dma_start3A_95 : memref<20xi32, #tpu.memory_space<vmem>>) semaphore(%arg15 : memref<!tpu.dma_semaphore, #tpu.memory_space<semaphore_mem>>) {add = true}
        %dma_start3A_99 = arith.constant 3 : i32
        %dma_start3A_100 = arith.constant 60 : i32
        %dma_start3A_101 = arith.constant 0 : i32
        %dma_start3A_102 = tpu.memref_slice %arg8[%dma_start3A_100, %dma_start3A_101] : memref<160x128xf32, #tpu.memory_space<vmem>> -> memref<20x128xf32, #tpu.memory_space<vmem>>
        %dma_start3A_103 = arith.constant 0 : i32
        %dma_start3A_104 = tpu.memref_slice %arg10[%dma_start3A_99, %dma_start3A_103] : memref<8x20xi32, #tpu.memory_space<vmem>> -> memref<1x20xi32, #tpu.memory_space<vmem>>
        %dma_start3A_105 = tpu.memref_squeeze %dma_start3A_104 : memref<1x20xi32, #tpu.memory_space<vmem>> -> memref<20xi32, #tpu.memory_space<vmem>>
        %dma_start3A_106 = arith.constant 0 : i32
        %dma_start3A_107 = arith.constant 0 : i32
        %dma_start3A_108 = tpu.memref_slice %arg12[%dma_start3A_106, %dma_start3A_107] : memref<10000x128xf32, #tpu.memory_space<vmem_shared>> -> memref<10000x128xf32, #tpu.memory_space<vmem_shared>>
        tpu.enqueue_indirect_dma source(%dma_start3A_102 : memref<20x128xf32, #tpu.memory_space<vmem>>) target(%dma_start3A_108 : memref<10000x128xf32, #tpu.memory_space<vmem_shared>>) offsets(%dma_start3A_105 : memref<20xi32, #tpu.memory_space<vmem>>) semaphore(%arg15 : memref<!tpu.dma_semaphore, #tpu.memory_space<semaphore_mem>>) {add = true}
        %dma_start3A_109 = arith.constant 4 : i32
        %dma_start3A_110 = arith.constant 80 : i32
        %dma_start3A_111 = arith.constant 0 : i32
        %dma_start3A_112 = tpu.memref_slice %arg8[%dma_start3A_110, %dma_start3A_111] : memref<160x128xf32, #tpu.memory_space<vmem>> -> memref<20x128xf32, #tpu.memory_space<vmem>>
        %dma_start3A_113 = arith.constant 0 : i32
        %dma_start3A_114 = tpu.memref_slice %arg10[%dma_start3A_109, %dma_start3A_113] : memref<8x20xi32, #tpu.memory_space<vmem>> -> memref<1x20xi32, #tpu.memory_space<vmem>>
        %dma_start3A_115 = tpu.memref_squeeze %dma_start3A_114 : memref<1x20xi32, #tpu.memory_space<vmem>> -> memref<20xi32, #tpu.memory_space<vmem>>
        %dma_start3A_116 = arith.constant 0 : i32
        %dma_start3A_117 = arith.constant 0 : i32
        %dma_start3A_118 = tpu.memref_slice %arg12[%dma_start3A_116, %dma_start3A_117] : memref<10000x128xf32, #tpu.memory_space<vmem_shared>> -> memref<10000x128xf32, #tpu.memory_space<vmem_shared>>
        tpu.enqueue_indirect_dma source(%dma_start3A_112 : memref<20x128xf32, #tpu.memory_space<vmem>>) target(%dma_start3A_118 : memref<10000x128xf32, #tpu.memory_space<vmem_shared>>) offsets(%dma_start3A_115 : memref<20xi32, #tpu.memory_space<vmem>>) semaphore(%arg15 : memref<!tpu.dma_semaphore, #tpu.memory_space<semaphore_mem>>) {add = true}
        %dma_start3A_119 = arith.constant 5 : i32
        %dma_start3A_120 = arith.constant 100 : i32
        %dma_start3A_121 = arith.constant 0 : i32
        %dma_start3A_122 = tpu.memref_slice %arg8[%dma_start3A_120, %dma_start3A_121] : memref<160x128xf32, #tpu.memory_space<vmem>> -> memref<20x128xf32, #tpu.memory_space<vmem>>
        %dma_start3A_123 = arith.constant 0 : i32
        %dma_start3A_124 = tpu.memref_slice %arg10[%dma_start3A_119, %dma_start3A_123] : memref<8x20xi32, #tpu.memory_space<vmem>> -> memref<1x20xi32, #tpu.memory_space<vmem>>
        %dma_start3A_125 = tpu.memref_squeeze %dma_start3A_124 : memref<1x20xi32, #tpu.memory_space<vmem>> -> memref<20xi32, #tpu.memory_space<vmem>>
        %dma_start3A_126 = arith.constant 0 : i32
        %dma_start3A_127 = arith.constant 0 : i32
        %dma_start3A_128 = tpu.memref_slice %arg12[%dma_start3A_126, %dma_start3A_127] : memref<10000x128xf32, #tpu.memory_space<vmem_shared>> -> memref<10000x128xf32, #tpu.memory_space<vmem_shared>>
        tpu.enqueue_indirect_dma source(%dma_start3A_122 : memref<20x128xf32, #tpu.memory_space<vmem>>) target(%dma_start3A_128 : memref<10000x128xf32, #tpu.memory_space<vmem_shared>>) offsets(%dma_start3A_125 : memref<20xi32, #tpu.memory_space<vmem>>) semaphore(%arg15 : memref<!tpu.dma_semaphore, #tpu.memory_space<semaphore_mem>>) {add = true}
        %dma_start3A_129 = arith.constant 6 : i32
        %dma_start3A_130 = arith.constant 120 : i32
        %dma_start3A_131 = arith.constant 0 : i32
        %dma_start3A_132 = tpu.memref_slice %arg8[%dma_start3A_130, %dma_start3A_131] : memref<160x128xf32, #tpu.memory_space<vmem>> -> memref<20x128xf32, #tpu.memory_space<vmem>>
        %dma_start3A_133 = arith.constant 0 : i32
        %dma_start3A_134 = tpu.memref_slice %arg10[%dma_start3A_129, %dma_start3A_133] : memref<8x20xi32, #tpu.memory_space<vmem>> -> memref<1x20xi32, #tpu.memory_space<vmem>>
        %dma_start3A_135 = tpu.memref_squeeze %dma_start3A_134 : memref<1x20xi32, #tpu.memory_space<vmem>> -> memref<20xi32, #tpu.memory_space<vmem>>
        %dma_start3A_136 = arith.constant 0 : i32
        %dma_start3A_137 = arith.constant 0 : i32
        %dma_start3A_138 = tpu.memref_slice %arg12[%dma_start3A_136, %dma_start3A_137] : memref<10000x128xf32, #tpu.memory_space<vmem_shared>> -> memref<10000x128xf32, #tpu.memory_space<vmem_shared>>
        tpu.enqueue_indirect_dma source(%dma_start3A_132 : memref<20x128xf32, #tpu.memory_space<vmem>>) target(%dma_start3A_138 : memref<10000x128xf32, #tpu.memory_space<vmem_shared>>) offsets(%dma_start3A_135 : memref<20xi32, #tpu.memory_space<vmem>>) semaphore(%arg15 : memref<!tpu.dma_semaphore, #tpu.memory_space<semaphore_mem>>) {add = true}
        %dma_start3A_139 = arith.constant 7 : i32
        %dma_start3A_140 = arith.constant 140 : i32
        %dma_start3A_141 = arith.constant 0 : i32
        %dma_start3A_142 = tpu.memref_slice %arg8[%dma_start3A_140, %dma_start3A_141] : memref<160x128xf32, #tpu.memory_space<vmem>> -> memref<20x128xf32, #tpu.memory_space<vmem>>
        %dma_start3A_143 = arith.constant 0 : i32
        %dma_start3A_144 = tpu.memref_slice %arg10[%dma_start3A_139, %dma_start3A_143] : memref<8x20xi32, #tpu.memory_space<vmem>> -> memref<1x20xi32, #tpu.memory_space<vmem>>
        %dma_start3A_145 = tpu.memref_squeeze %dma_start3A_144 : memref<1x20xi32, #tpu.memory_space<vmem>> -> memref<20xi32, #tpu.memory_space<vmem>>
        %dma_start3A_146 = arith.constant 0 : i32
        %dma_start3A_147 = arith.constant 0 : i32
        %dma_start3A_148 = tpu.memref_slice %arg12[%dma_start3A_146, %dma_start3A_147] : memref<10000x128xf32, #tpu.memory_space<vmem_shared>> -> memref<10000x128xf32, #tpu.memory_space<vmem_shared>>
        tpu.enqueue_indirect_dma source(%dma_start3A_142 : memref<20x128xf32, #tpu.memory_space<vmem>>) target(%dma_start3A_148 : memref<10000x128xf32, #tpu.memory_space<vmem_shared>>) offsets(%dma_start3A_145 : memref<20xi32, #tpu.memory_space<vmem>>) semaphore(%arg15 : memref<!tpu.dma_semaphore, #tpu.memory_space<semaphore_mem>>) {add = true}
      } else {
      }
      %dma_wait3A = arith.constant 0 : i32
      %dma_wait3A_28 = arith.constant 0 : i32
      %dma_wait3A_29 = tpu.memref_slice %arg5[%dma_wait3A, %dma_wait3A_28] : memref<640x128xf32, #tpu.memory_space<hbm>> -> memref<160x128xf32, #tpu.memory_space<hbm>>
      %dma_wait3A_30 = arith.constant 0 : i32
      %dma_wait3A_31 = arith.constant 0 : i32
      %dma_wait3A_32 = tpu.memref_slice %arg5[%dma_wait3A_30, %dma_wait3A_31] : memref<640x128xf32, #tpu.memory_space<hbm>> -> memref<160x128xf32, #tpu.memory_space<hbm>>
      tpu.wait_dma2 semaphore(%arg15 : memref<!tpu.dma_semaphore, #tpu.memory_space<semaphore_mem>>) src(%dma_wait3A_32 : memref<160x128xf32, #tpu.memory_space<hbm>>) dst(%arg8 : memref<160x128xf32, #tpu.memory_space<vmem>>)
      %dma_wait3A_33 = arith.constant 0 : i32
      %dma_wait3A_34 = arith.constant 0 : i32
      %dma_wait3A_35 = tpu.memref_slice %arg5[%dma_wait3A_33, %dma_wait3A_34] : memref<640x128xf32, #tpu.memory_space<hbm>> -> memref<160x128xf32, #tpu.memory_space<hbm>>
      %dma_wait3A_36 = arith.constant 0 : i32
      %dma_wait3A_37 = arith.constant 0 : i32
      %dma_wait3A_38 = tpu.memref_slice %arg5[%dma_wait3A_36, %dma_wait3A_37] : memref<640x128xf32, #tpu.memory_space<hbm>> -> memref<160x128xf32, #tpu.memory_space<hbm>>
      tpu.wait_dma2 semaphore(%arg16 : memref<!tpu.dma_semaphore, #tpu.memory_space<semaphore_mem>>) src(%dma_wait3A_38 : memref<160x128xf32, #tpu.memory_space<hbm>>) dst(%arg9 : memref<160x128xf32, #tpu.memory_space<vmem>>)
    } else {
    }
    %eq3A_3 = arith.constant 1 : i32
    %eq3A_4 = arith.cmpi eq, %arg0, %eq3A_3 : i32
    %convert_element_type3A_5 = arith.extui %eq3A_4 : i1 to i32
    %cond3A_6 = arith.constant 0 : i32
    %cond3A_7 = arith.cmpi ne, %convert_element_type3A_5, %cond3A_6 : i32
    scf.if %cond3A_7 {
      %scan3A = arith.constant 0 : i32
      %scan3A_19 = arith.constant 0 : i32
      %scan3A_20 = arith.constant 31 : i32
      %scan3A_21 = arith.addi %scan3A_19, %scan3A_20 : i32
      %scan3A_22 = arith.constant 1 : i32
      scf.for %scan3A_39 = %scan3A_19 to %scan3A_21 step %scan3A_22  : i32 {
        %mul3A_40 = arith.constant 2 : i32
        %mul3A_41 = arith.muli %scan3A_39, %mul3A_40 : i32
        %gt3A = arith.constant 0 : i32
        %gt3A_42 = arith.cmpi sgt, %scan3A_39, %gt3A : i32
        %convert_element_type3A_43 = arith.extui %gt3A_42 : i1 to i32
        %cond3A_44 = arith.constant 0 : i32
        %cond3A_45 = arith.cmpi ne, %convert_element_type3A_43, %cond3A_44 : i32
        scf.if %cond3A_45 {
          %dma_wait3A_265 = arith.constant 0 : i32
          %dma_wait3A_266 = arith.constant 0 : i32
          %dma_wait3A_267 = tpu.memref_slice %arg5[%dma_wait3A_265, %dma_wait3A_266] : memref<640x128xf32, #tpu.memory_space<hbm>> -> memref<160x128xf32, #tpu.memory_space<hbm>>
          %dma_wait3A_268 = arith.constant 0 : i32
          %dma_wait3A_269 = arith.constant 0 : i32
          %dma_wait3A_270 = tpu.memref_slice %arg5[%dma_wait3A_268, %dma_wait3A_269] : memref<640x128xf32, #tpu.memory_space<hbm>> -> memref<160x128xf32, #tpu.memory_space<hbm>>
          tpu.wait_dma2 semaphore(%arg15 : memref<!tpu.dma_semaphore, #tpu.memory_space<semaphore_mem>>) src(%dma_wait3A_270 : memref<160x128xf32, #tpu.memory_space<hbm>>) dst(%arg8 : memref<160x128xf32, #tpu.memory_space<vmem>>)
        } else {
        }
        %mul3A_46 = arith.constant 16 : i32
        %mul3A_47 = arith.muli %mul3A_41, %mul3A_46 : i32
        %add3A = arith.addi %arg1, %mul3A_47 : i32
        %mul3A_48 = arith.constant 160 : i32
        %mul3A_49 = arith.muli %add3A, %mul3A_48 : i32
        %multiple_of3A_50 = tpu.assume_multiple %mul3A_49, 160 : i32
        %mul3A_51 = arith.constant 8 : i32
        %mul3A_52 = arith.muli %add3A, %mul3A_51 : i32
        %add3A_53 = arith.constant 0 : i32
        %add3A_54 = arith.addi %add3A_53, %mul3A_52 : i32
        %multiple_of3A_55 = tpu.assume_multiple %add3A_54, 8 : i32
        %dma_start3A = arith.constant 0 : i32
        %dma_start3A_56 = tpu.memref_slice %arg3[%multiple_of3A_50, %dma_start3A] : memref<160000x128xf32, #tpu.memory_space<hbm>> -> memref<160x128xf32, #tpu.memory_space<hbm>>
        %dma_start3A_57 = arith.constant 0 : i32
        %dma_start3A_58 = tpu.memref_slice %arg3[%multiple_of3A_50, %dma_start3A_57] : memref<160000x128xf32, #tpu.memory_space<hbm>> -> memref<160x128xf32, #tpu.memory_space<hbm>>
        tpu.enqueue_dma source(%dma_start3A_58 : memref<160x128xf32, #tpu.memory_space<hbm>>) target(%arg8 : memref<160x128xf32, #tpu.memory_space<vmem>>) target_semaphore(%arg13 : memref<!tpu.dma_semaphore, #tpu.memory_space<semaphore_mem>>)
        %dma_start3A_59 = arith.constant 0 : i32
        %dma_start3A_60 = tpu.memref_slice %arg4[%multiple_of3A_55, %dma_start3A_59] : memref<16000x20xi32, #tpu.memory_space<hbm>> -> memref<8x20xi32, #tpu.memory_space<hbm>>
        %dma_start3A_61 = arith.constant 0 : i32
        %dma_start3A_62 = tpu.memref_slice %arg4[%multiple_of3A_55, %dma_start3A_61] : memref<16000x20xi32, #tpu.memory_space<hbm>> -> memref<8x20xi32, #tpu.memory_space<hbm>>
        tpu.enqueue_dma source(%dma_start3A_62 : memref<8x20xi32, #tpu.memory_space<hbm>>) target(%arg10 : memref<8x20xi32, #tpu.memory_space<vmem>>) target_semaphore(%arg13 : memref<!tpu.dma_semaphore, #tpu.memory_space<semaphore_mem>>)
        %gt3A_63 = arith.constant 0 : i32
        %gt3A_64 = arith.cmpi sgt, %scan3A_39, %gt3A_63 : i32
        %convert_element_type3A_65 = arith.extui %gt3A_64 : i1 to i32
        %cond3A_66 = arith.constant 0 : i32
        %cond3A_67 = arith.cmpi ne, %convert_element_type3A_65, %cond3A_66 : i32
        scf.if %cond3A_67 {
          %dma_wait3A_265 = arith.constant 0 : i32
          %dma_wait3A_266 = arith.constant 0 : i32
          %dma_wait3A_267 = tpu.memref_slice %arg5[%dma_wait3A_265, %dma_wait3A_266] : memref<640x128xf32, #tpu.memory_space<hbm>> -> memref<160x128xf32, #tpu.memory_space<hbm>>
          %dma_wait3A_268 = arith.constant 0 : i32
          %dma_wait3A_269 = arith.constant 0 : i32
          %dma_wait3A_270 = tpu.memref_slice %arg5[%dma_wait3A_268, %dma_wait3A_269] : memref<640x128xf32, #tpu.memory_space<hbm>> -> memref<160x128xf32, #tpu.memory_space<hbm>>
          tpu.wait_dma2 semaphore(%arg16 : memref<!tpu.dma_semaphore, #tpu.memory_space<semaphore_mem>>) src(%dma_wait3A_270 : memref<160x128xf32, #tpu.memory_space<hbm>>) dst(%arg9 : memref<160x128xf32, #tpu.memory_space<vmem>>)
        } else {
        }
        %add3A_68 = arith.constant 1 : i32
        %add3A_69 = arith.addi %mul3A_41, %add3A_68 : i32
        %mul3A_70 = arith.constant 16 : i32
        %mul3A_71 = arith.muli %add3A_69, %mul3A_70 : i32
        %add3A_72 = arith.addi %arg1, %mul3A_71 : i32
        %mul3A_73 = arith.constant 160 : i32
        %mul3A_74 = arith.muli %add3A_72, %mul3A_73 : i32
        %multiple_of3A_75 = tpu.assume_multiple %mul3A_74, 160 : i32
        %mul3A_76 = arith.constant 8 : i32
        %mul3A_77 = arith.muli %add3A_72, %mul3A_76 : i32
        %add3A_78 = arith.constant 0 : i32
        %add3A_79 = arith.addi %add3A_78, %mul3A_77 : i32
        %multiple_of3A_80 = tpu.assume_multiple %add3A_79, 8 : i32
        %dma_start3A_81 = arith.constant 0 : i32
        %dma_start3A_82 = tpu.memref_slice %arg3[%multiple_of3A_75, %dma_start3A_81] : memref<160000x128xf32, #tpu.memory_space<hbm>> -> memref<160x128xf32, #tpu.memory_space<hbm>>
        %dma_start3A_83 = arith.constant 0 : i32
        %dma_start3A_84 = tpu.memref_slice %arg3[%multiple_of3A_75, %dma_start3A_83] : memref<160000x128xf32, #tpu.memory_space<hbm>> -> memref<160x128xf32, #tpu.memory_space<hbm>>
        tpu.enqueue_dma source(%dma_start3A_84 : memref<160x128xf32, #tpu.memory_space<hbm>>) target(%arg9 : memref<160x128xf32, #tpu.memory_space<vmem>>) target_semaphore(%arg14 : memref<!tpu.dma_semaphore, #tpu.memory_space<semaphore_mem>>)
        %dma_start3A_85 = arith.constant 0 : i32
        %dma_start3A_86 = tpu.memref_slice %arg4[%multiple_of3A_80, %dma_start3A_85] : memref<16000x20xi32, #tpu.memory_space<hbm>> -> memref<8x20xi32, #tpu.memory_space<hbm>>
        %dma_start3A_87 = arith.constant 0 : i32
        %dma_start3A_88 = tpu.memref_slice %arg4[%multiple_of3A_80, %dma_start3A_87] : memref<16000x20xi32, #tpu.memory_space<hbm>> -> memref<8x20xi32, #tpu.memory_space<hbm>>
        tpu.enqueue_dma source(%dma_start3A_88 : memref<8x20xi32, #tpu.memory_space<hbm>>) target(%arg11 : memref<8x20xi32, #tpu.memory_space<vmem>>) target_semaphore(%arg14 : memref<!tpu.dma_semaphore, #tpu.memory_space<semaphore_mem>>)
        %dma_wait3A_89 = arith.constant 0 : i32
        %dma_wait3A_90 = tpu.memref_slice %arg3[%multiple_of3A_50, %dma_wait3A_89] : memref<160000x128xf32, #tpu.memory_space<hbm>> -> memref<160x128xf32, #tpu.memory_space<hbm>>
        %dma_wait3A_91 = arith.constant 0 : i32
        %dma_wait3A_92 = tpu.memref_slice %arg3[%multiple_of3A_50, %dma_wait3A_91] : memref<160000x128xf32, #tpu.memory_space<hbm>> -> memref<160x128xf32, #tpu.memory_space<hbm>>
        tpu.wait_dma2 semaphore(%arg13 : memref<!tpu.dma_semaphore, #tpu.memory_space<semaphore_mem>>) src(%dma_wait3A_92 : memref<160x128xf32, #tpu.memory_space<hbm>>) dst(%arg8 : memref<160x128xf32, #tpu.memory_space<vmem>>)
        %dma_wait3A_93 = arith.constant 0 : i32
        %dma_wait3A_94 = tpu.memref_slice %arg4[%multiple_of3A_55, %dma_wait3A_93] : memref<16000x20xi32, #tpu.memory_space<hbm>> -> memref<8x20xi32, #tpu.memory_space<hbm>>
        %dma_wait3A_95 = arith.constant 0 : i32
        %dma_wait3A_96 = tpu.memref_slice %arg4[%multiple_of3A_55, %dma_wait3A_95] : memref<16000x20xi32, #tpu.memory_space<hbm>> -> memref<8x20xi32, #tpu.memory_space<hbm>>
        tpu.wait_dma2 semaphore(%arg13 : memref<!tpu.dma_semaphore, #tpu.memory_space<semaphore_mem>>) src(%dma_wait3A_96 : memref<8x20xi32, #tpu.memory_space<hbm>>) dst(%arg10 : memref<8x20xi32, #tpu.memory_space<vmem>>)
        %dma_start3A_97 = arith.constant 0 : i32
        %dma_start3A_98 = arith.constant 0 : i32
        %dma_start3A_99 = arith.constant 0 : i32
        %dma_start3A_100 = tpu.memref_slice %arg8[%dma_start3A_98, %dma_start3A_99] : memref<160x128xf32, #tpu.memory_space<vmem>> -> memref<20x128xf32, #tpu.memory_space<vmem>>
        %dma_start3A_101 = arith.constant 0 : i32
        %dma_start3A_102 = tpu.memref_slice %arg10[%dma_start3A_97, %dma_start3A_101] : memref<8x20xi32, #tpu.memory_space<vmem>> -> memref<1x20xi32, #tpu.memory_space<vmem>>
        %dma_start3A_103 = tpu.memref_squeeze %dma_start3A_102 : memref<1x20xi32, #tpu.memory_space<vmem>> -> memref<20xi32, #tpu.memory_space<vmem>>
        %dma_start3A_104 = arith.constant 0 : i32
        %dma_start3A_105 = arith.constant 0 : i32
        %dma_start3A_106 = tpu.memref_slice %arg12[%dma_start3A_104, %dma_start3A_105] : memref<10000x128xf32, #tpu.memory_space<vmem_shared>> -> memref<10000x128xf32, #tpu.memory_space<vmem_shared>>
        tpu.enqueue_indirect_dma source(%dma_start3A_100 : memref<20x128xf32, #tpu.memory_space<vmem>>) target(%dma_start3A_106 : memref<10000x128xf32, #tpu.memory_space<vmem_shared>>) offsets(%dma_start3A_103 : memref<20xi32, #tpu.memory_space<vmem>>) semaphore(%arg15 : memref<!tpu.dma_semaphore, #tpu.memory_space<semaphore_mem>>) {add = true}
        %dma_start3A_107 = arith.constant 1 : i32
        %dma_start3A_108 = arith.constant 20 : i32
        %dma_start3A_109 = arith.constant 0 : i32
        %dma_start3A_110 = tpu.memref_slice %arg8[%dma_start3A_108, %dma_start3A_109] : memref<160x128xf32, #tpu.memory_space<vmem>> -> memref<20x128xf32, #tpu.memory_space<vmem>>
        %dma_start3A_111 = arith.constant 0 : i32
        %dma_start3A_112 = tpu.memref_slice %arg10[%dma_start3A_107, %dma_start3A_111] : memref<8x20xi32, #tpu.memory_space<vmem>> -> memref<1x20xi32, #tpu.memory_space<vmem>>
        %dma_start3A_113 = tpu.memref_squeeze %dma_start3A_112 : memref<1x20xi32, #tpu.memory_space<vmem>> -> memref<20xi32, #tpu.memory_space<vmem>>
        %dma_start3A_114 = arith.constant 0 : i32
        %dma_start3A_115 = arith.constant 0 : i32
        %dma_start3A_116 = tpu.memref_slice %arg12[%dma_start3A_114, %dma_start3A_115] : memref<10000x128xf32, #tpu.memory_space<vmem_shared>> -> memref<10000x128xf32, #tpu.memory_space<vmem_shared>>
        tpu.enqueue_indirect_dma source(%dma_start3A_110 : memref<20x128xf32, #tpu.memory_space<vmem>>) target(%dma_start3A_116 : memref<10000x128xf32, #tpu.memory_space<vmem_shared>>) offsets(%dma_start3A_113 : memref<20xi32, #tpu.memory_space<vmem>>) semaphore(%arg15 : memref<!tpu.dma_semaphore, #tpu.memory_space<semaphore_mem>>) {add = true}
        %dma_start3A_117 = arith.constant 2 : i32
        %dma_start3A_118 = arith.constant 40 : i32
        %dma_start3A_119 = arith.constant 0 : i32
        %dma_start3A_120 = tpu.memref_slice %arg8[%dma_start3A_118, %dma_start3A_119] : memref<160x128xf32, #tpu.memory_space<vmem>> -> memref<20x128xf32, #tpu.memory_space<vmem>>
        %dma_start3A_121 = arith.constant 0 : i32
        %dma_start3A_122 = tpu.memref_slice %arg10[%dma_start3A_117, %dma_start3A_121] : memref<8x20xi32, #tpu.memory_space<vmem>> -> memref<1x20xi32, #tpu.memory_space<vmem>>
        %dma_start3A_123 = tpu.memref_squeeze %dma_start3A_122 : memref<1x20xi32, #tpu.memory_space<vmem>> -> memref<20xi32, #tpu.memory_space<vmem>>
        %dma_start3A_124 = arith.constant 0 : i32
        %dma_start3A_125 = arith.constant 0 : i32
        %dma_start3A_126 = tpu.memref_slice %arg12[%dma_start3A_124, %dma_start3A_125] : memref<10000x128xf32, #tpu.memory_space<vmem_shared>> -> memref<10000x128xf32, #tpu.memory_space<vmem_shared>>
        tpu.enqueue_indirect_dma source(%dma_start3A_120 : memref<20x128xf32, #tpu.memory_space<vmem>>) target(%dma_start3A_126 : memref<10000x128xf32, #tpu.memory_space<vmem_shared>>) offsets(%dma_start3A_123 : memref<20xi32, #tpu.memory_space<vmem>>) semaphore(%arg15 : memref<!tpu.dma_semaphore, #tpu.memory_space<semaphore_mem>>) {add = true}
        %dma_start3A_127 = arith.constant 3 : i32
        %dma_start3A_128 = arith.constant 60 : i32
        %dma_start3A_129 = arith.constant 0 : i32
        %dma_start3A_130 = tpu.memref_slice %arg8[%dma_start3A_128, %dma_start3A_129] : memref<160x128xf32, #tpu.memory_space<vmem>> -> memref<20x128xf32, #tpu.memory_space<vmem>>
        %dma_start3A_131 = arith.constant 0 : i32
        %dma_start3A_132 = tpu.memref_slice %arg10[%dma_start3A_127, %dma_start3A_131] : memref<8x20xi32, #tpu.memory_space<vmem>> -> memref<1x20xi32, #tpu.memory_space<vmem>>
        %dma_start3A_133 = tpu.memref_squeeze %dma_start3A_132 : memref<1x20xi32, #tpu.memory_space<vmem>> -> memref<20xi32, #tpu.memory_space<vmem>>
        %dma_start3A_134 = arith.constant 0 : i32
        %dma_start3A_135 = arith.constant 0 : i32
        %dma_start3A_136 = tpu.memref_slice %arg12[%dma_start3A_134, %dma_start3A_135] : memref<10000x128xf32, #tpu.memory_space<vmem_shared>> -> memref<10000x128xf32, #tpu.memory_space<vmem_shared>>
        tpu.enqueue_indirect_dma source(%dma_start3A_130 : memref<20x128xf32, #tpu.memory_space<vmem>>) target(%dma_start3A_136 : memref<10000x128xf32, #tpu.memory_space<vmem_shared>>) offsets(%dma_start3A_133 : memref<20xi32, #tpu.memory_space<vmem>>) semaphore(%arg15 : memref<!tpu.dma_semaphore, #tpu.memory_space<semaphore_mem>>) {add = true}
        %dma_start3A_137 = arith.constant 4 : i32
        %dma_start3A_138 = arith.constant 80 : i32
        %dma_start3A_139 = arith.constant 0 : i32
        %dma_start3A_140 = tpu.memref_slice %arg8[%dma_start3A_138, %dma_start3A_139] : memref<160x128xf32, #tpu.memory_space<vmem>> -> memref<20x128xf32, #tpu.memory_space<vmem>>
        %dma_start3A_141 = arith.constant 0 : i32
        %dma_start3A_142 = tpu.memref_slice %arg10[%dma_start3A_137, %dma_start3A_141] : memref<8x20xi32, #tpu.memory_space<vmem>> -> memref<1x20xi32, #tpu.memory_space<vmem>>
        %dma_start3A_143 = tpu.memref_squeeze %dma_start3A_142 : memref<1x20xi32, #tpu.memory_space<vmem>> -> memref<20xi32, #tpu.memory_space<vmem>>
        %dma_start3A_144 = arith.constant 0 : i32
        %dma_start3A_145 = arith.constant 0 : i32
        %dma_start3A_146 = tpu.memref_slice %arg12[%dma_start3A_144, %dma_start3A_145] : memref<10000x128xf32, #tpu.memory_space<vmem_shared>> -> memref<10000x128xf32, #tpu.memory_space<vmem_shared>>
        tpu.enqueue_indirect_dma source(%dma_start3A_140 : memref<20x128xf32, #tpu.memory_space<vmem>>) target(%dma_start3A_146 : memref<10000x128xf32, #tpu.memory_space<vmem_shared>>) offsets(%dma_start3A_143 : memref<20xi32, #tpu.memory_space<vmem>>) semaphore(%arg15 : memref<!tpu.dma_semaphore, #tpu.memory_space<semaphore_mem>>) {add = true}
        %dma_start3A_147 = arith.constant 5 : i32
        %dma_start3A_148 = arith.constant 100 : i32
        %dma_start3A_149 = arith.constant 0 : i32
        %dma_start3A_150 = tpu.memref_slice %arg8[%dma_start3A_148, %dma_start3A_149] : memref<160x128xf32, #tpu.memory_space<vmem>> -> memref<20x128xf32, #tpu.memory_space<vmem>>
        %dma_start3A_151 = arith.constant 0 : i32
        %dma_start3A_152 = tpu.memref_slice %arg10[%dma_start3A_147, %dma_start3A_151] : memref<8x20xi32, #tpu.memory_space<vmem>> -> memref<1x20xi32, #tpu.memory_space<vmem>>
        %dma_start3A_153 = tpu.memref_squeeze %dma_start3A_152 : memref<1x20xi32, #tpu.memory_space<vmem>> -> memref<20xi32, #tpu.memory_space<vmem>>
        %dma_start3A_154 = arith.constant 0 : i32
        %dma_start3A_155 = arith.constant 0 : i32
        %dma_start3A_156 = tpu.memref_slice %arg12[%dma_start3A_154, %dma_start3A_155] : memref<10000x128xf32, #tpu.memory_space<vmem_shared>> -> memref<10000x128xf32, #tpu.memory_space<vmem_shared>>
        tpu.enqueue_indirect_dma source(%dma_start3A_150 : memref<20x128xf32, #tpu.memory_space<vmem>>) target(%dma_start3A_156 : memref<10000x128xf32, #tpu.memory_space<vmem_shared>>) offsets(%dma_start3A_153 : memref<20xi32, #tpu.memory_space<vmem>>) semaphore(%arg15 : memref<!tpu.dma_semaphore, #tpu.memory_space<semaphore_mem>>) {add = true}
        %dma_start3A_157 = arith.constant 6 : i32
        %dma_start3A_158 = arith.constant 120 : i32
        %dma_start3A_159 = arith.constant 0 : i32
        %dma_start3A_160 = tpu.memref_slice %arg8[%dma_start3A_158, %dma_start3A_159] : memref<160x128xf32, #tpu.memory_space<vmem>> -> memref<20x128xf32, #tpu.memory_space<vmem>>
        %dma_start3A_161 = arith.constant 0 : i32
        %dma_start3A_162 = tpu.memref_slice %arg10[%dma_start3A_157, %dma_start3A_161] : memref<8x20xi32, #tpu.memory_space<vmem>> -> memref<1x20xi32, #tpu.memory_space<vmem>>
        %dma_start3A_163 = tpu.memref_squeeze %dma_start3A_162 : memref<1x20xi32, #tpu.memory_space<vmem>> -> memref<20xi32, #tpu.memory_space<vmem>>
        %dma_start3A_164 = arith.constant 0 : i32
        %dma_start3A_165 = arith.constant 0 : i32
        %dma_start3A_166 = tpu.memref_slice %arg12[%dma_start3A_164, %dma_start3A_165] : memref<10000x128xf32, #tpu.memory_space<vmem_shared>> -> memref<10000x128xf32, #tpu.memory_space<vmem_shared>>
        tpu.enqueue_indirect_dma source(%dma_start3A_160 : memref<20x128xf32, #tpu.memory_space<vmem>>) target(%dma_start3A_166 : memref<10000x128xf32, #tpu.memory_space<vmem_shared>>) offsets(%dma_start3A_163 : memref<20xi32, #tpu.memory_space<vmem>>) semaphore(%arg15 : memref<!tpu.dma_semaphore, #tpu.memory_space<semaphore_mem>>) {add = true}
        %dma_start3A_167 = arith.constant 7 : i32
        %dma_start3A_168 = arith.constant 140 : i32
        %dma_start3A_169 = arith.constant 0 : i32
        %dma_start3A_170 = tpu.memref_slice %arg8[%dma_start3A_168, %dma_start3A_169] : memref<160x128xf32, #tpu.memory_space<vmem>> -> memref<20x128xf32, #tpu.memory_space<vmem>>
        %dma_start3A_171 = arith.constant 0 : i32
        %dma_start3A_172 = tpu.memref_slice %arg10[%dma_start3A_167, %dma_start3A_171] : memref<8x20xi32, #tpu.memory_space<vmem>> -> memref<1x20xi32, #tpu.memory_space<vmem>>
        %dma_start3A_173 = tpu.memref_squeeze %dma_start3A_172 : memref<1x20xi32, #tpu.memory_space<vmem>> -> memref<20xi32, #tpu.memory_space<vmem>>
        %dma_start3A_174 = arith.constant 0 : i32
        %dma_start3A_175 = arith.constant 0 : i32
        %dma_start3A_176 = tpu.memref_slice %arg12[%dma_start3A_174, %dma_start3A_175] : memref<10000x128xf32, #tpu.memory_space<vmem_shared>> -> memref<10000x128xf32, #tpu.memory_space<vmem_shared>>
        tpu.enqueue_indirect_dma source(%dma_start3A_170 : memref<20x128xf32, #tpu.memory_space<vmem>>) target(%dma_start3A_176 : memref<10000x128xf32, #tpu.memory_space<vmem_shared>>) offsets(%dma_start3A_173 : memref<20xi32, #tpu.memory_space<vmem>>) semaphore(%arg15 : memref<!tpu.dma_semaphore, #tpu.memory_space<semaphore_mem>>) {add = true}
        %dma_wait3A_177 = arith.constant 0 : i32
        %dma_wait3A_178 = tpu.memref_slice %arg3[%multiple_of3A_75, %dma_wait3A_177] : memref<160000x128xf32, #tpu.memory_space<hbm>> -> memref<160x128xf32, #tpu.memory_space<hbm>>
        %dma_wait3A_179 = arith.constant 0 : i32
        %dma_wait3A_180 = tpu.memref_slice %arg3[%multiple_of3A_75, %dma_wait3A_179] : memref<160000x128xf32, #tpu.memory_space<hbm>> -> memref<160x128xf32, #tpu.memory_space<hbm>>
        tpu.wait_dma2 semaphore(%arg14 : memref<!tpu.dma_semaphore, #tpu.memory_space<semaphore_mem>>) src(%dma_wait3A_180 : memref<160x128xf32, #tpu.memory_space<hbm>>) dst(%arg9 : memref<160x128xf32, #tpu.memory_space<vmem>>)
        %dma_wait3A_181 = arith.constant 0 : i32
        %dma_wait3A_182 = tpu.memref_slice %arg4[%multiple_of3A_80, %dma_wait3A_181] : memref<16000x20xi32, #tpu.memory_space<hbm>> -> memref<8x20xi32, #tpu.memory_space<hbm>>
        %dma_wait3A_183 = arith.constant 0 : i32
        %dma_wait3A_184 = tpu.memref_slice %arg4[%multiple_of3A_80, %dma_wait3A_183] : memref<16000x20xi32, #tpu.memory_space<hbm>> -> memref<8x20xi32, #tpu.memory_space<hbm>>
        tpu.wait_dma2 semaphore(%arg14 : memref<!tpu.dma_semaphore, #tpu.memory_space<semaphore_mem>>) src(%dma_wait3A_184 : memref<8x20xi32, #tpu.memory_space<hbm>>) dst(%arg11 : memref<8x20xi32, #tpu.memory_space<vmem>>)
        %dma_start3A_185 = arith.constant 0 : i32
        %dma_start3A_186 = arith.constant 0 : i32
        %dma_start3A_187 = arith.constant 0 : i32
        %dma_start3A_188 = tpu.memref_slice %arg9[%dma_start3A_186, %dma_start3A_187] : memref<160x128xf32, #tpu.memory_space<vmem>> -> memref<20x128xf32, #tpu.memory_space<vmem>>
        %dma_start3A_189 = arith.constant 0 : i32
        %dma_start3A_190 = tpu.memref_slice %arg11[%dma_start3A_185, %dma_start3A_189] : memref<8x20xi32, #tpu.memory_space<vmem>> -> memref<1x20xi32, #tpu.memory_space<vmem>>
        %dma_start3A_191 = tpu.memref_squeeze %dma_start3A_190 : memref<1x20xi32, #tpu.memory_space<vmem>> -> memref<20xi32, #tpu.memory_space<vmem>>
        %dma_start3A_192 = arith.constant 0 : i32
        %dma_start3A_193 = arith.constant 0 : i32
        %dma_start3A_194 = tpu.memref_slice %arg12[%dma_start3A_192, %dma_start3A_193] : memref<10000x128xf32, #tpu.memory_space<vmem_shared>> -> memref<10000x128xf32, #tpu.memory_space<vmem_shared>>
        tpu.enqueue_indirect_dma source(%dma_start3A_188 : memref<20x128xf32, #tpu.memory_space<vmem>>) target(%dma_start3A_194 : memref<10000x128xf32, #tpu.memory_space<vmem_shared>>) offsets(%dma_start3A_191 : memref<20xi32, #tpu.memory_space<vmem>>) semaphore(%arg16 : memref<!tpu.dma_semaphore, #tpu.memory_space<semaphore_mem>>) {add = true}
        %dma_start3A_195 = arith.constant 1 : i32
        %dma_start3A_196 = arith.constant 20 : i32
        %dma_start3A_197 = arith.constant 0 : i32
        %dma_start3A_198 = tpu.memref_slice %arg9[%dma_start3A_196, %dma_start3A_197] : memref<160x128xf32, #tpu.memory_space<vmem>> -> memref<20x128xf32, #tpu.memory_space<vmem>>
        %dma_start3A_199 = arith.constant 0 : i32
        %dma_start3A_200 = tpu.memref_slice %arg11[%dma_start3A_195, %dma_start3A_199] : memref<8x20xi32, #tpu.memory_space<vmem>> -> memref<1x20xi32, #tpu.memory_space<vmem>>
        %dma_start3A_201 = tpu.memref_squeeze %dma_start3A_200 : memref<1x20xi32, #tpu.memory_space<vmem>> -> memref<20xi32, #tpu.memory_space<vmem>>
        %dma_start3A_202 = arith.constant 0 : i32
        %dma_start3A_203 = arith.constant 0 : i32
        %dma_start3A_204 = tpu.memref_slice %arg12[%dma_start3A_202, %dma_start3A_203] : memref<10000x128xf32, #tpu.memory_space<vmem_shared>> -> memref<10000x128xf32, #tpu.memory_space<vmem_shared>>
        tpu.enqueue_indirect_dma source(%dma_start3A_198 : memref<20x128xf32, #tpu.memory_space<vmem>>) target(%dma_start3A_204 : memref<10000x128xf32, #tpu.memory_space<vmem_shared>>) offsets(%dma_start3A_201 : memref<20xi32, #tpu.memory_space<vmem>>) semaphore(%arg16 : memref<!tpu.dma_semaphore, #tpu.memory_space<semaphore_mem>>) {add = true}
        %dma_start3A_205 = arith.constant 2 : i32
        %dma_start3A_206 = arith.constant 40 : i32
        %dma_start3A_207 = arith.constant 0 : i32
        %dma_start3A_208 = tpu.memref_slice %arg9[%dma_start3A_206, %dma_start3A_207] : memref<160x128xf32, #tpu.memory_space<vmem>> -> memref<20x128xf32, #tpu.memory_space<vmem>>
        %dma_start3A_209 = arith.constant 0 : i32
        %dma_start3A_210 = tpu.memref_slice %arg11[%dma_start3A_205, %dma_start3A_209] : memref<8x20xi32, #tpu.memory_space<vmem>> -> memref<1x20xi32, #tpu.memory_space<vmem>>
        %dma_start3A_211 = tpu.memref_squeeze %dma_start3A_210 : memref<1x20xi32, #tpu.memory_space<vmem>> -> memref<20xi32, #tpu.memory_space<vmem>>
        %dma_start3A_212 = arith.constant 0 : i32
        %dma_start3A_213 = arith.constant 0 : i32
        %dma_start3A_214 = tpu.memref_slice %arg12[%dma_start3A_212, %dma_start3A_213] : memref<10000x128xf32, #tpu.memory_space<vmem_shared>> -> memref<10000x128xf32, #tpu.memory_space<vmem_shared>>
        tpu.enqueue_indirect_dma source(%dma_start3A_208 : memref<20x128xf32, #tpu.memory_space<vmem>>) target(%dma_start3A_214 : memref<10000x128xf32, #tpu.memory_space<vmem_shared>>) offsets(%dma_start3A_211 : memref<20xi32, #tpu.memory_space<vmem>>) semaphore(%arg16 : memref<!tpu.dma_semaphore, #tpu.memory_space<semaphore_mem>>) {add = true}
        %dma_start3A_215 = arith.constant 3 : i32
        %dma_start3A_216 = arith.constant 60 : i32
        %dma_start3A_217 = arith.constant 0 : i32
        %dma_start3A_218 = tpu.memref_slice %arg9[%dma_start3A_216, %dma_start3A_217] : memref<160x128xf32, #tpu.memory_space<vmem>> -> memref<20x128xf32, #tpu.memory_space<vmem>>
        %dma_start3A_219 = arith.constant 0 : i32
        %dma_start3A_220 = tpu.memref_slice %arg11[%dma_start3A_215, %dma_start3A_219] : memref<8x20xi32, #tpu.memory_space<vmem>> -> memref<1x20xi32, #tpu.memory_space<vmem>>
        %dma_start3A_221 = tpu.memref_squeeze %dma_start3A_220 : memref<1x20xi32, #tpu.memory_space<vmem>> -> memref<20xi32, #tpu.memory_space<vmem>>
        %dma_start3A_222 = arith.constant 0 : i32
        %dma_start3A_223 = arith.constant 0 : i32
        %dma_start3A_224 = tpu.memref_slice %arg12[%dma_start3A_222, %dma_start3A_223] : memref<10000x128xf32, #tpu.memory_space<vmem_shared>> -> memref<10000x128xf32, #tpu.memory_space<vmem_shared>>
        tpu.enqueue_indirect_dma source(%dma_start3A_218 : memref<20x128xf32, #tpu.memory_space<vmem>>) target(%dma_start3A_224 : memref<10000x128xf32, #tpu.memory_space<vmem_shared>>) offsets(%dma_start3A_221 : memref<20xi32, #tpu.memory_space<vmem>>) semaphore(%arg16 : memref<!tpu.dma_semaphore, #tpu.memory_space<semaphore_mem>>) {add = true}
        %dma_start3A_225 = arith.constant 4 : i32
        %dma_start3A_226 = arith.constant 80 : i32
        %dma_start3A_227 = arith.constant 0 : i32
        %dma_start3A_228 = tpu.memref_slice %arg9[%dma_start3A_226, %dma_start3A_227] : memref<160x128xf32, #tpu.memory_space<vmem>> -> memref<20x128xf32, #tpu.memory_space<vmem>>
        %dma_start3A_229 = arith.constant 0 : i32
        %dma_start3A_230 = tpu.memref_slice %arg11[%dma_start3A_225, %dma_start3A_229] : memref<8x20xi32, #tpu.memory_space<vmem>> -> memref<1x20xi32, #tpu.memory_space<vmem>>
        %dma_start3A_231 = tpu.memref_squeeze %dma_start3A_230 : memref<1x20xi32, #tpu.memory_space<vmem>> -> memref<20xi32, #tpu.memory_space<vmem>>
        %dma_start3A_232 = arith.constant 0 : i32
        %dma_start3A_233 = arith.constant 0 : i32
        %dma_start3A_234 = tpu.memref_slice %arg12[%dma_start3A_232, %dma_start3A_233] : memref<10000x128xf32, #tpu.memory_space<vmem_shared>> -> memref<10000x128xf32, #tpu.memory_space<vmem_shared>>
        tpu.enqueue_indirect_dma source(%dma_start3A_228 : memref<20x128xf32, #tpu.memory_space<vmem>>) target(%dma_start3A_234 : memref<10000x128xf32, #tpu.memory_space<vmem_shared>>) offsets(%dma_start3A_231 : memref<20xi32, #tpu.memory_space<vmem>>) semaphore(%arg16 : memref<!tpu.dma_semaphore, #tpu.memory_space<semaphore_mem>>) {add = true}
        %dma_start3A_235 = arith.constant 5 : i32
        %dma_start3A_236 = arith.constant 100 : i32
        %dma_start3A_237 = arith.constant 0 : i32
        %dma_start3A_238 = tpu.memref_slice %arg9[%dma_start3A_236, %dma_start3A_237] : memref<160x128xf32, #tpu.memory_space<vmem>> -> memref<20x128xf32, #tpu.memory_space<vmem>>
        %dma_start3A_239 = arith.constant 0 : i32
        %dma_start3A_240 = tpu.memref_slice %arg11[%dma_start3A_235, %dma_start3A_239] : memref<8x20xi32, #tpu.memory_space<vmem>> -> memref<1x20xi32, #tpu.memory_space<vmem>>
        %dma_start3A_241 = tpu.memref_squeeze %dma_start3A_240 : memref<1x20xi32, #tpu.memory_space<vmem>> -> memref<20xi32, #tpu.memory_space<vmem>>
        %dma_start3A_242 = arith.constant 0 : i32
        %dma_start3A_243 = arith.constant 0 : i32
        %dma_start3A_244 = tpu.memref_slice %arg12[%dma_start3A_242, %dma_start3A_243] : memref<10000x128xf32, #tpu.memory_space<vmem_shared>> -> memref<10000x128xf32, #tpu.memory_space<vmem_shared>>
        tpu.enqueue_indirect_dma source(%dma_start3A_238 : memref<20x128xf32, #tpu.memory_space<vmem>>) target(%dma_start3A_244 : memref<10000x128xf32, #tpu.memory_space<vmem_shared>>) offsets(%dma_start3A_241 : memref<20xi32, #tpu.memory_space<vmem>>) semaphore(%arg16 : memref<!tpu.dma_semaphore, #tpu.memory_space<semaphore_mem>>) {add = true}
        %dma_start3A_245 = arith.constant 6 : i32
        %dma_start3A_246 = arith.constant 120 : i32
        %dma_start3A_247 = arith.constant 0 : i32
        %dma_start3A_248 = tpu.memref_slice %arg9[%dma_start3A_246, %dma_start3A_247] : memref<160x128xf32, #tpu.memory_space<vmem>> -> memref<20x128xf32, #tpu.memory_space<vmem>>
        %dma_start3A_249 = arith.constant 0 : i32
        %dma_start3A_250 = tpu.memref_slice %arg11[%dma_start3A_245, %dma_start3A_249] : memref<8x20xi32, #tpu.memory_space<vmem>> -> memref<1x20xi32, #tpu.memory_space<vmem>>
        %dma_start3A_251 = tpu.memref_squeeze %dma_start3A_250 : memref<1x20xi32, #tpu.memory_space<vmem>> -> memref<20xi32, #tpu.memory_space<vmem>>
        %dma_start3A_252 = arith.constant 0 : i32
        %dma_start3A_253 = arith.constant 0 : i32
        %dma_start3A_254 = tpu.memref_slice %arg12[%dma_start3A_252, %dma_start3A_253] : memref<10000x128xf32, #tpu.memory_space<vmem_shared>> -> memref<10000x128xf32, #tpu.memory_space<vmem_shared>>
        tpu.enqueue_indirect_dma source(%dma_start3A_248 : memref<20x128xf32, #tpu.memory_space<vmem>>) target(%dma_start3A_254 : memref<10000x128xf32, #tpu.memory_space<vmem_shared>>) offsets(%dma_start3A_251 : memref<20xi32, #tpu.memory_space<vmem>>) semaphore(%arg16 : memref<!tpu.dma_semaphore, #tpu.memory_space<semaphore_mem>>) {add = true}
        %dma_start3A_255 = arith.constant 7 : i32
        %dma_start3A_256 = arith.constant 140 : i32
        %dma_start3A_257 = arith.constant 0 : i32
        %dma_start3A_258 = tpu.memref_slice %arg9[%dma_start3A_256, %dma_start3A_257] : memref<160x128xf32, #tpu.memory_space<vmem>> -> memref<20x128xf32, #tpu.memory_space<vmem>>
        %dma_start3A_259 = arith.constant 0 : i32
        %dma_start3A_260 = tpu.memref_slice %arg11[%dma_start3A_255, %dma_start3A_259] : memref<8x20xi32, #tpu.memory_space<vmem>> -> memref<1x20xi32, #tpu.memory_space<vmem>>
        %dma_start3A_261 = tpu.memref_squeeze %dma_start3A_260 : memref<1x20xi32, #tpu.memory_space<vmem>> -> memref<20xi32, #tpu.memory_space<vmem>>
        %dma_start3A_262 = arith.constant 0 : i32
        %dma_start3A_263 = arith.constant 0 : i32
        %dma_start3A_264 = tpu.memref_slice %arg12[%dma_start3A_262, %dma_start3A_263] : memref<10000x128xf32, #tpu.memory_space<vmem_shared>> -> memref<10000x128xf32, #tpu.memory_space<vmem_shared>>
        tpu.enqueue_indirect_dma source(%dma_start3A_258 : memref<20x128xf32, #tpu.memory_space<vmem>>) target(%dma_start3A_264 : memref<10000x128xf32, #tpu.memory_space<vmem_shared>>) offsets(%dma_start3A_261 : memref<20xi32, #tpu.memory_space<vmem>>) semaphore(%arg16 : memref<!tpu.dma_semaphore, #tpu.memory_space<semaphore_mem>>) {add = true}
      }
      %scan3A_23 = arith.constant 31 : i32
      %lt3A = arith.constant 8 : i32
      %lt3A_24 = arith.cmpi slt, %arg1, %lt3A : i32
      %convert_element_type3A_25 = arith.extui %lt3A_24 : i1 to i32
      %cond3A_26 = arith.constant 0 : i32
      %cond3A_27 = arith.cmpi ne, %convert_element_type3A_25, %cond3A_26 : i32
      scf.if %cond3A_27 {
        %dma_wait3A_39 = arith.constant 0 : i32
        %dma_wait3A_40 = arith.constant 0 : i32
        %dma_wait3A_41 = tpu.memref_slice %arg5[%dma_wait3A_39, %dma_wait3A_40] : memref<640x128xf32, #tpu.memory_space<hbm>> -> memref<160x128xf32, #tpu.memory_space<hbm>>
        %dma_wait3A_42 = arith.constant 0 : i32
        %dma_wait3A_43 = arith.constant 0 : i32
        %dma_wait3A_44 = tpu.memref_slice %arg5[%dma_wait3A_42, %dma_wait3A_43] : memref<640x128xf32, #tpu.memory_space<hbm>> -> memref<160x128xf32, #tpu.memory_space<hbm>>
        tpu.wait_dma2 semaphore(%arg15 : memref<!tpu.dma_semaphore, #tpu.memory_space<semaphore_mem>>) src(%dma_wait3A_44 : memref<160x128xf32, #tpu.memory_space<hbm>>) dst(%arg8 : memref<160x128xf32, #tpu.memory_space<vmem>>)
        %add3A = arith.constant 992 : i32
        %add3A_45 = arith.addi %arg1, %add3A : i32
        %mul3A_46 = arith.constant 160 : i32
        %mul3A_47 = arith.muli %add3A_45, %mul3A_46 : i32
        %multiple_of3A_48 = tpu.assume_multiple %mul3A_47, 160 : i32
        %mul3A_49 = arith.constant 8 : i32
        %mul3A_50 = arith.muli %add3A_45, %mul3A_49 : i32
        %add3A_51 = arith.constant 0 : i32
        %add3A_52 = arith.addi %add3A_51, %mul3A_50 : i32
        %multiple_of3A_53 = tpu.assume_multiple %add3A_52, 8 : i32
        %dma_start3A = arith.constant 0 : i32
        %dma_start3A_54 = tpu.memref_slice %arg3[%multiple_of3A_48, %dma_start3A] : memref<160000x128xf32, #tpu.memory_space<hbm>> -> memref<160x128xf32, #tpu.memory_space<hbm>>
        %dma_start3A_55 = arith.constant 0 : i32
        %dma_start3A_56 = tpu.memref_slice %arg3[%multiple_of3A_48, %dma_start3A_55] : memref<160000x128xf32, #tpu.memory_space<hbm>> -> memref<160x128xf32, #tpu.memory_space<hbm>>
        tpu.enqueue_dma source(%dma_start3A_56 : memref<160x128xf32, #tpu.memory_space<hbm>>) target(%arg8 : memref<160x128xf32, #tpu.memory_space<vmem>>) target_semaphore(%arg13 : memref<!tpu.dma_semaphore, #tpu.memory_space<semaphore_mem>>)
        %dma_start3A_57 = arith.constant 0 : i32
        %dma_start3A_58 = tpu.memref_slice %arg4[%multiple_of3A_53, %dma_start3A_57] : memref<16000x20xi32, #tpu.memory_space<hbm>> -> memref<8x20xi32, #tpu.memory_space<hbm>>
        %dma_start3A_59 = arith.constant 0 : i32
        %dma_start3A_60 = tpu.memref_slice %arg4[%multiple_of3A_53, %dma_start3A_59] : memref<16000x20xi32, #tpu.memory_space<hbm>> -> memref<8x20xi32, #tpu.memory_space<hbm>>
        tpu.enqueue_dma source(%dma_start3A_60 : memref<8x20xi32, #tpu.memory_space<hbm>>) target(%arg10 : memref<8x20xi32, #tpu.memory_space<vmem>>) target_semaphore(%arg13 : memref<!tpu.dma_semaphore, #tpu.memory_space<semaphore_mem>>)
        %dma_wait3A_61 = arith.constant 0 : i32
        %dma_wait3A_62 = tpu.memref_slice %arg3[%multiple_of3A_48, %dma_wait3A_61] : memref<160000x128xf32, #tpu.memory_space<hbm>> -> memref<160x128xf32, #tpu.memory_space<hbm>>
        %dma_wait3A_63 = arith.constant 0 : i32
        %dma_wait3A_64 = tpu.memref_slice %arg3[%multiple_of3A_48, %dma_wait3A_63] : memref<160000x128xf32, #tpu.memory_space<hbm>> -> memref<160x128xf32, #tpu.memory_space<hbm>>
        tpu.wait_dma2 semaphore(%arg13 : memref<!tpu.dma_semaphore, #tpu.memory_space<semaphore_mem>>) src(%dma_wait3A_64 : memref<160x128xf32, #tpu.memory_space<hbm>>) dst(%arg8 : memref<160x128xf32, #tpu.memory_space<vmem>>)
        %dma_wait3A_65 = arith.constant 0 : i32
        %dma_wait3A_66 = tpu.memref_slice %arg4[%multiple_of3A_53, %dma_wait3A_65] : memref<16000x20xi32, #tpu.memory_space<hbm>> -> memref<8x20xi32, #tpu.memory_space<hbm>>
        %dma_wait3A_67 = arith.constant 0 : i32
        %dma_wait3A_68 = tpu.memref_slice %arg4[%multiple_of3A_53, %dma_wait3A_67] : memref<16000x20xi32, #tpu.memory_space<hbm>> -> memref<8x20xi32, #tpu.memory_space<hbm>>
        tpu.wait_dma2 semaphore(%arg13 : memref<!tpu.dma_semaphore, #tpu.memory_space<semaphore_mem>>) src(%dma_wait3A_68 : memref<8x20xi32, #tpu.memory_space<hbm>>) dst(%arg10 : memref<8x20xi32, #tpu.memory_space<vmem>>)
        %dma_start3A_69 = arith.constant 0 : i32
        %dma_start3A_70 = arith.constant 0 : i32
        %dma_start3A_71 = arith.constant 0 : i32
        %dma_start3A_72 = tpu.memref_slice %arg8[%dma_start3A_70, %dma_start3A_71] : memref<160x128xf32, #tpu.memory_space<vmem>> -> memref<20x128xf32, #tpu.memory_space<vmem>>
        %dma_start3A_73 = arith.constant 0 : i32
        %dma_start3A_74 = tpu.memref_slice %arg10[%dma_start3A_69, %dma_start3A_73] : memref<8x20xi32, #tpu.memory_space<vmem>> -> memref<1x20xi32, #tpu.memory_space<vmem>>
        %dma_start3A_75 = tpu.memref_squeeze %dma_start3A_74 : memref<1x20xi32, #tpu.memory_space<vmem>> -> memref<20xi32, #tpu.memory_space<vmem>>
        %dma_start3A_76 = arith.constant 0 : i32
        %dma_start3A_77 = arith.constant 0 : i32
        %dma_start3A_78 = tpu.memref_slice %arg12[%dma_start3A_76, %dma_start3A_77] : memref<10000x128xf32, #tpu.memory_space<vmem_shared>> -> memref<10000x128xf32, #tpu.memory_space<vmem_shared>>
        tpu.enqueue_indirect_dma source(%dma_start3A_72 : memref<20x128xf32, #tpu.memory_space<vmem>>) target(%dma_start3A_78 : memref<10000x128xf32, #tpu.memory_space<vmem_shared>>) offsets(%dma_start3A_75 : memref<20xi32, #tpu.memory_space<vmem>>) semaphore(%arg15 : memref<!tpu.dma_semaphore, #tpu.memory_space<semaphore_mem>>) {add = true}
        %dma_start3A_79 = arith.constant 1 : i32
        %dma_start3A_80 = arith.constant 20 : i32
        %dma_start3A_81 = arith.constant 0 : i32
        %dma_start3A_82 = tpu.memref_slice %arg8[%dma_start3A_80, %dma_start3A_81] : memref<160x128xf32, #tpu.memory_space<vmem>> -> memref<20x128xf32, #tpu.memory_space<vmem>>
        %dma_start3A_83 = arith.constant 0 : i32
        %dma_start3A_84 = tpu.memref_slice %arg10[%dma_start3A_79, %dma_start3A_83] : memref<8x20xi32, #tpu.memory_space<vmem>> -> memref<1x20xi32, #tpu.memory_space<vmem>>
        %dma_start3A_85 = tpu.memref_squeeze %dma_start3A_84 : memref<1x20xi32, #tpu.memory_space<vmem>> -> memref<20xi32, #tpu.memory_space<vmem>>
        %dma_start3A_86 = arith.constant 0 : i32
        %dma_start3A_87 = arith.constant 0 : i32
        %dma_start3A_88 = tpu.memref_slice %arg12[%dma_start3A_86, %dma_start3A_87] : memref<10000x128xf32, #tpu.memory_space<vmem_shared>> -> memref<10000x128xf32, #tpu.memory_space<vmem_shared>>
        tpu.enqueue_indirect_dma source(%dma_start3A_82 : memref<20x128xf32, #tpu.memory_space<vmem>>) target(%dma_start3A_88 : memref<10000x128xf32, #tpu.memory_space<vmem_shared>>) offsets(%dma_start3A_85 : memref<20xi32, #tpu.memory_space<vmem>>) semaphore(%arg15 : memref<!tpu.dma_semaphore, #tpu.memory_space<semaphore_mem>>) {add = true}
        %dma_start3A_89 = arith.constant 2 : i32
        %dma_start3A_90 = arith.constant 40 : i32
        %dma_start3A_91 = arith.constant 0 : i32
        %dma_start3A_92 = tpu.memref_slice %arg8[%dma_start3A_90, %dma_start3A_91] : memref<160x128xf32, #tpu.memory_space<vmem>> -> memref<20x128xf32, #tpu.memory_space<vmem>>
        %dma_start3A_93 = arith.constant 0 : i32
        %dma_start3A_94 = tpu.memref_slice %arg10[%dma_start3A_89, %dma_start3A_93] : memref<8x20xi32, #tpu.memory_space<vmem>> -> memref<1x20xi32, #tpu.memory_space<vmem>>
        %dma_start3A_95 = tpu.memref_squeeze %dma_start3A_94 : memref<1x20xi32, #tpu.memory_space<vmem>> -> memref<20xi32, #tpu.memory_space<vmem>>
        %dma_start3A_96 = arith.constant 0 : i32
        %dma_start3A_97 = arith.constant 0 : i32
        %dma_start3A_98 = tpu.memref_slice %arg12[%dma_start3A_96, %dma_start3A_97] : memref<10000x128xf32, #tpu.memory_space<vmem_shared>> -> memref<10000x128xf32, #tpu.memory_space<vmem_shared>>
        tpu.enqueue_indirect_dma source(%dma_start3A_92 : memref<20x128xf32, #tpu.memory_space<vmem>>) target(%dma_start3A_98 : memref<10000x128xf32, #tpu.memory_space<vmem_shared>>) offsets(%dma_start3A_95 : memref<20xi32, #tpu.memory_space<vmem>>) semaphore(%arg15 : memref<!tpu.dma_semaphore, #tpu.memory_space<semaphore_mem>>) {add = true}
        %dma_start3A_99 = arith.constant 3 : i32
        %dma_start3A_100 = arith.constant 60 : i32
        %dma_start3A_101 = arith.constant 0 : i32
        %dma_start3A_102 = tpu.memref_slice %arg8[%dma_start3A_100, %dma_start3A_101] : memref<160x128xf32, #tpu.memory_space<vmem>> -> memref<20x128xf32, #tpu.memory_space<vmem>>
        %dma_start3A_103 = arith.constant 0 : i32
        %dma_start3A_104 = tpu.memref_slice %arg10[%dma_start3A_99, %dma_start3A_103] : memref<8x20xi32, #tpu.memory_space<vmem>> -> memref<1x20xi32, #tpu.memory_space<vmem>>
        %dma_start3A_105 = tpu.memref_squeeze %dma_start3A_104 : memref<1x20xi32, #tpu.memory_space<vmem>> -> memref<20xi32, #tpu.memory_space<vmem>>
        %dma_start3A_106 = arith.constant 0 : i32
        %dma_start3A_107 = arith.constant 0 : i32
        %dma_start3A_108 = tpu.memref_slice %arg12[%dma_start3A_106, %dma_start3A_107] : memref<10000x128xf32, #tpu.memory_space<vmem_shared>> -> memref<10000x128xf32, #tpu.memory_space<vmem_shared>>
        tpu.enqueue_indirect_dma source(%dma_start3A_102 : memref<20x128xf32, #tpu.memory_space<vmem>>) target(%dma_start3A_108 : memref<10000x128xf32, #tpu.memory_space<vmem_shared>>) offsets(%dma_start3A_105 : memref<20xi32, #tpu.memory_space<vmem>>) semaphore(%arg15 : memref<!tpu.dma_semaphore, #tpu.memory_space<semaphore_mem>>) {add = true}
        %dma_start3A_109 = arith.constant 4 : i32
        %dma_start3A_110 = arith.constant 80 : i32
        %dma_start3A_111 = arith.constant 0 : i32
        %dma_start3A_112 = tpu.memref_slice %arg8[%dma_start3A_110, %dma_start3A_111] : memref<160x128xf32, #tpu.memory_space<vmem>> -> memref<20x128xf32, #tpu.memory_space<vmem>>
        %dma_start3A_113 = arith.constant 0 : i32
        %dma_start3A_114 = tpu.memref_slice %arg10[%dma_start3A_109, %dma_start3A_113] : memref<8x20xi32, #tpu.memory_space<vmem>> -> memref<1x20xi32, #tpu.memory_space<vmem>>
        %dma_start3A_115 = tpu.memref_squeeze %dma_start3A_114 : memref<1x20xi32, #tpu.memory_space<vmem>> -> memref<20xi32, #tpu.memory_space<vmem>>
        %dma_start3A_116 = arith.constant 0 : i32
        %dma_start3A_117 = arith.constant 0 : i32
        %dma_start3A_118 = tpu.memref_slice %arg12[%dma_start3A_116, %dma_start3A_117] : memref<10000x128xf32, #tpu.memory_space<vmem_shared>> -> memref<10000x128xf32, #tpu.memory_space<vmem_shared>>
        tpu.enqueue_indirect_dma source(%dma_start3A_112 : memref<20x128xf32, #tpu.memory_space<vmem>>) target(%dma_start3A_118 : memref<10000x128xf32, #tpu.memory_space<vmem_shared>>) offsets(%dma_start3A_115 : memref<20xi32, #tpu.memory_space<vmem>>) semaphore(%arg15 : memref<!tpu.dma_semaphore, #tpu.memory_space<semaphore_mem>>) {add = true}
        %dma_start3A_119 = arith.constant 5 : i32
        %dma_start3A_120 = arith.constant 100 : i32
        %dma_start3A_121 = arith.constant 0 : i32
        %dma_start3A_122 = tpu.memref_slice %arg8[%dma_start3A_120, %dma_start3A_121] : memref<160x128xf32, #tpu.memory_space<vmem>> -> memref<20x128xf32, #tpu.memory_space<vmem>>
        %dma_start3A_123 = arith.constant 0 : i32
        %dma_start3A_124 = tpu.memref_slice %arg10[%dma_start3A_119, %dma_start3A_123] : memref<8x20xi32, #tpu.memory_space<vmem>> -> memref<1x20xi32, #tpu.memory_space<vmem>>
        %dma_start3A_125 = tpu.memref_squeeze %dma_start3A_124 : memref<1x20xi32, #tpu.memory_space<vmem>> -> memref<20xi32, #tpu.memory_space<vmem>>
        %dma_start3A_126 = arith.constant 0 : i32
        %dma_start3A_127 = arith.constant 0 : i32
        %dma_start3A_128 = tpu.memref_slice %arg12[%dma_start3A_126, %dma_start3A_127] : memref<10000x128xf32, #tpu.memory_space<vmem_shared>> -> memref<10000x128xf32, #tpu.memory_space<vmem_shared>>
        tpu.enqueue_indirect_dma source(%dma_start3A_122 : memref<20x128xf32, #tpu.memory_space<vmem>>) target(%dma_start3A_128 : memref<10000x128xf32, #tpu.memory_space<vmem_shared>>) offsets(%dma_start3A_125 : memref<20xi32, #tpu.memory_space<vmem>>) semaphore(%arg15 : memref<!tpu.dma_semaphore, #tpu.memory_space<semaphore_mem>>) {add = true}
        %dma_start3A_129 = arith.constant 6 : i32
        %dma_start3A_130 = arith.constant 120 : i32
        %dma_start3A_131 = arith.constant 0 : i32
        %dma_start3A_132 = tpu.memref_slice %arg8[%dma_start3A_130, %dma_start3A_131] : memref<160x128xf32, #tpu.memory_space<vmem>> -> memref<20x128xf32, #tpu.memory_space<vmem>>
        %dma_start3A_133 = arith.constant 0 : i32
        %dma_start3A_134 = tpu.memref_slice %arg10[%dma_start3A_129, %dma_start3A_133] : memref<8x20xi32, #tpu.memory_space<vmem>> -> memref<1x20xi32, #tpu.memory_space<vmem>>
        %dma_start3A_135 = tpu.memref_squeeze %dma_start3A_134 : memref<1x20xi32, #tpu.memory_space<vmem>> -> memref<20xi32, #tpu.memory_space<vmem>>
        %dma_start3A_136 = arith.constant 0 : i32
        %dma_start3A_137 = arith.constant 0 : i32
        %dma_start3A_138 = tpu.memref_slice %arg12[%dma_start3A_136, %dma_start3A_137] : memref<10000x128xf32, #tpu.memory_space<vmem_shared>> -> memref<10000x128xf32, #tpu.memory_space<vmem_shared>>
        tpu.enqueue_indirect_dma source(%dma_start3A_132 : memref<20x128xf32, #tpu.memory_space<vmem>>) target(%dma_start3A_138 : memref<10000x128xf32, #tpu.memory_space<vmem_shared>>) offsets(%dma_start3A_135 : memref<20xi32, #tpu.memory_space<vmem>>) semaphore(%arg15 : memref<!tpu.dma_semaphore, #tpu.memory_space<semaphore_mem>>) {add = true}
        %dma_start3A_139 = arith.constant 7 : i32
        %dma_start3A_140 = arith.constant 140 : i32
        %dma_start3A_141 = arith.constant 0 : i32
        %dma_start3A_142 = tpu.memref_slice %arg8[%dma_start3A_140, %dma_start3A_141] : memref<160x128xf32, #tpu.memory_space<vmem>> -> memref<20x128xf32, #tpu.memory_space<vmem>>
        %dma_start3A_143 = arith.constant 0 : i32
        %dma_start3A_144 = tpu.memref_slice %arg10[%dma_start3A_139, %dma_start3A_143] : memref<8x20xi32, #tpu.memory_space<vmem>> -> memref<1x20xi32, #tpu.memory_space<vmem>>
        %dma_start3A_145 = tpu.memref_squeeze %dma_start3A_144 : memref<1x20xi32, #tpu.memory_space<vmem>> -> memref<20xi32, #tpu.memory_space<vmem>>
        %dma_start3A_146 = arith.constant 0 : i32
        %dma_start3A_147 = arith.constant 0 : i32
        %dma_start3A_148 = tpu.memref_slice %arg12[%dma_start3A_146, %dma_start3A_147] : memref<10000x128xf32, #tpu.memory_space<vmem_shared>> -> memref<10000x128xf32, #tpu.memory_space<vmem_shared>>
        tpu.enqueue_indirect_dma source(%dma_start3A_142 : memref<20x128xf32, #tpu.memory_space<vmem>>) target(%dma_start3A_148 : memref<10000x128xf32, #tpu.memory_space<vmem_shared>>) offsets(%dma_start3A_145 : memref<20xi32, #tpu.memory_space<vmem>>) semaphore(%arg15 : memref<!tpu.dma_semaphore, #tpu.memory_space<semaphore_mem>>) {add = true}
      } else {
      }
      %dma_wait3A = arith.constant 0 : i32
      %dma_wait3A_28 = arith.constant 0 : i32
      %dma_wait3A_29 = tpu.memref_slice %arg5[%dma_wait3A, %dma_wait3A_28] : memref<640x128xf32, #tpu.memory_space<hbm>> -> memref<160x128xf32, #tpu.memory_space<hbm>>
      %dma_wait3A_30 = arith.constant 0 : i32
      %dma_wait3A_31 = arith.constant 0 : i32
      %dma_wait3A_32 = tpu.memref_slice %arg5[%dma_wait3A_30, %dma_wait3A_31] : memref<640x128xf32, #tpu.memory_space<hbm>> -> memref<160x128xf32, #tpu.memory_space<hbm>>
      tpu.wait_dma2 semaphore(%arg15 : memref<!tpu.dma_semaphore, #tpu.memory_space<semaphore_mem>>) src(%dma_wait3A_32 : memref<160x128xf32, #tpu.memory_space<hbm>>) dst(%arg8 : memref<160x128xf32, #tpu.memory_space<vmem>>)
      %dma_wait3A_33 = arith.constant 0 : i32
      %dma_wait3A_34 = arith.constant 0 : i32
      %dma_wait3A_35 = tpu.memref_slice %arg5[%dma_wait3A_33, %dma_wait3A_34] : memref<640x128xf32, #tpu.memory_space<hbm>> -> memref<160x128xf32, #tpu.memory_space<hbm>>
      %dma_wait3A_36 = arith.constant 0 : i32
      %dma_wait3A_37 = arith.constant 0 : i32
      %dma_wait3A_38 = tpu.memref_slice %arg5[%dma_wait3A_36, %dma_wait3A_37] : memref<640x128xf32, #tpu.memory_space<hbm>> -> memref<160x128xf32, #tpu.memory_space<hbm>>
      tpu.wait_dma2 semaphore(%arg16 : memref<!tpu.dma_semaphore, #tpu.memory_space<semaphore_mem>>) src(%dma_wait3A_38 : memref<160x128xf32, #tpu.memory_space<hbm>>) dst(%arg9 : memref<160x128xf32, #tpu.memory_space<vmem>>)
    } else {
    }
    %barrier3A_8 = arith.constant 0 : index
    tpu.barrier barrier_id(%barrier3A_8)
    %eq3A_9 = arith.constant 0 : i32
    %eq3A_10 = arith.cmpi eq, %arg0, %eq3A_9 : i32
    %convert_element_type3A_11 = arith.extui %eq3A_10 : i1 to i32
    %cond3A_12 = arith.constant 0 : i32
    %cond3A_13 = arith.cmpi ne, %convert_element_type3A_11, %cond3A_12 : i32
    scf.if %cond3A_13 {
      "tpu.region"() ({
        %run_scoped3A = tpu.sem_alloc : memref<!tpu.dma_semaphore, #tpu.memory_space<semaphore_mem>>
        %dma_start3A = arith.constant 0 : i32
        %dma_start3A_19 = tpu.memref_slice %arg6[%multiple_of3A, %dma_start3A] : memref<10000x128xf32, #tpu.memory_space<hbm>> -> memref<640x128xf32, #tpu.memory_space<hbm>>
        %dma_start3A_20 = arith.constant 0 : i32
        %dma_start3A_21 = tpu.memref_slice %arg12[%multiple_of3A, %dma_start3A_20] : memref<10000x128xf32, #tpu.memory_space<vmem_shared>> -> memref<640x128xf32, #tpu.memory_space<vmem_shared>>
        tpu.enqueue_dma source(%dma_start3A_21 : memref<640x128xf32, #tpu.memory_space<vmem_shared>>) target(%dma_start3A_19 : memref<640x128xf32, #tpu.memory_space<hbm>>) target_semaphore(%run_scoped3A : memref<!tpu.dma_semaphore, #tpu.memory_space<semaphore_mem>>)
        %dma_wait3A = arith.constant 0 : i32
        %dma_wait3A_22 = tpu.memref_slice %arg6[%multiple_of3A, %dma_wait3A] : memref<10000x128xf32, #tpu.memory_space<hbm>> -> memref<640x128xf32, #tpu.memory_space<hbm>>
        %dma_wait3A_23 = arith.constant 0 : i32
        %dma_wait3A_24 = tpu.memref_slice %arg12[%multiple_of3A, %dma_wait3A_23] : memref<10000x128xf32, #tpu.memory_space<vmem_shared>> -> memref<640x128xf32, #tpu.memory_space<vmem_shared>>
        tpu.wait_dma2 semaphore(%run_scoped3A : memref<!tpu.dma_semaphore, #tpu.memory_space<semaphore_mem>>) src(%dma_wait3A_24 : memref<640x128xf32, #tpu.memory_space<vmem_shared>>) dst(%dma_wait3A_22 : memref<640x128xf32, #tpu.memory_space<hbm>>)
        tpu.yield
      }) : () -> ()
    } else {
    }
    %eq3A_14 = arith.constant 1 : i32
    %eq3A_15 = arith.cmpi eq, %arg0, %eq3A_14 : i32
    %convert_element_type3A_16 = arith.extui %eq3A_15 : i1 to i32
    %cond3A_17 = arith.constant 0 : i32
    %cond3A_18 = arith.cmpi ne, %convert_element_type3A_16, %cond3A_17 : i32
    scf.if %cond3A_18 {
      "tpu.region"() ({
        %run_scoped3A = tpu.sem_alloc : memref<!tpu.dma_semaphore, #tpu.memory_space<semaphore_mem>>
        %dma_start3A = arith.constant 0 : i32
        %dma_start3A_19 = tpu.memref_slice %arg7[%multiple_of3A, %dma_start3A] : memref<10000x128xf32, #tpu.memory_space<hbm>> -> memref<640x128xf32, #tpu.memory_space<hbm>>
        %dma_start3A_20 = arith.constant 0 : i32
        %dma_start3A_21 = tpu.memref_slice %arg12[%multiple_of3A, %dma_start3A_20] : memref<10000x128xf32, #tpu.memory_space<vmem_shared>> -> memref<640x128xf32, #tpu.memory_space<vmem_shared>>
        tpu.enqueue_dma source(%dma_start3A_21 : memref<640x128xf32, #tpu.memory_space<vmem_shared>>) target(%dma_start3A_19 : memref<640x128xf32, #tpu.memory_space<hbm>>) target_semaphore(%run_scoped3A : memref<!tpu.dma_semaphore, #tpu.memory_space<semaphore_mem>>)
        %dma_wait3A = arith.constant 0 : i32
        %dma_wait3A_22 = tpu.memref_slice %arg7[%multiple_of3A, %dma_wait3A] : memref<10000x128xf32, #tpu.memory_space<hbm>> -> memref<640x128xf32, #tpu.memory_space<hbm>>
        %dma_wait3A_23 = arith.constant 0 : i32
        %dma_wait3A_24 = tpu.memref_slice %arg12[%multiple_of3A, %dma_wait3A_23] : memref<10000x128xf32, #tpu.memory_space<vmem_shared>> -> memref<640x128xf32, #tpu.memory_space<vmem_shared>>
        tpu.wait_dma2 semaphore(%run_scoped3A : memref<!tpu.dma_semaphore, #tpu.memory_space<semaphore_mem>>) src(%dma_wait3A_24 : memref<640x128xf32, #tpu.memory_space<vmem_shared>>) dst(%dma_wait3A_22 : memref<640x128xf32, #tpu.memory_space<hbm>>)
        tpu.yield
      }) : () -> ()
    } else {
    }
    return
  }
}

module attributes {stable_mosaic.version = 14 : i64} {
  func.func @_fg_body(%arg0: i32, %arg1: memref<2000x128xf32, #tpu.memory_space<vmem>>, %arg2: memref<128x128xf32, #tpu.memory_space<vmem>>, %arg3: memref<1x128xf32, #tpu.memory_space<vmem>>, %arg4: memref<128x128xf32, #tpu.memory_space<vmem>>, %arg5: memref<1x128xf32, #tpu.memory_space<vmem>>, %arg6: memref<2000x128xf32, #tpu.memory_space<vmem>>, %arg7: memref<2000x128xf32, #tpu.memory_space<vmem>>) attributes {dimension_semantics = [#tpu.dimension_semantics<arbitrary>], iteration_bounds = array<i64: 80>, scalar_prefetch = 0 : i64, scratch_operands = 0 : i64, tpu.core_type = #tpu.core_type<tc>, window_params = [{transform_indices = @transform_0, window_bounds = array<i64: 2000, 128>}, {pipeline_mode = #tpu.pipeline_mode<synchronous>, transform_indices = @transform_1, window_bounds = array<i64: 128, 128>}, {pipeline_mode = #tpu.pipeline_mode<synchronous>, transform_indices = @transform_2, window_bounds = array<i64: 1, 128>}, {pipeline_mode = #tpu.pipeline_mode<synchronous>, transform_indices = @transform_3, window_bounds = array<i64: 128, 128>}, {pipeline_mode = #tpu.pipeline_mode<synchronous>, transform_indices = @transform_4, window_bounds = array<i64: 1, 128>}, {transform_indices = @transform_5, window_bounds = array<i64: 2000, 128>}, {transform_indices = @transform_6, window_bounds = array<i64: 2000, 128>}]} {
    %get3A = arith.constant 0 : index
    %get3A_0 = arith.constant 0 : index
    %get3A_1 = vector.load %arg1[%get3A, %get3A_0] : memref<2000x128xf32, #tpu.memory_space<vmem>>, vector<2000x128xf32>
    %get3A_2 = arith.constant 0 : index
    %get3A_3 = arith.constant 0 : index
    %get3A_4 = vector.load %arg2[%get3A_2, %get3A_3] : memref<128x128xf32, #tpu.memory_space<vmem>>, vector<128x128xf32>
    %dot_general3A = arith.constant dense<0.000000e+00> : vector<2000x128xf32>
    %dot_general3A_5 = tpu.matmul %get3A_1, %get3A_4, %dot_general3A {dimension_numbers = #tpu.dot_dimension_numbers<[1], [0], [0], [1], [0, 0, 1, 1], [], []>, transpose_lhs_hint = false} : vector<2000x128xf32>, vector<128x128xf32>, vector<2000x128xf32> -> vector<2000x128xf32>
    %get3A_6 = arith.constant 0 : index
    %get3A_7 = arith.constant 0 : index
    %get3A_8 = vector.load %arg3[%get3A_6, %get3A_7] : memref<1x128xf32, #tpu.memory_space<vmem>>, vector<1x128xf32>
    %add3A = vector.broadcast %get3A_8 : vector<1x128xf32> to vector<2000x128xf32>
    %add3A_9 = arith.addf %dot_general3A_5, %add3A : vector<2000x128xf32>
    %get3A_10 = arith.constant 0 : index
    %get3A_11 = arith.constant 0 : index
    %get3A_12 = vector.load %arg4[%get3A_10, %get3A_11] : memref<128x128xf32, #tpu.memory_space<vmem>>, vector<128x128xf32>
    %dot_general3A_13 = arith.constant dense<0.000000e+00> : vector<2000x128xf32>
    %dot_general3A_14 = tpu.matmul %get3A_1, %get3A_12, %dot_general3A_13 {dimension_numbers = #tpu.dot_dimension_numbers<[1], [0], [0], [1], [0, 0, 1, 1], [], []>, transpose_lhs_hint = false} : vector<2000x128xf32>, vector<128x128xf32>, vector<2000x128xf32> -> vector<2000x128xf32>
    %get3A_15 = arith.constant 0 : index
    %get3A_16 = arith.constant 0 : index
    %get3A_17 = vector.load %arg5[%get3A_15, %get3A_16] : memref<1x128xf32, #tpu.memory_space<vmem>>, vector<1x128xf32>
    %add3A_18 = vector.broadcast %get3A_17 : vector<1x128xf32> to vector<2000x128xf32>
    %add3A_19 = arith.addf %dot_general3A_14, %add3A_18 : vector<2000x128xf32>
    %exp3A = math.exp %add3A_19 : vector<2000x128xf32>
    %swap3A = arith.constant 0 : index
    %swap3A_20 = arith.constant 0 : index
    %swap3A_21 = vector.load %arg6[%swap3A, %swap3A_20] : memref<2000x128xf32, #tpu.memory_space<vmem>>, vector<2000x128xf32>
    tpu.vector_store %arg6[%swap3A, %swap3A_20], %exp3A {strides = array<i32>} : memref<2000x128xf32, #tpu.memory_space<vmem>>, vector<2000x128xf32>,
    %mul3A = arith.mulf %add3A_9, %exp3A : vector<2000x128xf32>
    %swap3A_22 = arith.constant 0 : index
    %swap3A_23 = arith.constant 0 : index
    %swap3A_24 = vector.load %arg7[%swap3A_22, %swap3A_23] : memref<2000x128xf32, #tpu.memory_space<vmem>>, vector<2000x128xf32>
    tpu.vector_store %arg7[%swap3A_22, %swap3A_23], %mul3A {strides = array<i32>} : memref<2000x128xf32, #tpu.memory_space<vmem>>, vector<2000x128xf32>,
    return
  }
  func.func @transform_0(%arg0: i32) -> (i32, i32) {
    %add3A = arith.constant 80 : i32
    %add3A_0 = arith.addi %add3A, %arg0 : i32
    %c0_i32 = arith.constant 0 : i32
    %c0_i32_1 = arith.constant 0 : i32
    return %add3A_0, %c0_i32 : i32, i32
  }
  func.func @transform_1(%arg0: i32) -> (i32, i32) {
    %c0_i32 = arith.constant 0 : i32
    %c0_i32_0 = arith.constant 0 : i32
    %c0_i32_1 = arith.constant 0 : i32
    return %c0_i32, %c0_i32_0 : i32, i32
  }
  func.func @transform_2(%arg0: i32) -> (i32, i32) {
    %c0_i32 = arith.constant 0 : i32
    %c0_i32_0 = arith.constant 0 : i32
    %c0_i32_1 = arith.constant 0 : i32
    return %c0_i32, %c0_i32_0 : i32, i32
  }
  func.func @transform_3(%arg0: i32) -> (i32, i32) {
    %c0_i32 = arith.constant 0 : i32
    %c0_i32_0 = arith.constant 0 : i32
    %c0_i32_1 = arith.constant 0 : i32
    return %c0_i32, %c0_i32_0 : i32, i32
  }
  func.func @transform_4(%arg0: i32) -> (i32, i32) {
    %c0_i32 = arith.constant 0 : i32
    %c0_i32_0 = arith.constant 0 : i32
    %c0_i32_1 = arith.constant 0 : i32
    return %c0_i32, %c0_i32_0 : i32, i32
  }
  func.func @transform_5(%arg0: i32) -> (i32, i32) {
    %c0_i32 = arith.constant 0 : i32
    %c0_i32_0 = arith.constant 0 : i32
    return %arg0, %c0_i32 : i32, i32
  }
  func.func @transform_6(%arg0: i32) -> (i32, i32) {
    %c0_i32 = arith.constant 0 : i32
    %c0_i32_0 = arith.constant 0 : i32
    return %arg0, %c0_i32 : i32, i32
  }
}

module attributes {stable_mosaic.version = 14 : i64} {
  func.func @_fg_body(%arg0: i32, %arg1: memref<2000x128xf32, #tpu.memory_space<vmem>>, %arg2: memref<128x128xf32, #tpu.memory_space<vmem>>, %arg3: memref<1x128xf32, #tpu.memory_space<vmem>>, %arg4: memref<128x128xf32, #tpu.memory_space<vmem>>, %arg5: memref<1x128xf32, #tpu.memory_space<vmem>>, %arg6: memref<2000x128xf32, #tpu.memory_space<vmem>>, %arg7: memref<2000x128xf32, #tpu.memory_space<vmem>>) attributes {dimension_semantics = [#tpu.dimension_semantics<arbitrary>], iteration_bounds = array<i64: 80>, scalar_prefetch = 0 : i64, scratch_operands = 0 : i64, tpu.core_type = #tpu.core_type<tc>, window_params = [{transform_indices = @transform_0, window_bounds = array<i64: 2000, 128>}, {pipeline_mode = #tpu.pipeline_mode<synchronous>, transform_indices = @transform_1, window_bounds = array<i64: 128, 128>}, {pipeline_mode = #tpu.pipeline_mode<synchronous>, transform_indices = @transform_2, window_bounds = array<i64: 1, 128>}, {pipeline_mode = #tpu.pipeline_mode<synchronous>, transform_indices = @transform_3, window_bounds = array<i64: 128, 128>}, {pipeline_mode = #tpu.pipeline_mode<synchronous>, transform_indices = @transform_4, window_bounds = array<i64: 1, 128>}, {transform_indices = @transform_5, window_bounds = array<i64: 2000, 128>}, {transform_indices = @transform_6, window_bounds = array<i64: 2000, 128>}]} {
    %get3A = arith.constant 0 : index
    %get3A_0 = arith.constant 0 : index
    %get3A_1 = vector.load %arg1[%get3A, %get3A_0] : memref<2000x128xf32, #tpu.memory_space<vmem>>, vector<2000x128xf32>
    %get3A_2 = arith.constant 0 : index
    %get3A_3 = arith.constant 0 : index
    %get3A_4 = vector.load %arg2[%get3A_2, %get3A_3] : memref<128x128xf32, #tpu.memory_space<vmem>>, vector<128x128xf32>
    %dot_general3A = arith.constant dense<0.000000e+00> : vector<2000x128xf32>
    %dot_general3A_5 = tpu.matmul %get3A_1, %get3A_4, %dot_general3A {dimension_numbers = #tpu.dot_dimension_numbers<[1], [0], [0], [1], [0, 0, 1, 1], [], []>, transpose_lhs_hint = false} : vector<2000x128xf32>, vector<128x128xf32>, vector<2000x128xf32> -> vector<2000x128xf32>
    %get3A_6 = arith.constant 0 : index
    %get3A_7 = arith.constant 0 : index
    %get3A_8 = vector.load %arg3[%get3A_6, %get3A_7] : memref<1x128xf32, #tpu.memory_space<vmem>>, vector<1x128xf32>
    %add3A = vector.broadcast %get3A_8 : vector<1x128xf32> to vector<2000x128xf32>
    %add3A_9 = arith.addf %dot_general3A_5, %add3A : vector<2000x128xf32>
    %get3A_10 = arith.constant 0 : index
    %get3A_11 = arith.constant 0 : index
    %get3A_12 = vector.load %arg4[%get3A_10, %get3A_11] : memref<128x128xf32, #tpu.memory_space<vmem>>, vector<128x128xf32>
    %dot_general3A_13 = arith.constant dense<0.000000e+00> : vector<2000x128xf32>
    %dot_general3A_14 = tpu.matmul %get3A_1, %get3A_12, %dot_general3A_13 {dimension_numbers = #tpu.dot_dimension_numbers<[1], [0], [0], [1], [0, 0, 1, 1], [], []>, transpose_lhs_hint = false} : vector<2000x128xf32>, vector<128x128xf32>, vector<2000x128xf32> -> vector<2000x128xf32>
    %get3A_15 = arith.constant 0 : index
    %get3A_16 = arith.constant 0 : index
    %get3A_17 = vector.load %arg5[%get3A_15, %get3A_16] : memref<1x128xf32, #tpu.memory_space<vmem>>, vector<1x128xf32>
    %add3A_18 = vector.broadcast %get3A_17 : vector<1x128xf32> to vector<2000x128xf32>
    %add3A_19 = arith.addf %dot_general3A_14, %add3A_18 : vector<2000x128xf32>
    %exp3A = math.exp %add3A_19 : vector<2000x128xf32>
    %swap3A = arith.constant 0 : index
    %swap3A_20 = arith.constant 0 : index
    %swap3A_21 = vector.load %arg6[%swap3A, %swap3A_20] : memref<2000x128xf32, #tpu.memory_space<vmem>>, vector<2000x128xf32>
    tpu.vector_store %arg6[%swap3A, %swap3A_20], %exp3A {strides = array<i32>} : memref<2000x128xf32, #tpu.memory_space<vmem>>, vector<2000x128xf32>,
    %mul3A = arith.mulf %add3A_9, %exp3A : vector<2000x128xf32>
    %swap3A_22 = arith.constant 0 : index
    %swap3A_23 = arith.constant 0 : index
    %swap3A_24 = vector.load %arg7[%swap3A_22, %swap3A_23] : memref<2000x128xf32, #tpu.memory_space<vmem>>, vector<2000x128xf32>
    tpu.vector_store %arg7[%swap3A_22, %swap3A_23], %mul3A {strides = array<i32>} : memref<2000x128xf32, #tpu.memory_space<vmem>>, vector<2000x128xf32>,
    return
  }
  func.func @transform_0(%arg0: i32) -> (i32, i32) {
    %add3A = arith.constant 0 : i32
    %add3A_0 = arith.addi %add3A, %arg0 : i32
    %c0_i32 = arith.constant 0 : i32
    %c0_i32_1 = arith.constant 0 : i32
    return %add3A_0, %c0_i32 : i32, i32
  }
  func.func @transform_1(%arg0: i32) -> (i32, i32) {
    %c0_i32 = arith.constant 0 : i32
    %c0_i32_0 = arith.constant 0 : i32
    %c0_i32_1 = arith.constant 0 : i32
    return %c0_i32, %c0_i32_0 : i32, i32
  }
  func.func @transform_2(%arg0: i32) -> (i32, i32) {
    %c0_i32 = arith.constant 0 : i32
    %c0_i32_0 = arith.constant 0 : i32
    %c0_i32_1 = arith.constant 0 : i32
    return %c0_i32, %c0_i32_0 : i32, i32
  }
  func.func @transform_3(%arg0: i32) -> (i32, i32) {
    %c0_i32 = arith.constant 0 : i32
    %c0_i32_0 = arith.constant 0 : i32
    %c0_i32_1 = arith.constant 0 : i32
    return %c0_i32, %c0_i32_0 : i32, i32
  }
  func.func @transform_4(%arg0: i32) -> (i32, i32) {
    %c0_i32 = arith.constant 0 : i32
    %c0_i32_0 = arith.constant 0 : i32
    %c0_i32_1 = arith.constant 0 : i32
    return %c0_i32, %c0_i32_0 : i32, i32
  }
  func.func @transform_5(%arg0: i32) -> (i32, i32) {
    %c0_i32 = arith.constant 0 : i32
    %c0_i32_0 = arith.constant 0 : i32
    return %arg0, %c0_i32 : i32, i32
  }
  func.func @transform_6(%arg0: i32) -> (i32, i32) {
    %c0_i32 = arith.constant 0 : i32
    %c0_i32_0 = arith.constant 0 : i32
    return %arg0, %c0_i32 : i32, i32
  }
}

module attributes {stable_mosaic.version = 14 : i64} {
  func.func @_h_body(%arg0: memref<10000x128xf32, #tpu.memory_space<vmem>>, %arg1: memref<10000x128xf32, #tpu.memory_space<vmem>>, %arg2: memref<10000x128xf32, #tpu.memory_space<vmem>>, %arg3: memref<10000x128xf32, #tpu.memory_space<vmem>>, %arg4: memref<128x128xf32, #tpu.memory_space<vmem>>, %arg5: memref<1x128xf32, #tpu.memory_space<vmem>>, %arg6: memref<10000x128xf32, #tpu.memory_space<vmem>>) attributes {dimension_semantics = [], scalar_prefetch = 0 : i64, scratch_operands = 0 : i64, tpu.core_type = #tpu.core_type<tc>} {
    %get3A = arith.constant 0 : index
    %get3A_0 = arith.constant 0 : index
    %get3A_1 = vector.load %arg0[%get3A, %get3A_0] : memref<10000x128xf32, #tpu.memory_space<vmem>>, vector<10000x128xf32>
    %get3A_2 = arith.constant 0 : index
    %get3A_3 = arith.constant 0 : index
    %get3A_4 = vector.load %arg1[%get3A_2, %get3A_3] : memref<10000x128xf32, #tpu.memory_space<vmem>>, vector<10000x128xf32>
    %add3A = arith.addf %get3A_1, %get3A_4 : vector<10000x128xf32>
    %get3A_5 = arith.constant 0 : index
    %get3A_6 = arith.constant 0 : index
    %get3A_7 = vector.load %arg2[%get3A_5, %get3A_6] : memref<10000x128xf32, #tpu.memory_space<vmem>>, vector<10000x128xf32>
    %get3A_8 = arith.constant 0 : index
    %get3A_9 = arith.constant 0 : index
    %get3A_10 = vector.load %arg3[%get3A_8, %get3A_9] : memref<10000x128xf32, #tpu.memory_space<vmem>>, vector<10000x128xf32>
    %add3A_11 = arith.addf %get3A_7, %get3A_10 : vector<10000x128xf32>
    %max3A = arith.constant 1.000000e-30 : f32
    %max3A_12 = vector.broadcast %max3A : f32 to vector<10000x128xf32>
    %max3A_13 = arith.maximumf %add3A_11, %max3A_12 : vector<10000x128xf32>
    %div3A = arith.divf %add3A, %max3A_13 : vector<10000x128xf32>
    %get3A_14 = arith.constant 0 : index
    %get3A_15 = arith.constant 0 : index
    %get3A_16 = vector.load %arg4[%get3A_14, %get3A_15] : memref<128x128xf32, #tpu.memory_space<vmem>>, vector<128x128xf32>
    %dot_general3A = arith.constant dense<0.000000e+00> : vector<10000x128xf32>
    %dot_general3A_17 = tpu.matmul %div3A, %get3A_16, %dot_general3A {dimension_numbers = #tpu.dot_dimension_numbers<[1], [0], [0], [1], [0, 0, 1, 1], [], []>, transpose_lhs_hint = false} : vector<10000x128xf32>, vector<128x128xf32>, vector<10000x128xf32> -> vector<10000x128xf32>
    %get3A_18 = arith.constant 0 : index
    %get3A_19 = arith.constant 0 : index
    %get3A_20 = vector.load %arg5[%get3A_18, %get3A_19] : memref<1x128xf32, #tpu.memory_space<vmem>>, vector<1x128xf32>
    %add3A_21 = vector.broadcast %get3A_20 : vector<1x128xf32> to vector<10000x128xf32>
    %add3A_22 = arith.addf %dot_general3A_17, %add3A_21 : vector<10000x128xf32>
    %swap3A = arith.constant 0 : index
    %swap3A_23 = arith.constant 0 : index
    %swap3A_24 = vector.load %arg6[%swap3A, %swap3A_23] : memref<10000x128xf32, #tpu.memory_space<vmem>>, vector<10000x128xf32>
    tpu.vector_store %arg6[%swap3A, %swap3A_23], %add3A_22 {strides = array<i32>} : memref<10000x128xf32, #tpu.memory_space<vmem>>, vector<10000x128xf32>,
    return
  }
}

</mosaic_0001>

<sc_bundles>
// kernel: kernel.11.cloned.1.call-start
scs
__scs_entry_jumppad:
0x0: {  	(pc) =	sbr.rel $0x88, $3  }
0x1: {  	(tag) =	ssettag $0x0;
	lr =	simm.s32 $0x1  }
0x2: {  	[smem:$0x3F99] =	sst lr;
	_ =	strace $0xD0000000  }
0x3: {  	_ = 	snop  }
0x4: {  	_ = 	snop  }
0x5: {  	_ = 	snop  }
0x6: {  	_ = 	snop  }
0x7: {  	_ = 	snop  }
__scs_overlays_trampoline_lowered:
0x8: {  	[smem:$0x3FA8] =	sst s0  }
0x9: {  	[smem:$0x3FA9] =	sst s1  }
0xa: {  	[smem:$0x3FAA] =	sst s2  }
0xb: {  	[smem:$0x3FAB] =	sst s3  }
0xc: {  	[smem:$0x3FAC] =	sst s4  }
0xd: {  	[smem:$0x3FAD] =	sst s5  }
0xe: {  	[smem:$0x3FAE] =	sst s6  }
0xf: {  	[smem:$0x3FAF] =	sst s7  }
0x10: {  	[smem:$0x3FB0] =	sst s8  }
0x11: {  	[smem:$0x3FB1] =	sst s9;
	s0 =	simm.s32 @!p0 $0x0  }
0x12: {  	s1 =	sld [smem:$0x3F97];
	s0 =	simm.s32 @p0 $0x1  }
0x13: {  	[smem:$0x3FB2] =	sst s0;
	s0 =	simm.s32 @!p1 $0x0  }
0x14: {  	s2 =	sld [smem:$0x3F96];
	s0 =	simm.s32 @p1 $0x1  }
0x15: {  	[smem:$0x3FB3] =	sst s0;
	s0 =	simm.s32 @!p2 $0x0  }
0x16: {  	s3 =	sld [smem:$0x3FDB];
	s0 =	simm.s32 @p2 $0x1  }
0x17: {  	s4 =	simm.s32 $0x1BF5;
	[smem:$0x3FB5] =	sst s0  }
0x18: {  	s0 =	sld [smem:$0x3F98];
	_ =	swait.ge [sflag:s4], $0x0  }
0x19: {  	s7 =	sld [smem:$0x3F99]  }
0x1a: {  	s8 =	sadd.s32 $0xFFFFE003, lr  }
0x1b: {  	s9 =	sadd.s32 $0xFFFFFEF7, lr;
	s5 =	simm.s32 $0xFFFFFFFF;
	p2 =	slt.u32 s8, $0xFFFFF086  }
0x1c: {  	p1 =	slt.u32 s9, $0xF7A;
	s5 =	simm.s32 @!p2 $0x0  }
0x1d: {  	s5 =	simm.s32 @p1 $0x1;
	p0 =	seq.s32 s7, s2  }
0x1e: {  	s7 =	smul.u32 @!p0 $0xF7A, s2;
	p2 =	seq.s32 @!p0 s5, $0x0  }
0x1f: {  	s9 =	smul.u32 $0xF7A, s1;
	s8 =	simm.s32 @!p0 $0x1BF5;
	p2 =	por !p2, p0  }
0x20: {  	[sflag:s8] =	ssyncset.s32 @!p0 $0xFFFFF086;
	s6 =	sadd.s32 @!p0 s3, s7;
	s7 =	simm.s32 @!p0 $0x108  }
0x21: {  	s3 =	sadd.s32 s3, s9;
	s6 =	sadd.s32 @!p0 $0x88, s6;
	s7 =	simm.s32 @p2 $0x1082  }
0x22: {  	[simem:s7], [sflag:s8] =	dma.local @!p0 [hbm:s6], $0xF7A  }
0x23: {  	s9 =	sor.u32 $0xD0000000, s2;
	s6 =	simm.s32 $0x108;
	_ =	swait.ge @!p0 [sflag:s8], $0x0  }
0x24: {  	s3 =	sadd.s32 $0x88, s3;
	s6 =	simm.s32 @!p1 $0x1082;
	[sflag:s4] =	ssyncset.s32 $0xFFFFF086  }
0x25: {  	[simem:s6], [sflag:s4] =	dma.local [hbm:s3], $0xF7A  }
0x26: {  	[smem:$0x3F99] =	sst s1;
	(tag) =	ssettag s2;
	_ =	strace s9  }
0x27: {  	s1 =	sld [smem:$0x3FA9]  }
0x28: {  	s2 =	sld [smem:$0x3FAA]  }
0x29: {  	s4 =	sld [smem:$0x3FAC]  }
0x2a: {  	p0 =	seq.s32 s5, $0x0;
	s5 =	sld [smem:$0x3FAD]  }
0x2b: {  	s6 =	sld [smem:$0x3FAE]  }
0x2c: {  	s7 =	sld [smem:$0x3FAF]  }
0x2d: {  	s3 =	simm.s32 $0x108;
	s8 =	sld [smem:$0x3FB0]  }
0x2e: {  	s3 =	simm.s32 @!p0 $0x1082;
	s9 =	sld [smem:$0x3FB1]  }
0x2f: {  	lr =	sadd.s32 s0, s3;
	s0 =	sld [smem:$0x3FA8]  }
0x30: {  	s3 =	sld [smem:$0x3FAB]  }
0x31: {  	[smem:$0x3FB4] =	sst s10  }
0x32: {  	s10 =	sld [smem:$0x3FB2];
	_ =	sdelay $0x3  }
0x33: {  	p0 =	seq.s32 s10, $0x1;
	s10 =	sld [smem:$0x3FB4];
	_ =	sdelay $0x3  }
0x34: {  	[smem:$0x3FB4] =	sst s10  }
0x35: {  	s10 =	sld [smem:$0x3FB3];
	_ =	sdelay $0x3  }
0x36: {  	p1 =	seq.s32 s10, $0x1;
	s10 =	sld [smem:$0x3FB4];
	_ =	sdelay $0x3  }
0x37: {  	[smem:$0x3FB4] =	sst s10  }
0x38: {  	s10 =	sld [smem:$0x3FB5]  }
0x39: {  	_ = 	snop;
	(pc) =	sbr.ind lr, $3  }
0x3a: {  	_ = 	snop  }
0x3b: {  	_ = 	snop  }
0x3c: {  	p2 =	seq.s32 s10, $0x1;
	s10 =	sld [smem:$0x3FB4]  }
0x3d: {  	_ =	shalt  }
0x3e: {  	_ =	shalt  }
0x3f: {  	_ =	shalt  }
0x40: {  	_ =	shalt  }
0x41: {  	_ =	shalt  }
0x42: {  	_ =	shalt  }
0x43: {  	_ =	shalt  }
0x44: {  	_ =	shalt  }
0x45: {  	_ =	shalt  }
0x46: {  	_ =	shalt  }
0x47: {  	_ =	shalt  }
0x48: {  	_ =	shalt  }
0x49: {  	_ =	shalt  }
0x4a: {  	_ =	shalt  }
0x4b: {  	_ =	shalt  }
0x4c: {  	_ =	shalt  }
0x4d: {  	_ =	shalt  }
0x4e: {  	_ =	shalt  }
0x4f: {  	_ =	shalt  }
0x50: {  	_ =	shalt  }
0x51: {  	_ =	shalt  }
0x52: {  	_ =	shalt  }
0x53: {  	_ =	shalt  }
0x54: {  	_ =	shalt  }
0x55: {  	_ =	shalt  }
0x56: {  	_ =	shalt  }
0x57: {  	_ =	shalt  }
0x58: {  	_ =	shalt  }
0x59: {  	_ =	shalt  }
0x5a: {  	_ =	shalt  }
0x5b: {  	_ =	shalt  }
0x5c: {  	_ =	shalt  }
0x5d: {  	_ =	shalt  }
0x5e: {  	_ =	shalt  }
0x5f: {  	_ =	shalt  }
0x60: {  	_ =	shalt  }
0x61: {  	_ =	shalt  }
0x62: {  	_ =	shalt  }
0x63: {  	_ =	shalt  }
0x64: {  	_ =	shalt  }
0x65: {  	_ =	shalt  }
0x66: {  	_ =	shalt  }
0x67: {  	_ =	shalt  }
0x68: {  	_ =	shalt  }
0x69: {  	_ =	shalt  }
0x6a: {  	_ =	shalt  }
0x6b: {  	_ =	shalt  }
0x6c: {  	_ =	shalt  }
0x6d: {  	_ =	shalt  }
0x6e: {  	_ =	shalt  }
0x6f: {  	_ =	shalt  }
0x70: {  	_ =	shalt  }
0x71: {  	_ =	shalt  }
0x72: {  	_ =	shalt  }
0x73: {  	_ =	shalt  }
0x74: {  	_ =	shalt  }
0x75: {  	_ =	shalt  }
0x76: {  	_ =	shalt  }
0x77: {  	_ =	shalt  }
0x78: {  	_ =	shalt  }
0x79: {  	_ =	shalt  }
0x7a: {  	_ =	shalt  }
0x7b: {  	_ =	shalt  }
0x7c: {  	_ =	shalt  }
0x7d: {  	_ =	shalt  }
0x7e: {  	_ =	shalt  }
0x7f: {  	_ =	shalt  }
0x80: {  	_ =	shalt  }
0x81: {  	_ =	shalt  }
0x82: {  	_ =	shalt  }
0x83: {  	_ =	shalt  }
0x84: {  	_ =	shalt  }
0x85: {  	_ =	shalt  }
0x86: {  	_ =	shalt  }
0x87: {  	_ =	shalt  }
.Lfunc_end0:
.L_simem_size_0:
called_computation.1_lowered:
.L_overlay_start_0:
0x88: {  	s2 =	sld [smem:$0x3FD9]  }
0x89: {  	s3 =	sld [smem:$0x3FFE];
	_ =	sdelay $0x1  }
0x8a: {  	s1 =	srdreg.scid  }
0x8b: {  	s0 =	sand.u32 $0x1, s1  }
0x8c: {  	s16 =	sshll.u32 s0, $0xA;
	s2 =	sadd.s32 s3, s2  }
0x8d: {  	s2 =	sadd.s32 s2, s16  }
0x8e: {  	[smem:$0x3FC0] =	sst s2  }
0x8f: {  	_ = 	snop  }
0x90: {  	(tm) =	ssettm $0x1  }
0x91: {  	s17 =	sld [smem:$0x3FFB];
	_ =	sdelay $0x3  }
0x92: {  	_ =	strace s17  }
0x93: {  	s2 =	sld [smem:$0x3FFC];
	_ =	sdelay $0x3  }
0x94: {  	_ =	strace s2  }
0x95: {  	s2 =	sld [smem:$0x3FFD];
	_ =	sdelay $0x3  }
0x96: {  	_ =	strace s2  }
0x97: {  	_ =	strace $0x8FFFFFFF  }
0x98: {  	s18 =	sld [smem:$0x3FDB];
	_ =	sdelay $0x1  }
0x99: {  	s19 =	simm.s32 $_scs_section_size  }
0x9a: {  	s4 =	simm.s32 $_size__tile_overlayer_lowered;
	s5 =	simm.s32 $_tile_overlayer_lowered  }
0x9b: {  	s22 =	simm.s32 $0x1BFF;
	s21 =	sshll.u32 s5, $0x1;
	s2 =	sadd.s32 s19, s18  }
0x9c: {  	s6 =	simm.s32 $0x0;
	s20 =	sshll.u32 s4, $0x1;
	s4 =	sadd.s32 s21, s2  }
0x9d: {  	[timem:s6], [sflag:s22] =	dma.local [hbm:s4], s20  }
0x9e: {  	_ =	swait.ge [sflag:s22], s20  }
0x9f: {  	s3 =	ssub.s32 $0x0, s20;
	[sflag:s22] =	ssyncset.done $0x0  }
0xa0: {  	[sflag:s22] =	ssyncadd.s32 s3;
	_ =	sdelay $0x1  }
0xa1: {  	s23 =	simm.s32 $0x1B8B  }
0xa2: {  	_ =	swait.ge [sflag:s23], $0x1  }
0xa3: {  	[sflag:s23] =	ssyncset.done $0x0  }
0xa4: {  	s25 =	simm.s32 $0x1B8E;
	s24 =	sld [smem:$0x3FFE];
	[sflag:s23] =	ssyncadd.s32 $0xFFFFFFFF  }
0xa5: {  	s26 =	simm.s32 $execute0_lowered;
	[smem:$0x3FD2] =	sst s25  }
0xa6: {  	s4 =	sshll.u32 s26, $0x1;
	_ =	strace $0x80000046;
	[dreg:$0x1] =	wrdreg $0xFFFFFFFF  }
0xa7: {  	s28 =	simm.s32 $_size_execute0_lowered;
	s2 =	sadd.s32 s2, s4;
	[dreg:$0x0] =	wrdreg $0x0  }
0xa8: {  	s4 =	sshll.u32 s28, $0x1;
	[dreg:$0x2] =	wrdreg s2  }
0xa9: {  	[dreg:$0x3] =	wrdreg s4  }
0xaa: {  	[dreg:$0x4] =	wrdreg $0xC0  }
0xab: {  	_ =	task [dreg:s6], $0x5FFFF  }
0xac: {  	[dreg:$0x1] =	wrdreg $0xFFFFFFFF  }
0xad: {  	[dreg:$0x0] =	wrdreg $0x60  }
0xae: {  	[dreg:$0x2] =	wrdreg s24  }
0xaf: {  	[dreg:$0x3] =	wrdreg $0xA8000  }
0xb0: {  	[dreg:$0x4] =	wrdreg $0xA  }
0xb1: {  	_ =	task.clear_ibuf [dreg:s6], $0x5FFFF;
	_ =	strace $0x90000046  }
0xb2: {  	s29 =	simm.s32 $0xA;
	_ =	strace $0x80000048  }
0xb3: {  	_ =	swait.ge [sflag:s29], $0x1  }
0xb4: {  	[sflag:s29] =	ssyncadd.s32 $0xFFFFFFFF  }
0xb5: {  	_ =	strace $0x90000048  }
0xb6: {  	_ =	sfence  }
0xb7: {  	s30 =	sld [smem:$0x0];
	_ =	sdelay $0x2  }
0xb8: {  	s31 =	sshll.u32 s1, $0xD;
	s1 =	sshrl.u32 s1, $0x2  }
0xb9: {  	s3 =	sand.u32 $0x4000, s31;
	s1 =	sadd.s32 s1, s30  }
0xba: {  	s0 =	sor.u32 s3, s0;
	s1 =	sshll.u32 s1, $0x11  }
0xbb: {  	s0 =	sor.u32 s1, s0  }
0xbc: {  	s0 =	sadd.s32 $0x8F2B, s0  }
0xbd: {  	[sflag:s0] =	ssyncadd.remote.s32 $0x1  }
0xbe: {  	_ =	sfence.sel $0xFFFF  }
0xbf: {  	[dreg:$0x0] =	wrdreg $0xFFFFFFFF;
	(pc) =	sbr.abs _section_cstart, $3  }
0xc0: {  	[dreg:$0x1] =	wrdreg $0xFFFFFFFF  }
0xc1: {  	_ =	task.clear_ibuf [dreg:s6], $0x2FFFF;
	_ =	strace $0x9FFFFFFF  }
0xc2: {  	(tm) =	ssettm $0x7FFFFFFF  }
0xc3: {  	_ =	shalt  }
tec
execute0_lowered:
.L_overlay_start_1:
0x0: {  	(tag) =	ssettag $0x1  }
0x1: {  	s0 =	rddreg [dreg:$0x0]  }
0x2: {  	s1 =	rddreg [dreg:$0x1]  }
0x3: {  	s3 =	simm.s32 $0x0;
	s11 =	stileid.u32;
	s4 =	srdreg.scid  }
0x4: {  	s28 =	simm.s32 $0x1;
	s29 =	simm.s32 $0x14;
	s30 =	simm.s32 $0xA380  }
0x5: {  	s31 =	simm.s32 $0x6400;
	[smem:$0x7FF] =	sst s3;
	s6 =	smul.u32 $0x2700, s11  }
0x6: {  	s12 =	sadd.s32 $0x41000, s0;
	s13 =	sadd.s32 $0x2B2000, s0;
	s8 =	smul.u32 $0x4E000, s11  }
0x7: {  	s2 =	sshll.u32 s11, $0x7;
	s4 =	sand.u32 $0x1, s4;
	s10 =	smul.u32 $0x5000, s11  }
0x8: {  	s7 =	sadd.s32 $0x523000, s0;
	s26 =	sshll.u32 s11, $0x6;
	s17 =	smul.u32 $0xA00, s11  }
0x9: {  	s18 =	sor.u32 $0x10, s11;
	p1 =	slt.u32 s11, $0x8;
	p2 =	sgt.u32 s11, $0x7  }
0xa: {  	s11 =	simm.s32 $0x3;
	_ =	strace $0x80000047;
	s5 =	sadd.s32 s2, s0  }
0xb: {  	[dreg:$0x5] =	wrdreg s7;
	s25 =	ssub.s32 $0x2, s4;
	s14 =	sor.u32 $0x1C05, s26  }
0xc: {  	s20 =	smul.u32 $0xA00, s18;
	s22 =	sshll.u32 s18, $0x7;
	[dreg:$0x4] =	wrdreg s13  }
0xd: {  	[dreg:$0x3] =	wrdreg s12;
	p0 =	seq.s32 s4, $0x0;
	s18 =	simm.s32 $0xA00  }
0xe: {  	s6 =	sadd.s32 s6, s0;
	s9 =	sshrl.u32 s25, $0x1;
	s8 =	sshrl.u32 s8, $0x2  }
0xf: {  	s10 =	sshrl.u32 s10, $0x3;
	s0 =	sadd.s32 $0x21C00, s0;
	s15 =	sadd.s32 $0x40C00, s5  }
0x10: {  	s21 =	sadd.s32 s13, s17;
	s24 =	sadd.s32 s12, s17;
	[dreg:$0x7] =	wrdreg s14  }
0x11: {  	s17 =	simm.s32 $0xA200;
	s7 =	ssub.s32 s25, s9;
	[dreg:$0x9] =	wrdreg s15  }
0x12: {  	s8 =	sadd.s32 s8, s1;
	s16 =	sadd.s32 $0x525800, s6;
	[dreg:$0xd] =	wrdreg s21  }
0x13: {  	s6 =	sadd.s32 $0x54CA00, s6;
	s2 =	sadd.s32 s2, s0;
	[dreg:$0x11] =	wrdreg s24  }
0x14: {  	s23 =	sadd.s32 s13, s20;
	s0 =	sadd.s32 s22, s0;
	[dreg:$0x6] =	wrdreg s8  }
0x15: {  	s25 =	sadd.s32 s12, s20;
	s20 =	sadd.s32 $0x2800, s5;
	[dreg:$0xa] =	wrdreg s16  }
0x16: {  	s26 =	sadd.s32 $0x1E000, s21;
	s5 =	simm.s32 $0xA100;
	[dreg:$0xb] =	wrdreg s6  }
0x17: {  	s13 =	simm.s32 $0xA180;
	s15 =	simm.s32 $0x1E00;
	[dreg:$0xe] =	wrdreg s2  }
0x18: {  	s21 =	simm.s32 $0xA280;
	s22 =	simm.s32 $0xA300;
	[dreg:$0xf] =	wrdreg s23  }
0x19: {  	s9 =	simm.s32 $0x5A00;
	s12 =	simm.s32 $0x4;
	[dreg:$0x10] =	wrdreg s0  }
0x1a: {  	s8 =	sadd.s32 $0x26C000, s10;
	s19 =	smax.u32 s7, $0x1;
	[dreg:$0x12] =	wrdreg s25  }
0x1b: {  	[dreg:$0x13] =	wrdreg s26;
	s0 =	sadd.s32 $0x1E000, s24;
	s16 =	simm.s32 $0x5  }
.Ltmp0:
0x1c: {  	s24 =	simm.s32 $0xA000;
	s25 =	simm.s32 $0x5000;
	(pc) =	sbr.rel .LBB2_1-.Ltmp0, $4  }
0x1d: {  	s26 =	simm.s32 $0xA400;
	s7 =	simm.s32 $0x1400;
	[dreg:$0x8] =	wrdreg s8  }
0x1e: {  	s23 =	simm.s32 $0x3C00;
	s6 =	simm.s32 $0x2;
	[dreg:$0xc] =	wrdreg s19  }
0x1f: {  	s10 =	simm.s32 $0xA500;
	s2 =	simm.s32 $0x0;
	[dreg:$0x14] =	wrdreg s0  }
0x20: {  	s19 =	simm.s32 $0x2800;
	s8 =	simm.s32 $0x3200;
	s0 =	simm.s32 $0x4600  }
.LBB2_8:
0x21: {  	_ =	swait.ge [sflag:s11], $0x5000  }
0x22: {  	[sflag:s11] =	ssyncset.done $0x0;
	s4 =	rddreg [dreg:$0x8]  }
0x23: {  	s4 =	sadd.s32 s19, s4;
	[sflag:s11] =	ssyncadd.s32 $0xFFFFB000  }
0x24: {  	[tilespmem:s3], [sflag:$0x1] =	stream.linear.gather [hbm4b:s4+s3], $0x5000, $0x38;
	[tilespmem:$0x1E080] =	vst v63  }
0x25: {  	s19 =	rddreg [dreg:$0x9]  }
0x26: {  	[tilespmem:s24], [sflag:$0x1] =	stream.linear.gather [hbm4b:s19+s3], $0x400, $0x38;
	[tilespmem:$0x1E080] =	vst v63  }
0x27: {  	_ =	swait.ge [sflag:s28], $0x5000  }
0x28: {  	[sflag:s28] =	ssyncset.done $0x0  }
0x29: {  	[sflag:s28] =	ssyncadd.s32 $0xFFFFB000  }
0x2a: {  	_ =	swait.ge [sflag:s28], $0x400  }
0x2b: {  	[sflag:s28] =	ssyncset.done $0x0  }
0x2c: {  	[sflag:s28] =	ssyncadd.s32 $0xFFFFFC00  }
0x2d: {  	[spmem:s1] =	stream.indirect.scatter.add.f32 [tilespmem:s3], [sflag:$0x3], $0x80, s24, s29, $0xb8;
	[tilespmem:$0x1E080] =	vst v63  }
0x2e: {  	_ = 	snop  }
0x2f: {  	[spmem:s1] =	stream.indirect.scatter.add.f32 [tilespmem:s18], [sflag:$0x3], $0x80, s14, s29, $0xb8;
	[tilespmem:$0x1E080] =	vst v63  }
0x30: {  	_ = 	snop  }
0x31: {  	[spmem:s1] =	stream.indirect.scatter.add.f32 [tilespmem:s9], [sflag:$0x3], $0x80, s5, s29, $0xb8;
	[tilespmem:$0x1E080] =	vst v63  }
0x32: {  	_ = 	snop  }
0x33: {  	[spmem:s1] =	stream.indirect.scatter.add.f32 [tilespmem:s10], [sflag:$0x3], $0x80, s13, s29, $0xb8;
	[tilespmem:$0x1E080] =	vst v63  }
0x34: {  	_ = 	snop  }
0x35: {  	[spmem:s1] =	stream.indirect.scatter.add.f32 [tilespmem:s21], [sflag:$0x3], $0x80, s17, s29, $0xb8;
	[tilespmem:$0x1E080] =	vst v63  }
0x36: {  	_ = 	snop  }
0x37: {  	[spmem:s1] =	stream.indirect.scatter.add.f32 [tilespmem:s8], [sflag:$0x3], $0x80, s22, s29, $0xb8;
	[tilespmem:$0x1E080] =	vst v63  }
0x38: {  	_ = 	snop  }
0x39: {  	[spmem:s1] =	stream.indirect.scatter.add.f32 [tilespmem:s30], [sflag:$0x3], $0x80, s23, s29, $0xb8;
	[tilespmem:$0x1E080] =	vst v63  }
0x3a: {  	_ = 	snop  }
0x3b: {  	[spmem:s1] =	stream.indirect.scatter.add.f32 [tilespmem:s0], [sflag:$0x3], $0x80, s31, s29, $0xb8;
	[tilespmem:$0x1E080] =	vst v63  }
.LBB2_9:
0x3c: {  	_ =	swait.ge [sflag:s11], $0x5000  }
0x3d: {  	[sflag:s11] =	ssyncset.done $0x0  }
0x3e: {  	[sflag:s11] =	ssyncadd.s32 $0xFFFFB000  }
0x3f: {  	_ =	swait.ge [sflag:s12], $0x5000  }
0x40: {  	[sflag:s12] =	ssyncset.done $0x0  }
0x41: {  	[sflag:s12] =	ssyncadd.s32 $0xFFFFB000  }
0x42: {  	[bflag:$0x0] =	sbarrier.arrive $0xFFFF  }
0x43: {  	s14 =	rddreg [dreg:$0x7]  }
0x44: {  	s0 =	rddreg [dreg:$0x16]  }
0x45: {  	[hbm:s16], [sflag:s14] =	dma.local [spmem:s0], $0x2800  }
0x46: {  	s16 =	simm.s32 $0x5  }
0x47: {  	s2 =	sadd.s32 $0x1, s2;
	_ =	swait.ge [sflag:s16], $0x2800  }
0x48: {  	s18 =	simm.s32 $0xA00;
	s5 =	simm.s32 $0xA100;
	s4 =	rddreg [dreg:$0xc]  }
0x49: {  	s7 =	simm.s32 $0x1400;
	s13 =	simm.s32 $0xA180;
	p3 =	sne.s32 s2, s4  }
.Ltmp1:
0x4a: {  	s15 =	simm.s32 $0x1E00;
	s17 =	simm.s32 $0xA200;
	(pc) =	sbr.rel @!p3 .LBB2_10-.Ltmp1, $4  }
0x4b: {  	s19 =	simm.s32 $0x2800;
	s21 =	simm.s32 $0xA280;
	s8 =	simm.s32 $0x3200  }
0x4c: {  	s22 =	simm.s32 $0xA300;
	s23 =	simm.s32 $0x3C00;
	s30 =	simm.s32 $0xA380  }
0x4d: {  	s9 =	simm.s32 $0x5A00;
	s10 =	simm.s32 $0xA500;
	[sflag:s16] =	ssyncset.done $0x0  }
0x4e: {  	s31 =	simm.s32 $0x6400;
	s0 =	simm.s32 $0x4600;
	[sflag:s16] =	ssyncadd.s32 $0xFFFFD800  }
.LBB2_1:
0x4f: {  	[dreg:$0x15] =	wrdreg s2  }
0x50: {  	s4 =	rddreg [dreg:$0x6]  }
0x51: {  	s2 =	sshrl.u32 s4, $0x3;
	s4 =	rddreg [dreg:$0x5]  }
0x52: {  	[dreg:$0x16] =	wrdreg s2  }
0x53: {  	[spmem:s2], [sflag:s14] =	dma.local [hbm:s4], $0x2800  }
.Ltmp2:
0x54: {  	_ =	swait.ge [sflag:s16], $0x2800;
	(pc) =	sbr.rel @!p0 .LBB2_2-.Ltmp2, $4  }
0x55: {  	[sflag:s16] =	ssyncset.done $0x0  }
0x56: {  	[sflag:s16] =	ssyncadd.s32 $0xFFFFD800  }
0x57: {  	[bflag:$0x0] =	sbarrier.arrive $0xFFFF  }
0x58: {  	s16 =	simm.s32 $0x0  }
0x59: {  	s4 =	rddreg [dreg:$0x11]  }
0x5a: {  	[tilespmem:s16], [sflag:$0x1] =	stream.linear.gather [hbm4b:s4+s16], $0x5000, $0x38;
	[tilespmem:$0x1E080] =	vst v63  }
0x5b: {  	s2 =	rddreg [dreg:$0xe]  }
0x5c: {  	[tilespmem:s24], [sflag:$0x1] =	stream.linear.gather [hbm4b:s2+s16], $0x400, $0x38;
	[tilespmem:$0x1E080] =	vst v63  }
0x5d: {  	s14 =	rddreg [dreg:$0x12]  }
0x5e: {  	[tilespmem:s25], [sflag:$0x2] =	stream.linear.gather [hbm4b:s14+s16], $0x5000, $0x38;
	[tilespmem:$0x1E080] =	vst v63  }
0x5f: {  	s2 =	rddreg [dreg:$0x10]  }
0x60: {  	[tilespmem:s26], [sflag:$0x2] =	stream.linear.gather [hbm4b:s2+s16], $0x400, $0x38;
	[tilespmem:$0x1E080] =	vst v63  }
0x61: {  	_ =	swait.ge [sflag:s28], $0x5000  }
0x62: {  	[sflag:s28] =	ssyncset.done $0x0  }
0x63: {  	[sflag:s28] =	ssyncadd.s32 $0xFFFFB000  }
0x64: {  	_ =	swait.ge [sflag:s28], $0x400  }
0x65: {  	[sflag:s28] =	ssyncset.done $0x0  }
0x66: {  	[sflag:s28] =	ssyncadd.s32 $0xFFFFFC00  }
0x67: {  	[spmem:s1] =	stream.indirect.scatter.add.f32 [tilespmem:s16], [sflag:$0x3], $0x80, s24, s29, $0xb8;
	[tilespmem:$0x1E080] =	vst v63  }
0x68: {  	s2 =	simm.s32 $0xA080  }
0x69: {  	[spmem:s1] =	stream.indirect.scatter.add.f32 [tilespmem:s18], [sflag:$0x3], $0x80, s2, s29, $0xb8;
	[tilespmem:$0x1E080] =	vst v63  }
0x6a: {  	_ = 	snop  }
0x6b: {  	[spmem:s1] =	stream.indirect.scatter.add.f32 [tilespmem:s7], [sflag:$0x3], $0x80, s5, s29, $0xb8;
	[tilespmem:$0x1E080] =	vst v63  }
0x6c: {  	_ = 	snop  }
0x6d: {  	[spmem:s1] =	stream.indirect.scatter.add.f32 [tilespmem:s15], [sflag:$0x3], $0x80, s13, s29, $0xb8;
	[tilespmem:$0x1E080] =	vst v63  }
0x6e: {  	_ = 	snop  }
0x6f: {  	[spmem:s1] =	stream.indirect.scatter.add.f32 [tilespmem:s19], [sflag:$0x3], $0x80, s17, s29, $0xb8;
	[tilespmem:$0x1E080] =	vst v63  }
0x70: {  	_ = 	snop  }
0x71: {  	[spmem:s1] =	stream.indirect.scatter.add.f32 [tilespmem:s8], [sflag:$0x3], $0x80, s21, s29, $0xb8;
	[tilespmem:$0x1E080] =	vst v63  }
0x72: {  	_ = 	snop  }
0x73: {  	[spmem:s1] =	stream.indirect.scatter.add.f32 [tilespmem:s23], [sflag:$0x3], $0x80, s22, s29, $0xb8;
	[tilespmem:$0x1E080] =	vst v63  }
0x74: {  	_ = 	snop  }
0x75: {  	[spmem:s1] =	stream.indirect.scatter.add.f32 [tilespmem:s0], [sflag:$0x3], $0x80, s30, s29, $0xb8;
	[tilespmem:$0x1E080] =	vst v63  }
0x76: {  	_ =	swait.ge [sflag:s6], $0x5000  }
0x77: {  	[sflag:s6] =	ssyncset.done $0x0  }
0x78: {  	[sflag:s6] =	ssyncadd.s32 $0xFFFFB000  }
0x79: {  	_ =	swait.ge [sflag:s6], $0x400  }
0x7a: {  	[sflag:s6] =	ssyncset.done $0x0  }
0x7b: {  	[sflag:s6] =	ssyncadd.s32 $0xFFFFFC00  }
0x7c: {  	[spmem:s1] =	stream.indirect.scatter.add.f32 [tilespmem:s25], [sflag:$0x4], $0x80, s26, s29, $0xb8;
	[tilespmem:$0x1E080] =	vst v63  }
0x7d: {  	s8 =	simm.s32 $0xA480  }
0x7e: {  	[spmem:s1] =	stream.indirect.scatter.add.f32 [tilespmem:s9], [sflag:$0x4], $0x80, s8, s29, $0xb8;
	[tilespmem:$0x1E080] =	vst v63  }
0x7f: {  	_ = 	snop  }
0x80: {  	[spmem:s1] =	stream.indirect.scatter.add.f32 [tilespmem:s31], [sflag:$0x4], $0x80, s10, s29, $0xb8;
	[tilespmem:$0x1E080] =	vst v63  }
0x81: {  	s13 =	simm.s32 $0x6E00;
	s10 =	simm.s32 $0xA580  }
0x82: {  	[spmem:s1] =	stream.indirect.scatter.add.f32 [tilespmem:s13], [sflag:$0x4], $0x80, s10, s29, $0xb8;
	[tilespmem:$0x1E080] =	vst v63  }
0x83: {  	s14 =	simm.s32 $0xA600;
	s15 =	simm.s32 $0x7800  }
0x84: {  	[spmem:s1] =	stream.indirect.scatter.add.f32 [tilespmem:s15], [sflag:$0x4], $0x80, s14, s29, $0xb8;
	[tilespmem:$0x1E080] =	vst v63  }
0x85: {  	s16 =	simm.s32 $0xA680;
	s17 =	simm.s32 $0x8200  }
0x86: {  	[spmem:s1] =	stream.indirect.scatter.add.f32 [tilespmem:s17], [sflag:$0x4], $0x80, s16, s29, $0xb8;
	[tilespmem:$0x1E080] =	vst v63  }
0x87: {  	s19 =	simm.s32 $0xA700;
	s14 =	simm.s32 $0x8C00  }
0x88: {  	[spmem:s1] =	stream.indirect.scatter.add.f32 [tilespmem:s14], [sflag:$0x4], $0x80, s19, s29, $0xb8;
	[tilespmem:$0x1E080] =	vst v63  }
0x89: {  	s21 =	simm.s32 $0xA780;
	s22 =	simm.s32 $0x9600  }
0x8a: {  	[spmem:s1] =	stream.indirect.scatter.add.f32 [tilespmem:s22], [sflag:$0x4], $0x80, s21, s29, $0xb8;
	[tilespmem:$0x1E080] =	vst v63  }
0x8b: {  	_ =	swait.ge [sflag:s11], $0x5000  }
0x8c: {  	[sflag:s11] =	ssyncset.done $0x0;
	s4 =	rddreg [dreg:$0x14]  }
0x8d: {  	s19 =	sadd.s32 $0x0, s20;
	[sflag:s11] =	ssyncadd.s32 $0xFFFFB000;
	s23 =	sadd.s32 $0xFFFF6000, s4  }
0x8e: {  	[tilespmem:s3], [sflag:$0x1] =	stream.linear.gather [hbm4b:s23+s3], $0x5000, $0x38;
	[tilespmem:$0x1E080] =	vst v63  }
0x8f: {  	s23 =	sadd.s32 $0x20400, s19  }
0x90: {  	[tilespmem:s24], [sflag:$0x1] =	stream.linear.gather [hbm4b:s23+s3], $0x400, $0x38;
	[tilespmem:$0x1E080] =	vst v63  }
0x91: {  	_ =	swait.ge [sflag:s12], $0x5000  }
0x92: {  	[sflag:s12] =	ssyncset.done $0x0  }
0x93: {  	[sflag:s12] =	ssyncadd.s32 $0xFFFFB000  }
0x94: {  	[tilespmem:s25], [sflag:$0x2] =	stream.linear.gather [hbm4b:s4+s3], $0x5000, $0x38;
	[tilespmem:$0x1E080] =	vst v63  }
0x95: {  	s23 =	sadd.s32 $0x20C00, s19  }
0x96: {  	[tilespmem:s26], [sflag:$0x2] =	stream.linear.gather [hbm4b:s23+s3], $0x400, $0x38;
	[tilespmem:$0x1E080] =	vst v63  }
0x97: {  	_ =	swait.ge [sflag:s28], $0x5000  }
0x98: {  	[sflag:s28] =	ssyncset.done $0x0  }
0x99: {  	[sflag:s28] =	ssyncadd.s32 $0xFFFFB000  }
0x9a: {  	_ =	swait.ge [sflag:s28], $0x400  }
0x9b: {  	[sflag:s28] =	ssyncset.done $0x0  }
0x9c: {  	[sflag:s28] =	ssyncadd.s32 $0xFFFFFC00  }
0x9d: {  	[spmem:s1] =	stream.indirect.scatter.add.f32 [tilespmem:s3], [sflag:$0x3], $0x80, s24, s29, $0xb8;
	[tilespmem:$0x1E080] =	vst v63  }
0x9e: {  	s18 =	simm.s32 $0xA080;
	s5 =	simm.s32 $0xA00  }
0x9f: {  	[spmem:s1] =	stream.indirect.scatter.add.f32 [tilespmem:s5], [sflag:$0x3], $0x80, s18, s29, $0xb8;
	[tilespmem:$0x1E080] =	vst v63  }
0xa0: {  	s7 =	simm.s32 $0xA100;
	s13 =	simm.s32 $0x1400  }
0xa1: {  	[spmem:s1] =	stream.indirect.scatter.add.f32 [tilespmem:s13], [sflag:$0x3], $0x80, s7, s29, $0xb8;
	[tilespmem:$0x1E080] =	vst v63  }
0xa2: {  	s15 =	simm.s32 $0xA180;
	s17 =	simm.s32 $0x1E00  }
0xa3: {  	[spmem:s1] =	stream.indirect.scatter.add.f32 [tilespmem:s17], [sflag:$0x3], $0x80, s15, s29, $0xb8;
	[tilespmem:$0x1E080] =	vst v63  }
0xa4: {  	s10 =	simm.s32 $0x2800;
	s21 =	simm.s32 $0xA200  }
0xa5: {  	[spmem:s1] =	stream.indirect.scatter.add.f32 [tilespmem:s10], [sflag:$0x3], $0x80, s21, s29, $0xb8;
	[tilespmem:$0x1E080] =	vst v63  }
0xa6: {  	s8 =	simm.s32 $0x3200;
	s22 =	simm.s32 $0xA280  }
0xa7: {  	[spmem:s1] =	stream.indirect.scatter.add.f32 [tilespmem:s8], [sflag:$0x3], $0x80, s22, s29, $0xb8;
	[tilespmem:$0x1E080] =	vst v63  }
0xa8: {  	s2 =	simm.s32 $0x3C00;
	s9 =	simm.s32 $0xA300  }
0xa9: {  	[spmem:s1] =	stream.indirect.scatter.add.f32 [tilespmem:s2], [sflag:$0x3], $0x80, s9, s29, $0xb8;
	[tilespmem:$0x1E080] =	vst v63  }
0xaa: {  	s0 =	simm.s32 $0xA380;
	s31 =	simm.s32 $0x4600  }
0xab: {  	[spmem:s1] =	stream.indirect.scatter.add.f32 [tilespmem:s31], [sflag:$0x3], $0x80, s0, s29, $0xb8;
	[tilespmem:$0x1E080] =	vst v63  }
0xac: {  	_ =	swait.ge [sflag:s6], $0x5000  }
0xad: {  	s30 =	simm.s32 $0x5A00;
	s16 =	simm.s32 $0xA600;
	[sflag:s6] =	ssyncset.done $0x0  }
0xae: {  	s19 =	simm.s32 $0xA680;
	s23 =	simm.s32 $0x4600;
	[sflag:s6] =	ssyncadd.s32 $0xFFFFB000  }
0xaf: {  	s18 =	simm.s32 $0xA300;
	s5 =	simm.s32 $0xA480;
	_ =	swait.ge [sflag:s6], $0x400  }
0xb0: {  	s7 =	simm.s32 $0xA500;
	s13 =	simm.s32 $0xA580;
	[sflag:s6] =	ssyncset.done $0x0  }
0xb1: {  	s15 =	simm.s32 $0x6E00;
	s17 =	simm.s32 $0x7800;
	[sflag:s6] =	ssyncadd.s32 $0xFFFFFC00  }
0xb2: {  	[spmem:s1] =	stream.indirect.scatter.add.f32 [tilespmem:s25], [sflag:$0x4], $0x80, s26, s29, $0xb8;
	[tilespmem:$0x1E080] =	vst v63  }
0xb3: {  	s10 =	simm.s32 $0xA380;
	s21 =	simm.s32 $0x8200;
	s8 =	simm.s32 $0x6400  }
0xb4: {  	[spmem:s1] =	stream.indirect.scatter.add.f32 [tilespmem:s30], [sflag:$0x4], $0x80, s5, s29, $0xb8;
	[tilespmem:$0x1E080] =	vst v63  }
0xb5: {  	s22 =	simm.s32 $0x8200;
	s2 =	simm.s32 $0xA500;
	s9 =	simm.s32 $0x6400  }
0xb6: {  	[spmem:s1] =	stream.indirect.scatter.add.f32 [tilespmem:s8], [sflag:$0x4], $0x80, s7, s29, $0xb8;
	[tilespmem:$0x1E080] =	vst v63  }
0xb7: {  	s31 =	simm.s32 $0xA480;
	s0 =	simm.s32 $0x5A00;
	s5 =	simm.s32 $0xA580  }
0xb8: {  	[spmem:s1] =	stream.indirect.scatter.add.f32 [tilespmem:s15], [sflag:$0x4], $0x80, s13, s29, $0xb8;
	[tilespmem:$0x1E080] =	vst v63  }
0xb9: {  	s30 =	simm.s32 $0xA700;
	s7 =	simm.s32 $0x6E00;
	s8 =	simm.s32 $0xA700  }
0xba: {  	[spmem:s1] =	stream.indirect.scatter.add.f32 [tilespmem:s17], [sflag:$0x4], $0x80, s16, s29, $0xb8;
	[tilespmem:$0x1E080] =	vst v63  }
0xbb: {  	s13 =	simm.s32 $0xA600;
	s15 =	simm.s32 $0x7800;
	s17 =	simm.s32 $0xA680  }
0xbc: {  	[spmem:s1] =	stream.indirect.scatter.add.f32 [tilespmem:s21], [sflag:$0x4], $0x80, s19, s29, $0xb8;
	[tilespmem:$0x1E080] =	vst v63  }
0xbd: {  	s16 =	simm.s32 $0x1000;
	s21 =	simm.s32 $0x8C00;
	s19 =	sadd.s32 $0x14000, s4  }
0xbe: {  	[spmem:s1] =	stream.indirect.scatter.add.f32 [tilespmem:s14], [sflag:$0x4], $0x80, s30, s29, $0xb8;
	[tilespmem:$0x1E080] =	vst v63  }
.LBB2_6:
0xbf: {  	s4 =	simm.s32 $0x9600;
	s14 =	simm.s32 $0xA780  }
0xc0: {  	[spmem:s1] =	stream.indirect.scatter.add.f32 [tilespmem:s4], [sflag:$0x4], $0x80, s14, s29, $0xb8;
	[tilespmem:$0x1E080] =	vst v63  }
0xc1: {  	s14 =	smov.u32 s16  }
0xc2: {  	p3 =	sne.s32 s16, $0x1D000;
	s16 =	sadd.s32 $0x1000, s16;
	_ =	swait.ge [sflag:s11], $0x5000  }
0xc3: {  	[sflag:s11] =	ssyncset.done $0x0  }
0xc4: {  	s4 =	sadd.s32 $0xFFFF6000, s19;
	s14 =	sadd.s32 s14, s20;
	[sflag:s11] =	ssyncadd.s32 $0xFFFFB000  }
0xc5: {  	[tilespmem:s3], [sflag:$0x1] =	stream.linear.gather [hbm4b:s4+s3], $0x5000, $0x38;
	[tilespmem:$0x1E080] =	vst v63  }
0xc6: {  	s4 =	sadd.s32 $0x20400, s14  }
0xc7: {  	[tilespmem:s24], [sflag:$0x1] =	stream.linear.gather [hbm4b:s4+s3], $0x400, $0x38;
	[tilespmem:$0x1E080] =	vst v63  }
0xc8: {  	_ =	swait.ge [sflag:s12], $0x5000  }
0xc9: {  	[sflag:s12] =	ssyncset.done $0x0  }
0xca: {  	[sflag:s12] =	ssyncadd.s32 $0xFFFFB000  }
0xcb: {  	[tilespmem:s25], [sflag:$0x2] =	stream.linear.gather [hbm4b:s19+s3], $0x5000, $0x38;
	[tilespmem:$0x1E080] =	vst v63  }
0xcc: {  	s4 =	sadd.s32 $0x20C00, s14;
	s14 =	simm.s32 $0xA080  }
0xcd: {  	[tilespmem:s26], [sflag:$0x2] =	stream.linear.gather [hbm4b:s4+s3], $0x400, $0x38;
	[tilespmem:$0x1E080] =	vst v63  }
0xce: {  	_ =	swait.ge [sflag:s28], $0x5000  }
0xcf: {  	[sflag:s28] =	ssyncset.done $0x0  }
0xd0: {  	[sflag:s28] =	ssyncadd.s32 $0xFFFFB000  }
0xd1: {  	_ =	swait.ge [sflag:s28], $0x400  }
0xd2: {  	[sflag:s28] =	ssyncset.done $0x0  }
0xd3: {  	[sflag:s28] =	ssyncadd.s32 $0xFFFFFC00  }
0xd4: {  	[spmem:s1] =	stream.indirect.scatter.add.f32 [tilespmem:s3], [sflag:$0x3], $0x80, s24, s29, $0xb8;
	[tilespmem:$0x1E080] =	vst v63  }
0xd5: {  	s4 =	simm.s32 $0xA00  }
0xd6: {  	[spmem:s1] =	stream.indirect.scatter.add.f32 [tilespmem:s4], [sflag:$0x3], $0x80, s14, s29, $0xb8;
	[tilespmem:$0x1E080] =	vst v63  }
0xd7: {  	s30 =	simm.s32 $0x1400;
	s4 =	simm.s32 $0xA100  }
0xd8: {  	[spmem:s1] =	stream.indirect.scatter.add.f32 [tilespmem:s30], [sflag:$0x3], $0x80, s4, s29, $0xb8;
	[tilespmem:$0x1E080] =	vst v63  }
0xd9: {  	s4 =	simm.s32 $0xA180;
	s30 =	simm.s32 $0x1E00  }
0xda: {  	[spmem:s1] =	stream.indirect.scatter.add.f32 [tilespmem:s30], [sflag:$0x3], $0x80, s4, s29, $0xb8;
	[tilespmem:$0x1E080] =	vst v63  }
0xdb: {  	s4 =	simm.s32 $0xA200;
	s30 =	simm.s32 $0x2800  }
0xdc: {  	[spmem:s1] =	stream.indirect.scatter.add.f32 [tilespmem:s30], [sflag:$0x3], $0x80, s4, s29, $0xb8;
	[tilespmem:$0x1E080] =	vst v63  }
0xdd: {  	s4 =	simm.s32 $0xA280;
	s30 =	simm.s32 $0x3200  }
0xde: {  	[spmem:s1] =	stream.indirect.scatter.add.f32 [tilespmem:s30], [sflag:$0x3], $0x80, s4, s29, $0xb8;
	[tilespmem:$0x1E080] =	vst v63  }
0xdf: {  	s4 =	simm.s32 $0x3C00  }
0xe0: {  	[spmem:s1] =	stream.indirect.scatter.add.f32 [tilespmem:s4], [sflag:$0x3], $0x80, s18, s29, $0xb8;
	[tilespmem:$0x1E080] =	vst v63  }
0xe1: {  	_ = 	snop  }
0xe2: {  	[spmem:s1] =	stream.indirect.scatter.add.f32 [tilespmem:s23], [sflag:$0x3], $0x80, s10, s29, $0xb8;
	[tilespmem:$0x1E080] =	vst v63  }
0xe3: {  	_ =	swait.ge [sflag:s6], $0x5000  }
0xe4: {  	[sflag:s6] =	ssyncset.done $0x0  }
0xe5: {  	[sflag:s6] =	ssyncadd.s32 $0xFFFFB000  }
0xe6: {  	_ =	swait.ge [sflag:s6], $0x400  }
0xe7: {  	[sflag:s6] =	ssyncset.done $0x0  }
0xe8: {  	[sflag:s6] =	ssyncadd.s32 $0xFFFFFC00  }
0xe9: {  	[spmem:s1] =	stream.indirect.scatter.add.f32 [tilespmem:s25], [sflag:$0x4], $0x80, s26, s29, $0xb8;
	[tilespmem:$0x1E080] =	vst v63  }
0xea: {  	_ = 	snop  }
0xeb: {  	[spmem:s1] =	stream.indirect.scatter.add.f32 [tilespmem:s0], [sflag:$0x4], $0x80, s31, s29, $0xb8;
	[tilespmem:$0x1E080] =	vst v63  }
0xec: {  	_ = 	snop  }
0xed: {  	[spmem:s1] =	stream.indirect.scatter.add.f32 [tilespmem:s9], [sflag:$0x4], $0x80, s2, s29, $0xb8;
	[tilespmem:$0x1E080] =	vst v63  }
0xee: {  	_ = 	snop  }
0xef: {  	[spmem:s1] =	stream.indirect.scatter.add.f32 [tilespmem:s7], [sflag:$0x4], $0x80, s5, s29, $0xb8;
	[tilespmem:$0x1E080] =	vst v63  }
0xf0: {  	_ = 	snop  }
0xf1: {  	[spmem:s1] =	stream.indirect.scatter.add.f32 [tilespmem:s15], [sflag:$0x4], $0x80, s13, s29, $0xb8;
	[tilespmem:$0x1E080] =	vst v63  }
.Ltmp3:
0xf2: {  	(pc) =	sbr.rel @p3 .LBB2_6-.Ltmp3, $4  }
0xf3: {  	[spmem:s1] =	stream.indirect.scatter.add.f32 [tilespmem:s22], [sflag:$0x4], $0x80, s17, s29, $0xb8;
	[tilespmem:$0x1E080] =	vst v63  }
0xf4: {  	_ = 	snop  }
0xf5: {  	[spmem:s1] =	stream.indirect.scatter.add.f32 [tilespmem:s21], [sflag:$0x4], $0x80, s8, s29, $0xb8;
	[tilespmem:$0x1E080] =	vst v63  }
0xf6: {  	s19 =	sadd.s32 $0x14000, s19  }
0xf7: {  	s0 =	simm.s32 $0x4600;
	s31 =	simm.s32 $0xA380  }
0xf8: {  	s30 =	simm.s32 $0x3C00;
	s23 =	simm.s32 $0xA300;
	s8 =	simm.s32 $0x3200  }
0xf9: {  	s22 =	simm.s32 $0xA280;
	s21 =	simm.s32 $0x2800;
	s17 =	simm.s32 $0xA200  }
.Ltmp4:
0xfa: {  	s10 =	simm.s32 $0x1E00;
	s13 =	simm.s32 $0xA180;
	(pc) =	sbr.rel @!p1 .LBB2_9-.Ltmp4, $4  }
.Ltmp5:
0xfb: {  	s9 =	simm.s32 $0x1400;
	s19 =	rddreg [dreg:$0x3];
	(pc) =	sbr.rel @p1 .LBB2_8-.Ltmp5, $4  }
0xfc: {  	s2 =	simm.s32 $0x9600;
	s4 =	simm.s32 $0xA780;
	s16 =	rddreg [dreg:$0xb]  }
0xfd: {  	[spmem:s1] =	stream.indirect.scatter.add.f32 [tilespmem:s2], [sflag:$0x4], $0x80, s4, s29, $0xb8;
	[tilespmem:$0x1E080] =	vst v63  }
0xfe: {  	s5 =	simm.s32 $0xA100;
	s18 =	simm.s32 $0xA00;
	s2 =	rddreg [dreg:$0x15]  }
0xff: {  	_ = 	snop  }
.LBB2_2:
0x100: {  	s4 =	rddreg [dreg:$0xd]  }
0x101: {  	[tilespmem:s16], [sflag:$0x1] =	stream.linear.gather [hbm4b:s4+s16], $0x5000, $0x38;
	[tilespmem:$0x1E080] =	vst v63  }
0x102: {  	s2 =	rddreg [dreg:$0xe]  }
0x103: {  	[tilespmem:s24], [sflag:$0x1] =	stream.linear.gather [hbm4b:s2+s16], $0x400, $0x38;
	[tilespmem:$0x1E080] =	vst v63  }
0x104: {  	s14 =	rddreg [dreg:$0xf]  }
0x105: {  	[tilespmem:s25], [sflag:$0x2] =	stream.linear.gather [hbm4b:s14+s16], $0x5000, $0x38;
	[tilespmem:$0x1E080] =	vst v63  }
0x106: {  	s2 =	rddreg [dreg:$0x10]  }
0x107: {  	[tilespmem:s26], [sflag:$0x2] =	stream.linear.gather [hbm4b:s2+s16], $0x400, $0x38;
	[tilespmem:$0x1E080] =	vst v63  }
0x108: {  	_ =	swait.ge [sflag:s28], $0x5000  }
0x109: {  	[sflag:s28] =	ssyncset.done $0x0  }
0x10a: {  	[sflag:s28] =	ssyncadd.s32 $0xFFFFB000  }
0x10b: {  	_ =	swait.ge [sflag:s28], $0x400  }
0x10c: {  	[sflag:s28] =	ssyncset.done $0x0  }
0x10d: {  	[sflag:s28] =	ssyncadd.s32 $0xFFFFFC00  }
0x10e: {  	[spmem:s1] =	stream.indirect.scatter.add.f32 [tilespmem:s16], [sflag:$0x3], $0x80, s24, s29, $0xb8;
	[tilespmem:$0x1E080] =	vst v63  }
0x10f: {  	s16 =	simm.s32 $0xA080  }
0x110: {  	[spmem:s1] =	stream.indirect.scatter.add.f32 [tilespmem:s18], [sflag:$0x3], $0x80, s16, s29, $0xb8;
	[tilespmem:$0x1E080] =	vst v63  }
0x111: {  	_ = 	snop  }
0x112: {  	[spmem:s1] =	stream.indirect.scatter.add.f32 [tilespmem:s7], [sflag:$0x3], $0x80, s5, s29, $0xb8;
	[tilespmem:$0x1E080] =	vst v63  }
0x113: {  	_ = 	snop  }
0x114: {  	[spmem:s1] =	stream.indirect.scatter.add.f32 [tilespmem:s15], [sflag:$0x3], $0x80, s13, s29, $0xb8;
	[tilespmem:$0x1E080] =	vst v63  }
0x115: {  	_ = 	snop  }
0x116: {  	[spmem:s1] =	stream.indirect.scatter.add.f32 [tilespmem:s19], [sflag:$0x3], $0x80, s17, s29, $0xb8;
	[tilespmem:$0x1E080] =	vst v63  }
0x117: {  	_ = 	snop  }
0x118: {  	[spmem:s1] =	stream.indirect.scatter.add.f32 [tilespmem:s8], [sflag:$0x3], $0x80, s21, s29, $0xb8;
	[tilespmem:$0x1E080] =	vst v63  }
0x119: {  	_ = 	snop  }
0x11a: {  	[spmem:s1] =	stream.indirect.scatter.add.f32 [tilespmem:s23], [sflag:$0x3], $0x80, s22, s29, $0xb8;
	[tilespmem:$0x1E080] =	vst v63  }
0x11b: {  	_ = 	snop  }
0x11c: {  	[spmem:s1] =	stream.indirect.scatter.add.f32 [tilespmem:s0], [sflag:$0x3], $0x80, s30, s29, $0xb8;
	[tilespmem:$0x1E080] =	vst v63  }
0x11d: {  	_ =	swait.ge [sflag:s6], $0x5000  }
0x11e: {  	[sflag:s6] =	ssyncset.done $0x0  }
0x11f: {  	[sflag:s6] =	ssyncadd.s32 $0xFFFFB000  }
0x120: {  	_ =	swait.ge [sflag:s6], $0x400  }
0x121: {  	[sflag:s6] =	ssyncset.done $0x0  }
0x122: {  	[sflag:s6] =	ssyncadd.s32 $0xFFFFFC00  }
0x123: {  	[spmem:s1] =	stream.indirect.scatter.add.f32 [tilespmem:s25], [sflag:$0x4], $0x80, s26, s29, $0xb8;
	[tilespmem:$0x1E080] =	vst v63  }
0x124: {  	s4 =	simm.s32 $0xA480  }
0x125: {  	[spmem:s1] =	stream.indirect.scatter.add.f32 [tilespmem:s9], [sflag:$0x4], $0x80, s4, s29, $0xb8;
	[tilespmem:$0x1E080] =	vst v63  }
0x126: {  	_ = 	snop  }
0x127: {  	[spmem:s1] =	stream.indirect.scatter.add.f32 [tilespmem:s31], [sflag:$0x4], $0x80, s10, s29, $0xb8;
	[tilespmem:$0x1E080] =	vst v63  }
0x128: {  	s2 =	simm.s32 $0x6E00;
	s5 =	simm.s32 $0xA580  }
0x129: {  	[spmem:s1] =	stream.indirect.scatter.add.f32 [tilespmem:s2], [sflag:$0x4], $0x80, s5, s29, $0xb8;
	[tilespmem:$0x1E080] =	vst v63  }
0x12a: {  	s7 =	simm.s32 $0xA600;
	s8 =	simm.s32 $0x7800  }
0x12b: {  	[spmem:s1] =	stream.indirect.scatter.add.f32 [tilespmem:s8], [sflag:$0x4], $0x80, s7, s29, $0xb8;
	[tilespmem:$0x1E080] =	vst v63  }
0x12c: {  	s9 =	simm.s32 $0xA680;
	s10 =	simm.s32 $0x8200  }
0x12d: {  	[spmem:s1] =	stream.indirect.scatter.add.f32 [tilespmem:s10], [sflag:$0x4], $0x80, s9, s29, $0xb8;
	[tilespmem:$0x1E080] =	vst v63  }
0x12e: {  	s13 =	simm.s32 $0xA700;
	s5 =	simm.s32 $0x8C00  }
0x12f: {  	[spmem:s1] =	stream.indirect.scatter.add.f32 [tilespmem:s5], [sflag:$0x4], $0x80, s13, s29, $0xb8;
	[tilespmem:$0x1E080] =	vst v63  }
0x130: {  	s14 =	simm.s32 $0xA780;
	s15 =	simm.s32 $0x9600  }
0x131: {  	[spmem:s1] =	stream.indirect.scatter.add.f32 [tilespmem:s15], [sflag:$0x4], $0x80, s14, s29, $0xb8;
	[tilespmem:$0x1E080] =	vst v63  }
0x132: {  	_ =	swait.ge [sflag:s11], $0x5000  }
0x133: {  	[sflag:s11] =	ssyncset.done $0x0;
	s19 =	rddreg [dreg:$0x13]  }
0x134: {  	s14 =	sadd.s32 $0x0, s20;
	[sflag:s11] =	ssyncadd.s32 $0xFFFFB000;
	s17 =	sadd.s32 $0xFFFF6000, s19  }
0x135: {  	[tilespmem:s3], [sflag:$0x1] =	stream.linear.gather [hbm4b:s17+s3], $0x5000, $0x38;
	[tilespmem:$0x1E080] =	vst v63  }
0x136: {  	s7 =	sadd.s32 $0x20400, s14  }
0x137: {  	[tilespmem:s24], [sflag:$0x1] =	stream.linear.gather [hbm4b:s7+s3], $0x400, $0x38;
	[tilespmem:$0x1E080] =	vst v63  }
0x138: {  	_ =	swait.ge [sflag:s12], $0x5000  }
0x139: {  	[sflag:s12] =	ssyncset.done $0x0  }
0x13a: {  	[sflag:s12] =	ssyncadd.s32 $0xFFFFB000  }
0x13b: {  	[tilespmem:s25], [sflag:$0x2] =	stream.linear.gather [hbm4b:s19+s3], $0x5000, $0x38;
	[tilespmem:$0x1E080] =	vst v63  }
0x13c: {  	s14 =	sadd.s32 $0x20C00, s14  }
0x13d: {  	[tilespmem:s26], [sflag:$0x2] =	stream.linear.gather [hbm4b:s14+s3], $0x400, $0x38;
	[tilespmem:$0x1E080] =	vst v63  }
0x13e: {  	_ =	swait.ge [sflag:s28], $0x5000  }
0x13f: {  	[sflag:s28] =	ssyncset.done $0x0  }
0x140: {  	[sflag:s28] =	ssyncadd.s32 $0xFFFFB000  }
0x141: {  	_ =	swait.ge [sflag:s28], $0x400  }
0x142: {  	[sflag:s28] =	ssyncset.done $0x0  }
0x143: {  	[sflag:s28] =	ssyncadd.s32 $0xFFFFFC00  }
0x144: {  	[spmem:s1] =	stream.indirect.scatter.add.f32 [tilespmem:s3], [sflag:$0x3], $0x80, s24, s29, $0xb8;
	[tilespmem:$0x1E080] =	vst v63  }
0x145: {  	s15 =	simm.s32 $0xA00  }
0x146: {  	[spmem:s1] =	stream.indirect.scatter.add.f32 [tilespmem:s15], [sflag:$0x3], $0x80, s16, s29, $0xb8;
	[tilespmem:$0x1E080] =	vst v63  }
0x147: {  	s17 =	simm.s32 $0x1400;
	s16 =	simm.s32 $0xA100  }
0x148: {  	[spmem:s1] =	stream.indirect.scatter.add.f32 [tilespmem:s17], [sflag:$0x3], $0x80, s16, s29, $0xb8;
	[tilespmem:$0x1E080] =	vst v63  }
0x149: {  	s13 =	simm.s32 $0xA180;
	s7 =	simm.s32 $0x1E00  }
0x14a: {  	[spmem:s1] =	stream.indirect.scatter.add.f32 [tilespmem:s7], [sflag:$0x3], $0x80, s13, s29, $0xb8;
	[tilespmem:$0x1E080] =	vst v63  }
0x14b: {  	s21 =	simm.s32 $0x2800;
	s14 =	simm.s32 $0xA200  }
0x14c: {  	[spmem:s1] =	stream.indirect.scatter.add.f32 [tilespmem:s21], [sflag:$0x3], $0x80, s14, s29, $0xb8;
	[tilespmem:$0x1E080] =	vst v63  }
0x14d: {  	s8 =	simm.s32 $0x3200;
	s15 =	simm.s32 $0xA280  }
0x14e: {  	[spmem:s1] =	stream.indirect.scatter.add.f32 [tilespmem:s8], [sflag:$0x3], $0x80, s15, s29, $0xb8;
	[tilespmem:$0x1E080] =	vst v63  }
0x14f: {  	s23 =	simm.s32 $0xA300;
	s30 =	simm.s32 $0x3C00  }
0x150: {  	[spmem:s1] =	stream.indirect.scatter.add.f32 [tilespmem:s30], [sflag:$0x3], $0x80, s23, s29, $0xb8;
	[tilespmem:$0x1E080] =	vst v63  }
0x151: {  	s0 =	simm.s32 $0x4600;
	s31 =	simm.s32 $0xA380  }
0x152: {  	[spmem:s1] =	stream.indirect.scatter.add.f32 [tilespmem:s0], [sflag:$0x3], $0x80, s31, s29, $0xb8;
	[tilespmem:$0x1E080] =	vst v63  }
0x153: {  	_ =	swait.ge [sflag:s6], $0x5000  }
0x154: {  	[sflag:s6] =	ssyncset.done $0x0  }
0x155: {  	[sflag:s6] =	ssyncadd.s32 $0xFFFFB000  }
0x156: {  	_ =	swait.ge [sflag:s6], $0x400  }
0x157: {  	[sflag:s6] =	ssyncset.done $0x0  }
0x158: {  	[sflag:s6] =	ssyncadd.s32 $0xFFFFFC00  }
0x159: {  	[spmem:s1] =	stream.indirect.scatter.add.f32 [tilespmem:s25], [sflag:$0x4], $0x80, s26, s29, $0xb8;
	[tilespmem:$0x1E080] =	vst v63  }
0x15a: {  	s2 =	simm.s32 $0xA480;
	s9 =	simm.s32 $0x5A00  }
0x15b: {  	[spmem:s1] =	stream.indirect.scatter.add.f32 [tilespmem:s9], [sflag:$0x4], $0x80, s2, s29, $0xb8;
	[tilespmem:$0x1E080] =	vst v63  }
0x15c: {  	s18 =	simm.s32 $0x6400;
	s10 =	simm.s32 $0xA500  }
0x15d: {  	[spmem:s1] =	stream.indirect.scatter.add.f32 [tilespmem:s18], [sflag:$0x4], $0x80, s10, s29, $0xb8;
	[tilespmem:$0x1E080] =	vst v63  }
0x15e: {  	s16 =	simm.s32 $0xA580;
	s17 =	simm.s32 $0x6E00  }
0x15f: {  	[spmem:s1] =	stream.indirect.scatter.add.f32 [tilespmem:s17], [sflag:$0x4], $0x80, s16, s29, $0xb8;
	[tilespmem:$0x1E080] =	vst v63  }
0x160: {  	s22 =	simm.s32 $0xA700;
	s14 =	simm.s32 $0xA600;
	s15 =	simm.s32 $0x7800  }
0x161: {  	[spmem:s1] =	stream.indirect.scatter.add.f32 [tilespmem:s15], [sflag:$0x4], $0x80, s14, s29, $0xb8;
	[tilespmem:$0x1E080] =	vst v63  }
0x162: {  	s19 =	sadd.s32 $0x14000, s19;
	s16 =	simm.s32 $0xA680;
	s17 =	simm.s32 $0x8200  }
0x163: {  	[spmem:s1] =	stream.indirect.scatter.add.f32 [tilespmem:s17], [sflag:$0x4], $0x80, s16, s29, $0xb8;
	[tilespmem:$0x1E080] =	vst v63  }
0x164: {  	s7 =	simm.s32 $0x9600;
	s15 =	simm.s32 $0xA780;
	s16 =	simm.s32 $0x1000  }
0x165: {  	[spmem:s1] =	stream.indirect.scatter.add.f32 [tilespmem:s5], [sflag:$0x4], $0x80, s22, s29, $0xb8;
	[tilespmem:$0x1E080] =	vst v63  }
.LBB2_3:
0x166: {  	[spmem:s1] =	stream.indirect.scatter.add.f32 [tilespmem:s7], [sflag:$0x4], $0x80, s15, s29, $0xb8;
	[tilespmem:$0x1E080] =	vst v63  }
0x167: {  	s4 =	smov.u32 s16  }
0x168: {  	p3 =	sne.s32 s16, $0x1D000;
	s16 =	sadd.s32 $0x1000, s16;
	_ =	swait.ge [sflag:s11], $0x5000  }
0x169: {  	[sflag:s11] =	ssyncset.done $0x0  }
0x16a: {  	s14 =	sadd.s32 $0xFFFF6000, s19;
	s4 =	sadd.s32 s4, s20;
	[sflag:s11] =	ssyncadd.s32 $0xFFFFB000  }
0x16b: {  	[tilespmem:s3], [sflag:$0x1] =	stream.linear.gather [hbm4b:s14+s3], $0x5000, $0x38;
	[tilespmem:$0x1E080] =	vst v63  }
0x16c: {  	s14 =	sadd.s32 $0x20400, s4  }
0x16d: {  	[tilespmem:s24], [sflag:$0x1] =	stream.linear.gather [hbm4b:s14+s3], $0x400, $0x38;
	[tilespmem:$0x1E080] =	vst v63  }
0x16e: {  	s14 =	simm.s32 $0xA080  }
0x16f: {  	_ =	swait.ge [sflag:s12], $0x5000  }
0x170: {  	[sflag:s12] =	ssyncset.done $0x0  }
0x171: {  	[sflag:s12] =	ssyncadd.s32 $0xFFFFB000  }
0x172: {  	[tilespmem:s25], [sflag:$0x2] =	stream.linear.gather [hbm4b:s19+s3], $0x5000, $0x38;
	[tilespmem:$0x1E080] =	vst v63  }
0x173: {  	s4 =	sadd.s32 $0x20C00, s4  }
0x174: {  	[tilespmem:s26], [sflag:$0x2] =	stream.linear.gather [hbm4b:s4+s3], $0x400, $0x38;
	[tilespmem:$0x1E080] =	vst v63  }
0x175: {  	_ =	swait.ge [sflag:s28], $0x5000  }
0x176: {  	[sflag:s28] =	ssyncset.done $0x0  }
0x177: {  	[sflag:s28] =	ssyncadd.s32 $0xFFFFB000  }
0x178: {  	_ =	swait.ge [sflag:s28], $0x400  }
0x179: {  	[sflag:s28] =	ssyncset.done $0x0  }
0x17a: {  	[sflag:s28] =	ssyncadd.s32 $0xFFFFFC00  }
0x17b: {  	[spmem:s1] =	stream.indirect.scatter.add.f32 [tilespmem:s3], [sflag:$0x3], $0x80, s24, s29, $0xb8;
	[tilespmem:$0x1E080] =	vst v63  }
0x17c: {  	s4 =	simm.s32 $0xA00  }
0x17d: {  	[spmem:s1] =	stream.indirect.scatter.add.f32 [tilespmem:s4], [sflag:$0x3], $0x80, s14, s29, $0xb8;
	[tilespmem:$0x1E080] =	vst v63  }
0x17e: {  	s17 =	simm.s32 $0x1400;
	s4 =	simm.s32 $0xA100  }
0x17f: {  	[spmem:s1] =	stream.indirect.scatter.add.f32 [tilespmem:s17], [sflag:$0x3], $0x80, s4, s29, $0xb8;
	[tilespmem:$0x1E080] =	vst v63  }
0x180: {  	s4 =	simm.s32 $0x1E00  }
0x181: {  	[spmem:s1] =	stream.indirect.scatter.add.f32 [tilespmem:s4], [sflag:$0x3], $0x80, s13, s29, $0xb8;
	[tilespmem:$0x1E080] =	vst v63  }
0x182: {  	s4 =	simm.s32 $0xA200  }
0x183: {  	[spmem:s1] =	stream.indirect.scatter.add.f32 [tilespmem:s21], [sflag:$0x3], $0x80, s4, s29, $0xb8;
	[tilespmem:$0x1E080] =	vst v63  }
0x184: {  	s4 =	simm.s32 $0xA280  }
0x185: {  	[spmem:s1] =	stream.indirect.scatter.add.f32 [tilespmem:s8], [sflag:$0x3], $0x80, s4, s29, $0xb8;
	[tilespmem:$0x1E080] =	vst v63  }
0x186: {  	_ = 	snop  }
0x187: {  	[spmem:s1] =	stream.indirect.scatter.add.f32 [tilespmem:s30], [sflag:$0x3], $0x80, s23, s29, $0xb8;
	[tilespmem:$0x1E080] =	vst v63  }
0x188: {  	_ = 	snop  }
0x189: {  	[spmem:s1] =	stream.indirect.scatter.add.f32 [tilespmem:s0], [sflag:$0x3], $0x80, s31, s29, $0xb8;
	[tilespmem:$0x1E080] =	vst v63  }
0x18a: {  	_ =	swait.ge [sflag:s6], $0x5000  }
0x18b: {  	[sflag:s6] =	ssyncset.done $0x0  }
0x18c: {  	[sflag:s6] =	ssyncadd.s32 $0xFFFFB000  }
0x18d: {  	_ =	swait.ge [sflag:s6], $0x400  }
0x18e: {  	[sflag:s6] =	ssyncset.done $0x0  }
0x18f: {  	[sflag:s6] =	ssyncadd.s32 $0xFFFFFC00  }
0x190: {  	[spmem:s1] =	stream.indirect.scatter.add.f32 [tilespmem:s25], [sflag:$0x4], $0x80, s26, s29, $0xb8;
	[tilespmem:$0x1E080] =	vst v63  }
0x191: {  	_ = 	snop  }
0x192: {  	[spmem:s1] =	stream.indirect.scatter.add.f32 [tilespmem:s9], [sflag:$0x4], $0x80, s2, s29, $0xb8;
	[tilespmem:$0x1E080] =	vst v63  }
0x193: {  	_ = 	snop  }
0x194: {  	[spmem:s1] =	stream.indirect.scatter.add.f32 [tilespmem:s18], [sflag:$0x4], $0x80, s10, s29, $0xb8;
	[tilespmem:$0x1E080] =	vst v63  }
0x195: {  	s17 =	simm.s32 $0x6E00;
	s4 =	simm.s32 $0xA580  }
0x196: {  	[spmem:s1] =	stream.indirect.scatter.add.f32 [tilespmem:s17], [sflag:$0x4], $0x80, s4, s29, $0xb8;
	[tilespmem:$0x1E080] =	vst v63  }
0x197: {  	s4 =	simm.s32 $0xA600;
	s17 =	simm.s32 $0x7800  }
0x198: {  	[spmem:s1] =	stream.indirect.scatter.add.f32 [tilespmem:s17], [sflag:$0x4], $0x80, s4, s29, $0xb8;
	[tilespmem:$0x1E080] =	vst v63  }
.Ltmp6:
0x199: {  	s4 =	simm.s32 $0xA680;
	s17 =	simm.s32 $0x8200;
	(pc) =	sbr.rel @p3 .LBB2_3-.Ltmp6, $4  }
0x19a: {  	[spmem:s1] =	stream.indirect.scatter.add.f32 [tilespmem:s17], [sflag:$0x4], $0x80, s4, s29, $0xb8;
	[tilespmem:$0x1E080] =	vst v63  }
0x19b: {  	_ = 	snop  }
0x19c: {  	[spmem:s1] =	stream.indirect.scatter.add.f32 [tilespmem:s5], [sflag:$0x4], $0x80, s22, s29, $0xb8;
	[tilespmem:$0x1E080] =	vst v63  }
0x19d: {  	s19 =	sadd.s32 $0x14000, s19  }
0x19e: {  	s0 =	simm.s32 $0x4600;
	s31 =	simm.s32 $0xA380;
	s30 =	simm.s32 $0x3C00  }
0x19f: {  	[spmem:s1] =	stream.indirect.scatter.add.f32 [tilespmem:s7], [sflag:$0x4], $0x80, s15, s29, $0xb8;
	[tilespmem:$0x1E080] =	vst v63  }
.Ltmp7:
0x1a0: {  	s23 =	simm.s32 $0xA300;
	s8 =	simm.s32 $0x3200;
	(pc) =	sbr.rel @p2 .LBB2_9-.Ltmp7, $4  }
.Ltmp8:
0x1a1: {  	s22 =	simm.s32 $0xA280;
	s21 =	simm.s32 $0x2800;
	(pc) =	sbr.rel @!p2 .LBB2_8-.Ltmp8, $4  }
0x1a2: {  	s17 =	simm.s32 $0xA200;
	s10 =	simm.s32 $0x1E00;
	s19 =	rddreg [dreg:$0x4]  }
0x1a3: {  	s13 =	simm.s32 $0xA180;
	s9 =	simm.s32 $0x1400;
	s16 =	rddreg [dreg:$0xa]  }
0x1a4: {  	s5 =	simm.s32 $0xA100;
	s18 =	simm.s32 $0xA00;
	s2 =	rddreg [dreg:$0x15]  }
0x1a5: {  	_ = 	snop  }
.LBB2_10:
0x1a6: {  	_ =	sfence.sel $0x180000  }
0x1a7: {  	[bflag:$0x0] =	sbarrier.arrive $0xFFFF  }
0x1a8: {  	_ =	strace $0x90000047  }
0x1a9: {  	s0 =	stileid.u32;
	[bflag:$0x2] =	sbarrier.arrive $0xFFFF  }
0x1aa: {  	p0 =	sne.s32 s0, $0x0;
	s0 =	rddreg [dreg:$0x2]  }
0x1ab: {  	s0 =	sadd.s32 @!p0 $0x100000, s0  }
0x1ac: {  	[sflag:s0] =	ssyncadd.tile.s32 @!p0 $0x1;
	_ =	shalt  }
.Lfunc_end2:
_tile_overlayer_lowered:
.L_overlay_start_2:
0x1ad: {  	(tag) =	ssettag $0x2  }
0x1ae: {  	s0 =	rddreg [dreg:$0x0];
	s2 =	stileid.u32  }
0x1af: {  	s1 =	rddreg [dreg:$0x1];
	p0 =	sne.s32 s2, $0x0  }
0x1b0: {  	s3 =	rddreg [dreg:$0x2];
	[bflag:$0x3] =	sbarrier.arrive $0xFFFF;
	s2 =	simm.s32 @!p0 $0x1C05  }
0x1b1: {  	[timem:s3], [sflag:s2] =	dma.local @!p0 [hbm:s0], s1  }
0x1b2: {  	s0 =	simm.s32 @!p0 $0x5  }
0x1b3: {  	_ =	swait.ge @!p0 [sflag:s0], s1  }
0x1b4: {  	s1 =	ssub.s32 @!p0 $0x0, s1;
	[sflag:s0] =	ssyncset.done @!p0 $0x0  }
0x1b5: {  	[sflag:s0] =	ssyncadd.s32 @!p0 s1  }
0x1b6: {  	[bflag:$0x3] =	sbarrier.arrive $0xFFFF  }
0x1b7: {  	_ =	shalt  }

// kernel: kernel.14.cloned.1.call-start
scs
__scs_entry_jumppad:
0x0: {  	(pc) =	sbr.rel $0x88, $3  }
0x1: {  	(tag) =	ssettag $0x0;
	lr =	simm.s32 $0x1  }
0x2: {  	[smem:$0x3F99] =	sst lr;
	_ =	strace $0xD0000000  }
0x3: {  	_ = 	snop  }
0x4: {  	_ = 	snop  }
0x5: {  	_ = 	snop  }
0x6: {  	_ = 	snop  }
0x7: {  	_ = 	snop  }
__scs_overlays_trampoline_lowered:
0x8: {  	[smem:$0x3FA8] =	sst s0  }
0x9: {  	[smem:$0x3FA9] =	sst s1  }
0xa: {  	[smem:$0x3FAA] =	sst s2  }
0xb: {  	[smem:$0x3FAB] =	sst s3  }
0xc: {  	[smem:$0x3FAC] =	sst s4  }
0xd: {  	[smem:$0x3FAD] =	sst s5  }
0xe: {  	[smem:$0x3FAE] =	sst s6  }
0xf: {  	[smem:$0x3FAF] =	sst s7  }
0x10: {  	[smem:$0x3FB0] =	sst s8  }
0x11: {  	[smem:$0x3FB1] =	sst s9;
	s0 =	simm.s32 @!p0 $0x0  }
0x12: {  	s1 =	sld [smem:$0x3F97];
	s0 =	simm.s32 @p0 $0x1  }
0x13: {  	[smem:$0x3FB2] =	sst s0;
	s0 =	simm.s32 @!p1 $0x0  }
0x14: {  	s2 =	sld [smem:$0x3F96];
	s0 =	simm.s32 @p1 $0x1  }
0x15: {  	[smem:$0x3FB3] =	sst s0;
	s0 =	simm.s32 @!p2 $0x0  }
0x16: {  	s3 =	sld [smem:$0x3FDB];
	s0 =	simm.s32 @p2 $0x1  }
0x17: {  	s4 =	simm.s32 $0x1BF5;
	[smem:$0x3FB5] =	sst s0  }
0x18: {  	s0 =	sld [smem:$0x3F98];
	_ =	swait.ge [sflag:s4], $0x0  }
0x19: {  	s7 =	sld [smem:$0x3F99]  }
0x1a: {  	s8 =	sadd.s32 $0xFFFFE003, lr  }
0x1b: {  	s9 =	sadd.s32 $0xFFFFFEF7, lr;
	s5 =	simm.s32 $0xFFFFFFFF;
	p2 =	slt.u32 s8, $0xFFFFF086  }
0x1c: {  	p1 =	slt.u32 s9, $0xF7A;
	s5 =	simm.s32 @!p2 $0x0  }
0x1d: {  	s5 =	simm.s32 @p1 $0x1;
	p0 =	seq.s32 s7, s2  }
0x1e: {  	s7 =	smul.u32 @!p0 $0xF7A, s2;
	p2 =	seq.s32 @!p0 s5, $0x0  }
0x1f: {  	s9 =	smul.u32 $0xF7A, s1;
	s8 =	simm.s32 @!p0 $0x1BF5;
	p2 =	por !p2, p0  }
0x20: {  	[sflag:s8] =	ssyncset.s32 @!p0 $0xFFFFF086;
	s6 =	sadd.s32 @!p0 s3, s7;
	s7 =	simm.s32 @!p0 $0x108  }
0x21: {  	s3 =	sadd.s32 s3, s9;
	s6 =	sadd.s32 @!p0 $0x88, s6;
	s7 =	simm.s32 @p2 $0x1082  }
0x22: {  	[simem:s7], [sflag:s8] =	dma.local @!p0 [hbm:s6], $0xF7A  }
0x23: {  	s9 =	sor.u32 $0xD0000000, s2;
	s6 =	simm.s32 $0x108;
	_ =	swait.ge @!p0 [sflag:s8], $0x0  }
0x24: {  	s3 =	sadd.s32 $0x88, s3;
	s6 =	simm.s32 @!p1 $0x1082;
	[sflag:s4] =	ssyncset.s32 $0xFFFFF086  }
0x25: {  	[simem:s6], [sflag:s4] =	dma.local [hbm:s3], $0xF7A  }
0x26: {  	[smem:$0x3F99] =	sst s1;
	(tag) =	ssettag s2;
	_ =	strace s9  }
0x27: {  	s1 =	sld [smem:$0x3FA9]  }
0x28: {  	s2 =	sld [smem:$0x3FAA]  }
0x29: {  	s4 =	sld [smem:$0x3FAC]  }
0x2a: {  	p0 =	seq.s32 s5, $0x0;
	s5 =	sld [smem:$0x3FAD]  }
0x2b: {  	s6 =	sld [smem:$0x3FAE]  }
0x2c: {  	s7 =	sld [smem:$0x3FAF]  }
0x2d: {  	s3 =	simm.s32 $0x108;
	s8 =	sld [smem:$0x3FB0]  }
0x2e: {  	s3 =	simm.s32 @!p0 $0x1082;
	s9 =	sld [smem:$0x3FB1]  }
0x2f: {  	lr =	sadd.s32 s0, s3;
	s0 =	sld [smem:$0x3FA8]  }
0x30: {  	s3 =	sld [smem:$0x3FAB]  }
0x31: {  	[smem:$0x3FB4] =	sst s10  }
0x32: {  	s10 =	sld [smem:$0x3FB2];
	_ =	sdelay $0x3  }
0x33: {  	p0 =	seq.s32 s10, $0x1;
	s10 =	sld [smem:$0x3FB4];
	_ =	sdelay $0x3  }
0x34: {  	[smem:$0x3FB4] =	sst s10  }
0x35: {  	s10 =	sld [smem:$0x3FB3];
	_ =	sdelay $0x3  }
0x36: {  	p1 =	seq.s32 s10, $0x1;
	s10 =	sld [smem:$0x3FB4];
	_ =	sdelay $0x3  }
0x37: {  	[smem:$0x3FB4] =	sst s10  }
0x38: {  	s10 =	sld [smem:$0x3FB5]  }
0x39: {  	_ = 	snop;
	(pc) =	sbr.ind lr, $3  }
0x3a: {  	_ = 	snop  }
0x3b: {  	_ = 	snop  }
0x3c: {  	p2 =	seq.s32 s10, $0x1;
	s10 =	sld [smem:$0x3FB4]  }
0x3d: {  	_ =	shalt  }
0x3e: {  	_ =	shalt  }
0x3f: {  	_ =	shalt  }
0x40: {  	_ =	shalt  }
0x41: {  	_ =	shalt  }
0x42: {  	_ =	shalt  }
0x43: {  	_ =	shalt  }
0x44: {  	_ =	shalt  }
0x45: {  	_ =	shalt  }
0x46: {  	_ =	shalt  }
0x47: {  	_ =	shalt  }
0x48: {  	_ =	shalt  }
0x49: {  	_ =	shalt  }
0x4a: {  	_ =	shalt  }
0x4b: {  	_ =	shalt  }
0x4c: {  	_ =	shalt  }
0x4d: {  	_ =	shalt  }
0x4e: {  	_ =	shalt  }
0x4f: {  	_ =	shalt  }
0x50: {  	_ =	shalt  }
0x51: {  	_ =	shalt  }
0x52: {  	_ =	shalt  }
0x53: {  	_ =	shalt  }
0x54: {  	_ =	shalt  }
0x55: {  	_ =	shalt  }
0x56: {  	_ =	shalt  }
0x57: {  	_ =	shalt  }
0x58: {  	_ =	shalt  }
0x59: {  	_ =	shalt  }
0x5a: {  	_ =	shalt  }
0x5b: {  	_ =	shalt  }
0x5c: {  	_ =	shalt  }
0x5d: {  	_ =	shalt  }
0x5e: {  	_ =	shalt  }
0x5f: {  	_ =	shalt  }
0x60: {  	_ =	shalt  }
0x61: {  	_ =	shalt  }
0x62: {  	_ =	shalt  }
0x63: {  	_ =	shalt  }
0x64: {  	_ =	shalt  }
0x65: {  	_ =	shalt  }
0x66: {  	_ =	shalt  }
0x67: {  	_ =	shalt  }
0x68: {  	_ =	shalt  }
0x69: {  	_ =	shalt  }
0x6a: {  	_ =	shalt  }
0x6b: {  	_ =	shalt  }
0x6c: {  	_ =	shalt  }
0x6d: {  	_ =	shalt  }
0x6e: {  	_ =	shalt  }
0x6f: {  	_ =	shalt  }
0x70: {  	_ =	shalt  }
0x71: {  	_ =	shalt  }
0x72: {  	_ =	shalt  }
0x73: {  	_ =	shalt  }
0x74: {  	_ =	shalt  }
0x75: {  	_ =	shalt  }
0x76: {  	_ =	shalt  }
0x77: {  	_ =	shalt  }
0x78: {  	_ =	shalt  }
0x79: {  	_ =	shalt  }
0x7a: {  	_ =	shalt  }
0x7b: {  	_ =	shalt  }
0x7c: {  	_ =	shalt  }
0x7d: {  	_ =	shalt  }
0x7e: {  	_ =	shalt  }
0x7f: {  	_ =	shalt  }
0x80: {  	_ =	shalt  }
0x81: {  	_ =	shalt  }
0x82: {  	_ =	shalt  }
0x83: {  	_ =	shalt  }
0x84: {  	_ =	shalt  }
0x85: {  	_ =	shalt  }
0x86: {  	_ =	shalt  }
0x87: {  	_ =	shalt  }
.Lfunc_end0:
.L_simem_size_0:
called_computation.2_lowered:
.L_overlay_start_0:
0x88: {  	s2 =	sld [smem:$0x3FD9]  }
0x89: {  	s3 =	sld [smem:$0x3FFE];
	_ =	sdelay $0x1  }
0x8a: {  	s1 =	srdreg.scid  }
0x8b: {  	s0 =	sand.u32 $0x1, s1  }
0x8c: {  	s17 =	sshll.u32 s0, $0xA;
	s2 =	sadd.s32 s3, s2  }
0x8d: {  	s2 =	sadd.s32 s2, s17  }
0x8e: {  	[smem:$0x3FC0] =	sst s2  }
0x8f: {  	_ = 	snop  }
0x90: {  	s2 =	sld [smem:$0x3FD0];
	(tm) =	ssettm $0x1  }
0x91: {  	s18 =	sld [smem:$0x3FFB];
	_ =	sdelay $0x3  }
0x92: {  	_ =	strace s18  }
0x93: {  	s3 =	sld [smem:$0x3FFC];
	_ =	sdelay $0x3  }
0x94: {  	_ =	strace s3  }
0x95: {  	s3 =	sld [smem:$0x3FFD];
	_ =	sdelay $0x3  }
0x96: {  	_ =	strace s3  }
0x97: {  	_ =	strace $0x8FFFFFFF  }
0x98: {  	s19 =	sld [smem:$0x3FDB];
	_ =	sdelay $0x1  }
0x99: {  	s4 =	simm.s32 $_scs_section_size  }
0x9a: {  	s5 =	simm.s32 $_size__tile_overlayer_lowered;
	s6 =	simm.s32 $_tile_overlayer_lowered  }
0x9b: {  	s22 =	simm.s32 $0x1BFF;
	s21 =	sshll.u32 s6, $0x1;
	s3 =	sadd.s32 s4, s19  }
0x9c: {  	s7 =	simm.s32 $0x0;
	s20 =	sshll.u32 s5, $0x1;
	s5 =	sadd.s32 s21, s3  }
0x9d: {  	[timem:s7], [sflag:s22] =	dma.local [hbm:s5], s20  }
0x9e: {  	_ =	swait.ge [sflag:s22], s20  }
0x9f: {  	s4 =	ssub.s32 $0x0, s20;
	[sflag:s22] =	ssyncset.done $0x0  }
0xa0: {  	[sflag:s22] =	ssyncadd.s32 s4;
	_ =	sdelay $0x1  }
0xa1: {  	s23 =	simm.s32 $0x1B8B  }
0xa2: {  	_ =	swait.ge [sflag:s23], $0x1  }
0xa3: {  	[sflag:s23] =	ssyncset.done $0x0  }
0xa4: {  	s25 =	simm.s32 $0x1B8E;
	s24 =	sld [smem:$0x3FFE];
	[sflag:s23] =	ssyncadd.s32 $0xFFFFFFFF  }
0xa5: {  	s26 =	simm.s32 $execute0_lowered;
	[smem:$0x3FD2] =	sst s25  }
0xa6: {  	s5 =	sshll.u32 s26, $0x1;
	_ =	strace $0x8000004C;
	[dreg:$0x1] =	wrdreg $0xFFFFFFFF  }
0xa7: {  	s28 =	simm.s32 $_size_execute0_lowered;
	s3 =	sadd.s32 s3, s5;
	[dreg:$0x0] =	wrdreg $0x0  }
0xa8: {  	s5 =	sshll.u32 s28, $0x1;
	[dreg:$0x2] =	wrdreg s3  }
0xa9: {  	[dreg:$0x3] =	wrdreg s5  }
0xaa: {  	[dreg:$0x4] =	wrdreg $0xC0  }
0xab: {  	_ =	task [dreg:s7], $0x5FFFF  }
0xac: {  	[dreg:$0x1] =	wrdreg $0xFFFFFFFF  }
0xad: {  	[dreg:$0x0] =	wrdreg $0x60  }
0xae: {  	[dreg:$0x2] =	wrdreg s24  }
0xaf: {  	[dreg:$0x3] =	wrdreg s2  }
0xb0: {  	[dreg:$0x4] =	wrdreg $0xA8000  }
0xb1: {  	[dreg:$0x5] =	wrdreg $0x9  }
0xb2: {  	_ =	task.clear_ibuf [dreg:s7], $0x6FFFF;
	_ =	strace $0x9000004C  }
0xb3: {  	s29 =	simm.s32 $0x9;
	_ =	strace $0x8000004E  }
0xb4: {  	_ =	swait.ge [sflag:s29], $0x1  }
0xb5: {  	[sflag:s29] =	ssyncadd.s32 $0xFFFFFFFF  }
0xb6: {  	_ =	strace $0x9000004E  }
0xb7: {  	_ =	sfence  }
0xb8: {  	s30 =	sld [smem:$0x0];
	_ =	sdelay $0x2  }
0xb9: {  	s31 =	sshll.u32 s1, $0xD;
	s1 =	sshrl.u32 s1, $0x2  }
0xba: {  	s3 =	sand.u32 $0x4000, s31;
	s1 =	sadd.s32 s1, s30  }
0xbb: {  	s0 =	sor.u32 s3, s0;
	s1 =	sshll.u32 s1, $0x11  }
0xbc: {  	s0 =	sor.u32 s1, s0  }
0xbd: {  	s0 =	sadd.s32 $0x8F2B, s0  }
0xbe: {  	[sflag:s0] =	ssyncadd.remote.s32 $0x1  }
0xbf: {  	_ =	sfence.sel $0xFFFF  }
0xc0: {  	[dreg:$0x0] =	wrdreg $0xFFFFFFFF;
	(pc) =	sbr.abs _section_cstart, $3  }
0xc1: {  	[dreg:$0x1] =	wrdreg $0xFFFFFFFF  }
0xc2: {  	_ =	task.clear_ibuf [dreg:s7], $0x2FFFF;
	_ =	strace $0x9FFFFFFF  }
0xc3: {  	(tm) =	ssettm $0x7FFFFFFF  }
tec
execute0_lowered:
.L_overlay_start_1:
0x0: {  	(tag) =	ssettag $0x1  }
0x1: {  	s0 =	rddreg [dreg:$0x0]  }
0x2: {  	s1 =	rddreg [dreg:$0x1]  }
0x3: {  	s2 =	rddreg [dreg:$0x2];
	s3 =	simm.s32 $0x0;
	s16 =	stileid.u32  }
0x4: {  	s4 =	srdreg.scid;
	s24 =	simm.s32 $0xA080;
	s26 =	simm.s32 $0xA00  }
0x5: {  	s13 =	simm.s32 $0xA180;
	s15 =	simm.s32 $0x1E00;
	s18 =	simm.s32 $0xA200  }
0x6: {  	s19 =	simm.s32 $0x2800;
	s20 =	simm.s32 $0xA280;
	s28 =	simm.s32 $0x8C00  }
0x7: {  	s29 =	simm.s32 $0xA780;
	s30 =	simm.s32 $0x9600;
	[smem:$0x7FF] =	sst s3  }
0x8: {  	s31 =	simm.s32 $0x1;
	_ =	strace $0x8000004D;
	[dreg:$0x5] =	wrdreg s24  }
0x9: {  	s5 =	smul.u32 $0x2700, s16;
	s4 =	sand.u32 $0x1, s4;
	[dreg:$0x6] =	wrdreg s26  }
0xa: {  	s7 =	smul.u32 $0x4E000, s16;
	s21 =	sshll.u32 s16, $0x1;
	[dreg:$0x9] =	wrdreg s13  }
0xb: {  	s9 =	sshll.u32 s16, $0x8;
	s10 =	sshll.u32 s16, $0x6;
	[dreg:$0xa] =	wrdreg s15  }
0xc: {  	s17 =	smul.u32 $0x1400, s16;
	p0 =	sgt.u32 s16, $0x7;
	[dreg:$0xb] =	wrdreg s18  }
0xd: {  	s6 =	ssub.s32 $0x2, s4;
	s11 =	sshll.u32 s4, $0x7;
	[dreg:$0xc] =	wrdreg s19  }
0xe: {  	s22 =	sor.u32 $0x1C05, s10;
	s10 =	simm.s32 $0xA100;
	[dreg:$0xd] =	wrdreg s20  }
0xf: {  	s24 =	simm.s32 $0x3C00;
	s26 =	simm.s32 $0x4600;
	s13 =	simm.s32 $0x14  }
0x10: {  	s15 =	simm.s32 $0x5000;
	s18 =	simm.s32 $0xA500;
	s19 =	simm.s32 $0x6400  }
0x11: {  	s20 =	simm.s32 $0xA580;
	s5 =	sadd.s32 s5, s0;
	[dreg:$0x14] =	wrdreg s22  }
0x12: {  	s0 =	sadd.s32 $0x2800, s0;
	s8 =	sshrl.u32 s6, $0x1;
	[dreg:$0x7] =	wrdreg s10  }
0x13: {  	s7 =	sshrl.u32 s7, $0x2;
	s22 =	simm.s32 $0xA300;
	[dreg:$0x10] =	wrdreg s24  }
0x14: {  	[dreg:$0x12] =	wrdreg s26;
	s24 =	simm.s32 $0xA680;
	s26 =	simm.s32 $0xA700  }
0x15: {  	s6 =	ssub.s32 s6, s8;
	s8 =	sor.u32 s4, s21;
	s7 =	sadd.s32 s7, s2  }
0x16: {  	s9 =	sadd.s32 s9, s0;
	s5 =	sadd.s32 $0x41000, s5;
	s4 =	smul.u32 $0xA00, s4  }
0x17: {  	s21 =	simm.s32 $0x3200;
	[dreg:$0xf] =	wrdreg s22;
	s22 =	simm.s32 $0xA600  }
0x18: {  	[dreg:$0x13] =	wrdreg s5;
	s23 =	sadd.s32 s11, s9;
	s8 =	sor.u32 $0x7C0, s8  }
0x19: {  	s11 =	simm.s32 $0x1400;
	s14 =	smax.u32 s6, $0x1;
	[dreg:$0xe] =	wrdreg s21  }
0x1a: {  	s21 =	simm.s32 $0x6E00;
	s5 =	simm.s32 $0x0;
	[dreg:$0x4] =	wrdreg s23  }
0x1b: {  	s25 =	sshll.u32 s8, $0x7;
	s8 =	smul.u32 $0xA00, s8;
	[dreg:$0x8] =	wrdreg s11  }
0x1c: {  	[dreg:$0x17] =	wrdreg s14;
	s23 =	sshrl.u32 s7, $0x3;
	s11 =	simm.s32 $0x5  }
0x1d: {  	s14 =	simm.s32 $0xA400;
	s0 =	sadd.s32 s0, s25;
	[dreg:$0x19] =	wrdreg s23  }
0x1e: {  	s25 =	simm.s32 $0xA380;
	s23 =	simm.s32 $0x7800;
	[dreg:$0x15] =	wrdreg s0  }
0x1f: {  	s12 =	sadd.s32 s1, s8;
	s1 =	sadd.s32 s17, s1;
	[dreg:$0x11] =	wrdreg s25  }
0x20: {  	s8 =	simm.s32 $0xA480;
	s17 =	simm.s32 $0x5A00;
	s1 =	sadd.s32 s4, s1  }
0x21: {  	s25 =	simm.s32 $0x8200;
	[dreg:$0x16] =	wrdreg s12;
	s1 =	sadd.s32 $0x14000, s1  }
0x22: {  	s0 =	simm.s32 $0x2;
	s12 =	simm.s32 $0xA000;
	[dreg:$0x18] =	wrdreg s1  }
.LBB2_1:
0x23: {  	[dreg:$0x1a] =	wrdreg s5  }
0x24: {  	s1 =	rddreg [dreg:$0x13]  }
0x25: {  	s4 =	rddreg [dreg:$0x14]  }
0x26: {  	s16 =	rddreg [dreg:$0x19]  }
0x27: {  	[spmem:s16], [sflag:s4] =	dma.local [hbm:s1], $0x2800  }
0x28: {  	_ =	swait.ge [sflag:s11], $0x2800  }
0x29: {  	[sflag:s11] =	ssyncset.done $0x0  }
0x2a: {  	p1 =	por $0x1, $0x1;
	[sflag:s11] =	ssyncadd.s32 $0xFFFFD800  }
0x2b: {  	s6 =	simm.s32 @!p1 $0x3;
	[bflag:$0x0] =	sbarrier.arrive $0xFFFF  }
0x2c: {  	_ =	swait.ge @!p1 [sflag:s6], $0x5000  }
0x2d: {  	s7 =	rddreg [dreg:$0x4];
	[sflag:s6] =	ssyncset.done @!p1 $0x0  }
0x2e: {  	[sflag:s6] =	ssyncadd.s32 @!p1 $0xFFFFB000;
	s6 =	sadd.s32 $0x0, s7  }
0x2f: {  	[tilespmem:s12], [sflag:$0x5] =	stream.linear.gather [hbm4b:s6+s3], $0x400, $0x38;
	[tilespmem:$0x1E080] =	vst v63  }
0x30: {  	_ =	swait.ge [sflag:s11], $0x400  }
0x31: {  	s1 =	rddreg [dreg:$0x7]  }
0x32: {  	s9 =	rddreg [dreg:$0x5]  }
0x33: {  	s10 =	rddreg [dreg:$0x6]  }
0x34: {  	[sflag:s11] =	ssyncset.done $0x0;
	s16 =	rddreg [dreg:$0x8]  }
0x35: {  	s4 =	rddreg [dreg:$0x9];
	[sflag:s11] =	ssyncadd.s32 $0xFFFFFC00  }
0x36: {  	[tilespmem:s3], [sflag:$0x1] =	stream.indirect.gather [spmem:s2], $0x80, s12, s13, $0xb8;
	[tilespmem:$0x1E080] =	vst v63  }
0x37: {  	s5 =	rddreg [dreg:$0xa]  }
0x38: {  	[tilespmem:s10], [sflag:$0x1] =	stream.indirect.gather [spmem:s2], $0x80, s9, s13, $0xb8;
	[tilespmem:$0x1E080] =	vst v63  }
0x39: {  	s7 =	rddreg [dreg:$0xc]  }
0x3a: {  	[tilespmem:s16], [sflag:$0x1] =	stream.indirect.gather [spmem:s2], $0x80, s1, s13, $0xb8;
	[tilespmem:$0x1E080] =	vst v63  }
0x3b: {  	s16 =	rddreg [dreg:$0xb]  }
0x3c: {  	[tilespmem:s5], [sflag:$0x1] =	stream.indirect.gather [spmem:s2], $0x80, s4, s13, $0xb8;
	[tilespmem:$0x1E080] =	vst v63  }
0x3d: {  	s4 =	rddreg [dreg:$0xe]  }
0x3e: {  	s5 =	rddreg [dreg:$0xd]  }
0x3f: {  	[tilespmem:s7], [sflag:$0x1] =	stream.indirect.gather [spmem:s2], $0x80, s16, s13, $0xb8;
	[tilespmem:$0x1E080] =	vst v63  }
0x40: {  	s7 =	rddreg [dreg:$0x10]  }
0x41: {  	s16 =	rddreg [dreg:$0xf]  }
0x42: {  	[tilespmem:s4], [sflag:$0x1] =	stream.indirect.gather [spmem:s2], $0x80, s5, s13, $0xb8;
	[tilespmem:$0x1E080] =	vst v63  }
0x43: {  	s4 =	rddreg [dreg:$0x12]  }
0x44: {  	[tilespmem:s7], [sflag:$0x1] =	stream.indirect.gather [spmem:s2], $0x80, s16, s13, $0xb8;
	[tilespmem:$0x1E080] =	vst v63  }
0x45: {  	s1 =	simm.s32 @!p1 $0x4;
	s5 =	rddreg [dreg:$0x11]  }
0x46: {  	[tilespmem:s4], [sflag:$0x1] =	stream.indirect.gather [spmem:s2], $0x80, s5, s13, $0xb8;
	[tilespmem:$0x1E080] =	vst v63  }
0x47: {  	_ =	swait.ge @!p1 [sflag:s1], $0x5000  }
0x48: {  	[sflag:s1] =	ssyncset.done @!p1 $0x0  }
0x49: {  	s16 =	sadd.s32 $0x1000, s6;
	[sflag:s1] =	ssyncadd.s32 @!p1 $0xFFFFB000  }
0x4a: {  	[tilespmem:s14], [sflag:$0x5] =	stream.linear.gather [hbm4b:s16+s3], $0x400, $0x38;
	[tilespmem:$0x1E080] =	vst v63  }
0x4b: {  	_ =	swait.ge [sflag:s11], $0x400  }
0x4c: {  	[sflag:s11] =	ssyncset.done $0x0  }
0x4d: {  	[sflag:s11] =	ssyncadd.s32 $0xFFFFFC00  }
0x4e: {  	[tilespmem:s15], [sflag:$0x2] =	stream.indirect.gather [spmem:s2], $0x80, s14, s13, $0xb8;
	[tilespmem:$0x1E080] =	vst v63  }
0x4f: {  	_ = 	snop  }
0x50: {  	[tilespmem:s17], [sflag:$0x2] =	stream.indirect.gather [spmem:s2], $0x80, s8, s13, $0xb8;
	[tilespmem:$0x1E080] =	vst v63  }
0x51: {  	_ = 	snop  }
0x52: {  	[tilespmem:s19], [sflag:$0x2] =	stream.indirect.gather [spmem:s2], $0x80, s18, s13, $0xb8;
	[tilespmem:$0x1E080] =	vst v63  }
0x53: {  	_ = 	snop  }
0x54: {  	[tilespmem:s21], [sflag:$0x2] =	stream.indirect.gather [spmem:s2], $0x80, s20, s13, $0xb8;
	[tilespmem:$0x1E080] =	vst v63  }
0x55: {  	_ = 	snop  }
0x56: {  	[tilespmem:s23], [sflag:$0x2] =	stream.indirect.gather [spmem:s2], $0x80, s22, s13, $0xb8;
	[tilespmem:$0x1E080] =	vst v63  }
0x57: {  	_ = 	snop  }
0x58: {  	[tilespmem:s25], [sflag:$0x2] =	stream.indirect.gather [spmem:s2], $0x80, s24, s13, $0xb8;
	[tilespmem:$0x1E080] =	vst v63  }
0x59: {  	_ = 	snop  }
0x5a: {  	[tilespmem:s28], [sflag:$0x2] =	stream.indirect.gather [spmem:s2], $0x80, s26, s13, $0xb8;
	[tilespmem:$0x1E080] =	vst v63  }
0x5b: {  	_ = 	snop  }
0x5c: {  	[tilespmem:s30], [sflag:$0x2] =	stream.indirect.gather [spmem:s2], $0x80, s29, s13, $0xb8;
	[tilespmem:$0x1E080] =	vst v63  }
0x5d: {  	_ =	swait.ge [sflag:s31], $0xA00  }
0x5e: {  	[sflag:s31] =	ssyncset.done $0x0  }
0x5f: {  	[sflag:s31] =	ssyncadd.s32 $0xFFFFF600  }
0x60: {  	_ =	swait.ge [sflag:s31], $0xA00  }
0x61: {  	[sflag:s31] =	ssyncset.done $0x0  }
0x62: {  	[sflag:s31] =	ssyncadd.s32 $0xFFFFF600  }
0x63: {  	_ =	swait.ge [sflag:s31], $0xA00  }
0x64: {  	[sflag:s31] =	ssyncset.done $0x0  }
0x65: {  	[sflag:s31] =	ssyncadd.s32 $0xFFFFF600  }
0x66: {  	_ =	swait.ge [sflag:s31], $0xA00  }
0x67: {  	[sflag:s31] =	ssyncset.done $0x0  }
0x68: {  	[sflag:s31] =	ssyncadd.s32 $0xFFFFF600  }
0x69: {  	_ =	swait.ge [sflag:s31], $0xA00  }
0x6a: {  	[sflag:s31] =	ssyncset.done $0x0  }
0x6b: {  	[sflag:s31] =	ssyncadd.s32 $0xFFFFF600  }
0x6c: {  	_ =	swait.ge [sflag:s31], $0xA00  }
0x6d: {  	[sflag:s31] =	ssyncset.done $0x0  }
0x6e: {  	[sflag:s31] =	ssyncadd.s32 $0xFFFFF600  }
0x6f: {  	_ =	swait.ge [sflag:s31], $0xA00  }
0x70: {  	[sflag:s31] =	ssyncset.done $0x0  }
0x71: {  	[sflag:s31] =	ssyncadd.s32 $0xFFFFF600  }
0x72: {  	_ =	swait.ge [sflag:s31], $0xA00  }
0x73: {  	[sflag:s31] =	ssyncset.done $0x0;
	s9 =	rddreg [dreg:$0x18]  }
0x74: {  	[sflag:s31] =	ssyncadd.s32 $0xFFFFF600;
	s20 =	sadd.s32 $0xFFFEC000, s9  }
0x75: {  	[hbm4b:s20+s3] =	stream.linear.scatter [tilespmem:s3], [sflag:$0x3], $0x5000, $0x38;
	[tilespmem:$0x1E080] =	vst v63  }
0x76: {  	_ =	swait.ge [sflag:s0], $0xA00  }
0x77: {  	[sflag:s0] =	ssyncset.done $0x0  }
0x78: {  	[sflag:s0] =	ssyncadd.s32 $0xFFFFF600  }
0x79: {  	_ =	swait.ge [sflag:s0], $0xA00  }
0x7a: {  	[sflag:s0] =	ssyncset.done $0x0  }
0x7b: {  	[sflag:s0] =	ssyncadd.s32 $0xFFFFF600  }
0x7c: {  	_ =	swait.ge [sflag:s0], $0xA00  }
0x7d: {  	[sflag:s0] =	ssyncset.done $0x0  }
0x7e: {  	[sflag:s0] =	ssyncadd.s32 $0xFFFFF600  }
0x7f: {  	_ =	swait.ge [sflag:s0], $0xA00  }
0x80: {  	[sflag:s0] =	ssyncset.done $0x0  }
0x81: {  	[sflag:s0] =	ssyncadd.s32 $0xFFFFF600  }
0x82: {  	_ =	swait.ge [sflag:s0], $0xA00  }
0x83: {  	[sflag:s0] =	ssyncset.done $0x0  }
0x84: {  	[sflag:s0] =	ssyncadd.s32 $0xFFFFF600  }
0x85: {  	_ =	swait.ge [sflag:s0], $0xA00  }
0x86: {  	[sflag:s0] =	ssyncset.done $0x0  }
0x87: {  	s7 =	simm.s32 $0x2000;
	s6 =	smov.u32 s9;
	[sflag:s0] =	ssyncadd.s32 $0xFFFFF600  }
.LBB2_2:
0x88: {  	_ =	swait.ge [sflag:s0], $0xA00  }
0x89: {  	[sflag:s0] =	ssyncset.done $0x0  }
0x8a: {  	[sflag:s0] =	ssyncadd.s32 $0xFFFFF600  }
0x8b: {  	s1 =	smov.u32 s7;
	_ =	swait.ge [sflag:s0], $0xA00  }
0x8c: {  	p2 =	seq.s32 s1, $0x0;
	[sflag:s0] =	ssyncset.done $0x0  }
0x8d: {  	s10 =	simm.s32 @!p2 $0x3;
	[sflag:s0] =	ssyncadd.s32 $0xFFFFF600  }
0x8e: {  	[hbm4b:s9+s3] =	stream.linear.scatter [tilespmem:s15], [sflag:$0x4], $0x5000, $0x38;
	[tilespmem:$0x1E080] =	vst v63  }
0x8f: {  	_ =	swait.ge @!p2 [sflag:s10], $0x5000  }
0x90: {  	[sflag:s10] =	ssyncset.done @!p2 $0x0;
	s4 =	rddreg [dreg:$0x4]  }
0x91: {  	[sflag:s10] =	ssyncadd.s32 @!p2 $0xFFFFB000;
	s1 =	sadd.s32 s1, s4  }
0x92: {  	[tilespmem:s12], [sflag:$0x5] =	stream.linear.gather [hbm4b:s1+s3], $0x400, $0x38;
	[tilespmem:$0x1E080] =	vst v63  }
0x93: {  	_ =	swait.ge [sflag:s11], $0x400  }
0x94: {  	s4 =	rddreg [dreg:$0x12]  }
0x95: {  	s10 =	rddreg [dreg:$0x10]  }
0x96: {  	s8 =	rddreg [dreg:$0xe]  }
0x97: {  	s5 =	rddreg [dreg:$0xc]  }
0x98: {  	s16 =	rddreg [dreg:$0x9]  }
0x99: {  	[sflag:s11] =	ssyncset.done $0x0;
	s17 =	rddreg [dreg:$0x7]  }
0x9a: {  	s18 =	rddreg [dreg:$0x5];
	[sflag:s11] =	ssyncadd.s32 $0xFFFFFC00  }
0x9b: {  	[tilespmem:s3], [sflag:$0x1] =	stream.indirect.gather [spmem:s2], $0x80, s12, s13, $0xb8;
	[tilespmem:$0x1E080] =	vst v63  }
0x9c: {  	s19 =	rddreg [dreg:$0x6]  }
0x9d: {  	[tilespmem:s19], [sflag:$0x1] =	stream.indirect.gather [spmem:s2], $0x80, s18, s13, $0xb8;
	[tilespmem:$0x1E080] =	vst v63  }
0x9e: {  	s20 =	rddreg [dreg:$0x8]  }
0x9f: {  	[tilespmem:s20], [sflag:$0x1] =	stream.indirect.gather [spmem:s2], $0x80, s17, s13, $0xb8;
	[tilespmem:$0x1E080] =	vst v63  }
0xa0: {  	s18 =	rddreg [dreg:$0xa]  }
0xa1: {  	[tilespmem:s18], [sflag:$0x1] =	stream.indirect.gather [spmem:s2], $0x80, s16, s13, $0xb8;
	[tilespmem:$0x1E080] =	vst v63  }
0xa2: {  	s17 =	rddreg [dreg:$0xb]  }
0xa3: {  	[tilespmem:s5], [sflag:$0x1] =	stream.indirect.gather [spmem:s2], $0x80, s17, s13, $0xb8;
	[tilespmem:$0x1E080] =	vst v63  }
0xa4: {  	s16 =	rddreg [dreg:$0xd]  }
0xa5: {  	[tilespmem:s8], [sflag:$0x1] =	stream.indirect.gather [spmem:s2], $0x80, s16, s13, $0xb8;
	[tilespmem:$0x1E080] =	vst v63  }
0xa6: {  	s5 =	rddreg [dreg:$0xf]  }
0xa7: {  	[tilespmem:s10], [sflag:$0x1] =	stream.indirect.gather [spmem:s2], $0x80, s5, s13, $0xb8;
	[tilespmem:$0x1E080] =	vst v63  }
0xa8: {  	s16 =	rddreg [dreg:$0x11];
	s5 =	simm.s32 @!p2 $0x4  }
0xa9: {  	[tilespmem:s4], [sflag:$0x1] =	stream.indirect.gather [spmem:s2], $0x80, s16, s13, $0xb8;
	[tilespmem:$0x1E080] =	vst v63  }
0xaa: {  	_ =	swait.ge @!p2 [sflag:s5], $0x5000  }
0xab: {  	[sflag:s5] =	ssyncset.done @!p2 $0x0  }
0xac: {  	s1 =	sadd.s32 $0x1000, s1;
	[sflag:s5] =	ssyncadd.s32 @!p2 $0xFFFFB000  }
0xad: {  	[tilespmem:s14], [sflag:$0x5] =	stream.linear.gather [hbm4b:s1+s3], $0x400, $0x38;
	[tilespmem:$0x1E080] =	vst v63  }
0xae: {  	_ =	swait.ge [sflag:s11], $0x400  }
0xaf: {  	[sflag:s11] =	ssyncset.done $0x0  }
0xb0: {  	[sflag:s11] =	ssyncadd.s32 $0xFFFFFC00  }
0xb1: {  	[tilespmem:s15], [sflag:$0x2] =	stream.indirect.gather [spmem:s2], $0x80, s14, s13, $0xb8;
	[tilespmem:$0x1E080] =	vst v63  }
0xb2: {  	s17 =	simm.s32 $0x5A00;
	s8 =	simm.s32 $0xA480  }
0xb3: {  	[tilespmem:s17], [sflag:$0x2] =	stream.indirect.gather [spmem:s2], $0x80, s8, s13, $0xb8;
	[tilespmem:$0x1E080] =	vst v63  }
0xb4: {  	s19 =	simm.s32 $0x6400;
	s18 =	simm.s32 $0xA500  }
0xb5: {  	[tilespmem:s19], [sflag:$0x2] =	stream.indirect.gather [spmem:s2], $0x80, s18, s13, $0xb8;
	[tilespmem:$0x1E080] =	vst v63  }
0xb6: {  	s20 =	simm.s32 $0xA580  }
0xb7: {  	[tilespmem:s21], [sflag:$0x2] =	stream.indirect.gather [spmem:s2], $0x80, s20, s13, $0xb8;
	[tilespmem:$0x1E080] =	vst v63  }
0xb8: {  	_ = 	snop  }
0xb9: {  	[tilespmem:s23], [sflag:$0x2] =	stream.indirect.gather [spmem:s2], $0x80, s22, s13, $0xb8;
	[tilespmem:$0x1E080] =	vst v63  }
0xba: {  	_ = 	snop  }
0xbb: {  	[tilespmem:s25], [sflag:$0x2] =	stream.indirect.gather [spmem:s2], $0x80, s24, s13, $0xb8;
	[tilespmem:$0x1E080] =	vst v63  }
0xbc: {  	_ = 	snop  }
0xbd: {  	[tilespmem:s28], [sflag:$0x2] =	stream.indirect.gather [spmem:s2], $0x80, s26, s13, $0xb8;
	[tilespmem:$0x1E080] =	vst v63  }
0xbe: {  	_ = 	snop  }
0xbf: {  	[tilespmem:s30], [sflag:$0x2] =	stream.indirect.gather [spmem:s2], $0x80, s29, s13, $0xb8;
	[tilespmem:$0x1E080] =	vst v63  }
0xc0: {  	_ =	swait.ge [sflag:s31], $0xA00  }
0xc1: {  	[sflag:s31] =	ssyncset.done $0x0  }
0xc2: {  	[sflag:s31] =	ssyncadd.s32 $0xFFFFF600  }
0xc3: {  	_ =	swait.ge [sflag:s31], $0xA00  }
0xc4: {  	[sflag:s31] =	ssyncset.done $0x0  }
0xc5: {  	[sflag:s31] =	ssyncadd.s32 $0xFFFFF600  }
0xc6: {  	_ =	swait.ge [sflag:s31], $0xA00  }
0xc7: {  	[sflag:s31] =	ssyncset.done $0x0  }
0xc8: {  	[sflag:s31] =	ssyncadd.s32 $0xFFFFF600  }
0xc9: {  	_ =	swait.ge [sflag:s31], $0xA00  }
0xca: {  	[sflag:s31] =	ssyncset.done $0x0  }
0xcb: {  	[sflag:s31] =	ssyncadd.s32 $0xFFFFF600  }
0xcc: {  	_ =	swait.ge [sflag:s31], $0xA00  }
0xcd: {  	[sflag:s31] =	ssyncset.done $0x0  }
0xce: {  	[sflag:s31] =	ssyncadd.s32 $0xFFFFF600  }
0xcf: {  	_ =	swait.ge [sflag:s31], $0xA00  }
0xd0: {  	[sflag:s31] =	ssyncset.done $0x0  }
0xd1: {  	[sflag:s31] =	ssyncadd.s32 $0xFFFFF600  }
0xd2: {  	_ =	swait.ge [sflag:s31], $0xA00  }
0xd3: {  	[sflag:s31] =	ssyncset.done $0x0  }
0xd4: {  	[sflag:s31] =	ssyncadd.s32 $0xFFFFF600  }
0xd5: {  	_ =	swait.ge [sflag:s31], $0xA00  }
0xd6: {  	s6 =	sadd.s32 $0x28000, s6;
	[sflag:s31] =	ssyncset.done $0x0  }
0xd7: {  	s16 =	sadd.s32 $0xFFFEC000, s6;
	[sflag:s31] =	ssyncadd.s32 $0xFFFFF600  }
0xd8: {  	[hbm4b:s16+s3] =	stream.linear.scatter [tilespmem:s3], [sflag:$0x3], $0x5000, $0x38;
	[tilespmem:$0x1E080] =	vst v63  }
0xd9: {  	_ =	swait.ge [sflag:s0], $0xA00  }
0xda: {  	[sflag:s0] =	ssyncset.done $0x0  }
0xdb: {  	[sflag:s0] =	ssyncadd.s32 $0xFFFFF600  }
0xdc: {  	_ =	swait.ge [sflag:s0], $0xA00  }
0xdd: {  	[sflag:s0] =	ssyncset.done $0x0  }
0xde: {  	[sflag:s0] =	ssyncadd.s32 $0xFFFFF600  }
0xdf: {  	_ =	swait.ge [sflag:s0], $0xA00  }
0xe0: {  	[sflag:s0] =	ssyncset.done $0x0  }
0xe1: {  	[sflag:s0] =	ssyncadd.s32 $0xFFFFF600  }
0xe2: {  	_ =	swait.ge [sflag:s0], $0xA00  }
0xe3: {  	[sflag:s0] =	ssyncset.done $0x0  }
0xe4: {  	s7 =	sadd.s32 $0x2000, s7;
	[sflag:s0] =	ssyncadd.s32 $0xFFFFF600  }
0xe5: {  	p1 =	sne.s32 s7, $0x3E000;
	_ =	swait.ge [sflag:s0], $0xA00  }
.Ltmp0:
0xe6: {  	[sflag:s0] =	ssyncset.done $0x0;
	(pc) =	sbr.rel @p1 .LBB2_2-.Ltmp0, $4  }
0xe7: {  	[sflag:s0] =	ssyncadd.s32 $0xFFFFF600  }
0xe8: {  	_ =	swait.ge [sflag:s0], $0xA00  }
0xe9: {  	[sflag:s0] =	ssyncset.done $0x0  }
0xea: {  	s9 =	smov.u32 s6;
	[sflag:s0] =	ssyncadd.s32 $0xFFFFF600  }
0xeb: {  	_ =	swait.ge [sflag:s0], $0xA00  }
0xec: {  	[sflag:s0] =	ssyncset.done $0x0  }
0xed: {  	[sflag:s0] =	ssyncadd.s32 $0xFFFFF600  }
0xee: {  	_ =	swait.ge [sflag:s0], $0xA00  }
0xef: {  	[sflag:s0] =	ssyncset.done $0x0  }
0xf0: {  	s1 =	simm.s32 @!p0 $0x3;
	[sflag:s0] =	ssyncadd.s32 $0xFFFFF600  }
0xf1: {  	[hbm4b:s9+s3] =	stream.linear.scatter [tilespmem:s15], [sflag:$0x4], $0x5000, $0x38;
	[tilespmem:$0x1E080] =	vst v63  }
0xf2: {  	_ =	swait.ge @!p0 [sflag:s1], $0x5000  }
0xf3: {  	s4 =	simm.s32 @!p0 $0xA000;
	[sflag:s1] =	ssyncset.done @!p0 $0x0  }
0xf4: {  	s5 =	rddreg [dreg:$0x15];
	[sflag:s1] =	ssyncadd.s32 @!p0 $0xFFFFB000;
	s1 =	simm.s32 @!p0 $0x0  }
0xf5: {  	[tilespmem:s4], [sflag:$0x5] =	stream.linear.gather @!p0 [hbm4b:s5+s1], $0x400, $0x38;
	[tilespmem:$0x1E080] =	vst v63  }
0xf6: {  	s5 =	simm.s32 @!p0 $0x5  }
0xf7: {  	_ =	swait.ge @!p0 [sflag:s5], $0x400  }
0xf8: {  	[sflag:s5] =	ssyncset.done @!p0 $0x0  }
0xf9: {  	[sflag:s5] =	ssyncadd.s32 @!p0 $0xFFFFFC00;
	s5 =	simm.s32 @!p0 $0x14  }
0xfa: {  	[tilespmem:s1], [sflag:$0x1] =	stream.indirect.gather @!p0 [spmem:s2], $0x80, s4, s5, $0xb8;
	[tilespmem:$0x1E080] =	vst v63  }
0xfb: {  	s6 =	simm.s32 @!p0 $0xA00;
	s4 =	simm.s32 @!p0 $0xA080  }
0xfc: {  	[tilespmem:s6], [sflag:$0x1] =	stream.indirect.gather @!p0 [spmem:s2], $0x80, s4, s5, $0xb8;
	[tilespmem:$0x1E080] =	vst v63  }
0xfd: {  	s4 =	simm.s32 @!p0 $0xA100;
	s6 =	simm.s32 @!p0 $0x1400  }
0xfe: {  	[tilespmem:s6], [sflag:$0x1] =	stream.indirect.gather @!p0 [spmem:s2], $0x80, s4, s5, $0xb8;
	[tilespmem:$0x1E080] =	vst v63  }
0xff: {  	s4 =	simm.s32 @!p0 $0xA180;
	s6 =	simm.s32 @!p0 $0x1E00  }
0x100: {  	[tilespmem:s6], [sflag:$0x1] =	stream.indirect.gather @!p0 [spmem:s2], $0x80, s4, s5, $0xb8;
	[tilespmem:$0x1E080] =	vst v63  }
0x101: {  	s4 =	simm.s32 @!p0 $0xA200;
	s6 =	simm.s32 @!p0 $0x2800  }
0x102: {  	[tilespmem:s6], [sflag:$0x1] =	stream.indirect.gather @!p0 [spmem:s2], $0x80, s4, s5, $0xb8;
	[tilespmem:$0x1E080] =	vst v63  }
0x103: {  	s4 =	simm.s32 @!p0 $0xA280;
	s6 =	simm.s32 @!p0 $0x3200  }
0x104: {  	[tilespmem:s6], [sflag:$0x1] =	stream.indirect.gather @!p0 [spmem:s2], $0x80, s4, s5, $0xb8;
	[tilespmem:$0x1E080] =	vst v63  }
0x105: {  	s4 =	simm.s32 @!p0 $0xA300;
	s6 =	simm.s32 @!p0 $0x3C00  }
0x106: {  	[tilespmem:s6], [sflag:$0x1] =	stream.indirect.gather @!p0 [spmem:s2], $0x80, s4, s5, $0xb8;
	[tilespmem:$0x1E080] =	vst v63  }
0x107: {  	s4 =	simm.s32 @!p0 $0xA380;
	s6 =	simm.s32 @!p0 $0x4600  }
0x108: {  	[tilespmem:s6], [sflag:$0x1] =	stream.indirect.gather @!p0 [spmem:s2], $0x80, s4, s5, $0xb8;
	[tilespmem:$0x1E080] =	vst v63  }
0x109: {  	s4 =	simm.s32 @!p0 $0x1  }
0x10a: {  	_ =	swait.ge @!p0 [sflag:s4], $0xA00  }
0x10b: {  	[sflag:s4] =	ssyncset.done @!p0 $0x0  }
0x10c: {  	[sflag:s4] =	ssyncadd.s32 @!p0 $0xFFFFF600  }
0x10d: {  	_ =	swait.ge @!p0 [sflag:s4], $0xA00  }
0x10e: {  	[sflag:s4] =	ssyncset.done @!p0 $0x0  }
0x10f: {  	[sflag:s4] =	ssyncadd.s32 @!p0 $0xFFFFF600  }
0x110: {  	_ =	swait.ge @!p0 [sflag:s4], $0xA00  }
0x111: {  	[sflag:s4] =	ssyncset.done @!p0 $0x0  }
0x112: {  	[sflag:s4] =	ssyncadd.s32 @!p0 $0xFFFFF600  }
0x113: {  	_ =	swait.ge @!p0 [sflag:s4], $0xA00  }
0x114: {  	[sflag:s4] =	ssyncset.done @!p0 $0x0  }
0x115: {  	[sflag:s4] =	ssyncadd.s32 @!p0 $0xFFFFF600  }
0x116: {  	_ =	swait.ge @!p0 [sflag:s4], $0xA00  }
0x117: {  	[sflag:s4] =	ssyncset.done @!p0 $0x0  }
0x118: {  	[sflag:s4] =	ssyncadd.s32 @!p0 $0xFFFFF600  }
0x119: {  	_ =	swait.ge @!p0 [sflag:s4], $0xA00  }
0x11a: {  	[sflag:s4] =	ssyncset.done @!p0 $0x0  }
0x11b: {  	[sflag:s4] =	ssyncadd.s32 @!p0 $0xFFFFF600  }
0x11c: {  	_ =	swait.ge @!p0 [sflag:s4], $0xA00  }
0x11d: {  	[sflag:s4] =	ssyncset.done @!p0 $0x0  }
0x11e: {  	[sflag:s4] =	ssyncadd.s32 @!p0 $0xFFFFF600  }
0x11f: {  	_ =	swait.ge @!p0 [sflag:s4], $0xA00  }
0x120: {  	[sflag:s4] =	ssyncset.done @!p0 $0x0  }
0x121: {  	s7 =	simm.s32 $0x3;
	[sflag:s4] =	ssyncadd.s32 @!p0 $0xFFFFF600;
	s4 =	rddreg [dreg:$0x16]  }
0x122: {  	[hbm4b:s4+s1] =	stream.linear.scatter @!p0 [tilespmem:s1], [sflag:$0x3], $0x5000, $0x38;
	[tilespmem:$0x1E080] =	vst v63  }
0x123: {  	_ =	swait.ge [sflag:s7], $0x5000  }
0x124: {  	[sflag:s7] =	ssyncset.done $0x0  }
0x125: {  	s9 =	simm.s32 $0x4;
	[sflag:s7] =	ssyncadd.s32 $0xFFFFB000  }
0x126: {  	_ =	swait.ge [sflag:s9], $0x5000  }
0x127: {  	s10 =	rddreg [dreg:$0x1a]  }
0x128: {  	s16 =	rddreg [dreg:$0x17];
	s5 =	sadd.s32 $0x1, s10  }
0x129: {  	p1 =	sne.s32 s5, s16  }
.Ltmp1:
0x12a: {  	_ = 	snop;
	(pc) =	sbr.rel @p1 .LBB2_1-.Ltmp1, $3  }
0x12b: {  	_ =	sdelay $0x1  }
0x12c: {  	[sflag:s9] =	ssyncset.done $0x0  }
0x12d: {  	[sflag:s9] =	ssyncadd.s32 $0xFFFFB000  }
0x12e: {  	_ =	sfence.sel $0x180000  }
0x12f: {  	[bflag:$0x0] =	sbarrier.arrive $0xFFFF  }
0x130: {  	_ =	strace $0x9000004D  }
0x131: {  	s0 =	stileid.u32;
	[bflag:$0x2] =	sbarrier.arrive $0xFFFF  }
0x132: {  	p0 =	sne.s32 s0, $0x0;
	s0 =	rddreg [dreg:$0x3]  }
0x133: {  	s0 =	sadd.s32 @!p0 $0x100000, s0  }
0x134: {  	[sflag:s0] =	ssyncadd.tile.s32 @!p0 $0x1;
	_ =	shalt  }
.Lfunc_end2:
_tile_overlayer_lowered:
.L_overlay_start_2:
0x135: {  	(tag) =	ssettag $0x2  }
0x136: {  	s0 =	rddreg [dreg:$0x0];
	s2 =	stileid.u32  }
0x137: {  	s1 =	rddreg [dreg:$0x1];
	p0 =	sne.s32 s2, $0x0  }
0x138: {  	s3 =	rddreg [dreg:$0x2];
	[bflag:$0x3] =	sbarrier.arrive $0xFFFF;
	s2 =	simm.s32 @!p0 $0x1C05  }
0x139: {  	[timem:s3], [sflag:s2] =	dma.local @!p0 [hbm:s0], s1  }
0x13a: {  	s0 =	simm.s32 @!p0 $0x5  }
0x13b: {  	_ =	swait.ge @!p0 [sflag:s0], s1  }
0x13c: {  	s1 =	ssub.s32 @!p0 $0x0, s1;
	[sflag:s0] =	ssyncset.done @!p0 $0x0  }
0x13d: {  	[sflag:s0] =	ssyncadd.s32 @!p0 s1  }
0x13e: {  	[bflag:$0x3] =	sbarrier.arrive $0xFFFF  }
0x13f: {  	_ =	shalt  }

// kernel: kernel.8.cloned.1.call-start
scs
__scs_entry_jumppad:
0x0: {  	(pc) =	sbr.rel $0x88, $3  }
0x1: {  	(tag) =	ssettag $0x0;
	lr =	simm.s32 $0x1  }
0x2: {  	[smem:$0x3F99] =	sst lr;
	_ =	strace $0xD0000000  }
0x3: {  	_ = 	snop  }
0x4: {  	_ = 	snop  }
0x5: {  	_ = 	snop  }
0x6: {  	_ = 	snop  }
0x7: {  	_ = 	snop  }
__scs_overlays_trampoline_lowered:
0x8: {  	[smem:$0x3FA8] =	sst s0  }
0x9: {  	[smem:$0x3FA9] =	sst s1  }
0xa: {  	[smem:$0x3FAA] =	sst s2  }
0xb: {  	[smem:$0x3FAB] =	sst s3  }
0xc: {  	[smem:$0x3FAC] =	sst s4  }
0xd: {  	[smem:$0x3FAD] =	sst s5  }
0xe: {  	[smem:$0x3FAE] =	sst s6  }
0xf: {  	[smem:$0x3FAF] =	sst s7  }
0x10: {  	[smem:$0x3FB0] =	sst s8  }
0x11: {  	[smem:$0x3FB1] =	sst s9;
	s0 =	simm.s32 @!p0 $0x0  }
0x12: {  	s1 =	sld [smem:$0x3F97];
	s0 =	simm.s32 @p0 $0x1  }
0x13: {  	[smem:$0x3FB2] =	sst s0;
	s0 =	simm.s32 @!p1 $0x0  }
0x14: {  	s2 =	sld [smem:$0x3F96];
	s0 =	simm.s32 @p1 $0x1  }
0x15: {  	[smem:$0x3FB3] =	sst s0;
	s0 =	simm.s32 @!p2 $0x0  }
0x16: {  	s3 =	sld [smem:$0x3FDB];
	s0 =	simm.s32 @p2 $0x1  }
0x17: {  	s4 =	simm.s32 $0x1BF5;
	[smem:$0x3FB5] =	sst s0  }
0x18: {  	s0 =	sld [smem:$0x3F98];
	_ =	swait.ge [sflag:s4], $0x0  }
0x19: {  	s7 =	sld [smem:$0x3F99]  }
0x1a: {  	s8 =	sadd.s32 $0xFFFFE003, lr  }
0x1b: {  	s9 =	sadd.s32 $0xFFFFFEF7, lr;
	s5 =	simm.s32 $0xFFFFFFFF;
	p2 =	slt.u32 s8, $0xFFFFF086  }
0x1c: {  	p1 =	slt.u32 s9, $0xF7A;
	s5 =	simm.s32 @!p2 $0x0  }
0x1d: {  	s5 =	simm.s32 @p1 $0x1;
	p0 =	seq.s32 s7, s2  }
0x1e: {  	s7 =	smul.u32 @!p0 $0xF7A, s2;
	p2 =	seq.s32 @!p0 s5, $0x0  }
0x1f: {  	s9 =	smul.u32 $0xF7A, s1;
	s8 =	simm.s32 @!p0 $0x1BF5;
	p2 =	por !p2, p0  }
0x20: {  	[sflag:s8] =	ssyncset.s32 @!p0 $0xFFFFF086;
	s6 =	sadd.s32 @!p0 s3, s7;
	s7 =	simm.s32 @!p0 $0x108  }
0x21: {  	s3 =	sadd.s32 s3, s9;
	s6 =	sadd.s32 @!p0 $0x88, s6;
	s7 =	simm.s32 @p2 $0x1082  }
0x22: {  	[simem:s7], [sflag:s8] =	dma.local @!p0 [hbm:s6], $0xF7A  }
0x23: {  	s9 =	sor.u32 $0xD0000000, s2;
	s6 =	simm.s32 $0x108;
	_ =	swait.ge @!p0 [sflag:s8], $0x0  }
0x24: {  	s3 =	sadd.s32 $0x88, s3;
	s6 =	simm.s32 @!p1 $0x1082;
	[sflag:s4] =	ssyncset.s32 $0xFFFFF086  }
0x25: {  	[simem:s6], [sflag:s4] =	dma.local [hbm:s3], $0xF7A  }
0x26: {  	[smem:$0x3F99] =	sst s1;
	(tag) =	ssettag s2;
	_ =	strace s9  }
0x27: {  	s1 =	sld [smem:$0x3FA9]  }
0x28: {  	s2 =	sld [smem:$0x3FAA]  }
0x29: {  	s4 =	sld [smem:$0x3FAC]  }
0x2a: {  	p0 =	seq.s32 s5, $0x0;
	s5 =	sld [smem:$0x3FAD]  }
0x2b: {  	s6 =	sld [smem:$0x3FAE]  }
0x2c: {  	s7 =	sld [smem:$0x3FAF]  }
0x2d: {  	s3 =	simm.s32 $0x108;
	s8 =	sld [smem:$0x3FB0]  }
0x2e: {  	s3 =	simm.s32 @!p0 $0x1082;
	s9 =	sld [smem:$0x3FB1]  }
0x2f: {  	lr =	sadd.s32 s0, s3;
	s0 =	sld [smem:$0x3FA8]  }
0x30: {  	s3 =	sld [smem:$0x3FAB]  }
0x31: {  	[smem:$0x3FB4] =	sst s10  }
0x32: {  	s10 =	sld [smem:$0x3FB2];
	_ =	sdelay $0x3  }
0x33: {  	p0 =	seq.s32 s10, $0x1;
	s10 =	sld [smem:$0x3FB4];
	_ =	sdelay $0x3  }
0x34: {  	[smem:$0x3FB4] =	sst s10  }
0x35: {  	s10 =	sld [smem:$0x3FB3];
	_ =	sdelay $0x3  }
0x36: {  	p1 =	seq.s32 s10, $0x1;
	s10 =	sld [smem:$0x3FB4];
	_ =	sdelay $0x3  }
0x37: {  	[smem:$0x3FB4] =	sst s10  }
0x38: {  	s10 =	sld [smem:$0x3FB5]  }
0x39: {  	_ = 	snop;
	(pc) =	sbr.ind lr, $3  }
0x3a: {  	_ = 	snop  }
0x3b: {  	_ = 	snop  }
0x3c: {  	p2 =	seq.s32 s10, $0x1;
	s10 =	sld [smem:$0x3FB4]  }
0x3d: {  	_ =	shalt  }
0x3e: {  	_ =	shalt  }
0x3f: {  	_ =	shalt  }
0x40: {  	_ =	shalt  }
0x41: {  	_ =	shalt  }
0x42: {  	_ =	shalt  }
0x43: {  	_ =	shalt  }
0x44: {  	_ =	shalt  }
0x45: {  	_ =	shalt  }
0x46: {  	_ =	shalt  }
0x47: {  	_ =	shalt  }
0x48: {  	_ =	shalt  }
0x49: {  	_ =	shalt  }
0x4a: {  	_ =	shalt  }
0x4b: {  	_ =	shalt  }
0x4c: {  	_ =	shalt  }
0x4d: {  	_ =	shalt  }
0x4e: {  	_ =	shalt  }
0x4f: {  	_ =	shalt  }
0x50: {  	_ =	shalt  }
0x51: {  	_ =	shalt  }
0x52: {  	_ =	shalt  }
0x53: {  	_ =	shalt  }
0x54: {  	_ =	shalt  }
0x55: {  	_ =	shalt  }
0x56: {  	_ =	shalt  }
0x57: {  	_ =	shalt  }
0x58: {  	_ =	shalt  }
0x59: {  	_ =	shalt  }
0x5a: {  	_ =	shalt  }
0x5b: {  	_ =	shalt  }
0x5c: {  	_ =	shalt  }
0x5d: {  	_ =	shalt  }
0x5e: {  	_ =	shalt  }
0x5f: {  	_ =	shalt  }
0x60: {  	_ =	shalt  }
0x61: {  	_ =	shalt  }
0x62: {  	_ =	shalt  }
0x63: {  	_ =	shalt  }
0x64: {  	_ =	shalt  }
0x65: {  	_ =	shalt  }
0x66: {  	_ =	shalt  }
0x67: {  	_ =	shalt  }
0x68: {  	_ =	shalt  }
0x69: {  	_ =	shalt  }
0x6a: {  	_ =	shalt  }
0x6b: {  	_ =	shalt  }
0x6c: {  	_ =	shalt  }
0x6d: {  	_ =	shalt  }
0x6e: {  	_ =	shalt  }
0x6f: {  	_ =	shalt  }
0x70: {  	_ =	shalt  }
0x71: {  	_ =	shalt  }
0x72: {  	_ =	shalt  }
0x73: {  	_ =	shalt  }
0x74: {  	_ =	shalt  }
0x75: {  	_ =	shalt  }
0x76: {  	_ =	shalt  }
0x77: {  	_ =	shalt  }
0x78: {  	_ =	shalt  }
0x79: {  	_ =	shalt  }
0x7a: {  	_ =	shalt  }
0x7b: {  	_ =	shalt  }
0x7c: {  	_ =	shalt  }
0x7d: {  	_ =	shalt  }
0x7e: {  	_ =	shalt  }
0x7f: {  	_ =	shalt  }
0x80: {  	_ =	shalt  }
0x81: {  	_ =	shalt  }
0x82: {  	_ =	shalt  }
0x83: {  	_ =	shalt  }
0x84: {  	_ =	shalt  }
0x85: {  	_ =	shalt  }
0x86: {  	_ =	shalt  }
0x87: {  	_ =	shalt  }
.Lfunc_end0:
.L_simem_size_0:
called_computation_lowered:
.L_overlay_start_0:
0x88: {  	s2 =	sld [smem:$0x3FD9]  }
0x89: {  	s3 =	sld [smem:$0x3FFE];
	_ =	sdelay $0x1  }
0x8a: {  	s1 =	srdreg.scid  }
0x8b: {  	s0 =	sand.u32 $0x1, s1  }
0x8c: {  	s17 =	sshll.u32 s0, $0xA;
	s2 =	sadd.s32 s3, s2  }
0x8d: {  	s2 =	sadd.s32 s2, s17  }
0x8e: {  	[smem:$0x3FC0] =	sst s2  }
0x8f: {  	_ = 	snop  }
0x90: {  	s18 =	sld [smem:$0x3FD0];
	(tm) =	ssettm $0x1  }
0x91: {  	s19 =	sld [smem:$0x3FFB];
	_ =	sdelay $0x3  }
0x92: {  	_ =	strace s19  }
0x93: {  	s2 =	sld [smem:$0x3FFC];
	_ =	sdelay $0x3  }
0x94: {  	_ =	strace s2  }
0x95: {  	s2 =	sld [smem:$0x3FFD];
	_ =	sdelay $0x3  }
0x96: {  	_ =	strace s2  }
0x97: {  	_ =	strace $0x8FFFFFFF  }
0x98: {  	s20 =	sld [smem:$0x3FDB];
	_ =	sdelay $0x1  }
0x99: {  	s4 =	simm.s32 $_scs_section_size  }
0x9a: {  	s5 =	simm.s32 $_size__tile_overlayer_lowered;
	s6 =	simm.s32 $_tile_overlayer_lowered  }
0x9b: {  	s7 =	simm.s32 $0x1BFF;
	s21 =	sshll.u32 s6, $0x1;
	s4 =	sadd.s32 s4, s20  }
0x9c: {  	s22 =	simm.s32 $0x0;
	s5 =	sshll.u32 s5, $0x1;
	s6 =	sadd.s32 s21, s4  }
0x9d: {  	[timem:s22], [sflag:s7] =	dma.local [hbm:s6], s5  }
0x9e: {  	_ =	swait.ge [sflag:s7], s5  }
0x9f: {  	s5 =	ssub.s32 $0x0, s5;
	[sflag:s7] =	ssyncset.done $0x0  }
0xa0: {  	[sflag:s7] =	ssyncadd.s32 s5;
	_ =	sdelay $0x1  }
0xa1: {  	s23 =	simm.s32 $0x1B8B  }
0xa2: {  	_ =	swait.ge [sflag:s23], $0x1  }
0xa3: {  	[sflag:s23] =	ssyncset.done $0x0  }
0xa4: {  	[sflag:s23] =	ssyncadd.s32 $0xFFFFFFFF  }
0xa5: {  	s5 =	sld [smem:$0x0]  }
0xa6: {  	s6 =	sand.u32 $0xFFFFFFFE, s1  }
0xa7: {  	p0 =	sne.s32 s1, s6  }
0xa8: {  	s6 =	sshll.u32 @p0 s6, $0xE  }
0xa9: {  	s6 =	sadd.s32 @p0 $0x11B8D, s6;
	s7 =	sshll.u32 @p0 s5, $0x11  }
0xaa: {  	s6 =	sor.u32 @p0 s7, s6  }
0xab: {  	[sflag:s6] =	ssyncadd.remote.s32 @p0 $0x1;
	_ =	sdelay $0x1  }
0xac: {  	s6 =	simm.s32 @p0 $0x1B8D  }
0xad: {  	_ =	swait.eq @p0 [sflag:s6], $0x1  }
0xae: {  	[sflag:s6] =	ssyncadd.s32 @p0 $0xFFFFFFFF  }
0xaf: {  	s7 =	sshll.u32 @!p0 s1, $0xE  }
0xb0: {  	s7 =	sor.u32 @!p0 $0x4000, s7;
	s6 =	simm.s32 @!p0 $0x1B8D  }
0xb1: {  	s5 =	sshll.u32 @!p0 s5, $0x11;
	s7 =	sadd.s32 @!p0 $0x11B8D, s7;
	_ =	swait.eq @!p0 [sflag:s6], $0x1  }
0xb2: {  	s5 =	sor.u32 @!p0 s5, s7;
	[sflag:s6] =	ssyncadd.s32 @!p0 $0xFFFFFFFF  }
0xb3: {  	s25 =	simm.s32 $0x1B8E;
	s24 =	sld [smem:$0x3FFE];
	[sflag:s5] =	ssyncadd.remote.s32 @!p0 $0x1  }
0xb4: {  	s26 =	simm.s32 $execute0_lowered;
	[smem:$0x3FD2] =	sst s25  }
0xb5: {  	s6 =	sshll.u32 s26, $0x1;
	_ =	strace $0x80000049;
	[dreg:$0x1] =	wrdreg $0xFFFFFFFF  }
0xb6: {  	s28 =	simm.s32 $_size_execute0_lowered;
	s4 =	sadd.s32 s4, s6;
	[dreg:$0x0] =	wrdreg $0x0  }
0xb7: {  	s6 =	sshll.u32 s28, $0x1;
	[dreg:$0x2] =	wrdreg s4  }
0xb8: {  	[dreg:$0x3] =	wrdreg s6  }
0xb9: {  	[dreg:$0x4] =	wrdreg $0xC0  }
0xba: {  	_ =	task [dreg:s22], $0x5FFFF  }
0xbb: {  	[dreg:$0x1] =	wrdreg $0xFFFFFFFF  }
0xbc: {  	[dreg:$0x0] =	wrdreg $0x60  }
0xbd: {  	[dreg:$0x2] =	wrdreg s18  }
0xbe: {  	[dreg:$0x3] =	wrdreg s24  }
0xbf: {  	[dreg:$0x4] =	wrdreg $0xA8000  }
0xc0: {  	[dreg:$0x5] =	wrdreg $0x9  }
0xc1: {  	_ =	task.clear_ibuf [dreg:s22], $0x6FFFF;
	_ =	strace $0x90000049  }
0xc2: {  	s29 =	simm.s32 $0x9;
	_ =	strace $0x8000004B  }
0xc3: {  	_ =	swait.ge [sflag:s29], $0x1  }
0xc4: {  	[sflag:s29] =	ssyncadd.s32 $0xFFFFFFFF  }
0xc5: {  	_ =	strace $0x9000004B  }
0xc6: {  	_ =	sfence  }
0xc7: {  	s30 =	sld [smem:$0x0];
	_ =	sdelay $0x2  }
0xc8: {  	s31 =	sshll.u32 s1, $0xD;
	s1 =	sshrl.u32 s1, $0x2  }
0xc9: {  	s4 =	sand.u32 $0x4000, s31;
	s1 =	sadd.s32 s1, s30  }
0xca: {  	s0 =	sor.u32 s4, s0;
	s1 =	sshll.u32 s1, $0x11  }
0xcb: {  	s0 =	sor.u32 s1, s0  }
0xcc: {  	s0 =	sadd.s32 $0x8F2B, s0  }
0xcd: {  	[sflag:s0] =	ssyncadd.remote.s32 $0x1  }
0xce: {  	_ =	sfence.sel $0xFFFF  }
0xcf: {  	[dreg:$0x0] =	wrdreg $0xFFFFFFFF;
	(pc) =	sbr.abs _section_cstart, $3  }
0xd0: {  	[dreg:$0x1] =	wrdreg $0xFFFFFFFF  }
0xd1: {  	_ =	task.clear_ibuf [dreg:s22], $0x2FFFF;
	_ =	strace $0x9FFFFFFF  }
0xd2: {  	(tm) =	ssettm $0x7FFFFFFF  }
0xd3: {  	_ =	shalt  }
tec
execute0_lowered:
.L_overlay_start_1:
0x0: {  	(tag) =	ssettag $0x1  }
0x1: {  	s9 =	rddreg [dreg:$0x0]  }
0x2: {  	s0 =	rddreg [dreg:$0x1]  }
0x3: {  	s2 =	rddreg [dreg:$0x2];
	s4 =	simm.s32 $0x0  }
0x4: {  	s10 =	stileid.u32;
	s1 =	srdreg.scid;
	s28 =	simm.s32 $0x14  }
0x5: {  	[smem:$0x7FF] =	sst s4;
	s11 =	sadd.s32 $0x573C00, s0;
	s3 =	smul.u32 $0x2700, s10  }
0x6: {  	s1 =	sand.u32 $0x1, s1;
	s5 =	sadd.s32 $0x2800, s0;
	s7 =	smul.u32 $0x4E000, s10  }
0x7: {  	s8 =	sadd.s32 $0x523000, s0;
	s13 =	sor.u32 $0x3E0, s10;
	s14 =	sshll.u32 s10, $0x6  }
0x8: {  	s19 =	smul.u32 $0xA00, s10;
	s20 =	sor.u32 $0x10, s10;
	s24 =	sshll.u32 s10, $0x7  }
0x9: {  	p1 =	slt.u32 s10, $0x8;
	p2 =	sgt.u32 s10, $0x7;
	s10 =	simm.s32 $0x4  }
0xa: {  	_ =	strace $0x8000004A;
	s6 =	ssub.s32 $0x2, s1;
	s16 =	smul.u32 $0xA00, s13  }
0xb: {  	[dreg:$0x5] =	wrdreg s8;
	s15 =	sshll.u32 s13, $0x7;
	s22 =	smul.u32 $0xA00, s20  }
0xc: {  	[dreg:$0x4] =	wrdreg s11;
	p0 =	seq.s32 s1, $0x0;
	s0 =	sadd.s32 s3, s0  }
0xd: {  	s8 =	sshrl.u32 s6, $0x1;
	s17 =	sadd.s32 s5, s15;
	[dreg:$0x8] =	wrdreg s16  }
0xe: {  	s12 =	sshrl.u32 s7, $0x2;
	s23 =	sadd.s32 s11, s19;
	[dreg:$0x9] =	wrdreg s17  }
0xf: {  	s7 =	sshll.u32 s20, $0x7;
	s29 =	sadd.s32 s9, s19;
	[dreg:$0xd] =	wrdreg s23  }
0x10: {  	s3 =	ssub.s32 s6, s8;
	s6 =	sadd.s32 s12, s2;
	[dreg:$0x10] =	wrdreg s29  }
0x11: {  	s15 =	sadd.s32 s5, s24;
	s18 =	sadd.s32 $0x80BE00, s0;
	[dreg:$0x6] =	wrdreg s6  }
0x12: {  	s24 =	simm.s32 $0x5000;
	s0 =	sadd.s32 $0x7E4C00, s0;
	[dreg:$0xa] =	wrdreg s18  }
0x13: {  	s19 =	simm.s32 $0xA080;
	s25 =	sadd.s32 s11, s22;
	[dreg:$0xb] =	wrdreg s0  }
0x14: {  	s12 =	sor.u32 $0x1C05, s14;
	s26 =	sadd.s32 s5, s7;
	[dreg:$0xe] =	wrdreg s25  }
0x15: {  	s30 =	sadd.s32 $0x1E000, s23;
	s31 =	sadd.s32 $0x1E000, s29;
	[dreg:$0xf] =	wrdreg s26  }
.Ltmp0:
0x16: {  	s16 =	simm.s32 $0x5;
	[dreg:$0x12] =	wrdreg s30;
	(pc) =	sbr.rel .LBB2_1-.Ltmp0, $4  }
0x17: {  	s23 =	simm.s32 $0xA000;
	s5 =	simm.s32 $0x2;
	[dreg:$0x13] =	wrdreg s31  }
0x18: {  	s21 =	smax.u32 s3, $0x1;
	s0 =	sadd.s32 s9, s22;
	[dreg:$0x7] =	wrdreg s12  }
0x19: {  	s25 =	simm.s32 $0xA400;
	s26 =	simm.s32 $0x1;
	[dreg:$0xc] =	wrdreg s21  }
0x1a: {  	s9 =	simm.s32 $0x3;
	s3 =	simm.s32 $0x0;
	[dreg:$0x11] =	wrdreg s0  }
.LBB2_8:
0x1b: {  	_ =	swait.ge [sflag:s9], $0x5000  }
0x1c: {  	[sflag:s9] =	ssyncset.done $0x0;
	s16 =	rddreg [dreg:$0x8]  }
0x1d: {  	s12 =	sadd.s32 s12, s16;
	[sflag:s9] =	ssyncadd.s32 $0xFFFFB000  }
0x1e: {  	[tilespmem:s4], [sflag:$0x1] =	stream.linear.gather [hbm4b:s12+s4], $0x5000, $0x38;
	[tilespmem:$0x1E080] =	vst v63  }
0x1f: {  	s29 =	rddreg [dreg:$0x9]  }
0x20: {  	[tilespmem:s23], [sflag:$0x1] =	stream.linear.gather [hbm4b:s29+s4], $0x400, $0x38;
	[tilespmem:$0x1E080] =	vst v63  }
0x21: {  	_ =	swait.ge [sflag:s26], $0x5000  }
0x22: {  	[sflag:s26] =	ssyncset.done $0x0  }
0x23: {  	[sflag:s26] =	ssyncadd.s32 $0xFFFFB000  }
0x24: {  	_ =	swait.ge [sflag:s26], $0x400  }
0x25: {  	[sflag:s26] =	ssyncset.done $0x0  }
0x26: {  	[sflag:s26] =	ssyncadd.s32 $0xFFFFFC00  }
0x27: {  	[spmem:s2] =	stream.indirect.scatter.add.f32 [tilespmem:s4], [sflag:$0x3], $0x80, s23, s28, $0xb8;
	[tilespmem:$0x1E080] =	vst v63  }
0x28: {  	_ = 	snop  }
0x29: {  	[spmem:s2] =	stream.indirect.scatter.add.f32 [tilespmem:s14], [sflag:$0x3], $0x80, s19, s28, $0xb8;
	[tilespmem:$0x1E080] =	vst v63  }
0x2a: {  	_ = 	snop  }
0x2b: {  	[spmem:s2] =	stream.indirect.scatter.add.f32 [tilespmem:s6], [sflag:$0x3], $0x80, s18, s28, $0xb8;
	[tilespmem:$0x1E080] =	vst v63  }
0x2c: {  	_ = 	snop  }
0x2d: {  	[spmem:s2] =	stream.indirect.scatter.add.f32 [tilespmem:s13], [sflag:$0x3], $0x80, s7, s28, $0xb8;
	[tilespmem:$0x1E080] =	vst v63  }
0x2e: {  	_ = 	snop  }
0x2f: {  	[spmem:s2] =	stream.indirect.scatter.add.f32 [tilespmem:s20], [sflag:$0x3], $0x80, s17, s28, $0xb8;
	[tilespmem:$0x1E080] =	vst v63  }
0x30: {  	_ = 	snop  }
0x31: {  	[spmem:s2] =	stream.indirect.scatter.add.f32 [tilespmem:s8], [sflag:$0x3], $0x80, s21, s28, $0xb8;
	[tilespmem:$0x1E080] =	vst v63  }
0x32: {  	_ = 	snop  }
0x33: {  	[spmem:s2] =	stream.indirect.scatter.add.f32 [tilespmem:s1], [sflag:$0x3], $0x80, s0, s28, $0xb8;
	[tilespmem:$0x1E080] =	vst v63  }
0x34: {  	_ = 	snop  }
0x35: {  	[spmem:s2] =	stream.indirect.scatter.add.f32 [tilespmem:s31], [sflag:$0x3], $0x80, s30, s28, $0xb8;
	[tilespmem:$0x1E080] =	vst v63  }
.LBB2_9:
0x36: {  	_ =	swait.ge [sflag:s9], $0x5000  }
0x37: {  	[sflag:s9] =	ssyncset.done $0x0  }
0x38: {  	[sflag:s9] =	ssyncadd.s32 $0xFFFFB000  }
0x39: {  	_ =	swait.ge [sflag:s10], $0x5000  }
0x3a: {  	[sflag:s10] =	ssyncset.done $0x0  }
0x3b: {  	[sflag:s10] =	ssyncadd.s32 $0xFFFFB000  }
0x3c: {  	[bflag:$0x0] =	sbarrier.arrive $0xFFFF  }
0x3d: {  	s12 =	rddreg [dreg:$0x7]  }
0x3e: {  	s16 =	simm.s32 $0x5;
	s0 =	rddreg [dreg:$0x15]  }
0x3f: {  	[hbm:s11], [sflag:s12] =	dma.local [spmem:s0], $0x2800  }
0x40: {  	_ =	swait.ge [sflag:s16], $0x2800  }
0x41: {  	s3 =	sadd.s32 $0x1, s3;
	s31 =	rddreg [dreg:$0xc]  }
0x42: {  	p3 =	sne.s32 s3, s31  }
.Ltmp1:
0x43: {  	_ = 	snop;
	(pc) =	sbr.rel @!p3 .LBB2_10-.Ltmp1, $3  }
0x44: {  	_ =	sdelay $0x1  }
0x45: {  	[sflag:s16] =	ssyncset.done $0x0  }
0x46: {  	[sflag:s16] =	ssyncadd.s32 $0xFFFFD800  }
.LBB2_1:
0x47: {  	[dreg:$0x14] =	wrdreg s3  }
0x48: {  	s11 =	rddreg [dreg:$0x6]  }
0x49: {  	s31 =	rddreg [dreg:$0x5];
	s0 =	sshrl.u32 s11, $0x3  }
0x4a: {  	[dreg:$0x15] =	wrdreg s0  }
0x4b: {  	[spmem:s0], [sflag:s12] =	dma.local [hbm:s31], $0x2800  }
.Ltmp2:
0x4c: {  	_ =	swait.ge [sflag:s16], $0x2800;
	(pc) =	sbr.rel @!p0 .LBB2_2-.Ltmp2, $4  }
0x4d: {  	[sflag:s16] =	ssyncset.done $0x0  }
0x4e: {  	[sflag:s16] =	ssyncadd.s32 $0xFFFFD800  }
0x4f: {  	[bflag:$0x0] =	sbarrier.arrive $0xFFFF  }
0x50: {  	s29 =	simm.s32 $0x9600;
	s22 =	simm.s32 $0xA780;
	s11 =	simm.s32 $0x0  }
0x51: {  	s12 =	rddreg [dreg:$0x10]  }
0x52: {  	[tilespmem:s11], [sflag:$0x1] =	stream.linear.gather [hbm4b:s12+s11], $0x5000, $0x38;
	[tilespmem:$0x1E080] =	vst v63  }
0x53: {  	_ = 	snop  }
0x54: {  	[tilespmem:s23], [sflag:$0x1] =	stream.linear.gather [hbm4b:s15+s11], $0x400, $0x38;
	[tilespmem:$0x1E080] =	vst v63  }
0x55: {  	s17 =	rddreg [dreg:$0x11]  }
0x56: {  	[tilespmem:s24], [sflag:$0x2] =	stream.linear.gather [hbm4b:s17+s11], $0x5000, $0x38;
	[tilespmem:$0x1E080] =	vst v63  }
0x57: {  	s18 =	rddreg [dreg:$0xf]  }
0x58: {  	[tilespmem:s25], [sflag:$0x2] =	stream.linear.gather [hbm4b:s18+s11], $0x400, $0x38;
	[tilespmem:$0x1E080] =	vst v63  }
0x59: {  	_ =	swait.ge [sflag:s26], $0x5000  }
0x5a: {  	[sflag:s26] =	ssyncset.done $0x0  }
0x5b: {  	[sflag:s26] =	ssyncadd.s32 $0xFFFFB000  }
0x5c: {  	_ =	swait.ge [sflag:s26], $0x400  }
0x5d: {  	[sflag:s26] =	ssyncset.done $0x0  }
0x5e: {  	[sflag:s26] =	ssyncadd.s32 $0xFFFFFC00  }
0x5f: {  	[spmem:s2] =	stream.indirect.scatter.add.f32 [tilespmem:s11], [sflag:$0x3], $0x80, s23, s28, $0xb8;
	[tilespmem:$0x1E080] =	vst v63  }
0x60: {  	s7 =	simm.s32 $0xA00  }
0x61: {  	[spmem:s2] =	stream.indirect.scatter.add.f32 [tilespmem:s7], [sflag:$0x3], $0x80, s19, s28, $0xb8;
	[tilespmem:$0x1E080] =	vst v63  }
0x62: {  	s8 =	simm.s32 $0xA100;
	s21 =	simm.s32 $0x1400  }
0x63: {  	[spmem:s2] =	stream.indirect.scatter.add.f32 [tilespmem:s21], [sflag:$0x3], $0x80, s8, s28, $0xb8;
	[tilespmem:$0x1E080] =	vst v63  }
0x64: {  	s13 =	simm.s32 $0xA180;
	s30 =	simm.s32 $0x1E00  }
0x65: {  	[spmem:s2] =	stream.indirect.scatter.add.f32 [tilespmem:s30], [sflag:$0x3], $0x80, s13, s28, $0xb8;
	[tilespmem:$0x1E080] =	vst v63  }
0x66: {  	s14 =	simm.s32 $0xA200;
	s0 =	simm.s32 $0x2800  }
0x67: {  	[spmem:s2] =	stream.indirect.scatter.add.f32 [tilespmem:s0], [sflag:$0x3], $0x80, s14, s28, $0xb8;
	[tilespmem:$0x1E080] =	vst v63  }
0x68: {  	s20 =	simm.s32 $0x3200;
	s17 =	simm.s32 $0xA280  }
0x69: {  	[spmem:s2] =	stream.indirect.scatter.add.f32 [tilespmem:s20], [sflag:$0x3], $0x80, s17, s28, $0xb8;
	[tilespmem:$0x1E080] =	vst v63  }
0x6a: {  	s22 =	simm.s32 $0x3C00;
	s18 =	simm.s32 $0xA300  }
0x6b: {  	[spmem:s2] =	stream.indirect.scatter.add.f32 [tilespmem:s22], [sflag:$0x3], $0x80, s18, s28, $0xb8;
	[tilespmem:$0x1E080] =	vst v63  }
0x6c: {  	s29 =	simm.s32 $0x4600;
	s20 =	simm.s32 $0xA380  }
0x6d: {  	[spmem:s2] =	stream.indirect.scatter.add.f32 [tilespmem:s29], [sflag:$0x3], $0x80, s20, s28, $0xb8;
	[tilespmem:$0x1E080] =	vst v63  }
0x6e: {  	_ =	swait.ge [sflag:s5], $0x5000  }
0x6f: {  	[sflag:s5] =	ssyncset.done $0x0  }
0x70: {  	[sflag:s5] =	ssyncadd.s32 $0xFFFFB000  }
0x71: {  	_ =	swait.ge [sflag:s5], $0x400  }
0x72: {  	[sflag:s5] =	ssyncset.done $0x0  }
0x73: {  	[sflag:s5] =	ssyncadd.s32 $0xFFFFFC00  }
0x74: {  	[spmem:s2] =	stream.indirect.scatter.add.f32 [tilespmem:s24], [sflag:$0x4], $0x80, s25, s28, $0xb8;
	[tilespmem:$0x1E080] =	vst v63  }
0x75: {  	s1 =	simm.s32 $0x5A00;
	s22 =	simm.s32 $0xA480  }
0x76: {  	[spmem:s2] =	stream.indirect.scatter.add.f32 [tilespmem:s1], [sflag:$0x4], $0x80, s22, s28, $0xb8;
	[tilespmem:$0x1E080] =	vst v63  }
0x77: {  	s31 =	simm.s32 $0xA500;
	s3 =	simm.s32 $0x6400  }
0x78: {  	[spmem:s2] =	stream.indirect.scatter.add.f32 [tilespmem:s3], [sflag:$0x4], $0x80, s31, s28, $0xb8;
	[tilespmem:$0x1E080] =	vst v63  }
0x79: {  	s6 =	simm.s32 $0xA580;
	s3 =	simm.s32 $0x6E00  }
0x7a: {  	[spmem:s2] =	stream.indirect.scatter.add.f32 [tilespmem:s3], [sflag:$0x4], $0x80, s6, s28, $0xb8;
	[tilespmem:$0x1E080] =	vst v63  }
0x7b: {  	s11 =	simm.s32 $0xA600;
	s1 =	simm.s32 $0x7800  }
0x7c: {  	[spmem:s2] =	stream.indirect.scatter.add.f32 [tilespmem:s1], [sflag:$0x4], $0x80, s11, s28, $0xb8;
	[tilespmem:$0x1E080] =	vst v63  }
0x7d: {  	s12 =	simm.s32 $0xA680;
	s6 =	simm.s32 $0x8200  }
0x7e: {  	[spmem:s2] =	stream.indirect.scatter.add.f32 [tilespmem:s6], [sflag:$0x4], $0x80, s12, s28, $0xb8;
	[tilespmem:$0x1E080] =	vst v63  }
0x7f: {  	s16 =	simm.s32 $0xA700;
	s29 =	simm.s32 $0x8C00  }
0x80: {  	[spmem:s2] =	stream.indirect.scatter.add.f32 [tilespmem:s29], [sflag:$0x4], $0x80, s16, s28, $0xb8;
	[tilespmem:$0x1E080] =	vst v63  }
0x81: {  	s1 =	simm.s32 $0xA780;
	s11 =	simm.s32 $0x9600  }
0x82: {  	[spmem:s2] =	stream.indirect.scatter.add.f32 [tilespmem:s11], [sflag:$0x4], $0x80, s1, s28, $0xb8;
	[tilespmem:$0x1E080] =	vst v63  }
0x83: {  	_ =	swait.ge [sflag:s9], $0x5000  }
0x84: {  	[sflag:s9] =	ssyncset.done $0x0;
	s16 =	rddreg [dreg:$0x13]  }
0x85: {  	s0 =	sadd.s32 $0x0, s15;
	[sflag:s9] =	ssyncadd.s32 $0xFFFFB000;
	s12 =	sadd.s32 $0xFFFF6000, s16  }
0x86: {  	[tilespmem:s4], [sflag:$0x1] =	stream.linear.gather [hbm4b:s12+s4], $0x5000, $0x38;
	[tilespmem:$0x1E080] =	vst v63  }
0x87: {  	s1 =	sadd.s32 $0x1000, s0  }
0x88: {  	[tilespmem:s23], [sflag:$0x1] =	stream.linear.gather [hbm4b:s1+s4], $0x400, $0x38;
	[tilespmem:$0x1E080] =	vst v63  }
0x89: {  	_ =	swait.ge [sflag:s10], $0x5000  }
0x8a: {  	[sflag:s10] =	ssyncset.done $0x0  }
0x8b: {  	[sflag:s10] =	ssyncadd.s32 $0xFFFFB000  }
0x8c: {  	[tilespmem:s24], [sflag:$0x2] =	stream.linear.gather [hbm4b:s16+s4], $0x5000, $0x38;
	[tilespmem:$0x1E080] =	vst v63  }
0x8d: {  	s12 =	sadd.s32 $0x1800, s0  }
0x8e: {  	[tilespmem:s25], [sflag:$0x2] =	stream.linear.gather [hbm4b:s12+s4], $0x400, $0x38;
	[tilespmem:$0x1E080] =	vst v63  }
0x8f: {  	_ =	swait.ge [sflag:s26], $0x5000  }
0x90: {  	[sflag:s26] =	ssyncset.done $0x0  }
0x91: {  	[sflag:s26] =	ssyncadd.s32 $0xFFFFB000  }
0x92: {  	_ =	swait.ge [sflag:s26], $0x400  }
0x93: {  	[sflag:s26] =	ssyncset.done $0x0  }
0x94: {  	[sflag:s26] =	ssyncadd.s32 $0xFFFFFC00  }
0x95: {  	[spmem:s2] =	stream.indirect.scatter.add.f32 [tilespmem:s4], [sflag:$0x3], $0x80, s23, s28, $0xb8;
	[tilespmem:$0x1E080] =	vst v63  }
0x96: {  	_ = 	snop  }
0x97: {  	[spmem:s2] =	stream.indirect.scatter.add.f32 [tilespmem:s7], [sflag:$0x3], $0x80, s19, s28, $0xb8;
	[tilespmem:$0x1E080] =	vst v63  }
0x98: {  	_ = 	snop  }
0x99: {  	[spmem:s2] =	stream.indirect.scatter.add.f32 [tilespmem:s21], [sflag:$0x3], $0x80, s8, s28, $0xb8;
	[tilespmem:$0x1E080] =	vst v63  }
0x9a: {  	_ = 	snop  }
0x9b: {  	[spmem:s2] =	stream.indirect.scatter.add.f32 [tilespmem:s30], [sflag:$0x3], $0x80, s13, s28, $0xb8;
	[tilespmem:$0x1E080] =	vst v63  }
0x9c: {  	s13 =	simm.s32 $0x2800  }
0x9d: {  	[spmem:s2] =	stream.indirect.scatter.add.f32 [tilespmem:s13], [sflag:$0x3], $0x80, s14, s28, $0xb8;
	[tilespmem:$0x1E080] =	vst v63  }
0x9e: {  	s14 =	simm.s32 $0x3200  }
0x9f: {  	[spmem:s2] =	stream.indirect.scatter.add.f32 [tilespmem:s14], [sflag:$0x3], $0x80, s17, s28, $0xb8;
	[tilespmem:$0x1E080] =	vst v63  }
0xa0: {  	s17 =	simm.s32 $0x3C00  }
0xa1: {  	[spmem:s2] =	stream.indirect.scatter.add.f32 [tilespmem:s17], [sflag:$0x3], $0x80, s18, s28, $0xb8;
	[tilespmem:$0x1E080] =	vst v63  }
0xa2: {  	s18 =	simm.s32 $0x4600  }
0xa3: {  	[spmem:s2] =	stream.indirect.scatter.add.f32 [tilespmem:s18], [sflag:$0x3], $0x80, s20, s28, $0xb8;
	[tilespmem:$0x1E080] =	vst v63  }
0xa4: {  	_ =	swait.ge [sflag:s5], $0x5000  }
0xa5: {  	[sflag:s5] =	ssyncset.done $0x0  }
0xa6: {  	[sflag:s5] =	ssyncadd.s32 $0xFFFFB000  }
0xa7: {  	s11 =	simm.s32 $0xA580;
	s0 =	simm.s32 $0xA600;
	_ =	swait.ge [sflag:s5], $0x400  }
0xa8: {  	s1 =	simm.s32 $0x6400;
	s12 =	simm.s32 $0xA600;
	[sflag:s5] =	ssyncset.done $0x0  }
0xa9: {  	s7 =	simm.s32 $0x3C00;
	s19 =	simm.s32 $0x5A00;
	[sflag:s5] =	ssyncadd.s32 $0xFFFFFC00  }
0xaa: {  	[spmem:s2] =	stream.indirect.scatter.add.f32 [tilespmem:s24], [sflag:$0x4], $0x80, s25, s28, $0xb8;
	[tilespmem:$0x1E080] =	vst v63  }
0xab: {  	s21 =	simm.s32 $0x5A00;
	s8 =	simm.s32 $0xA500;
	s30 =	simm.s32 $0x6400  }
0xac: {  	[spmem:s2] =	stream.indirect.scatter.add.f32 [tilespmem:s19], [sflag:$0x4], $0x80, s22, s28, $0xb8;
	[tilespmem:$0x1E080] =	vst v63  }
0xad: {  	s13 =	simm.s32 $0xA380;
	s14 =	simm.s32 $0x7800;
	s17 =	simm.s32 $0x4600  }
0xae: {  	[spmem:s2] =	stream.indirect.scatter.add.f32 [tilespmem:s1], [sflag:$0x4], $0x80, s31, s28, $0xb8;
	[tilespmem:$0x1E080] =	vst v63  }
0xaf: {  	s20 =	simm.s32 $0xA480;
	s18 =	simm.s32 $0xA680;
	s22 =	simm.s32 $0x6E00  }
0xb0: {  	[spmem:s2] =	stream.indirect.scatter.add.f32 [tilespmem:s3], [sflag:$0x4], $0x80, s11, s28, $0xb8;
	[tilespmem:$0x1E080] =	vst v63  }
0xb1: {  	s19 =	simm.s32 $0xA700;
	s31 =	simm.s32 $0xA580;
	s1 =	simm.s32 $0xA680  }
0xb2: {  	[spmem:s2] =	stream.indirect.scatter.add.f32 [tilespmem:s14], [sflag:$0x4], $0x80, s12, s28, $0xb8;
	[tilespmem:$0x1E080] =	vst v63  }
0xb3: {  	s3 =	simm.s32 $0x7800;
	s11 =	simm.s32 $0x1000;
	s14 =	simm.s32 $0x8200  }
0xb4: {  	[spmem:s2] =	stream.indirect.scatter.add.f32 [tilespmem:s6], [sflag:$0x4], $0x80, s18, s28, $0xb8;
	[tilespmem:$0x1E080] =	vst v63  }
0xb5: {  	s12 =	sadd.s32 $0x14000, s16;
	s18 =	simm.s32 $0xA700;
	s6 =	simm.s32 $0x8C00  }
0xb6: {  	[spmem:s2] =	stream.indirect.scatter.add.f32 [tilespmem:s29], [sflag:$0x4], $0x80, s19, s28, $0xb8;
	[tilespmem:$0x1E080] =	vst v63  }
.LBB2_6:
0xb7: {  	s16 =	simm.s32 $0xA780;
	s19 =	simm.s32 $0x9600  }
0xb8: {  	[spmem:s2] =	stream.indirect.scatter.add.f32 [tilespmem:s19], [sflag:$0x4], $0x80, s16, s28, $0xb8;
	[tilespmem:$0x1E080] =	vst v63  }
0xb9: {  	s16 =	smov.u32 s11  }
0xba: {  	p3 =	sne.s32 s11, $0x1D000;
	s11 =	sadd.s32 $0x1000, s11;
	_ =	swait.ge [sflag:s9], $0x5000  }
0xbb: {  	[sflag:s9] =	ssyncset.done $0x0  }
0xbc: {  	s19 =	sadd.s32 $0xFFFF6000, s12;
	s16 =	sadd.s32 s16, s15;
	[sflag:s9] =	ssyncadd.s32 $0xFFFFB000  }
0xbd: {  	[tilespmem:s4], [sflag:$0x1] =	stream.linear.gather [hbm4b:s19+s4], $0x5000, $0x38;
	[tilespmem:$0x1E080] =	vst v63  }
0xbe: {  	s19 =	sadd.s32 $0x1000, s16  }
0xbf: {  	[tilespmem:s23], [sflag:$0x1] =	stream.linear.gather [hbm4b:s19+s4], $0x400, $0x38;
	[tilespmem:$0x1E080] =	vst v63  }
0xc0: {  	s19 =	simm.s32 $0xA080  }
0xc1: {  	_ =	swait.ge [sflag:s10], $0x5000  }
0xc2: {  	[sflag:s10] =	ssyncset.done $0x0  }
0xc3: {  	[sflag:s10] =	ssyncadd.s32 $0xFFFFB000  }
0xc4: {  	[tilespmem:s24], [sflag:$0x2] =	stream.linear.gather [hbm4b:s12+s4], $0x5000, $0x38;
	[tilespmem:$0x1E080] =	vst v63  }
0xc5: {  	s16 =	sadd.s32 $0x1800, s16  }
0xc6: {  	[tilespmem:s25], [sflag:$0x2] =	stream.linear.gather [hbm4b:s16+s4], $0x400, $0x38;
	[tilespmem:$0x1E080] =	vst v63  }
0xc7: {  	_ =	swait.ge [sflag:s26], $0x5000  }
0xc8: {  	[sflag:s26] =	ssyncset.done $0x0  }
0xc9: {  	[sflag:s26] =	ssyncadd.s32 $0xFFFFB000  }
0xca: {  	_ =	swait.ge [sflag:s26], $0x400  }
0xcb: {  	[sflag:s26] =	ssyncset.done $0x0  }
0xcc: {  	[sflag:s26] =	ssyncadd.s32 $0xFFFFFC00  }
0xcd: {  	[spmem:s2] =	stream.indirect.scatter.add.f32 [tilespmem:s4], [sflag:$0x3], $0x80, s23, s28, $0xb8;
	[tilespmem:$0x1E080] =	vst v63  }
0xce: {  	s16 =	simm.s32 $0xA00  }
0xcf: {  	[spmem:s2] =	stream.indirect.scatter.add.f32 [tilespmem:s16], [sflag:$0x3], $0x80, s19, s28, $0xb8;
	[tilespmem:$0x1E080] =	vst v63  }
0xd0: {  	s29 =	simm.s32 $0x1400;
	s16 =	simm.s32 $0xA100  }
0xd1: {  	[spmem:s2] =	stream.indirect.scatter.add.f32 [tilespmem:s29], [sflag:$0x3], $0x80, s16, s28, $0xb8;
	[tilespmem:$0x1E080] =	vst v63  }
0xd2: {  	s16 =	simm.s32 $0xA180;
	s29 =	simm.s32 $0x1E00  }
0xd3: {  	[spmem:s2] =	stream.indirect.scatter.add.f32 [tilespmem:s29], [sflag:$0x3], $0x80, s16, s28, $0xb8;
	[tilespmem:$0x1E080] =	vst v63  }
0xd4: {  	s16 =	simm.s32 $0xA200;
	s29 =	simm.s32 $0x2800  }
0xd5: {  	[spmem:s2] =	stream.indirect.scatter.add.f32 [tilespmem:s29], [sflag:$0x3], $0x80, s16, s28, $0xb8;
	[tilespmem:$0x1E080] =	vst v63  }
0xd6: {  	s16 =	simm.s32 $0xA280;
	s29 =	simm.s32 $0x3200  }
0xd7: {  	[spmem:s2] =	stream.indirect.scatter.add.f32 [tilespmem:s29], [sflag:$0x3], $0x80, s16, s28, $0xb8;
	[tilespmem:$0x1E080] =	vst v63  }
0xd8: {  	s16 =	simm.s32 $0xA300  }
0xd9: {  	[spmem:s2] =	stream.indirect.scatter.add.f32 [tilespmem:s7], [sflag:$0x3], $0x80, s16, s28, $0xb8;
	[tilespmem:$0x1E080] =	vst v63  }
0xda: {  	_ = 	snop  }
0xdb: {  	[spmem:s2] =	stream.indirect.scatter.add.f32 [tilespmem:s17], [sflag:$0x3], $0x80, s13, s28, $0xb8;
	[tilespmem:$0x1E080] =	vst v63  }
0xdc: {  	_ =	swait.ge [sflag:s5], $0x5000  }
0xdd: {  	[sflag:s5] =	ssyncset.done $0x0  }
0xde: {  	[sflag:s5] =	ssyncadd.s32 $0xFFFFB000  }
0xdf: {  	_ =	swait.ge [sflag:s5], $0x400  }
0xe0: {  	[sflag:s5] =	ssyncset.done $0x0  }
0xe1: {  	[sflag:s5] =	ssyncadd.s32 $0xFFFFFC00  }
0xe2: {  	[spmem:s2] =	stream.indirect.scatter.add.f32 [tilespmem:s24], [sflag:$0x4], $0x80, s25, s28, $0xb8;
	[tilespmem:$0x1E080] =	vst v63  }
0xe3: {  	_ = 	snop  }
0xe4: {  	[spmem:s2] =	stream.indirect.scatter.add.f32 [tilespmem:s21], [sflag:$0x4], $0x80, s20, s28, $0xb8;
	[tilespmem:$0x1E080] =	vst v63  }
0xe5: {  	_ = 	snop  }
0xe6: {  	[spmem:s2] =	stream.indirect.scatter.add.f32 [tilespmem:s30], [sflag:$0x4], $0x80, s8, s28, $0xb8;
	[tilespmem:$0x1E080] =	vst v63  }
0xe7: {  	_ = 	snop  }
0xe8: {  	[spmem:s2] =	stream.indirect.scatter.add.f32 [tilespmem:s22], [sflag:$0x4], $0x80, s31, s28, $0xb8;
	[tilespmem:$0x1E080] =	vst v63  }
0xe9: {  	_ = 	snop  }
0xea: {  	[spmem:s2] =	stream.indirect.scatter.add.f32 [tilespmem:s3], [sflag:$0x4], $0x80, s0, s28, $0xb8;
	[tilespmem:$0x1E080] =	vst v63  }
.Ltmp3:
0xeb: {  	(pc) =	sbr.rel @p3 .LBB2_6-.Ltmp3, $4  }
0xec: {  	[spmem:s2] =	stream.indirect.scatter.add.f32 [tilespmem:s14], [sflag:$0x4], $0x80, s1, s28, $0xb8;
	[tilespmem:$0x1E080] =	vst v63  }
0xed: {  	_ = 	snop  }
0xee: {  	[spmem:s2] =	stream.indirect.scatter.add.f32 [tilespmem:s6], [sflag:$0x4], $0x80, s18, s28, $0xb8;
	[tilespmem:$0x1E080] =	vst v63  }
0xef: {  	s12 =	sadd.s32 $0x14000, s12  }
0xf0: {  	s31 =	simm.s32 $0x4600;
	s30 =	simm.s32 $0xA380  }
0xf1: {  	s1 =	simm.s32 $0x3C00;
	s0 =	simm.s32 $0xA300;
	s8 =	simm.s32 $0x3200  }
0xf2: {  	s21 =	simm.s32 $0xA280;
	s20 =	simm.s32 $0x2800;
	s17 =	simm.s32 $0xA200  }
.Ltmp4:
0xf3: {  	s13 =	simm.s32 $0x1E00;
	s3 =	simm.s32 $0xA780;
	(pc) =	sbr.rel @!p1 .LBB2_9-.Ltmp4, $4  }
.Ltmp5:
0xf4: {  	s11 =	simm.s32 $0x9600;
	s12 =	rddreg [dreg:$0x0];
	(pc) =	sbr.rel @p1 .LBB2_8-.Ltmp5, $4  }
0xf5: {  	[spmem:s2] =	stream.indirect.scatter.add.f32 [tilespmem:s11], [sflag:$0x4], $0x80, s3, s28, $0xb8;
	[tilespmem:$0x1E080] =	vst v63  }
0xf6: {  	s7 =	simm.s32 $0xA180;
	s6 =	simm.s32 $0x1400;
	s11 =	rddreg [dreg:$0xb]  }
0xf7: {  	s18 =	simm.s32 $0xA100;
	s14 =	simm.s32 $0xA00;
	s3 =	rddreg [dreg:$0x14]  }
0xf8: {  	_ = 	snop  }
.LBB2_2:
0xf9: {  	s12 =	rddreg [dreg:$0xd]  }
0xfa: {  	[tilespmem:s11], [sflag:$0x1] =	stream.linear.gather [hbm4b:s12+s11], $0x5000, $0x38;
	[tilespmem:$0x1E080] =	vst v63  }
0xfb: {  	_ = 	snop  }
0xfc: {  	[tilespmem:s23], [sflag:$0x1] =	stream.linear.gather [hbm4b:s15+s11], $0x400, $0x38;
	[tilespmem:$0x1E080] =	vst v63  }
0xfd: {  	s14 =	rddreg [dreg:$0xe]  }
0xfe: {  	[tilespmem:s24], [sflag:$0x2] =	stream.linear.gather [hbm4b:s14+s11], $0x5000, $0x38;
	[tilespmem:$0x1E080] =	vst v63  }
0xff: {  	s16 =	rddreg [dreg:$0xf]  }
0x100: {  	[tilespmem:s25], [sflag:$0x2] =	stream.linear.gather [hbm4b:s16+s11], $0x400, $0x38;
	[tilespmem:$0x1E080] =	vst v63  }
0x101: {  	_ =	swait.ge [sflag:s26], $0x5000  }
0x102: {  	[sflag:s26] =	ssyncset.done $0x0  }
0x103: {  	[sflag:s26] =	ssyncadd.s32 $0xFFFFB000  }
0x104: {  	_ =	swait.ge [sflag:s26], $0x400  }
0x105: {  	[sflag:s26] =	ssyncset.done $0x0  }
0x106: {  	[sflag:s26] =	ssyncadd.s32 $0xFFFFFC00  }
0x107: {  	[spmem:s2] =	stream.indirect.scatter.add.f32 [tilespmem:s11], [sflag:$0x3], $0x80, s23, s28, $0xb8;
	[tilespmem:$0x1E080] =	vst v63  }
0x108: {  	s0 =	simm.s32 $0xA00  }
0x109: {  	[spmem:s2] =	stream.indirect.scatter.add.f32 [tilespmem:s0], [sflag:$0x3], $0x80, s19, s28, $0xb8;
	[tilespmem:$0x1E080] =	vst v63  }
0x10a: {  	s17 =	simm.s32 $0xA100;
	s1 =	simm.s32 $0x1400  }
0x10b: {  	[spmem:s2] =	stream.indirect.scatter.add.f32 [tilespmem:s1], [sflag:$0x3], $0x80, s17, s28, $0xb8;
	[tilespmem:$0x1E080] =	vst v63  }
0x10c: {  	s18 =	simm.s32 $0xA180;
	s20 =	simm.s32 $0x1E00  }
0x10d: {  	[spmem:s2] =	stream.indirect.scatter.add.f32 [tilespmem:s20], [sflag:$0x3], $0x80, s18, s28, $0xb8;
	[tilespmem:$0x1E080] =	vst v63  }
0x10e: {  	s21 =	simm.s32 $0xA200;
	s30 =	simm.s32 $0x2800  }
0x10f: {  	[spmem:s2] =	stream.indirect.scatter.add.f32 [tilespmem:s30], [sflag:$0x3], $0x80, s21, s28, $0xb8;
	[tilespmem:$0x1E080] =	vst v63  }
0x110: {  	s3 =	simm.s32 $0x3200;
	s1 =	simm.s32 $0xA280  }
0x111: {  	[spmem:s2] =	stream.indirect.scatter.add.f32 [tilespmem:s3], [sflag:$0x3], $0x80, s1, s28, $0xb8;
	[tilespmem:$0x1E080] =	vst v63  }
0x112: {  	s6 =	simm.s32 $0xA300;
	s3 =	simm.s32 $0x3C00  }
0x113: {  	[spmem:s2] =	stream.indirect.scatter.add.f32 [tilespmem:s3], [sflag:$0x3], $0x80, s6, s28, $0xb8;
	[tilespmem:$0x1E080] =	vst v63  }
0x114: {  	s7 =	simm.s32 $0xA380;
	s8 =	simm.s32 $0x4600  }
0x115: {  	[spmem:s2] =	stream.indirect.scatter.add.f32 [tilespmem:s8], [sflag:$0x3], $0x80, s7, s28, $0xb8;
	[tilespmem:$0x1E080] =	vst v63  }
0x116: {  	_ =	swait.ge [sflag:s5], $0x5000  }
0x117: {  	[sflag:s5] =	ssyncset.done $0x0  }
0x118: {  	[sflag:s5] =	ssyncadd.s32 $0xFFFFB000  }
0x119: {  	_ =	swait.ge [sflag:s5], $0x400  }
0x11a: {  	[sflag:s5] =	ssyncset.done $0x0  }
0x11b: {  	[sflag:s5] =	ssyncadd.s32 $0xFFFFFC00  }
0x11c: {  	[spmem:s2] =	stream.indirect.scatter.add.f32 [tilespmem:s24], [sflag:$0x4], $0x80, s25, s28, $0xb8;
	[tilespmem:$0x1E080] =	vst v63  }
0x11d: {  	s6 =	simm.s32 $0xA480;
	s7 =	simm.s32 $0x5A00  }
0x11e: {  	[spmem:s2] =	stream.indirect.scatter.add.f32 [tilespmem:s7], [sflag:$0x4], $0x80, s6, s28, $0xb8;
	[tilespmem:$0x1E080] =	vst v63  }
0x11f: {  	s14 =	simm.s32 $0x6400;
	s11 =	simm.s32 $0xA500  }
0x120: {  	[spmem:s2] =	stream.indirect.scatter.add.f32 [tilespmem:s14], [sflag:$0x4], $0x80, s11, s28, $0xb8;
	[tilespmem:$0x1E080] =	vst v63  }
0x121: {  	s18 =	simm.s32 $0xA580;
	s6 =	simm.s32 $0x6E00  }
0x122: {  	[spmem:s2] =	stream.indirect.scatter.add.f32 [tilespmem:s6], [sflag:$0x4], $0x80, s18, s28, $0xb8;
	[tilespmem:$0x1E080] =	vst v63  }
0x123: {  	s13 =	simm.s32 $0x7800;
	s7 =	simm.s32 $0xA600  }
0x124: {  	[spmem:s2] =	stream.indirect.scatter.add.f32 [tilespmem:s13], [sflag:$0x4], $0x80, s7, s28, $0xb8;
	[tilespmem:$0x1E080] =	vst v63  }
0x125: {  	s17 =	simm.s32 $0xA680;
	s20 =	simm.s32 $0x8200  }
0x126: {  	[spmem:s2] =	stream.indirect.scatter.add.f32 [tilespmem:s20], [sflag:$0x4], $0x80, s17, s28, $0xb8;
	[tilespmem:$0x1E080] =	vst v63  }
0x127: {  	s21 =	simm.s32 $0xA700;
	s8 =	simm.s32 $0x8C00  }
0x128: {  	[spmem:s2] =	stream.indirect.scatter.add.f32 [tilespmem:s8], [sflag:$0x4], $0x80, s21, s28, $0xb8;
	[tilespmem:$0x1E080] =	vst v63  }
0x129: {  	_ = 	snop  }
0x12a: {  	[spmem:s2] =	stream.indirect.scatter.add.f32 [tilespmem:s29], [sflag:$0x4], $0x80, s22, s28, $0xb8;
	[tilespmem:$0x1E080] =	vst v63  }
0x12b: {  	_ =	swait.ge [sflag:s9], $0x5000  }
0x12c: {  	[sflag:s9] =	ssyncset.done $0x0;
	s16 =	rddreg [dreg:$0x12]  }
0x12d: {  	s22 =	sadd.s32 $0x0, s15;
	[sflag:s9] =	ssyncadd.s32 $0xFFFFB000;
	s12 =	sadd.s32 $0xFFFF6000, s16  }
0x12e: {  	[tilespmem:s4], [sflag:$0x1] =	stream.linear.gather [hbm4b:s12+s4], $0x5000, $0x38;
	[tilespmem:$0x1E080] =	vst v63  }
0x12f: {  	s30 =	sadd.s32 $0x1000, s22  }
0x130: {  	[tilespmem:s23], [sflag:$0x1] =	stream.linear.gather [hbm4b:s30+s4], $0x400, $0x38;
	[tilespmem:$0x1E080] =	vst v63  }
0x131: {  	_ =	swait.ge [sflag:s10], $0x5000  }
0x132: {  	[sflag:s10] =	ssyncset.done $0x0  }
0x133: {  	[sflag:s10] =	ssyncadd.s32 $0xFFFFB000  }
0x134: {  	[tilespmem:s24], [sflag:$0x2] =	stream.linear.gather [hbm4b:s16+s4], $0x5000, $0x38;
	[tilespmem:$0x1E080] =	vst v63  }
0x135: {  	s22 =	sadd.s32 $0x1800, s22  }
0x136: {  	[tilespmem:s25], [sflag:$0x2] =	stream.linear.gather [hbm4b:s22+s4], $0x400, $0x38;
	[tilespmem:$0x1E080] =	vst v63  }
0x137: {  	_ =	swait.ge [sflag:s26], $0x5000  }
0x138: {  	[sflag:s26] =	ssyncset.done $0x0  }
0x139: {  	[sflag:s26] =	ssyncadd.s32 $0xFFFFB000  }
0x13a: {  	_ =	swait.ge [sflag:s26], $0x400  }
0x13b: {  	[sflag:s26] =	ssyncset.done $0x0  }
0x13c: {  	[sflag:s26] =	ssyncadd.s32 $0xFFFFFC00  }
0x13d: {  	[spmem:s2] =	stream.indirect.scatter.add.f32 [tilespmem:s4], [sflag:$0x3], $0x80, s23, s28, $0xb8;
	[tilespmem:$0x1E080] =	vst v63  }
0x13e: {  	s30 =	simm.s32 $0xA00  }
0x13f: {  	[spmem:s2] =	stream.indirect.scatter.add.f32 [tilespmem:s30], [sflag:$0x3], $0x80, s19, s28, $0xb8;
	[tilespmem:$0x1E080] =	vst v63  }
0x140: {  	s12 =	simm.s32 $0xA100;
	s19 =	simm.s32 $0x1400  }
0x141: {  	[spmem:s2] =	stream.indirect.scatter.add.f32 [tilespmem:s19], [sflag:$0x3], $0x80, s12, s28, $0xb8;
	[tilespmem:$0x1E080] =	vst v63  }
0x142: {  	s22 =	simm.s32 $0x1E00;
	s30 =	simm.s32 $0xA180  }
0x143: {  	[spmem:s2] =	stream.indirect.scatter.add.f32 [tilespmem:s22], [sflag:$0x3], $0x80, s30, s28, $0xb8;
	[tilespmem:$0x1E080] =	vst v63  }
0x144: {  	s12 =	simm.s32 $0x2800;
	s19 =	simm.s32 $0xA200  }
0x145: {  	[spmem:s2] =	stream.indirect.scatter.add.f32 [tilespmem:s12], [sflag:$0x3], $0x80, s19, s28, $0xb8;
	[tilespmem:$0x1E080] =	vst v63  }
0x146: {  	s22 =	simm.s32 $0x3200;
	s30 =	simm.s32 $0xA280  }
0x147: {  	[spmem:s2] =	stream.indirect.scatter.add.f32 [tilespmem:s22], [sflag:$0x3], $0x80, s30, s28, $0xb8;
	[tilespmem:$0x1E080] =	vst v63  }
0x148: {  	s19 =	simm.s32 $0x3C00;
	s22 =	simm.s32 $0xA300  }
0x149: {  	[spmem:s2] =	stream.indirect.scatter.add.f32 [tilespmem:s19], [sflag:$0x3], $0x80, s22, s28, $0xb8;
	[tilespmem:$0x1E080] =	vst v63  }
0x14a: {  	s0 =	simm.s32 $0xA380;
	s30 =	simm.s32 $0x4600  }
0x14b: {  	[spmem:s2] =	stream.indirect.scatter.add.f32 [tilespmem:s30], [sflag:$0x3], $0x80, s0, s28, $0xb8;
	[tilespmem:$0x1E080] =	vst v63  }
0x14c: {  	_ =	swait.ge [sflag:s5], $0x5000  }
0x14d: {  	[sflag:s5] =	ssyncset.done $0x0  }
0x14e: {  	[sflag:s5] =	ssyncadd.s32 $0xFFFFB000  }
0x14f: {  	_ =	swait.ge [sflag:s5], $0x400  }
0x150: {  	[sflag:s5] =	ssyncset.done $0x0  }
0x151: {  	[sflag:s5] =	ssyncadd.s32 $0xFFFFFC00  }
0x152: {  	[spmem:s2] =	stream.indirect.scatter.add.f32 [tilespmem:s24], [sflag:$0x4], $0x80, s25, s28, $0xb8;
	[tilespmem:$0x1E080] =	vst v63  }
0x153: {  	s1 =	simm.s32 $0x5A00;
	s3 =	simm.s32 $0xA480  }
0x154: {  	[spmem:s2] =	stream.indirect.scatter.add.f32 [tilespmem:s1], [sflag:$0x4], $0x80, s3, s28, $0xb8;
	[tilespmem:$0x1E080] =	vst v63  }
0x155: {  	s31 =	simm.s32 $0xA500  }
0x156: {  	[spmem:s2] =	stream.indirect.scatter.add.f32 [tilespmem:s14], [sflag:$0x4], $0x80, s31, s28, $0xb8;
	[tilespmem:$0x1E080] =	vst v63  }
0x157: {  	_ = 	snop  }
0x158: {  	[spmem:s2] =	stream.indirect.scatter.add.f32 [tilespmem:s6], [sflag:$0x4], $0x80, s18, s28, $0xb8;
	[tilespmem:$0x1E080] =	vst v63  }
0x159: {  	_ = 	snop  }
0x15a: {  	[spmem:s2] =	stream.indirect.scatter.add.f32 [tilespmem:s13], [sflag:$0x4], $0x80, s7, s28, $0xb8;
	[tilespmem:$0x1E080] =	vst v63  }
0x15b: {  	s11 =	simm.s32 $0x1000  }
0x15c: {  	[spmem:s2] =	stream.indirect.scatter.add.f32 [tilespmem:s20], [sflag:$0x4], $0x80, s17, s28, $0xb8;
	[tilespmem:$0x1E080] =	vst v63  }
0x15d: {  	s29 =	simm.s32 $0x9600;
	s12 =	sadd.s32 $0x14000, s16;
	s22 =	simm.s32 $0xA780  }
0x15e: {  	[spmem:s2] =	stream.indirect.scatter.add.f32 [tilespmem:s8], [sflag:$0x4], $0x80, s21, s28, $0xb8;
	[tilespmem:$0x1E080] =	vst v63  }
.LBB2_3:
0x15f: {  	[spmem:s2] =	stream.indirect.scatter.add.f32 [tilespmem:s29], [sflag:$0x4], $0x80, s22, s28, $0xb8;
	[tilespmem:$0x1E080] =	vst v63  }
0x160: {  	s16 =	smov.u32 s11  }
0x161: {  	p3 =	sne.s32 s11, $0x1D000;
	s11 =	sadd.s32 $0x1000, s11;
	_ =	swait.ge [sflag:s9], $0x5000  }
0x162: {  	[sflag:s9] =	ssyncset.done $0x0  }
0x163: {  	s19 =	sadd.s32 $0xFFFF6000, s12;
	s16 =	sadd.s32 s16, s15;
	[sflag:s9] =	ssyncadd.s32 $0xFFFFB000  }
0x164: {  	[tilespmem:s4], [sflag:$0x1] =	stream.linear.gather [hbm4b:s19+s4], $0x5000, $0x38;
	[tilespmem:$0x1E080] =	vst v63  }
0x165: {  	s19 =	sadd.s32 $0x1000, s16  }
0x166: {  	[tilespmem:s23], [sflag:$0x1] =	stream.linear.gather [hbm4b:s19+s4], $0x400, $0x38;
	[tilespmem:$0x1E080] =	vst v63  }
0x167: {  	s19 =	simm.s32 $0xA080  }
0x168: {  	_ =	swait.ge [sflag:s10], $0x5000  }
0x169: {  	[sflag:s10] =	ssyncset.done $0x0  }
0x16a: {  	[sflag:s10] =	ssyncadd.s32 $0xFFFFB000  }
0x16b: {  	[tilespmem:s24], [sflag:$0x2] =	stream.linear.gather [hbm4b:s12+s4], $0x5000, $0x38;
	[tilespmem:$0x1E080] =	vst v63  }
0x16c: {  	s16 =	sadd.s32 $0x1800, s16  }
0x16d: {  	[tilespmem:s25], [sflag:$0x2] =	stream.linear.gather [hbm4b:s16+s4], $0x400, $0x38;
	[tilespmem:$0x1E080] =	vst v63  }
0x16e: {  	_ =	swait.ge [sflag:s26], $0x5000  }
0x16f: {  	[sflag:s26] =	ssyncset.done $0x0  }
0x170: {  	[sflag:s26] =	ssyncadd.s32 $0xFFFFB000  }
0x171: {  	_ =	swait.ge [sflag:s26], $0x400  }
0x172: {  	[sflag:s26] =	ssyncset.done $0x0  }
0x173: {  	[sflag:s26] =	ssyncadd.s32 $0xFFFFFC00  }
0x174: {  	[spmem:s2] =	stream.indirect.scatter.add.f32 [tilespmem:s4], [sflag:$0x3], $0x80, s23, s28, $0xb8;
	[tilespmem:$0x1E080] =	vst v63  }
0x175: {  	s16 =	simm.s32 $0xA00  }
0x176: {  	[spmem:s2] =	stream.indirect.scatter.add.f32 [tilespmem:s16], [sflag:$0x3], $0x80, s19, s28, $0xb8;
	[tilespmem:$0x1E080] =	vst v63  }
0x177: {  	s30 =	simm.s32 $0x1400;
	s16 =	simm.s32 $0xA100  }
0x178: {  	[spmem:s2] =	stream.indirect.scatter.add.f32 [tilespmem:s30], [sflag:$0x3], $0x80, s16, s28, $0xb8;
	[tilespmem:$0x1E080] =	vst v63  }
0x179: {  	s16 =	simm.s32 $0x1E00;
	s30 =	simm.s32 $0xA180  }
0x17a: {  	[spmem:s2] =	stream.indirect.scatter.add.f32 [tilespmem:s16], [sflag:$0x3], $0x80, s30, s28, $0xb8;
	[tilespmem:$0x1E080] =	vst v63  }
0x17b: {  	s16 =	simm.s32 $0x2800;
	s30 =	simm.s32 $0xA200  }
0x17c: {  	[spmem:s2] =	stream.indirect.scatter.add.f32 [tilespmem:s16], [sflag:$0x3], $0x80, s30, s28, $0xb8;
	[tilespmem:$0x1E080] =	vst v63  }
0x17d: {  	s16 =	simm.s32 $0x3200;
	s30 =	simm.s32 $0xA280  }
0x17e: {  	[spmem:s2] =	stream.indirect.scatter.add.f32 [tilespmem:s16], [sflag:$0x3], $0x80, s30, s28, $0xb8;
	[tilespmem:$0x1E080] =	vst v63  }
0x17f: {  	s16 =	simm.s32 $0x3C00;
	s30 =	simm.s32 $0xA300  }
0x180: {  	[spmem:s2] =	stream.indirect.scatter.add.f32 [tilespmem:s16], [sflag:$0x3], $0x80, s30, s28, $0xb8;
	[tilespmem:$0x1E080] =	vst v63  }
0x181: {  	s16 =	simm.s32 $0x4600  }
0x182: {  	[spmem:s2] =	stream.indirect.scatter.add.f32 [tilespmem:s16], [sflag:$0x3], $0x80, s0, s28, $0xb8;
	[tilespmem:$0x1E080] =	vst v63  }
0x183: {  	_ =	swait.ge [sflag:s5], $0x5000  }
0x184: {  	[sflag:s5] =	ssyncset.done $0x0  }
0x185: {  	[sflag:s5] =	ssyncadd.s32 $0xFFFFB000  }
0x186: {  	_ =	swait.ge [sflag:s5], $0x400  }
0x187: {  	[sflag:s5] =	ssyncset.done $0x0  }
0x188: {  	[sflag:s5] =	ssyncadd.s32 $0xFFFFFC00  }
0x189: {  	[spmem:s2] =	stream.indirect.scatter.add.f32 [tilespmem:s24], [sflag:$0x4], $0x80, s25, s28, $0xb8;
	[tilespmem:$0x1E080] =	vst v63  }
0x18a: {  	_ = 	snop  }
0x18b: {  	[spmem:s2] =	stream.indirect.scatter.add.f32 [tilespmem:s1], [sflag:$0x4], $0x80, s3, s28, $0xb8;
	[tilespmem:$0x1E080] =	vst v63  }
0x18c: {  	_ = 	snop  }
0x18d: {  	[spmem:s2] =	stream.indirect.scatter.add.f32 [tilespmem:s14], [sflag:$0x4], $0x80, s31, s28, $0xb8;
	[tilespmem:$0x1E080] =	vst v63  }
0x18e: {  	_ = 	snop  }
0x18f: {  	[spmem:s2] =	stream.indirect.scatter.add.f32 [tilespmem:s6], [sflag:$0x4], $0x80, s18, s28, $0xb8;
	[tilespmem:$0x1E080] =	vst v63  }
0x190: {  	_ = 	snop  }
0x191: {  	[spmem:s2] =	stream.indirect.scatter.add.f32 [tilespmem:s13], [sflag:$0x4], $0x80, s7, s28, $0xb8;
	[tilespmem:$0x1E080] =	vst v63  }
.Ltmp6:
0x192: {  	(pc) =	sbr.rel @p3 .LBB2_3-.Ltmp6, $4  }
0x193: {  	[spmem:s2] =	stream.indirect.scatter.add.f32 [tilespmem:s20], [sflag:$0x4], $0x80, s17, s28, $0xb8;
	[tilespmem:$0x1E080] =	vst v63  }
0x194: {  	_ = 	snop  }
0x195: {  	[spmem:s2] =	stream.indirect.scatter.add.f32 [tilespmem:s8], [sflag:$0x4], $0x80, s21, s28, $0xb8;
	[tilespmem:$0x1E080] =	vst v63  }
0x196: {  	s12 =	sadd.s32 $0x14000, s12  }
0x197: {  	s31 =	simm.s32 $0x4600;
	s30 =	simm.s32 $0xA380;
	s1 =	simm.s32 $0x3C00  }
0x198: {  	[spmem:s2] =	stream.indirect.scatter.add.f32 [tilespmem:s29], [sflag:$0x4], $0x80, s22, s28, $0xb8;
	[tilespmem:$0x1E080] =	vst v63  }
.Ltmp7:
0x199: {  	s0 =	simm.s32 $0xA300;
	s8 =	simm.s32 $0x3200;
	(pc) =	sbr.rel @p2 .LBB2_9-.Ltmp7, $4  }
.Ltmp8:
0x19a: {  	s21 =	simm.s32 $0xA280;
	s20 =	simm.s32 $0x2800;
	(pc) =	sbr.rel @!p2 .LBB2_8-.Ltmp8, $4  }
0x19b: {  	s17 =	simm.s32 $0xA200;
	s13 =	simm.s32 $0x1E00;
	s12 =	rddreg [dreg:$0x4]  }
0x19c: {  	s7 =	simm.s32 $0xA180;
	s6 =	simm.s32 $0x1400;
	s11 =	rddreg [dreg:$0xa]  }
0x19d: {  	s18 =	simm.s32 $0xA100;
	s14 =	simm.s32 $0xA00;
	s3 =	rddreg [dreg:$0x14]  }
0x19e: {  	_ = 	snop  }
.LBB2_10:
0x19f: {  	_ =	sfence.sel $0x180000  }
0x1a0: {  	[bflag:$0x0] =	sbarrier.arrive $0xFFFF  }
0x1a1: {  	_ =	strace $0x9000004A  }
0x1a2: {  	s0 =	stileid.u32;
	[bflag:$0x2] =	sbarrier.arrive $0xFFFF  }
0x1a3: {  	p0 =	sne.s32 s0, $0x0;
	s0 =	rddreg [dreg:$0x3]  }
0x1a4: {  	s0 =	sadd.s32 @!p0 $0x100000, s0  }
0x1a5: {  	[sflag:s0] =	ssyncadd.tile.s32 @!p0 $0x1;
	_ =	shalt  }
.Lfunc_end2:
_tile_overlayer_lowered:
.L_overlay_start_2:
0x1a6: {  	(tag) =	ssettag $0x2  }
0x1a7: {  	s0 =	rddreg [dreg:$0x0];
	s2 =	stileid.u32  }
0x1a8: {  	s1 =	rddreg [dreg:$0x1];
	p0 =	sne.s32 s2, $0x0  }
0x1a9: {  	s3 =	rddreg [dreg:$0x2];
	[bflag:$0x3] =	sbarrier.arrive $0xFFFF;
	s2 =	simm.s32 @!p0 $0x1C05  }
0x1aa: {  	[timem:s3], [sflag:s2] =	dma.local @!p0 [hbm:s0], s1  }
0x1ab: {  	s0 =	simm.s32 @!p0 $0x5  }
0x1ac: {  	_ =	swait.ge @!p0 [sflag:s0], s1  }
0x1ad: {  	s1 =	ssub.s32 @!p0 $0x0, s1;
	[sflag:s0] =	ssyncset.done @!p0 $0x0  }
0x1ae: {  	[sflag:s0] =	ssyncadd.s32 @!p0 s1  }
0x1af: {  	[bflag:$0x3] =	sbarrier.arrive $0xFFFF  }
0x1b0: {  	_ =	shalt  }

</sc_bundles>
